<compile_context>
chip_gen: v7x
topology: tpu7x:2x2x1
jax: 0.10.2.dev20260603
libtpu: 0.0.44.dev20260713+nightly
codegen_flags: <defaults>
</compile_context>

<pallas_src>
import functools

import jax
import jax.numpy as jnp
from jax import lax
from jax.experimental import pallas as pl
from jax.experimental.pallas import tpu as pltpu
from jax.experimental.pallas import tpu_sc as plsc

N = 10000
E = 160000
D_IN = 256
D_HID = 32
N_CLASSES = 128
NUM_GRAPHS = 64

NW = 32
CHUNK = 128
NC_TOT = 80
NC0 = 52
NC1 = NC_TOT - NC0
NCMAX = 64
E_PAD = 16 * NC_TOT * CHUNK
NCHUNKS_ALL = E_PAD // CHUNK
ROWS_PER_TILE = 632
ACC_ROWS = 10112
TAIL_ROWS = N - 15 * ROWS_PER_TILE

NB = 10
BN = 1000

_mesh = plsc.VectorSubcoreMesh(core_axis_name="c", subcore_axis_name="s")



@functools.partial(
    pl.kernel,
    out_type=jax.ShapeDtypeStruct((2, N, 16), jnp.bfloat16),
    mesh=_mesh,
    compiler_params=pltpu.CompilerParams(use_tc_tiling_on_sc=False),
    scratch_types=[
        pltpu.VMEM((NCMAX, CHUNK), jnp.int32),
        pltpu.VMEM((CHUNK, 16), jnp.bfloat16),
        pltpu.VMEM((ROWS_PER_TILE, 16), jnp.bfloat16),
        pltpu.VMEM_SHARED((ACC_ROWS, 16), jnp.bfloat16),
        pltpu.SemaphoreType.DMA,
    ],
)
def _sc_degree(dst_hbm, out_hbm, dst_v, ones_v, zbuf, acc, ssem):
    c = lax.axis_index("c")
    s = lax.axis_index("s")

    z216 = jnp.zeros((2, 16), jnp.bfloat16)
    o216 = jnp.ones((2, 16), jnp.bfloat16)

    def _init(i, carry):
        zbuf[pl.ds(2 * i, 2), :] = z216
        return carry
    lax.fori_loop(0, ROWS_PER_TILE // 2, _init, 0)

    def _ones(i, carry):
        ones_v[pl.ds(2 * i, 2), :] = o216
        return carry
    lax.fori_loop(0, CHUNK // 2, _ones, 0)

    pltpu.sync_copy(zbuf, acc.at[pl.ds(s * ROWS_PER_TILE, ROWS_PER_TILE)])
    plsc.subcore_barrier()

    def _run(nc, base):
        pltpu.sync_copy(dst_hbm.at[pl.ds(base, nc)], dst_v.at[pl.ds(0, nc)])

        def _chunk(j, carry):
            pltpu.async_copy(ones_v, acc.at[dst_v.at[j]], ssem, add=True)
            return carry
        lax.fori_loop(0, nc, _chunk, 0)

        def _drain(j, carry):
            pltpu.make_async_copy(ones_v, acc.at[dst_v.at[0]], ssem).wait()
            return carry
        lax.fori_loop(0, nc, _drain, 0)

    @pl.when(c == 0)
    def _():
        _run(NC0, s * NC0)

    @pl.when(c == 1)
    def _():
        _run(NC1, 16 * NC0 + s * NC1)
    plsc.subcore_barrier()

    @pl.when(s < 15)
    def _():
        pltpu.sync_copy(acc.at[pl.ds(s * ROWS_PER_TILE, ROWS_PER_TILE)],
                        out_hbm.at[c, pl.ds(s * ROWS_PER_TILE, ROWS_PER_TILE)])

    @pl.when(s == 15)
    def _():
        pltpu.sync_copy(acc.at[pl.ds(15 * ROWS_PER_TILE, TAIL_ROWS)],
                        out_hbm.at[c, pl.ds(15 * ROWS_PER_TILE, TAIL_ROWS)])



NBUF = 4
LA = 2

@functools.partial(
    pl.kernel,
    out_type=jax.ShapeDtypeStruct((2, N, D_HID), jnp.bfloat16),
    mesh=_mesh,
    compiler_params=pltpu.CompilerParams(use_tc_tiling_on_sc=False),
    scratch_types=[
        pltpu.VMEM((NCMAX, CHUNK), jnp.int32),
        pltpu.VMEM((NCMAX, CHUNK), jnp.int32),
        pltpu.VMEM((NBUF, CHUNK, D_HID), jnp.bfloat16),
        pltpu.VMEM((ROWS_PER_TILE, D_HID), jnp.bfloat16),
        pltpu.VMEM_SHARED((ACC_ROWS, D_HID), jnp.bfloat16),
        [pltpu.SemaphoreType.DMA] * NBUF,
        [pltpu.SemaphoreType.DMA] * NBUF,
    ],
)
def _sc_aggregate(hs_hbm, src_hbm, dst_hbm, out_hbm,
                  src_v, dst_v, rows_v, zbuf, acc, gsems, ssems):
    c = lax.axis_index("c")
    s = lax.axis_index("s")

    z32 = jnp.zeros((32,), jnp.bfloat16)

    def _init(i, carry):
        zbuf[i, pl.ds(0, 32)] = z32
        return carry
    lax.fori_loop(0, ROWS_PER_TILE, _init, 0)

    pltpu.sync_copy(zbuf, acc.at[pl.ds(s * ROWS_PER_TILE, ROWS_PER_TILE)])
    plsc.subcore_barrier()

    def _gather(jj, b):
        pltpu.async_copy(hs_hbm.at[src_v.at[jj]], rows_v.at[b], gsems[b])

    def _gather_wait(jj, b):
        pltpu.make_async_copy(
            hs_hbm.at[src_v.at[jj]], rows_v.at[b], gsems[b]).wait()

    def _scatter(jj, b):
        pltpu.async_copy(rows_v.at[b], acc.at[dst_v.at[jj]], ssems[b],
                         add=True)

    def _scatter_wait(b):
        pltpu.make_async_copy(rows_v.at[b], acc.at[dst_v.at[0]],
                              ssems[b]).wait()

    def _run(nc, base):
        pltpu.sync_copy(src_hbm.at[pl.ds(base, nc)], src_v.at[pl.ds(0, nc)])
        pltpu.sync_copy(dst_hbm.at[pl.ds(base, nc)], dst_v.at[pl.ds(0, nc)])

        for jj in range(LA):
            _gather(jj, jj % NBUF)

        def _outer(k, carry):
            for b0 in range(NBUF):
                jj = k * NBUF + b0
                bl = (b0 + LA) % NBUF

                @pl.when(jj >= LA)
                def _():
                    _scatter_wait(bl)

                @pl.when(jj + LA < nc)
                def _():
                    _gather(jj + LA, bl)

                _gather_wait(jj, b0)
                _scatter(jj, b0)
            return carry
        lax.fori_loop(0, nc // NBUF, _outer, 0)

        for b in range((nc - LA) % NBUF, (nc - LA) % NBUF + LA):
            _scatter_wait(b % NBUF)

    @pl.when(c == 0)
    def _():
        _run(NC0, s * NC0)

    @pl.when(c == 1)
    def _():
        _run(NC1, 16 * NC0 + s * NC1)
    plsc.subcore_barrier()

    @pl.when(s < 15)
    def _():
        pltpu.sync_copy(acc.at[pl.ds(s * ROWS_PER_TILE, ROWS_PER_TILE)],
                        out_hbm.at[c, pl.ds(s * ROWS_PER_TILE, ROWS_PER_TILE)])

    @pl.when(s == 15)
    def _():
        pltpu.sync_copy(acc.at[pl.ds(15 * ROWS_PER_TILE, TAIL_ROWS)],
                        out_hbm.at[c, pl.ds(15 * ROWS_PER_TILE, TAIL_ROWS)])



def _mm_scale_body(cnt_ref, x_ref, w_ref, hs_ref, dis_ref):
    p = jnp.dot(x_ref[...], w_ref[...], preferred_element_type=jnp.float32)
    deg = (cnt_ref[0, :, 0:1].astype(jnp.float32)
           + cnt_ref[1, :, 0:1].astype(jnp.float32) + 1.0)
    dis = lax.rsqrt(deg)
    dis_ref[...] = dis
    hs_ref[...] = (p * dis).astype(jnp.bfloat16)


def _tc_mm_scale(cnt, x, W1):
    return pl.pallas_call(
        _mm_scale_body,
        grid=(NB,),
        in_specs=[pl.BlockSpec((2, BN, 16), lambda i: (0, i, 0)),
                  pl.BlockSpec((BN, D_IN), lambda i: (i, 0)),
                  pl.BlockSpec((D_IN, D_HID), lambda i: (0, 0))],
        out_specs=[pl.BlockSpec((BN, D_HID), lambda i: (i, 0)),
                   pl.BlockSpec((BN, 1), lambda i: (i, 0))],
        out_shape=[jax.ShapeDtypeStruct((N, D_HID), jnp.bfloat16),
                   jax.ShapeDtypeStruct((N, 1), jnp.float32)],
    )(cnt, x, W1)


def _l1_body(a_ref, hs_ref, dis_ref, b_ref, o_ref):
    ssum = (a_ref[0].astype(jnp.float32) + a_ref[1].astype(jnp.float32)
            + hs_ref[...].astype(jnp.float32))
    h1 = jnp.maximum(ssum * dis_ref[...] + b_ref[...], 0.0)
    o_ref[...] = (h1 * dis_ref[...]).astype(jnp.bfloat16)


def _tc_l1(agg1, hs1, dis, b1r):
    return pl.pallas_call(
        _l1_body,
        grid=(NB,),
        in_specs=[pl.BlockSpec((2, BN, D_HID), lambda i: (0, i, 0)),
                  pl.BlockSpec((BN, D_HID), lambda i: (i, 0)),
                  pl.BlockSpec((BN, 1), lambda i: (i, 0)),
                  pl.BlockSpec((1, D_HID), lambda i: (0, 0))],
        out_specs=pl.BlockSpec((BN, D_HID), lambda i: (i, 0)),
        out_shape=jax.ShapeDtypeStruct((N, D_HID), jnp.bfloat16),
    )(agg1, hs1, dis, b1r)


def _final_body(a_ref, hs_ref, dis_ref, batch_ref, w_ref, b_ref, o_ref,
                sums, cnts):
    i = pl.program_id(0)

    @pl.when(i == 0)
    def _():
        sums[...] = jnp.zeros_like(sums)
        cnts[...] = jnp.zeros_like(cnts)

    m = (a_ref[0].astype(jnp.float32) + a_ref[1].astype(jnp.float32)
         + hs_ref[...].astype(jnp.float32)) * dis_ref[...]
    h2 = jnp.maximum(
        jnp.dot(m, w_ref[...], preferred_element_type=jnp.float32)
        + b_ref[...], 0.0)
    g_iota = lax.broadcasted_iota(jnp.int32, (NUM_GRAPHS, BN), 0)
    bvec = jnp.broadcast_to(batch_ref[0], (NUM_GRAPHS, BN))
    maskf = (g_iota == bvec).astype(jnp.float32)
    sums[...] += jnp.dot(maskf, h2, preferred_element_type=jnp.float32)
    cnts[...] += jnp.broadcast_to(
        jnp.sum(maskf, axis=1, keepdims=True), (NUM_GRAPHS, N_CLASSES))

    @pl.when(i == NB - 1)
    def _():
        pooled = sums[...] / jnp.maximum(cnts[...], 1.0)
        z = pooled - jnp.max(pooled, axis=1, keepdims=True)
        lse = jnp.log(jnp.sum(jnp.exp(z), axis=1, keepdims=True))
        o_ref[...] = z - lse


def _tc_final(agg2, hs2, dis, batch3, W2, b2r):
    return pl.pallas_call(
        _final_body,
        grid=(NB,),
        in_specs=[pl.BlockSpec((2, BN, D_HID), lambda i: (0, i, 0)),
                  pl.BlockSpec((BN, D_HID), lambda i: (i, 0)),
                  pl.BlockSpec((BN, 1), lambda i: (i, 0)),
                  pl.BlockSpec((1, 1, BN), lambda i: (i, 0, 0)),
                  pl.BlockSpec((D_HID, N_CLASSES), lambda i: (0, 0)),
                  pl.BlockSpec((1, N_CLASSES), lambda i: (0, 0))],
        out_specs=pl.BlockSpec((NUM_GRAPHS, N_CLASSES), lambda i: (0, 0)),
        out_shape=jax.ShapeDtypeStruct((NUM_GRAPHS, N_CLASSES), jnp.float32),
        scratch_shapes=[pltpu.VMEM((NUM_GRAPHS, N_CLASSES), jnp.float32),
                        pltpu.VMEM((NUM_GRAPHS, N_CLASSES), jnp.float32)],
    )(agg2, hs2, dis, batch3, W2, b2r)



def kernel(x, edge_index, batch, W1, b1, W2, b2):
    src = edge_index[0]
    dst = edge_index[1]
    pad = E_PAD - E
    src_p = jnp.concatenate(
        [src, jnp.zeros((pad,), jnp.int32)]).reshape(NCHUNKS_ALL, CHUNK)
    dst_p = jnp.concatenate(
        [dst, jnp.full((pad,), N, jnp.int32)]).reshape(NCHUNKS_ALL, CHUNK)
    batch3 = batch.reshape(NB, 1, BN)
    b1r = b1.reshape(1, D_HID)
    b2r = b2.reshape(1, N_CLASSES)

    cnt = _sc_degree(dst_p)
    hs1, dis = _tc_mm_scale(cnt, x, W1)
    agg1 = _sc_aggregate(hs1, src_p, dst_p)
    hs2 = _tc_l1(agg1, hs1, dis, b1r)
    agg2 = _sc_aggregate(hs2, src_p, dst_p)
    return _tc_final(agg2, hs2, dis, batch3, W2, b2r)

# --- scband reference (transcript-rebuilt; emitter-appended) ---
"""Pipeline reference for scband-gcn-7481833030016 (READ-ONLY COPY).

The authoritative reference and input builder live on the scoring server;
editing this copy changes nothing except your own understanding.
"""

import jax, jax.numpy as jnp
import numpy as np

N = 10000
E = 160000
D_IN = 256
D_HID = 32
N_CLASSES = 128
NUM_GRAPHS = 64


def setup_inputs(seed: int = 0) -> dict:
    key = jax.random.key(seed)
    ks = jax.random.split(key, 8)
    x = jax.random.normal(ks[0], (N, D_IN), dtype=jnp.float32)
    edge_index = jax.random.randint(ks[1], (2, E), 0, N, dtype=jnp.int32)
    batch = jnp.sort(jax.random.randint(ks[2], (N,), 0, NUM_GRAPHS, dtype=jnp.int32))
    W1 = jax.random.normal(ks[3], (D_IN, D_HID), dtype=jnp.float32) * 0.05
    b1 = jnp.zeros((D_HID,), dtype=jnp.float32)
    W2 = jax.random.normal(ks[4], (D_HID, N_CLASSES), dtype=jnp.float32) * 0.05
    b2 = jnp.zeros((N_CLASSES,), dtype=jnp.float32)
    return {"x": x, "edge_index": edge_index, "batch": batch,
            "W1": W1, "b1": b1, "W2": W2, "b2": b2}


def gcn_conv(x, edge_index, W, b):
    # PyG GCNConv: add self-loops, symmetric normalization D^-1/2 (A+I) D^-1/2 X W + b
    n = x.shape[0]
    loop = jnp.arange(n, dtype=edge_index.dtype)
    src = jnp.concatenate([edge_index[0], loop])
    dst = jnp.concatenate([edge_index[1], loop])
    h = x @ W
    deg = jnp.zeros((n,), dtype=h.dtype).at[dst].add(1.0)
    dis = jnp.where(deg > 0, 1.0 / jnp.sqrt(deg), 0.0)
    norm = dis[src] * dis[dst]
    msg = h[src] * norm[:, None]
    out = jnp.zeros_like(h).at[dst].add(msg)
    return out + b


def reference(x, edge_index, batch, W1, b1, W2, b2):
    h = jax.nn.relu(gcn_conv(x, edge_index, W1, b1))
    h = jax.nn.relu(gcn_conv(h, edge_index, W2, b2))
    # global_mean_pool over batch vector
    sums = jax.ops.segment_sum(h, batch, num_segments=NUM_GRAPHS)
    counts = jax.ops.segment_sum(jnp.ones((h.shape[0],), dtype=h.dtype), batch, num_segments=NUM_GRAPHS)
    pooled = sums / jnp.maximum(counts, 1.0)[:, None]
    return jax.nn.log_softmax(pooled, axis=1)

if __name__ == "__main__":
    import jax
    _d = setup_inputs()
    print(jax.jit(kernel)(*tuple(_d.values())))

</pallas_src>

<mosaic_0001>
#map = affine_map<(d0, d1) -> (0, 0)>
#map1 = affine_map<(d0, d1) -> (0, 0, 0)>
module attributes {stable_mosaic.version = 14 : i64} {
  func.func @_sc_aggregate(%arg0: i32, %arg1: i32, %arg2: memref<10000x32xbf16, #tpu.memory_space<hbm>>, %arg3: memref<1280x128xi32, #tpu.memory_space<hbm>>, %arg4: memref<1280x128xi32, #tpu.memory_space<hbm>>, %arg5: memref<2x10000x32xbf16, #tpu.memory_space<hbm>>, %arg6: memref<64x128xi32, #tpu.memory_space<vmem>>, %arg7: memref<64x128xi32, #tpu.memory_space<vmem>>, %arg8: memref<4x128x32xbf16, #tpu.memory_space<vmem>>, %arg9: memref<632x32xbf16, #tpu.memory_space<vmem>>, %arg10: memref<10112x32xbf16, #tpu.memory_space<vmem_shared>>, %arg11: memref<!tpu.dma_semaphore, #tpu.memory_space<semaphore_mem>>, %arg12: memref<!tpu.dma_semaphore, #tpu.memory_space<semaphore_mem>>, %arg13: memref<!tpu.dma_semaphore, #tpu.memory_space<semaphore_mem>>, %arg14: memref<!tpu.dma_semaphore, #tpu.memory_space<semaphore_mem>>, %arg15: memref<!tpu.dma_semaphore, #tpu.memory_space<semaphore_mem>>, %arg16: memref<!tpu.dma_semaphore, #tpu.memory_space<semaphore_mem>>, %arg17: memref<!tpu.dma_semaphore, #tpu.memory_space<semaphore_mem>>, %arg18: memref<!tpu.dma_semaphore, #tpu.memory_space<semaphore_mem>>) attributes {dimension_semantics = [#tpu.dimension_semantics<core_parallel>, #tpu.dimension_semantics<subcore_parallel>], iteration_bounds = array<i64: 2, 16>, scalar_prefetch = 0 : i64, scratch_operands = 13 : i64, tpu.core_type = #tpu.core_type<sc_vector_subcore>, window_params = [{transform_indices = #map}, {transform_indices = #map}, {transform_indices = #map}, {transform_indices = #map1}]} {
    %broadcast_in_dim3A = arith.constant 0.000000e+00 : bf16
    %broadcast_in_dim3A_0 = vector.broadcast %broadcast_in_dim3A : bf16 to vector<32xbf16>
    %scan3A = arith.constant 0 : i32
    %scan3A_1 = arith.constant 0 : i32
    %scan3A_2 = arith.constant 632 : i32
    %scan3A_3 = arith.addi %scan3A_1, %scan3A_2 : i32
    %scan3A_4 = arith.constant 1 : i32
    scf.for %scan3A_24 = %scan3A_1 to %scan3A_3 step %scan3A_4  : i32 {
      %swap3A = arith.index_cast %scan3A_24 : i32 to index
      %swap3A_25 = arith.constant 0 : index
      %swap3A_26 = tpu.vector_load %arg9[%swap3A, %swap3A_25] {strides = array<i32>} : memref<632x32xbf16, #tpu.memory_space<vmem>>, vector<1x32xbf16>,
      %swap3A_27 = vector.shape_cast %swap3A_26 : vector<1x32xbf16> to vector<32xbf16>
      %swap3A_28 = vector.shape_cast %broadcast_in_dim3A_0 : vector<32xbf16> to vector<1x32xbf16>
      tpu.vector_store %arg9[%swap3A, %swap3A_25], %swap3A_28 {strides = array<i32>} : memref<632x32xbf16, #tpu.memory_space<vmem>>, vector<1x32xbf16>,
    }
    %scan3A_5 = arith.constant 632 : i32
    %mul3A = arith.constant 632 : i32
    %mul3A_6 = arith.muli %arg1, %mul3A : i32
    "tpu.region"() ({
      %run_scoped3A = tpu.sem_alloc : memref<!tpu.dma_semaphore, #tpu.memory_space<semaphore_mem>>
      %dma_start3A = arith.constant 0 : i32
      %dma_start3A_24 = tpu.memref_slice %arg10[%mul3A_6, %dma_start3A] : memref<10112x32xbf16, #tpu.memory_space<vmem_shared>> -> memref<632x32xbf16, #tpu.memory_space<vmem_shared>>
      %dma_start3A_25 = arith.constant 0 : i32
      %dma_start3A_26 = tpu.memref_slice %arg10[%mul3A_6, %dma_start3A_25] : memref<10112x32xbf16, #tpu.memory_space<vmem_shared>> -> memref<632x32xbf16, #tpu.memory_space<vmem_shared>>
      tpu.enqueue_dma source(%arg9 : memref<632x32xbf16, #tpu.memory_space<vmem>>) target(%dma_start3A_26 : memref<632x32xbf16, #tpu.memory_space<vmem_shared>>) target_semaphore(%run_scoped3A : memref<!tpu.dma_semaphore, #tpu.memory_space<semaphore_mem>>)
      %dma_wait3A = arith.constant 0 : i32
      %dma_wait3A_27 = tpu.memref_slice %arg10[%mul3A_6, %dma_wait3A] : memref<10112x32xbf16, #tpu.memory_space<vmem_shared>> -> memref<632x32xbf16, #tpu.memory_space<vmem_shared>>
      %dma_wait3A_28 = arith.constant 0 : i32
      %dma_wait3A_29 = tpu.memref_slice %arg10[%mul3A_6, %dma_wait3A_28] : memref<10112x32xbf16, #tpu.memory_space<vmem_shared>> -> memref<632x32xbf16, #tpu.memory_space<vmem_shared>>
      tpu.wait_dma2 semaphore(%run_scoped3A : memref<!tpu.dma_semaphore, #tpu.memory_space<semaphore_mem>>) src(%arg9 : memref<632x32xbf16, #tpu.memory_space<vmem>>) dst(%dma_wait3A_29 : memref<632x32xbf16, #tpu.memory_space<vmem_shared>>)
      tpu.yield
    }) : () -> ()
    %barrier3A = arith.constant 0 : index
    tpu.barrier barrier_id(%barrier3A)
    %eq3A = arith.constant 0 : i32
    %eq3A_7 = arith.cmpi eq, %arg0, %eq3A : i32
    %convert_element_type3A = arith.extui %eq3A_7 : i1 to i32
    %cond3A = arith.constant 0 : i32
    %cond3A_8 = arith.cmpi ne, %convert_element_type3A, %cond3A : i32
    scf.if %cond3A_8 {
      %mul3A_24 = arith.constant 52 : i32
      %mul3A_25 = arith.muli %arg1, %mul3A_24 : i32
      "tpu.region"() ({
        %run_scoped3A = tpu.sem_alloc : memref<!tpu.dma_semaphore, #tpu.memory_space<semaphore_mem>>
        %dma_start3A_78 = arith.constant 0 : i32
        %dma_start3A_79 = arith.constant 0 : i32
        %dma_start3A_80 = tpu.memref_slice %arg6[%dma_start3A_78, %dma_start3A_79] : memref<64x128xi32, #tpu.memory_space<vmem>> -> memref<52x128xi32, #tpu.memory_space<vmem>>
        %dma_start3A_81 = arith.constant 0 : i32
        %dma_start3A_82 = tpu.memref_slice %arg3[%mul3A_25, %dma_start3A_81] : memref<1280x128xi32, #tpu.memory_space<hbm>> -> memref<52x128xi32, #tpu.memory_space<hbm>>
        %dma_start3A_83 = arith.constant 0 : i32
        %dma_start3A_84 = arith.constant 0 : i32
        %dma_start3A_85 = tpu.memref_slice %arg6[%dma_start3A_83, %dma_start3A_84] : memref<64x128xi32, #tpu.memory_space<vmem>> -> memref<52x128xi32, #tpu.memory_space<vmem>>
        %dma_start3A_86 = arith.constant 0 : i32
        %dma_start3A_87 = tpu.memref_slice %arg3[%mul3A_25, %dma_start3A_86] : memref<1280x128xi32, #tpu.memory_space<hbm>> -> memref<52x128xi32, #tpu.memory_space<hbm>>
        tpu.enqueue_dma source(%dma_start3A_87 : memref<52x128xi32, #tpu.memory_space<hbm>>) target(%dma_start3A_85 : memref<52x128xi32, #tpu.memory_space<vmem>>) target_semaphore(%run_scoped3A : memref<!tpu.dma_semaphore, #tpu.memory_space<semaphore_mem>>)
        %dma_wait3A_88 = arith.constant 0 : i32
        %dma_wait3A_89 = arith.constant 0 : i32
        %dma_wait3A_90 = tpu.memref_slice %arg6[%dma_wait3A_88, %dma_wait3A_89] : memref<64x128xi32, #tpu.memory_space<vmem>> -> memref<52x128xi32, #tpu.memory_space<vmem>>
        %dma_wait3A_91 = arith.constant 0 : i32
        %dma_wait3A_92 = tpu.memref_slice %arg3[%mul3A_25, %dma_wait3A_91] : memref<1280x128xi32, #tpu.memory_space<hbm>> -> memref<52x128xi32, #tpu.memory_space<hbm>>
        %dma_wait3A_93 = arith.constant 0 : i32
        %dma_wait3A_94 = arith.constant 0 : i32
        %dma_wait3A_95 = tpu.memref_slice %arg6[%dma_wait3A_93, %dma_wait3A_94] : memref<64x128xi32, #tpu.memory_space<vmem>> -> memref<52x128xi32, #tpu.memory_space<vmem>>
        %dma_wait3A_96 = arith.constant 0 : i32
        %dma_wait3A_97 = tpu.memref_slice %arg3[%mul3A_25, %dma_wait3A_96] : memref<1280x128xi32, #tpu.memory_space<hbm>> -> memref<52x128xi32, #tpu.memory_space<hbm>>
        tpu.wait_dma2 semaphore(%run_scoped3A : memref<!tpu.dma_semaphore, #tpu.memory_space<semaphore_mem>>) src(%dma_wait3A_97 : memref<52x128xi32, #tpu.memory_space<hbm>>) dst(%dma_wait3A_95 : memref<52x128xi32, #tpu.memory_space<vmem>>)
        tpu.yield
      }) : () -> ()
      "tpu.region"() ({
        %run_scoped3A = tpu.sem_alloc : memref<!tpu.dma_semaphore, #tpu.memory_space<semaphore_mem>>
        %dma_start3A_78 = arith.constant 0 : i32
        %dma_start3A_79 = arith.constant 0 : i32
        %dma_start3A_80 = tpu.memref_slice %arg7[%dma_start3A_78, %dma_start3A_79] : memref<64x128xi32, #tpu.memory_space<vmem>> -> memref<52x128xi32, #tpu.memory_space<vmem>>
        %dma_start3A_81 = arith.constant 0 : i32
        %dma_start3A_82 = tpu.memref_slice %arg4[%mul3A_25, %dma_start3A_81] : memref<1280x128xi32, #tpu.memory_space<hbm>> -> memref<52x128xi32, #tpu.memory_space<hbm>>
        %dma_start3A_83 = arith.constant 0 : i32
        %dma_start3A_84 = arith.constant 0 : i32
        %dma_start3A_85 = tpu.memref_slice %arg7[%dma_start3A_83, %dma_start3A_84] : memref<64x128xi32, #tpu.memory_space<vmem>> -> memref<52x128xi32, #tpu.memory_space<vmem>>
        %dma_start3A_86 = arith.constant 0 : i32
        %dma_start3A_87 = tpu.memref_slice %arg4[%mul3A_25, %dma_start3A_86] : memref<1280x128xi32, #tpu.memory_space<hbm>> -> memref<52x128xi32, #tpu.memory_space<hbm>>
        tpu.enqueue_dma source(%dma_start3A_87 : memref<52x128xi32, #tpu.memory_space<hbm>>) target(%dma_start3A_85 : memref<52x128xi32, #tpu.memory_space<vmem>>) target_semaphore(%run_scoped3A : memref<!tpu.dma_semaphore, #tpu.memory_space<semaphore_mem>>)
        %dma_wait3A_88 = arith.constant 0 : i32
        %dma_wait3A_89 = arith.constant 0 : i32
        %dma_wait3A_90 = tpu.memref_slice %arg7[%dma_wait3A_88, %dma_wait3A_89] : memref<64x128xi32, #tpu.memory_space<vmem>> -> memref<52x128xi32, #tpu.memory_space<vmem>>
        %dma_wait3A_91 = arith.constant 0 : i32
        %dma_wait3A_92 = tpu.memref_slice %arg4[%mul3A_25, %dma_wait3A_91] : memref<1280x128xi32, #tpu.memory_space<hbm>> -> memref<52x128xi32, #tpu.memory_space<hbm>>
        %dma_wait3A_93 = arith.constant 0 : i32
        %dma_wait3A_94 = arith.constant 0 : i32
        %dma_wait3A_95 = tpu.memref_slice %arg7[%dma_wait3A_93, %dma_wait3A_94] : memref<64x128xi32, #tpu.memory_space<vmem>> -> memref<52x128xi32, #tpu.memory_space<vmem>>
        %dma_wait3A_96 = arith.constant 0 : i32
        %dma_wait3A_97 = tpu.memref_slice %arg4[%mul3A_25, %dma_wait3A_96] : memref<1280x128xi32, #tpu.memory_space<hbm>> -> memref<52x128xi32, #tpu.memory_space<hbm>>
        tpu.wait_dma2 semaphore(%run_scoped3A : memref<!tpu.dma_semaphore, #tpu.memory_space<semaphore_mem>>) src(%dma_wait3A_97 : memref<52x128xi32, #tpu.memory_space<hbm>>) dst(%dma_wait3A_95 : memref<52x128xi32, #tpu.memory_space<vmem>>)
        tpu.yield
      }) : () -> ()
      %dma_start3A = arith.constant 0 : i32
      %dma_start3A_26 = arith.constant 0 : i32
      %dma_start3A_27 = arith.constant 0 : i32
      %dma_start3A_28 = arith.constant 0 : i32
      %dma_start3A_29 = tpu.memref_slice %arg8[%dma_start3A_26, %dma_start3A_27, %dma_start3A_28] : memref<4x128x32xbf16, #tpu.memory_space<vmem>> -> memref<1x128x32xbf16, #tpu.memory_space<vmem>>
      %dma_start3A_30 = tpu.memref_squeeze %dma_start3A_29 : memref<1x128x32xbf16, #tpu.memory_space<vmem>> -> memref<128x32xbf16, #tpu.memory_space<vmem>>
      %dma_start3A_31 = arith.constant 0 : i32
      %dma_start3A_32 = tpu.memref_slice %arg6[%dma_start3A, %dma_start3A_31] : memref<64x128xi32, #tpu.memory_space<vmem>> -> memref<1x128xi32, #tpu.memory_space<vmem>>
      %dma_start3A_33 = tpu.memref_squeeze %dma_start3A_32 : memref<1x128xi32, #tpu.memory_space<vmem>> -> memref<128xi32, #tpu.memory_space<vmem>>
      %dma_start3A_34 = arith.constant 0 : i32
      %dma_start3A_35 = arith.constant 0 : i32
      %dma_start3A_36 = tpu.memref_slice %arg2[%dma_start3A_34, %dma_start3A_35] : memref<10000x32xbf16, #tpu.memory_space<hbm>> -> memref<10000x32xbf16, #tpu.memory_space<hbm>>
      tpu.enqueue_indirect_dma source(%dma_start3A_36 : memref<10000x32xbf16, #tpu.memory_space<hbm>>) target(%dma_start3A_30 : memref<128x32xbf16, #tpu.memory_space<vmem>>) offsets(%dma_start3A_33 : memref<128xi32, #tpu.memory_space<vmem>>) semaphore(%arg11 : memref<!tpu.dma_semaphore, #tpu.memory_space<semaphore_mem>>)
      %dma_start3A_37 = arith.constant 1 : i32
      %dma_start3A_38 = arith.constant 1 : i32
      %dma_start3A_39 = arith.constant 0 : i32
      %dma_start3A_40 = arith.constant 0 : i32
      %dma_start3A_41 = tpu.memref_slice %arg8[%dma_start3A_38, %dma_start3A_39, %dma_start3A_40] : memref<4x128x32xbf16, #tpu.memory_space<vmem>> -> memref<1x128x32xbf16, #tpu.memory_space<vmem>>
      %dma_start3A_42 = tpu.memref_squeeze %dma_start3A_41 : memref<1x128x32xbf16, #tpu.memory_space<vmem>> -> memref<128x32xbf16, #tpu.memory_space<vmem>>
      %dma_start3A_43 = arith.constant 0 : i32
      %dma_start3A_44 = tpu.memref_slice %arg6[%dma_start3A_37, %dma_start3A_43] : memref<64x128xi32, #tpu.memory_space<vmem>> -> memref<1x128xi32, #tpu.memory_space<vmem>>
      %dma_start3A_45 = tpu.memref_squeeze %dma_start3A_44 : memref<1x128xi32, #tpu.memory_space<vmem>> -> memref<128xi32, #tpu.memory_space<vmem>>
      %dma_start3A_46 = arith.constant 0 : i32
      %dma_start3A_47 = arith.constant 0 : i32
      %dma_start3A_48 = tpu.memref_slice %arg2[%dma_start3A_46, %dma_start3A_47] : memref<10000x32xbf16, #tpu.memory_space<hbm>> -> memref<10000x32xbf16, #tpu.memory_space<hbm>>
      tpu.enqueue_indirect_dma source(%dma_start3A_48 : memref<10000x32xbf16, #tpu.memory_space<hbm>>) target(%dma_start3A_42 : memref<128x32xbf16, #tpu.memory_space<vmem>>) offsets(%dma_start3A_45 : memref<128xi32, #tpu.memory_space<vmem>>) semaphore(%arg12 : memref<!tpu.dma_semaphore, #tpu.memory_space<semaphore_mem>>)
      %scan3A_49 = arith.constant 0 : i32
      %scan3A_50 = arith.constant 0 : i32
      %scan3A_51 = arith.constant 13 : i32
      %scan3A_52 = arith.addi %scan3A_50, %scan3A_51 : i32
      %scan3A_53 = arith.constant 1 : i32
      scf.for %scan3A_78 = %scan3A_50 to %scan3A_52 step %scan3A_53  : i32 {
        %mul3A_79 = arith.constant 4 : i32
        %mul3A_80 = arith.muli %scan3A_78, %mul3A_79 : i32
        %add3A = arith.constant 0 : i32
        %add3A_81 = arith.addi %mul3A_80, %add3A : i32
        %ge3A = arith.constant 2 : i32
        %ge3A_82 = arith.cmpi sge, %add3A_81, %ge3A : i32
        %convert_element_type3A_83 = arith.extui %ge3A_82 : i1 to i32
        %cond3A_84 = arith.constant 0 : i32
        %cond3A_85 = arith.cmpi ne, %convert_element_type3A_83, %cond3A_84 : i32
        scf.if %cond3A_85 {
          %dma_wait3A_229 = arith.constant 2 : i32
          %dma_wait3A_230 = arith.constant 0 : i32
          %dma_wait3A_231 = arith.constant 0 : i32
          %dma_wait3A_232 = arith.constant 0 : i32
          %dma_wait3A_233 = tpu.memref_slice %arg8[%dma_wait3A_229, %dma_wait3A_231, %dma_wait3A_232] : memref<4x128x32xbf16, #tpu.memory_space<vmem>> -> memref<1x128x32xbf16, #tpu.memory_space<vmem>>
          %dma_wait3A_234 = tpu.memref_squeeze %dma_wait3A_233 : memref<1x128x32xbf16, #tpu.memory_space<vmem>> -> memref<128x32xbf16, #tpu.memory_space<vmem>>
          %dma_wait3A_235 = arith.constant 0 : i32
          %dma_wait3A_236 = tpu.memref_slice %arg7[%dma_wait3A_230, %dma_wait3A_235] : memref<64x128xi32, #tpu.memory_space<vmem>> -> memref<1x128xi32, #tpu.memory_space<vmem>>
          %dma_wait3A_237 = tpu.memref_squeeze %dma_wait3A_236 : memref<1x128xi32, #tpu.memory_space<vmem>> -> memref<128xi32, #tpu.memory_space<vmem>>
          %dma_wait3A_238 = arith.constant 0 : i32
          %dma_wait3A_239 = arith.constant 0 : i32
          %dma_wait3A_240 = tpu.memref_slice %arg10[%dma_wait3A_238, %dma_wait3A_239] : memref<10112x32xbf16, #tpu.memory_space<vmem_shared>> -> memref<10112x32xbf16, #tpu.memory_space<vmem_shared>>
          tpu.wait_indirect_dma semaphore(%arg17 : memref<!tpu.dma_semaphore, #tpu.memory_space<semaphore_mem>>) src(%dma_wait3A_234 : memref<128x32xbf16, #tpu.memory_space<vmem>>) dst(%dma_wait3A_240 : memref<10112x32xbf16, #tpu.memory_space<vmem_shared>>)
        } else {
        }
        %add3A_86 = arith.constant 2 : i32
        %add3A_87 = arith.addi %add3A_81, %add3A_86 : i32
        %lt3A_88 = arith.constant 52 : i32
        %lt3A_89 = arith.cmpi slt, %add3A_87, %lt3A_88 : i32
        %convert_element_type3A_90 = arith.extui %lt3A_89 : i1 to i32
        %cond3A_91 = arith.constant 0 : i32
        %cond3A_92 = arith.cmpi ne, %convert_element_type3A_90, %cond3A_91 : i32
        scf.if %cond3A_92 {
          %add3A_229 = arith.constant 2 : i32
          %add3A_230 = arith.addi %add3A_81, %add3A_229 : i32
          %dma_start3A_231 = arith.constant 2 : i32
          %dma_start3A_232 = arith.constant 0 : i32
          %dma_start3A_233 = arith.constant 0 : i32
          %dma_start3A_234 = tpu.memref_slice %arg8[%dma_start3A_231, %dma_start3A_232, %dma_start3A_233] : memref<4x128x32xbf16, #tpu.memory_space<vmem>> -> memref<1x128x32xbf16, #tpu.memory_space<vmem>>
          %dma_start3A_235 = tpu.memref_squeeze %dma_start3A_234 : memref<1x128x32xbf16, #tpu.memory_space<vmem>> -> memref<128x32xbf16, #tpu.memory_space<vmem>>
          %dma_start3A_236 = arith.constant 0 : i32
          %dma_start3A_237 = tpu.memref_slice %arg6[%add3A_230, %dma_start3A_236] : memref<64x128xi32, #tpu.memory_space<vmem>> -> memref<1x128xi32, #tpu.memory_space<vmem>>
          %dma_start3A_238 = tpu.memref_squeeze %dma_start3A_237 : memref<1x128xi32, #tpu.memory_space<vmem>> -> memref<128xi32, #tpu.memory_space<vmem>>
          %dma_start3A_239 = arith.constant 0 : i32
          %dma_start3A_240 = arith.constant 0 : i32
          %dma_start3A_241 = tpu.memref_slice %arg2[%dma_start3A_239, %dma_start3A_240] : memref<10000x32xbf16, #tpu.memory_space<hbm>> -> memref<10000x32xbf16, #tpu.memory_space<hbm>>
          tpu.enqueue_indirect_dma source(%dma_start3A_241 : memref<10000x32xbf16, #tpu.memory_space<hbm>>) target(%dma_start3A_235 : memref<128x32xbf16, #tpu.memory_space<vmem>>) offsets(%dma_start3A_238 : memref<128xi32, #tpu.memory_space<vmem>>) semaphore(%arg13 : memref<!tpu.dma_semaphore, #tpu.memory_space<semaphore_mem>>)
        } else {
        }
        %dma_wait3A_93 = arith.constant 0 : i32
        %dma_wait3A_94 = arith.constant 0 : i32
        %dma_wait3A_95 = arith.constant 0 : i32
        %dma_wait3A_96 = tpu.memref_slice %arg8[%dma_wait3A_93, %dma_wait3A_94, %dma_wait3A_95] : memref<4x128x32xbf16, #tpu.memory_space<vmem>> -> memref<1x128x32xbf16, #tpu.memory_space<vmem>>
        %dma_wait3A_97 = tpu.memref_squeeze %dma_wait3A_96 : memref<1x128x32xbf16, #tpu.memory_space<vmem>> -> memref<128x32xbf16, #tpu.memory_space<vmem>>
        %dma_wait3A_98 = arith.constant 0 : i32
        %dma_wait3A_99 = tpu.memref_slice %arg6[%add3A_81, %dma_wait3A_98] : memref<64x128xi32, #tpu.memory_space<vmem>> -> memref<1x128xi32, #tpu.memory_space<vmem>>
        %dma_wait3A_100 = tpu.memref_squeeze %dma_wait3A_99 : memref<1x128xi32, #tpu.memory_space<vmem>> -> memref<128xi32, #tpu.memory_space<vmem>>
        %dma_wait3A_101 = arith.constant 0 : i32
        %dma_wait3A_102 = arith.constant 0 : i32
        %dma_wait3A_103 = tpu.memref_slice %arg2[%dma_wait3A_101, %dma_wait3A_102] : memref<10000x32xbf16, #tpu.memory_space<hbm>> -> memref<10000x32xbf16, #tpu.memory_space<hbm>>
        tpu.wait_indirect_dma semaphore(%arg11 : memref<!tpu.dma_semaphore, #tpu.memory_space<semaphore_mem>>) src(%dma_wait3A_103 : memref<10000x32xbf16, #tpu.memory_space<hbm>>) dst(%dma_wait3A_97 : memref<128x32xbf16, #tpu.memory_space<vmem>>)
        %dma_start3A_104 = arith.constant 0 : i32
        %dma_start3A_105 = arith.constant 0 : i32
        %dma_start3A_106 = arith.constant 0 : i32
        %dma_start3A_107 = tpu.memref_slice %arg8[%dma_start3A_104, %dma_start3A_105, %dma_start3A_106] : memref<4x128x32xbf16, #tpu.memory_space<vmem>> -> memref<1x128x32xbf16, #tpu.memory_space<vmem>>
        %dma_start3A_108 = tpu.memref_squeeze %dma_start3A_107 : memref<1x128x32xbf16, #tpu.memory_space<vmem>> -> memref<128x32xbf16, #tpu.memory_space<vmem>>
        %dma_start3A_109 = arith.constant 0 : i32
        %dma_start3A_110 = tpu.memref_slice %arg7[%add3A_81, %dma_start3A_109] : memref<64x128xi32, #tpu.memory_space<vmem>> -> memref<1x128xi32, #tpu.memory_space<vmem>>
        %dma_start3A_111 = tpu.memref_squeeze %dma_start3A_110 : memref<1x128xi32, #tpu.memory_space<vmem>> -> memref<128xi32, #tpu.memory_space<vmem>>
        %dma_start3A_112 = arith.constant 0 : i32
        %dma_start3A_113 = arith.constant 0 : i32
        %dma_start3A_114 = tpu.memref_slice %arg10[%dma_start3A_112, %dma_start3A_113] : memref<10112x32xbf16, #tpu.memory_space<vmem_shared>> -> memref<10112x32xbf16, #tpu.memory_space<vmem_shared>>
        tpu.enqueue_indirect_dma source(%dma_start3A_108 : memref<128x32xbf16, #tpu.memory_space<vmem>>) target(%dma_start3A_114 : memref<10112x32xbf16, #tpu.memory_space<vmem_shared>>) offsets(%dma_start3A_111 : memref<128xi32, #tpu.memory_space<vmem>>) semaphore(%arg15 : memref<!tpu.dma_semaphore, #tpu.memory_space<semaphore_mem>>) {add = true}
        %mul3A_115 = arith.constant 4 : i32
        %mul3A_116 = arith.muli %scan3A_78, %mul3A_115 : i32
        %add3A_117 = arith.constant 1 : i32
        %add3A_118 = arith.addi %mul3A_116, %add3A_117 : i32
        %ge3A_119 = arith.constant 2 : i32
        %ge3A_120 = arith.cmpi sge, %add3A_118, %ge3A_119 : i32
        %convert_element_type3A_121 = arith.extui %ge3A_120 : i1 to i32
        %cond3A_122 = arith.constant 0 : i32
        %cond3A_123 = arith.cmpi ne, %convert_element_type3A_121, %cond3A_122 : i32
        scf.if %cond3A_123 {
          %dma_wait3A_229 = arith.constant 3 : i32
          %dma_wait3A_230 = arith.constant 0 : i32
          %dma_wait3A_231 = arith.constant 0 : i32
          %dma_wait3A_232 = arith.constant 0 : i32
          %dma_wait3A_233 = tpu.memref_slice %arg8[%dma_wait3A_229, %dma_wait3A_231, %dma_wait3A_232] : memref<4x128x32xbf16, #tpu.memory_space<vmem>> -> memref<1x128x32xbf16, #tpu.memory_space<vmem>>
          %dma_wait3A_234 = tpu.memref_squeeze %dma_wait3A_233 : memref<1x128x32xbf16, #tpu.memory_space<vmem>> -> memref<128x32xbf16, #tpu.memory_space<vmem>>
          %dma_wait3A_235 = arith.constant 0 : i32
          %dma_wait3A_236 = tpu.memref_slice %arg7[%dma_wait3A_230, %dma_wait3A_235] : memref<64x128xi32, #tpu.memory_space<vmem>> -> memref<1x128xi32, #tpu.memory_space<vmem>>
          %dma_wait3A_237 = tpu.memref_squeeze %dma_wait3A_236 : memref<1x128xi32, #tpu.memory_space<vmem>> -> memref<128xi32, #tpu.memory_space<vmem>>
          %dma_wait3A_238 = arith.constant 0 : i32
          %dma_wait3A_239 = arith.constant 0 : i32
          %dma_wait3A_240 = tpu.memref_slice %arg10[%dma_wait3A_238, %dma_wait3A_239] : memref<10112x32xbf16, #tpu.memory_space<vmem_shared>> -> memref<10112x32xbf16, #tpu.memory_space<vmem_shared>>
          tpu.wait_indirect_dma semaphore(%arg18 : memref<!tpu.dma_semaphore, #tpu.memory_space<semaphore_mem>>) src(%dma_wait3A_234 : memref<128x32xbf16, #tpu.memory_space<vmem>>) dst(%dma_wait3A_240 : memref<10112x32xbf16, #tpu.memory_space<vmem_shared>>)
        } else {
        }
        %add3A_124 = arith.constant 2 : i32
        %add3A_125 = arith.addi %add3A_118, %add3A_124 : i32
        %lt3A_126 = arith.constant 52 : i32
        %lt3A_127 = arith.cmpi slt, %add3A_125, %lt3A_126 : i32
        %convert_element_type3A_128 = arith.extui %lt3A_127 : i1 to i32
        %cond3A_129 = arith.constant 0 : i32
        %cond3A_130 = arith.cmpi ne, %convert_element_type3A_128, %cond3A_129 : i32
        scf.if %cond3A_130 {
          %add3A_229 = arith.constant 2 : i32
          %add3A_230 = arith.addi %add3A_118, %add3A_229 : i32
          %dma_start3A_231 = arith.constant 3 : i32
          %dma_start3A_232 = arith.constant 0 : i32
          %dma_start3A_233 = arith.constant 0 : i32
          %dma_start3A_234 = tpu.memref_slice %arg8[%dma_start3A_231, %dma_start3A_232, %dma_start3A_233] : memref<4x128x32xbf16, #tpu.memory_space<vmem>> -> memref<1x128x32xbf16, #tpu.memory_space<vmem>>
          %dma_start3A_235 = tpu.memref_squeeze %dma_start3A_234 : memref<1x128x32xbf16, #tpu.memory_space<vmem>> -> memref<128x32xbf16, #tpu.memory_space<vmem>>
          %dma_start3A_236 = arith.constant 0 : i32
          %dma_start3A_237 = tpu.memref_slice %arg6[%add3A_230, %dma_start3A_236] : memref<64x128xi32, #tpu.memory_space<vmem>> -> memref<1x128xi32, #tpu.memory_space<vmem>>
          %dma_start3A_238 = tpu.memref_squeeze %dma_start3A_237 : memref<1x128xi32, #tpu.memory_space<vmem>> -> memref<128xi32, #tpu.memory_space<vmem>>
          %dma_start3A_239 = arith.constant 0 : i32
          %dma_start3A_240 = arith.constant 0 : i32
          %dma_start3A_241 = tpu.memref_slice %arg2[%dma_start3A_239, %dma_start3A_240] : memref<10000x32xbf16, #tpu.memory_space<hbm>> -> memref<10000x32xbf16, #tpu.memory_space<hbm>>
          tpu.enqueue_indirect_dma source(%dma_start3A_241 : memref<10000x32xbf16, #tpu.memory_space<hbm>>) target(%dma_start3A_235 : memref<128x32xbf16, #tpu.memory_space<vmem>>) offsets(%dma_start3A_238 : memref<128xi32, #tpu.memory_space<vmem>>) semaphore(%arg14 : memref<!tpu.dma_semaphore, #tpu.memory_space<semaphore_mem>>)
        } else {
        }
        %dma_wait3A_131 = arith.constant 1 : i32
        %dma_wait3A_132 = arith.constant 0 : i32
        %dma_wait3A_133 = arith.constant 0 : i32
        %dma_wait3A_134 = tpu.memref_slice %arg8[%dma_wait3A_131, %dma_wait3A_132, %dma_wait3A_133] : memref<4x128x32xbf16, #tpu.memory_space<vmem>> -> memref<1x128x32xbf16, #tpu.memory_space<vmem>>
        %dma_wait3A_135 = tpu.memref_squeeze %dma_wait3A_134 : memref<1x128x32xbf16, #tpu.memory_space<vmem>> -> memref<128x32xbf16, #tpu.memory_space<vmem>>
        %dma_wait3A_136 = arith.constant 0 : i32
        %dma_wait3A_137 = tpu.memref_slice %arg6[%add3A_118, %dma_wait3A_136] : memref<64x128xi32, #tpu.memory_space<vmem>> -> memref<1x128xi32, #tpu.memory_space<vmem>>
        %dma_wait3A_138 = tpu.memref_squeeze %dma_wait3A_137 : memref<1x128xi32, #tpu.memory_space<vmem>> -> memref<128xi32, #tpu.memory_space<vmem>>
        %dma_wait3A_139 = arith.constant 0 : i32
        %dma_wait3A_140 = arith.constant 0 : i32
        %dma_wait3A_141 = tpu.memref_slice %arg2[%dma_wait3A_139, %dma_wait3A_140] : memref<10000x32xbf16, #tpu.memory_space<hbm>> -> memref<10000x32xbf16, #tpu.memory_space<hbm>>
        tpu.wait_indirect_dma semaphore(%arg12 : memref<!tpu.dma_semaphore, #tpu.memory_space<semaphore_mem>>) src(%dma_wait3A_141 : memref<10000x32xbf16, #tpu.memory_space<hbm>>) dst(%dma_wait3A_135 : memref<128x32xbf16, #tpu.memory_space<vmem>>)
        %dma_start3A_142 = arith.constant 1 : i32
        %dma_start3A_143 = arith.constant 0 : i32
        %dma_start3A_144 = arith.constant 0 : i32
        %dma_start3A_145 = tpu.memref_slice %arg8[%dma_start3A_142, %dma_start3A_143, %dma_start3A_144] : memref<4x128x32xbf16, #tpu.memory_space<vmem>> -> memref<1x128x32xbf16, #tpu.memory_space<vmem>>
        %dma_start3A_146 = tpu.memref_squeeze %dma_start3A_145 : memref<1x128x32xbf16, #tpu.memory_space<vmem>> -> memref<128x32xbf16, #tpu.memory_space<vmem>>
        %dma_start3A_147 = arith.constant 0 : i32
        %dma_start3A_148 = tpu.memref_slice %arg7[%add3A_118, %dma_start3A_147] : memref<64x128xi32, #tpu.memory_space<vmem>> -> memref<1x128xi32, #tpu.memory_space<vmem>>
        %dma_start3A_149 = tpu.memref_squeeze %dma_start3A_148 : memref<1x128xi32, #tpu.memory_space<vmem>> -> memref<128xi32, #tpu.memory_space<vmem>>
        %dma_start3A_150 = arith.constant 0 : i32
        %dma_start3A_151 = arith.constant 0 : i32
        %dma_start3A_152 = tpu.memref_slice %arg10[%dma_start3A_150, %dma_start3A_151] : memref<10112x32xbf16, #tpu.memory_space<vmem_shared>> -> memref<10112x32xbf16, #tpu.memory_space<vmem_shared>>
        tpu.enqueue_indirect_dma source(%dma_start3A_146 : memref<128x32xbf16, #tpu.memory_space<vmem>>) target(%dma_start3A_152 : memref<10112x32xbf16, #tpu.memory_space<vmem_shared>>) offsets(%dma_start3A_149 : memref<128xi32, #tpu.memory_space<vmem>>) semaphore(%arg16 : memref<!tpu.dma_semaphore, #tpu.memory_space<semaphore_mem>>) {add = true}
        %mul3A_153 = arith.constant 4 : i32
        %mul3A_154 = arith.muli %scan3A_78, %mul3A_153 : i32
        %add3A_155 = arith.constant 2 : i32
        %add3A_156 = arith.addi %mul3A_154, %add3A_155 : i32
        %ge3A_157 = arith.constant 2 : i32
        %ge3A_158 = arith.cmpi sge, %add3A_156, %ge3A_157 : i32
        %convert_element_type3A_159 = arith.extui %ge3A_158 : i1 to i32
        %cond3A_160 = arith.constant 0 : i32
        %cond3A_161 = arith.cmpi ne, %convert_element_type3A_159, %cond3A_160 : i32
        scf.if %cond3A_161 {
          %dma_wait3A_229 = arith.constant 0 : i32
          %dma_wait3A_230 = arith.constant 0 : i32
          %dma_wait3A_231 = arith.constant 0 : i32
          %dma_wait3A_232 = arith.constant 0 : i32
          %dma_wait3A_233 = tpu.memref_slice %arg8[%dma_wait3A_229, %dma_wait3A_231, %dma_wait3A_232] : memref<4x128x32xbf16, #tpu.memory_space<vmem>> -> memref<1x128x32xbf16, #tpu.memory_space<vmem>>
          %dma_wait3A_234 = tpu.memref_squeeze %dma_wait3A_233 : memref<1x128x32xbf16, #tpu.memory_space<vmem>> -> memref<128x32xbf16, #tpu.memory_space<vmem>>
          %dma_wait3A_235 = arith.constant 0 : i32
          %dma_wait3A_236 = tpu.memref_slice %arg7[%dma_wait3A_230, %dma_wait3A_235] : memref<64x128xi32, #tpu.memory_space<vmem>> -> memref<1x128xi32, #tpu.memory_space<vmem>>
          %dma_wait3A_237 = tpu.memref_squeeze %dma_wait3A_236 : memref<1x128xi32, #tpu.memory_space<vmem>> -> memref<128xi32, #tpu.memory_space<vmem>>
          %dma_wait3A_238 = arith.constant 0 : i32
          %dma_wait3A_239 = arith.constant 0 : i32
          %dma_wait3A_240 = tpu.memref_slice %arg10[%dma_wait3A_238, %dma_wait3A_239] : memref<10112x32xbf16, #tpu.memory_space<vmem_shared>> -> memref<10112x32xbf16, #tpu.memory_space<vmem_shared>>
          tpu.wait_indirect_dma semaphore(%arg15 : memref<!tpu.dma_semaphore, #tpu.memory_space<semaphore_mem>>) src(%dma_wait3A_234 : memref<128x32xbf16, #tpu.memory_space<vmem>>) dst(%dma_wait3A_240 : memref<10112x32xbf16, #tpu.memory_space<vmem_shared>>)
        } else {
        }
        %add3A_162 = arith.constant 2 : i32
        %add3A_163 = arith.addi %add3A_156, %add3A_162 : i32
        %lt3A_164 = arith.constant 52 : i32
        %lt3A_165 = arith.cmpi slt, %add3A_163, %lt3A_164 : i32
        %convert_element_type3A_166 = arith.extui %lt3A_165 : i1 to i32
        %cond3A_167 = arith.constant 0 : i32
        %cond3A_168 = arith.cmpi ne, %convert_element_type3A_166, %cond3A_167 : i32
        scf.if %cond3A_168 {
          %add3A_229 = arith.constant 2 : i32
          %add3A_230 = arith.addi %add3A_156, %add3A_229 : i32
          %dma_start3A_231 = arith.constant 0 : i32
          %dma_start3A_232 = arith.constant 0 : i32
          %dma_start3A_233 = arith.constant 0 : i32
          %dma_start3A_234 = tpu.memref_slice %arg8[%dma_start3A_231, %dma_start3A_232, %dma_start3A_233] : memref<4x128x32xbf16, #tpu.memory_space<vmem>> -> memref<1x128x32xbf16, #tpu.memory_space<vmem>>
          %dma_start3A_235 = tpu.memref_squeeze %dma_start3A_234 : memref<1x128x32xbf16, #tpu.memory_space<vmem>> -> memref<128x32xbf16, #tpu.memory_space<vmem>>
          %dma_start3A_236 = arith.constant 0 : i32
          %dma_start3A_237 = tpu.memref_slice %arg6[%add3A_230, %dma_start3A_236] : memref<64x128xi32, #tpu.memory_space<vmem>> -> memref<1x128xi32, #tpu.memory_space<vmem>>
          %dma_start3A_238 = tpu.memref_squeeze %dma_start3A_237 : memref<1x128xi32, #tpu.memory_space<vmem>> -> memref<128xi32, #tpu.memory_space<vmem>>
          %dma_start3A_239 = arith.constant 0 : i32
          %dma_start3A_240 = arith.constant 0 : i32
          %dma_start3A_241 = tpu.memref_slice %arg2[%dma_start3A_239, %dma_start3A_240] : memref<10000x32xbf16, #tpu.memory_space<hbm>> -> memref<10000x32xbf16, #tpu.memory_space<hbm>>
          tpu.enqueue_indirect_dma source(%dma_start3A_241 : memref<10000x32xbf16, #tpu.memory_space<hbm>>) target(%dma_start3A_235 : memref<128x32xbf16, #tpu.memory_space<vmem>>) offsets(%dma_start3A_238 : memref<128xi32, #tpu.memory_space<vmem>>) semaphore(%arg11 : memref<!tpu.dma_semaphore, #tpu.memory_space<semaphore_mem>>)
        } else {
        }
        %dma_wait3A_169 = arith.constant 2 : i32
        %dma_wait3A_170 = arith.constant 0 : i32
        %dma_wait3A_171 = arith.constant 0 : i32
        %dma_wait3A_172 = tpu.memref_slice %arg8[%dma_wait3A_169, %dma_wait3A_170, %dma_wait3A_171] : memref<4x128x32xbf16, #tpu.memory_space<vmem>> -> memref<1x128x32xbf16, #tpu.memory_space<vmem>>
        %dma_wait3A_173 = tpu.memref_squeeze %dma_wait3A_172 : memref<1x128x32xbf16, #tpu.memory_space<vmem>> -> memref<128x32xbf16, #tpu.memory_space<vmem>>
        %dma_wait3A_174 = arith.constant 0 : i32
        %dma_wait3A_175 = tpu.memref_slice %arg6[%add3A_156, %dma_wait3A_174] : memref<64x128xi32, #tpu.memory_space<vmem>> -> memref<1x128xi32, #tpu.memory_space<vmem>>
        %dma_wait3A_176 = tpu.memref_squeeze %dma_wait3A_175 : memref<1x128xi32, #tpu.memory_space<vmem>> -> memref<128xi32, #tpu.memory_space<vmem>>
        %dma_wait3A_177 = arith.constant 0 : i32
        %dma_wait3A_178 = arith.constant 0 : i32
        %dma_wait3A_179 = tpu.memref_slice %arg2[%dma_wait3A_177, %dma_wait3A_178] : memref<10000x32xbf16, #tpu.memory_space<hbm>> -> memref<10000x32xbf16, #tpu.memory_space<hbm>>
        tpu.wait_indirect_dma semaphore(%arg13 : memref<!tpu.dma_semaphore, #tpu.memory_space<semaphore_mem>>) src(%dma_wait3A_179 : memref<10000x32xbf16, #tpu.memory_space<hbm>>) dst(%dma_wait3A_173 : memref<128x32xbf16, #tpu.memory_space<vmem>>)
        %dma_start3A_180 = arith.constant 2 : i32
        %dma_start3A_181 = arith.constant 0 : i32
        %dma_start3A_182 = arith.constant 0 : i32
        %dma_start3A_183 = tpu.memref_slice %arg8[%dma_start3A_180, %dma_start3A_181, %dma_start3A_182] : memref<4x128x32xbf16, #tpu.memory_space<vmem>> -> memref<1x128x32xbf16, #tpu.memory_space<vmem>>
        %dma_start3A_184 = tpu.memref_squeeze %dma_start3A_183 : memref<1x128x32xbf16, #tpu.memory_space<vmem>> -> memref<128x32xbf16, #tpu.memory_space<vmem>>
        %dma_start3A_185 = arith.constant 0 : i32
        %dma_start3A_186 = tpu.memref_slice %arg7[%add3A_156, %dma_start3A_185] : memref<64x128xi32, #tpu.memory_space<vmem>> -> memref<1x128xi32, #tpu.memory_space<vmem>>
        %dma_start3A_187 = tpu.memref_squeeze %dma_start3A_186 : memref<1x128xi32, #tpu.memory_space<vmem>> -> memref<128xi32, #tpu.memory_space<vmem>>
        %dma_start3A_188 = arith.constant 0 : i32
        %dma_start3A_189 = arith.constant 0 : i32
        %dma_start3A_190 = tpu.memref_slice %arg10[%dma_start3A_188, %dma_start3A_189] : memref<10112x32xbf16, #tpu.memory_space<vmem_shared>> -> memref<10112x32xbf16, #tpu.memory_space<vmem_shared>>
        tpu.enqueue_indirect_dma source(%dma_start3A_184 : memref<128x32xbf16, #tpu.memory_space<vmem>>) target(%dma_start3A_190 : memref<10112x32xbf16, #tpu.memory_space<vmem_shared>>) offsets(%dma_start3A_187 : memref<128xi32, #tpu.memory_space<vmem>>) semaphore(%arg17 : memref<!tpu.dma_semaphore, #tpu.memory_space<semaphore_mem>>) {add = true}
        %mul3A_191 = arith.constant 4 : i32
        %mul3A_192 = arith.muli %scan3A_78, %mul3A_191 : i32
        %add3A_193 = arith.constant 3 : i32
        %add3A_194 = arith.addi %mul3A_192, %add3A_193 : i32
        %ge3A_195 = arith.constant 2 : i32
        %ge3A_196 = arith.cmpi sge, %add3A_194, %ge3A_195 : i32
        %convert_element_type3A_197 = arith.extui %ge3A_196 : i1 to i32
        %cond3A_198 = arith.constant 0 : i32
        %cond3A_199 = arith.cmpi ne, %convert_element_type3A_197, %cond3A_198 : i32
        scf.if %cond3A_199 {
          %dma_wait3A_229 = arith.constant 1 : i32
          %dma_wait3A_230 = arith.constant 0 : i32
          %dma_wait3A_231 = arith.constant 0 : i32
          %dma_wait3A_232 = arith.constant 0 : i32
          %dma_wait3A_233 = tpu.memref_slice %arg8[%dma_wait3A_229, %dma_wait3A_231, %dma_wait3A_232] : memref<4x128x32xbf16, #tpu.memory_space<vmem>> -> memref<1x128x32xbf16, #tpu.memory_space<vmem>>
          %dma_wait3A_234 = tpu.memref_squeeze %dma_wait3A_233 : memref<1x128x32xbf16, #tpu.memory_space<vmem>> -> memref<128x32xbf16, #tpu.memory_space<vmem>>
          %dma_wait3A_235 = arith.constant 0 : i32
          %dma_wait3A_236 = tpu.memref_slice %arg7[%dma_wait3A_230, %dma_wait3A_235] : memref<64x128xi32, #tpu.memory_space<vmem>> -> memref<1x128xi32, #tpu.memory_space<vmem>>
          %dma_wait3A_237 = tpu.memref_squeeze %dma_wait3A_236 : memref<1x128xi32, #tpu.memory_space<vmem>> -> memref<128xi32, #tpu.memory_space<vmem>>
          %dma_wait3A_238 = arith.constant 0 : i32
          %dma_wait3A_239 = arith.constant 0 : i32
          %dma_wait3A_240 = tpu.memref_slice %arg10[%dma_wait3A_238, %dma_wait3A_239] : memref<10112x32xbf16, #tpu.memory_space<vmem_shared>> -> memref<10112x32xbf16, #tpu.memory_space<vmem_shared>>
          tpu.wait_indirect_dma semaphore(%arg16 : memref<!tpu.dma_semaphore, #tpu.memory_space<semaphore_mem>>) src(%dma_wait3A_234 : memref<128x32xbf16, #tpu.memory_space<vmem>>) dst(%dma_wait3A_240 : memref<10112x32xbf16, #tpu.memory_space<vmem_shared>>)
        } else {
        }
        %add3A_200 = arith.constant 2 : i32
        %add3A_201 = arith.addi %add3A_194, %add3A_200 : i32
        %lt3A_202 = arith.constant 52 : i32
        %lt3A_203 = arith.cmpi slt, %add3A_201, %lt3A_202 : i32
        %convert_element_type3A_204 = arith.extui %lt3A_203 : i1 to i32
        %cond3A_205 = arith.constant 0 : i32
        %cond3A_206 = arith.cmpi ne, %convert_element_type3A_204, %cond3A_205 : i32
        scf.if %cond3A_206 {
          %add3A_229 = arith.constant 2 : i32
          %add3A_230 = arith.addi %add3A_194, %add3A_229 : i32
          %dma_start3A_231 = arith.constant 1 : i32
          %dma_start3A_232 = arith.constant 0 : i32
          %dma_start3A_233 = arith.constant 0 : i32
          %dma_start3A_234 = tpu.memref_slice %arg8[%dma_start3A_231, %dma_start3A_232, %dma_start3A_233] : memref<4x128x32xbf16, #tpu.memory_space<vmem>> -> memref<1x128x32xbf16, #tpu.memory_space<vmem>>
          %dma_start3A_235 = tpu.memref_squeeze %dma_start3A_234 : memref<1x128x32xbf16, #tpu.memory_space<vmem>> -> memref<128x32xbf16, #tpu.memory_space<vmem>>
          %dma_start3A_236 = arith.constant 0 : i32
          %dma_start3A_237 = tpu.memref_slice %arg6[%add3A_230, %dma_start3A_236] : memref<64x128xi32, #tpu.memory_space<vmem>> -> memref<1x128xi32, #tpu.memory_space<vmem>>
          %dma_start3A_238 = tpu.memref_squeeze %dma_start3A_237 : memref<1x128xi32, #tpu.memory_space<vmem>> -> memref<128xi32, #tpu.memory_space<vmem>>
          %dma_start3A_239 = arith.constant 0 : i32
          %dma_start3A_240 = arith.constant 0 : i32
          %dma_start3A_241 = tpu.memref_slice %arg2[%dma_start3A_239, %dma_start3A_240] : memref<10000x32xbf16, #tpu.memory_space<hbm>> -> memref<10000x32xbf16, #tpu.memory_space<hbm>>
          tpu.enqueue_indirect_dma source(%dma_start3A_241 : memref<10000x32xbf16, #tpu.memory_space<hbm>>) target(%dma_start3A_235 : memref<128x32xbf16, #tpu.memory_space<vmem>>) offsets(%dma_start3A_238 : memref<128xi32, #tpu.memory_space<vmem>>) semaphore(%arg12 : memref<!tpu.dma_semaphore, #tpu.memory_space<semaphore_mem>>)
        } else {
        }
        %dma_wait3A_207 = arith.constant 3 : i32
        %dma_wait3A_208 = arith.constant 0 : i32
        %dma_wait3A_209 = arith.constant 0 : i32
        %dma_wait3A_210 = tpu.memref_slice %arg8[%dma_wait3A_207, %dma_wait3A_208, %dma_wait3A_209] : memref<4x128x32xbf16, #tpu.memory_space<vmem>> -> memref<1x128x32xbf16, #tpu.memory_space<vmem>>
        %dma_wait3A_211 = tpu.memref_squeeze %dma_wait3A_210 : memref<1x128x32xbf16, #tpu.memory_space<vmem>> -> memref<128x32xbf16, #tpu.memory_space<vmem>>
        %dma_wait3A_212 = arith.constant 0 : i32
        %dma_wait3A_213 = tpu.memref_slice %arg6[%add3A_194, %dma_wait3A_212] : memref<64x128xi32, #tpu.memory_space<vmem>> -> memref<1x128xi32, #tpu.memory_space<vmem>>
        %dma_wait3A_214 = tpu.memref_squeeze %dma_wait3A_213 : memref<1x128xi32, #tpu.memory_space<vmem>> -> memref<128xi32, #tpu.memory_space<vmem>>
        %dma_wait3A_215 = arith.constant 0 : i32
        %dma_wait3A_216 = arith.constant 0 : i32
        %dma_wait3A_217 = tpu.memref_slice %arg2[%dma_wait3A_215, %dma_wait3A_216] : memref<10000x32xbf16, #tpu.memory_space<hbm>> -> memref<10000x32xbf16, #tpu.memory_space<hbm>>
        tpu.wait_indirect_dma semaphore(%arg14 : memref<!tpu.dma_semaphore, #tpu.memory_space<semaphore_mem>>) src(%dma_wait3A_217 : memref<10000x32xbf16, #tpu.memory_space<hbm>>) dst(%dma_wait3A_211 : memref<128x32xbf16, #tpu.memory_space<vmem>>)
        %dma_start3A_218 = arith.constant 3 : i32
        %dma_start3A_219 = arith.constant 0 : i32
        %dma_start3A_220 = arith.constant 0 : i32
        %dma_start3A_221 = tpu.memref_slice %arg8[%dma_start3A_218, %dma_start3A_219, %dma_start3A_220] : memref<4x128x32xbf16, #tpu.memory_space<vmem>> -> memref<1x128x32xbf16, #tpu.memory_space<vmem>>
        %dma_start3A_222 = tpu.memref_squeeze %dma_start3A_221 : memref<1x128x32xbf16, #tpu.memory_space<vmem>> -> memref<128x32xbf16, #tpu.memory_space<vmem>>
        %dma_start3A_223 = arith.constant 0 : i32
        %dma_start3A_224 = tpu.memref_slice %arg7[%add3A_194, %dma_start3A_223] : memref<64x128xi32, #tpu.memory_space<vmem>> -> memref<1x128xi32, #tpu.memory_space<vmem>>
        %dma_start3A_225 = tpu.memref_squeeze %dma_start3A_224 : memref<1x128xi32, #tpu.memory_space<vmem>> -> memref<128xi32, #tpu.memory_space<vmem>>
        %dma_start3A_226 = arith.constant 0 : i32
        %dma_start3A_227 = arith.constant 0 : i32
        %dma_start3A_228 = tpu.memref_slice %arg10[%dma_start3A_226, %dma_start3A_227] : memref<10112x32xbf16, #tpu.memory_space<vmem_shared>> -> memref<10112x32xbf16, #tpu.memory_space<vmem_shared>>
        tpu.enqueue_indirect_dma source(%dma_start3A_222 : memref<128x32xbf16, #tpu.memory_space<vmem>>) target(%dma_start3A_228 : memref<10112x32xbf16, #tpu.memory_space<vmem_shared>>) offsets(%dma_start3A_225 : memref<128xi32, #tpu.memory_space<vmem>>) semaphore(%arg18 : memref<!tpu.dma_semaphore, #tpu.memory_space<semaphore_mem>>) {add = true}
      }
      %scan3A_54 = arith.constant 13 : i32
      %dma_wait3A = arith.constant 2 : i32
      %dma_wait3A_55 = arith.constant 0 : i32
      %dma_wait3A_56 = arith.constant 0 : i32
      %dma_wait3A_57 = arith.constant 0 : i32
      %dma_wait3A_58 = tpu.memref_slice %arg8[%dma_wait3A, %dma_wait3A_56, %dma_wait3A_57] : memref<4x128x32xbf16, #tpu.memory_space<vmem>> -> memref<1x128x32xbf16, #tpu.memory_space<vmem>>
      %dma_wait3A_59 = tpu.memref_squeeze %dma_wait3A_58 : memref<1x128x32xbf16, #tpu.memory_space<vmem>> -> memref<128x32xbf16, #tpu.memory_space<vmem>>
      %dma_wait3A_60 = arith.constant 0 : i32
      %dma_wait3A_61 = tpu.memref_slice %arg7[%dma_wait3A_55, %dma_wait3A_60] : memref<64x128xi32, #tpu.memory_space<vmem>> -> memref<1x128xi32, #tpu.memory_space<vmem>>
      %dma_wait3A_62 = tpu.memref_squeeze %dma_wait3A_61 : memref<1x128xi32, #tpu.memory_space<vmem>> -> memref<128xi32, #tpu.memory_space<vmem>>
      %dma_wait3A_63 = arith.constant 0 : i32
      %dma_wait3A_64 = arith.constant 0 : i32
      %dma_wait3A_65 = tpu.memref_slice %arg10[%dma_wait3A_63, %dma_wait3A_64] : memref<10112x32xbf16, #tpu.memory_space<vmem_shared>> -> memref<10112x32xbf16, #tpu.memory_space<vmem_shared>>
      tpu.wait_indirect_dma semaphore(%arg17 : memref<!tpu.dma_semaphore, #tpu.memory_space<semaphore_mem>>) src(%dma_wait3A_59 : memref<128x32xbf16, #tpu.memory_space<vmem>>) dst(%dma_wait3A_65 : memref<10112x32xbf16, #tpu.memory_space<vmem_shared>>)
      %dma_wait3A_66 = arith.constant 3 : i32
      %dma_wait3A_67 = arith.constant 0 : i32
      %dma_wait3A_68 = arith.constant 0 : i32
      %dma_wait3A_69 = arith.constant 0 : i32
      %dma_wait3A_70 = tpu.memref_slice %arg8[%dma_wait3A_66, %dma_wait3A_68, %dma_wait3A_69] : memref<4x128x32xbf16, #tpu.memory_space<vmem>> -> memref<1x128x32xbf16, #tpu.memory_space<vmem>>
      %dma_wait3A_71 = tpu.memref_squeeze %dma_wait3A_70 : memref<1x128x32xbf16, #tpu.memory_space<vmem>> -> memref<128x32xbf16, #tpu.memory_space<vmem>>
      %dma_wait3A_72 = arith.constant 0 : i32
      %dma_wait3A_73 = tpu.memref_slice %arg7[%dma_wait3A_67, %dma_wait3A_72] : memref<64x128xi32, #tpu.memory_space<vmem>> -> memref<1x128xi32, #tpu.memory_space<vmem>>
      %dma_wait3A_74 = tpu.memref_squeeze %dma_wait3A_73 : memref<1x128xi32, #tpu.memory_space<vmem>> -> memref<128xi32, #tpu.memory_space<vmem>>
      %dma_wait3A_75 = arith.constant 0 : i32
      %dma_wait3A_76 = arith.constant 0 : i32
      %dma_wait3A_77 = tpu.memref_slice %arg10[%dma_wait3A_75, %dma_wait3A_76] : memref<10112x32xbf16, #tpu.memory_space<vmem_shared>> -> memref<10112x32xbf16, #tpu.memory_space<vmem_shared>>
      tpu.wait_indirect_dma semaphore(%arg18 : memref<!tpu.dma_semaphore, #tpu.memory_space<semaphore_mem>>) src(%dma_wait3A_71 : memref<128x32xbf16, #tpu.memory_space<vmem>>) dst(%dma_wait3A_77 : memref<10112x32xbf16, #tpu.memory_space<vmem_shared>>)
    } else {
    }
    %eq3A_9 = arith.constant 1 : i32
    %eq3A_10 = arith.cmpi eq, %arg0, %eq3A_9 : i32
    %convert_element_type3A_11 = arith.extui %eq3A_10 : i1 to i32
    %cond3A_12 = arith.constant 0 : i32
    %cond3A_13 = arith.cmpi ne, %convert_element_type3A_11, %cond3A_12 : i32
    scf.if %cond3A_13 {
      %mul3A_24 = arith.constant 28 : i32
      %mul3A_25 = arith.muli %arg1, %mul3A_24 : i32
      %add3A = arith.constant 832 : i32
      %add3A_26 = arith.addi %add3A, %mul3A_25 : i32
      "tpu.region"() ({
        %run_scoped3A = tpu.sem_alloc : memref<!tpu.dma_semaphore, #tpu.memory_space<semaphore_mem>>
        %dma_start3A_79 = arith.constant 0 : i32
        %dma_start3A_80 = arith.constant 0 : i32
        %dma_start3A_81 = tpu.memref_slice %arg6[%dma_start3A_79, %dma_start3A_80] : memref<64x128xi32, #tpu.memory_space<vmem>> -> memref<28x128xi32, #tpu.memory_space<vmem>>
        %dma_start3A_82 = arith.constant 0 : i32
        %dma_start3A_83 = tpu.memref_slice %arg3[%add3A_26, %dma_start3A_82] : memref<1280x128xi32, #tpu.memory_space<hbm>> -> memref<28x128xi32, #tpu.memory_space<hbm>>
        %dma_start3A_84 = arith.constant 0 : i32
        %dma_start3A_85 = arith.constant 0 : i32
        %dma_start3A_86 = tpu.memref_slice %arg6[%dma_start3A_84, %dma_start3A_85] : memref<64x128xi32, #tpu.memory_space<vmem>> -> memref<28x128xi32, #tpu.memory_space<vmem>>
        %dma_start3A_87 = arith.constant 0 : i32
        %dma_start3A_88 = tpu.memref_slice %arg3[%add3A_26, %dma_start3A_87] : memref<1280x128xi32, #tpu.memory_space<hbm>> -> memref<28x128xi32, #tpu.memory_space<hbm>>
        tpu.enqueue_dma source(%dma_start3A_88 : memref<28x128xi32, #tpu.memory_space<hbm>>) target(%dma_start3A_86 : memref<28x128xi32, #tpu.memory_space<vmem>>) target_semaphore(%run_scoped3A : memref<!tpu.dma_semaphore, #tpu.memory_space<semaphore_mem>>)
        %dma_wait3A_89 = arith.constant 0 : i32
        %dma_wait3A_90 = arith.constant 0 : i32
        %dma_wait3A_91 = tpu.memref_slice %arg6[%dma_wait3A_89, %dma_wait3A_90] : memref<64x128xi32, #tpu.memory_space<vmem>> -> memref<28x128xi32, #tpu.memory_space<vmem>>
        %dma_wait3A_92 = arith.constant 0 : i32
        %dma_wait3A_93 = tpu.memref_slice %arg3[%add3A_26, %dma_wait3A_92] : memref<1280x128xi32, #tpu.memory_space<hbm>> -> memref<28x128xi32, #tpu.memory_space<hbm>>
        %dma_wait3A_94 = arith.constant 0 : i32
        %dma_wait3A_95 = arith.constant 0 : i32
        %dma_wait3A_96 = tpu.memref_slice %arg6[%dma_wait3A_94, %dma_wait3A_95] : memref<64x128xi32, #tpu.memory_space<vmem>> -> memref<28x128xi32, #tpu.memory_space<vmem>>
        %dma_wait3A_97 = arith.constant 0 : i32
        %dma_wait3A_98 = tpu.memref_slice %arg3[%add3A_26, %dma_wait3A_97] : memref<1280x128xi32, #tpu.memory_space<hbm>> -> memref<28x128xi32, #tpu.memory_space<hbm>>
        tpu.wait_dma2 semaphore(%run_scoped3A : memref<!tpu.dma_semaphore, #tpu.memory_space<semaphore_mem>>) src(%dma_wait3A_98 : memref<28x128xi32, #tpu.memory_space<hbm>>) dst(%dma_wait3A_96 : memref<28x128xi32, #tpu.memory_space<vmem>>)
        tpu.yield
      }) : () -> ()
      "tpu.region"() ({
        %run_scoped3A = tpu.sem_alloc : memref<!tpu.dma_semaphore, #tpu.memory_space<semaphore_mem>>
        %dma_start3A_79 = arith.constant 0 : i32
        %dma_start3A_80 = arith.constant 0 : i32
        %dma_start3A_81 = tpu.memref_slice %arg7[%dma_start3A_79, %dma_start3A_80] : memref<64x128xi32, #tpu.memory_space<vmem>> -> memref<28x128xi32, #tpu.memory_space<vmem>>
        %dma_start3A_82 = arith.constant 0 : i32
        %dma_start3A_83 = tpu.memref_slice %arg4[%add3A_26, %dma_start3A_82] : memref<1280x128xi32, #tpu.memory_space<hbm>> -> memref<28x128xi32, #tpu.memory_space<hbm>>
        %dma_start3A_84 = arith.constant 0 : i32
        %dma_start3A_85 = arith.constant 0 : i32
        %dma_start3A_86 = tpu.memref_slice %arg7[%dma_start3A_84, %dma_start3A_85] : memref<64x128xi32, #tpu.memory_space<vmem>> -> memref<28x128xi32, #tpu.memory_space<vmem>>
        %dma_start3A_87 = arith.constant 0 : i32
        %dma_start3A_88 = tpu.memref_slice %arg4[%add3A_26, %dma_start3A_87] : memref<1280x128xi32, #tpu.memory_space<hbm>> -> memref<28x128xi32, #tpu.memory_space<hbm>>
        tpu.enqueue_dma source(%dma_start3A_88 : memref<28x128xi32, #tpu.memory_space<hbm>>) target(%dma_start3A_86 : memref<28x128xi32, #tpu.memory_space<vmem>>) target_semaphore(%run_scoped3A : memref<!tpu.dma_semaphore, #tpu.memory_space<semaphore_mem>>)
        %dma_wait3A_89 = arith.constant 0 : i32
        %dma_wait3A_90 = arith.constant 0 : i32
        %dma_wait3A_91 = tpu.memref_slice %arg7[%dma_wait3A_89, %dma_wait3A_90] : memref<64x128xi32, #tpu.memory_space<vmem>> -> memref<28x128xi32, #tpu.memory_space<vmem>>
        %dma_wait3A_92 = arith.constant 0 : i32
        %dma_wait3A_93 = tpu.memref_slice %arg4[%add3A_26, %dma_wait3A_92] : memref<1280x128xi32, #tpu.memory_space<hbm>> -> memref<28x128xi32, #tpu.memory_space<hbm>>
        %dma_wait3A_94 = arith.constant 0 : i32
        %dma_wait3A_95 = arith.constant 0 : i32
        %dma_wait3A_96 = tpu.memref_slice %arg7[%dma_wait3A_94, %dma_wait3A_95] : memref<64x128xi32, #tpu.memory_space<vmem>> -> memref<28x128xi32, #tpu.memory_space<vmem>>
        %dma_wait3A_97 = arith.constant 0 : i32
        %dma_wait3A_98 = tpu.memref_slice %arg4[%add3A_26, %dma_wait3A_97] : memref<1280x128xi32, #tpu.memory_space<hbm>> -> memref<28x128xi32, #tpu.memory_space<hbm>>
        tpu.wait_dma2 semaphore(%run_scoped3A : memref<!tpu.dma_semaphore, #tpu.memory_space<semaphore_mem>>) src(%dma_wait3A_98 : memref<28x128xi32, #tpu.memory_space<hbm>>) dst(%dma_wait3A_96 : memref<28x128xi32, #tpu.memory_space<vmem>>)
        tpu.yield
      }) : () -> ()
      %dma_start3A = arith.constant 0 : i32
      %dma_start3A_27 = arith.constant 0 : i32
      %dma_start3A_28 = arith.constant 0 : i32
      %dma_start3A_29 = arith.constant 0 : i32
      %dma_start3A_30 = tpu.memref_slice %arg8[%dma_start3A_27, %dma_start3A_28, %dma_start3A_29] : memref<4x128x32xbf16, #tpu.memory_space<vmem>> -> memref<1x128x32xbf16, #tpu.memory_space<vmem>>
      %dma_start3A_31 = tpu.memref_squeeze %dma_start3A_30 : memref<1x128x32xbf16, #tpu.memory_space<vmem>> -> memref<128x32xbf16, #tpu.memory_space<vmem>>
      %dma_start3A_32 = arith.constant 0 : i32
      %dma_start3A_33 = tpu.memref_slice %arg6[%dma_start3A, %dma_start3A_32] : memref<64x128xi32, #tpu.memory_space<vmem>> -> memref<1x128xi32, #tpu.memory_space<vmem>>
      %dma_start3A_34 = tpu.memref_squeeze %dma_start3A_33 : memref<1x128xi32, #tpu.memory_space<vmem>> -> memref<128xi32, #tpu.memory_space<vmem>>
      %dma_start3A_35 = arith.constant 0 : i32
      %dma_start3A_36 = arith.constant 0 : i32
      %dma_start3A_37 = tpu.memref_slice %arg2[%dma_start3A_35, %dma_start3A_36] : memref<10000x32xbf16, #tpu.memory_space<hbm>> -> memref<10000x32xbf16, #tpu.memory_space<hbm>>
      tpu.enqueue_indirect_dma source(%dma_start3A_37 : memref<10000x32xbf16, #tpu.memory_space<hbm>>) target(%dma_start3A_31 : memref<128x32xbf16, #tpu.memory_space<vmem>>) offsets(%dma_start3A_34 : memref<128xi32, #tpu.memory_space<vmem>>) semaphore(%arg11 : memref<!tpu.dma_semaphore, #tpu.memory_space<semaphore_mem>>)
      %dma_start3A_38 = arith.constant 1 : i32
      %dma_start3A_39 = arith.constant 1 : i32
      %dma_start3A_40 = arith.constant 0 : i32
      %dma_start3A_41 = arith.constant 0 : i32
      %dma_start3A_42 = tpu.memref_slice %arg8[%dma_start3A_39, %dma_start3A_40, %dma_start3A_41] : memref<4x128x32xbf16, #tpu.memory_space<vmem>> -> memref<1x128x32xbf16, #tpu.memory_space<vmem>>
      %dma_start3A_43 = tpu.memref_squeeze %dma_start3A_42 : memref<1x128x32xbf16, #tpu.memory_space<vmem>> -> memref<128x32xbf16, #tpu.memory_space<vmem>>
      %dma_start3A_44 = arith.constant 0 : i32
      %dma_start3A_45 = tpu.memref_slice %arg6[%dma_start3A_38, %dma_start3A_44] : memref<64x128xi32, #tpu.memory_space<vmem>> -> memref<1x128xi32, #tpu.memory_space<vmem>>
      %dma_start3A_46 = tpu.memref_squeeze %dma_start3A_45 : memref<1x128xi32, #tpu.memory_space<vmem>> -> memref<128xi32, #tpu.memory_space<vmem>>
      %dma_start3A_47 = arith.constant 0 : i32
      %dma_start3A_48 = arith.constant 0 : i32
      %dma_start3A_49 = tpu.memref_slice %arg2[%dma_start3A_47, %dma_start3A_48] : memref<10000x32xbf16, #tpu.memory_space<hbm>> -> memref<10000x32xbf16, #tpu.memory_space<hbm>>
      tpu.enqueue_indirect_dma source(%dma_start3A_49 : memref<10000x32xbf16, #tpu.memory_space<hbm>>) target(%dma_start3A_43 : memref<128x32xbf16, #tpu.memory_space<vmem>>) offsets(%dma_start3A_46 : memref<128xi32, #tpu.memory_space<vmem>>) semaphore(%arg12 : memref<!tpu.dma_semaphore, #tpu.memory_space<semaphore_mem>>)
      %scan3A_50 = arith.constant 0 : i32
      %scan3A_51 = arith.constant 0 : i32
      %scan3A_52 = arith.constant 7 : i32
      %scan3A_53 = arith.addi %scan3A_51, %scan3A_52 : i32
      %scan3A_54 = arith.constant 1 : i32
      scf.for %scan3A_79 = %scan3A_51 to %scan3A_53 step %scan3A_54  : i32 {
        %mul3A_80 = arith.constant 4 : i32
        %mul3A_81 = arith.muli %scan3A_79, %mul3A_80 : i32
        %add3A_82 = arith.constant 0 : i32
        %add3A_83 = arith.addi %mul3A_81, %add3A_82 : i32
        %ge3A = arith.constant 2 : i32
        %ge3A_84 = arith.cmpi sge, %add3A_83, %ge3A : i32
        %convert_element_type3A_85 = arith.extui %ge3A_84 : i1 to i32
        %cond3A_86 = arith.constant 0 : i32
        %cond3A_87 = arith.cmpi ne, %convert_element_type3A_85, %cond3A_86 : i32
        scf.if %cond3A_87 {
          %dma_wait3A_231 = arith.constant 2 : i32
          %dma_wait3A_232 = arith.constant 0 : i32
          %dma_wait3A_233 = arith.constant 0 : i32
          %dma_wait3A_234 = arith.constant 0 : i32
          %dma_wait3A_235 = tpu.memref_slice %arg8[%dma_wait3A_231, %dma_wait3A_233, %dma_wait3A_234] : memref<4x128x32xbf16, #tpu.memory_space<vmem>> -> memref<1x128x32xbf16, #tpu.memory_space<vmem>>
          %dma_wait3A_236 = tpu.memref_squeeze %dma_wait3A_235 : memref<1x128x32xbf16, #tpu.memory_space<vmem>> -> memref<128x32xbf16, #tpu.memory_space<vmem>>
          %dma_wait3A_237 = arith.constant 0 : i32
          %dma_wait3A_238 = tpu.memref_slice %arg7[%dma_wait3A_232, %dma_wait3A_237] : memref<64x128xi32, #tpu.memory_space<vmem>> -> memref<1x128xi32, #tpu.memory_space<vmem>>
          %dma_wait3A_239 = tpu.memref_squeeze %dma_wait3A_238 : memref<1x128xi32, #tpu.memory_space<vmem>> -> memref<128xi32, #tpu.memory_space<vmem>>
          %dma_wait3A_240 = arith.constant 0 : i32
          %dma_wait3A_241 = arith.constant 0 : i32
          %dma_wait3A_242 = tpu.memref_slice %arg10[%dma_wait3A_240, %dma_wait3A_241] : memref<10112x32xbf16, #tpu.memory_space<vmem_shared>> -> memref<10112x32xbf16, #tpu.memory_space<vmem_shared>>
          tpu.wait_indirect_dma semaphore(%arg17 : memref<!tpu.dma_semaphore, #tpu.memory_space<semaphore_mem>>) src(%dma_wait3A_236 : memref<128x32xbf16, #tpu.memory_space<vmem>>) dst(%dma_wait3A_242 : memref<10112x32xbf16, #tpu.memory_space<vmem_shared>>)
        } else {
        }
        %add3A_88 = arith.constant 2 : i32
        %add3A_89 = arith.addi %add3A_83, %add3A_88 : i32
        %lt3A_90 = arith.constant 28 : i32
        %lt3A_91 = arith.cmpi slt, %add3A_89, %lt3A_90 : i32
        %convert_element_type3A_92 = arith.extui %lt3A_91 : i1 to i32
        %cond3A_93 = arith.constant 0 : i32
        %cond3A_94 = arith.cmpi ne, %convert_element_type3A_92, %cond3A_93 : i32
        scf.if %cond3A_94 {
          %add3A_231 = arith.constant 2 : i32
          %add3A_232 = arith.addi %add3A_83, %add3A_231 : i32
          %dma_start3A_233 = arith.constant 2 : i32
          %dma_start3A_234 = arith.constant 0 : i32
          %dma_start3A_235 = arith.constant 0 : i32
          %dma_start3A_236 = tpu.memref_slice %arg8[%dma_start3A_233, %dma_start3A_234, %dma_start3A_235] : memref<4x128x32xbf16, #tpu.memory_space<vmem>> -> memref<1x128x32xbf16, #tpu.memory_space<vmem>>
          %dma_start3A_237 = tpu.memref_squeeze %dma_start3A_236 : memref<1x128x32xbf16, #tpu.memory_space<vmem>> -> memref<128x32xbf16, #tpu.memory_space<vmem>>
          %dma_start3A_238 = arith.constant 0 : i32
          %dma_start3A_239 = tpu.memref_slice %arg6[%add3A_232, %dma_start3A_238] : memref<64x128xi32, #tpu.memory_space<vmem>> -> memref<1x128xi32, #tpu.memory_space<vmem>>
          %dma_start3A_240 = tpu.memref_squeeze %dma_start3A_239 : memref<1x128xi32, #tpu.memory_space<vmem>> -> memref<128xi32, #tpu.memory_space<vmem>>
          %dma_start3A_241 = arith.constant 0 : i32
          %dma_start3A_242 = arith.constant 0 : i32
          %dma_start3A_243 = tpu.memref_slice %arg2[%dma_start3A_241, %dma_start3A_242] : memref<10000x32xbf16, #tpu.memory_space<hbm>> -> memref<10000x32xbf16, #tpu.memory_space<hbm>>
          tpu.enqueue_indirect_dma source(%dma_start3A_243 : memref<10000x32xbf16, #tpu.memory_space<hbm>>) target(%dma_start3A_237 : memref<128x32xbf16, #tpu.memory_space<vmem>>) offsets(%dma_start3A_240 : memref<128xi32, #tpu.memory_space<vmem>>) semaphore(%arg13 : memref<!tpu.dma_semaphore, #tpu.memory_space<semaphore_mem>>)
        } else {
        }
        %dma_wait3A_95 = arith.constant 0 : i32
        %dma_wait3A_96 = arith.constant 0 : i32
        %dma_wait3A_97 = arith.constant 0 : i32
        %dma_wait3A_98 = tpu.memref_slice %arg8[%dma_wait3A_95, %dma_wait3A_96, %dma_wait3A_97] : memref<4x128x32xbf16, #tpu.memory_space<vmem>> -> memref<1x128x32xbf16, #tpu.memory_space<vmem>>
        %dma_wait3A_99 = tpu.memref_squeeze %dma_wait3A_98 : memref<1x128x32xbf16, #tpu.memory_space<vmem>> -> memref<128x32xbf16, #tpu.memory_space<vmem>>
        %dma_wait3A_100 = arith.constant 0 : i32
        %dma_wait3A_101 = tpu.memref_slice %arg6[%add3A_83, %dma_wait3A_100] : memref<64x128xi32, #tpu.memory_space<vmem>> -> memref<1x128xi32, #tpu.memory_space<vmem>>
        %dma_wait3A_102 = tpu.memref_squeeze %dma_wait3A_101 : memref<1x128xi32, #tpu.memory_space<vmem>> -> memref<128xi32, #tpu.memory_space<vmem>>
        %dma_wait3A_103 = arith.constant 0 : i32
        %dma_wait3A_104 = arith.constant 0 : i32
        %dma_wait3A_105 = tpu.memref_slice %arg2[%dma_wait3A_103, %dma_wait3A_104] : memref<10000x32xbf16, #tpu.memory_space<hbm>> -> memref<10000x32xbf16, #tpu.memory_space<hbm>>
        tpu.wait_indirect_dma semaphore(%arg11 : memref<!tpu.dma_semaphore, #tpu.memory_space<semaphore_mem>>) src(%dma_wait3A_105 : memref<10000x32xbf16, #tpu.memory_space<hbm>>) dst(%dma_wait3A_99 : memref<128x32xbf16, #tpu.memory_space<vmem>>)
        %dma_start3A_106 = arith.constant 0 : i32
        %dma_start3A_107 = arith.constant 0 : i32
        %dma_start3A_108 = arith.constant 0 : i32
        %dma_start3A_109 = tpu.memref_slice %arg8[%dma_start3A_106, %dma_start3A_107, %dma_start3A_108] : memref<4x128x32xbf16, #tpu.memory_space<vmem>> -> memref<1x128x32xbf16, #tpu.memory_space<vmem>>
        %dma_start3A_110 = tpu.memref_squeeze %dma_start3A_109 : memref<1x128x32xbf16, #tpu.memory_space<vmem>> -> memref<128x32xbf16, #tpu.memory_space<vmem>>
        %dma_start3A_111 = arith.constant 0 : i32
        %dma_start3A_112 = tpu.memref_slice %arg7[%add3A_83, %dma_start3A_111] : memref<64x128xi32, #tpu.memory_space<vmem>> -> memref<1x128xi32, #tpu.memory_space<vmem>>
        %dma_start3A_113 = tpu.memref_squeeze %dma_start3A_112 : memref<1x128xi32, #tpu.memory_space<vmem>> -> memref<128xi32, #tpu.memory_space<vmem>>
        %dma_start3A_114 = arith.constant 0 : i32
        %dma_start3A_115 = arith.constant 0 : i32
        %dma_start3A_116 = tpu.memref_slice %arg10[%dma_start3A_114, %dma_start3A_115] : memref<10112x32xbf16, #tpu.memory_space<vmem_shared>> -> memref<10112x32xbf16, #tpu.memory_space<vmem_shared>>
        tpu.enqueue_indirect_dma source(%dma_start3A_110 : memref<128x32xbf16, #tpu.memory_space<vmem>>) target(%dma_start3A_116 : memref<10112x32xbf16, #tpu.memory_space<vmem_shared>>) offsets(%dma_start3A_113 : memref<128xi32, #tpu.memory_space<vmem>>) semaphore(%arg15 : memref<!tpu.dma_semaphore, #tpu.memory_space<semaphore_mem>>) {add = true}
        %mul3A_117 = arith.constant 4 : i32
        %mul3A_118 = arith.muli %scan3A_79, %mul3A_117 : i32
        %add3A_119 = arith.constant 1 : i32
        %add3A_120 = arith.addi %mul3A_118, %add3A_119 : i32
        %ge3A_121 = arith.constant 2 : i32
        %ge3A_122 = arith.cmpi sge, %add3A_120, %ge3A_121 : i32
        %convert_element_type3A_123 = arith.extui %ge3A_122 : i1 to i32
        %cond3A_124 = arith.constant 0 : i32
        %cond3A_125 = arith.cmpi ne, %convert_element_type3A_123, %cond3A_124 : i32
        scf.if %cond3A_125 {
          %dma_wait3A_231 = arith.constant 3 : i32
          %dma_wait3A_232 = arith.constant 0 : i32
          %dma_wait3A_233 = arith.constant 0 : i32
          %dma_wait3A_234 = arith.constant 0 : i32
          %dma_wait3A_235 = tpu.memref_slice %arg8[%dma_wait3A_231, %dma_wait3A_233, %dma_wait3A_234] : memref<4x128x32xbf16, #tpu.memory_space<vmem>> -> memref<1x128x32xbf16, #tpu.memory_space<vmem>>
          %dma_wait3A_236 = tpu.memref_squeeze %dma_wait3A_235 : memref<1x128x32xbf16, #tpu.memory_space<vmem>> -> memref<128x32xbf16, #tpu.memory_space<vmem>>
          %dma_wait3A_237 = arith.constant 0 : i32
          %dma_wait3A_238 = tpu.memref_slice %arg7[%dma_wait3A_232, %dma_wait3A_237] : memref<64x128xi32, #tpu.memory_space<vmem>> -> memref<1x128xi32, #tpu.memory_space<vmem>>
          %dma_wait3A_239 = tpu.memref_squeeze %dma_wait3A_238 : memref<1x128xi32, #tpu.memory_space<vmem>> -> memref<128xi32, #tpu.memory_space<vmem>>
          %dma_wait3A_240 = arith.constant 0 : i32
          %dma_wait3A_241 = arith.constant 0 : i32
          %dma_wait3A_242 = tpu.memref_slice %arg10[%dma_wait3A_240, %dma_wait3A_241] : memref<10112x32xbf16, #tpu.memory_space<vmem_shared>> -> memref<10112x32xbf16, #tpu.memory_space<vmem_shared>>
          tpu.wait_indirect_dma semaphore(%arg18 : memref<!tpu.dma_semaphore, #tpu.memory_space<semaphore_mem>>) src(%dma_wait3A_236 : memref<128x32xbf16, #tpu.memory_space<vmem>>) dst(%dma_wait3A_242 : memref<10112x32xbf16, #tpu.memory_space<vmem_shared>>)
        } else {
        }
        %add3A_126 = arith.constant 2 : i32
        %add3A_127 = arith.addi %add3A_120, %add3A_126 : i32
        %lt3A_128 = arith.constant 28 : i32
        %lt3A_129 = arith.cmpi slt, %add3A_127, %lt3A_128 : i32
        %convert_element_type3A_130 = arith.extui %lt3A_129 : i1 to i32
        %cond3A_131 = arith.constant 0 : i32
        %cond3A_132 = arith.cmpi ne, %convert_element_type3A_130, %cond3A_131 : i32
        scf.if %cond3A_132 {
          %add3A_231 = arith.constant 2 : i32
          %add3A_232 = arith.addi %add3A_120, %add3A_231 : i32
          %dma_start3A_233 = arith.constant 3 : i32
          %dma_start3A_234 = arith.constant 0 : i32
          %dma_start3A_235 = arith.constant 0 : i32
          %dma_start3A_236 = tpu.memref_slice %arg8[%dma_start3A_233, %dma_start3A_234, %dma_start3A_235] : memref<4x128x32xbf16, #tpu.memory_space<vmem>> -> memref<1x128x32xbf16, #tpu.memory_space<vmem>>
          %dma_start3A_237 = tpu.memref_squeeze %dma_start3A_236 : memref<1x128x32xbf16, #tpu.memory_space<vmem>> -> memref<128x32xbf16, #tpu.memory_space<vmem>>
          %dma_start3A_238 = arith.constant 0 : i32
          %dma_start3A_239 = tpu.memref_slice %arg6[%add3A_232, %dma_start3A_238] : memref<64x128xi32, #tpu.memory_space<vmem>> -> memref<1x128xi32, #tpu.memory_space<vmem>>
          %dma_start3A_240 = tpu.memref_squeeze %dma_start3A_239 : memref<1x128xi32, #tpu.memory_space<vmem>> -> memref<128xi32, #tpu.memory_space<vmem>>
          %dma_start3A_241 = arith.constant 0 : i32
          %dma_start3A_242 = arith.constant 0 : i32
          %dma_start3A_243 = tpu.memref_slice %arg2[%dma_start3A_241, %dma_start3A_242] : memref<10000x32xbf16, #tpu.memory_space<hbm>> -> memref<10000x32xbf16, #tpu.memory_space<hbm>>
          tpu.enqueue_indirect_dma source(%dma_start3A_243 : memref<10000x32xbf16, #tpu.memory_space<hbm>>) target(%dma_start3A_237 : memref<128x32xbf16, #tpu.memory_space<vmem>>) offsets(%dma_start3A_240 : memref<128xi32, #tpu.memory_space<vmem>>) semaphore(%arg14 : memref<!tpu.dma_semaphore, #tpu.memory_space<semaphore_mem>>)
        } else {
        }
        %dma_wait3A_133 = arith.constant 1 : i32
        %dma_wait3A_134 = arith.constant 0 : i32
        %dma_wait3A_135 = arith.constant 0 : i32
        %dma_wait3A_136 = tpu.memref_slice %arg8[%dma_wait3A_133, %dma_wait3A_134, %dma_wait3A_135] : memref<4x128x32xbf16, #tpu.memory_space<vmem>> -> memref<1x128x32xbf16, #tpu.memory_space<vmem>>
        %dma_wait3A_137 = tpu.memref_squeeze %dma_wait3A_136 : memref<1x128x32xbf16, #tpu.memory_space<vmem>> -> memref<128x32xbf16, #tpu.memory_space<vmem>>
        %dma_wait3A_138 = arith.constant 0 : i32
        %dma_wait3A_139 = tpu.memref_slice %arg6[%add3A_120, %dma_wait3A_138] : memref<64x128xi32, #tpu.memory_space<vmem>> -> memref<1x128xi32, #tpu.memory_space<vmem>>
        %dma_wait3A_140 = tpu.memref_squeeze %dma_wait3A_139 : memref<1x128xi32, #tpu.memory_space<vmem>> -> memref<128xi32, #tpu.memory_space<vmem>>
        %dma_wait3A_141 = arith.constant 0 : i32
        %dma_wait3A_142 = arith.constant 0 : i32
        %dma_wait3A_143 = tpu.memref_slice %arg2[%dma_wait3A_141, %dma_wait3A_142] : memref<10000x32xbf16, #tpu.memory_space<hbm>> -> memref<10000x32xbf16, #tpu.memory_space<hbm>>
        tpu.wait_indirect_dma semaphore(%arg12 : memref<!tpu.dma_semaphore, #tpu.memory_space<semaphore_mem>>) src(%dma_wait3A_143 : memref<10000x32xbf16, #tpu.memory_space<hbm>>) dst(%dma_wait3A_137 : memref<128x32xbf16, #tpu.memory_space<vmem>>)
        %dma_start3A_144 = arith.constant 1 : i32
        %dma_start3A_145 = arith.constant 0 : i32
        %dma_start3A_146 = arith.constant 0 : i32
        %dma_start3A_147 = tpu.memref_slice %arg8[%dma_start3A_144, %dma_start3A_145, %dma_start3A_146] : memref<4x128x32xbf16, #tpu.memory_space<vmem>> -> memref<1x128x32xbf16, #tpu.memory_space<vmem>>
        %dma_start3A_148 = tpu.memref_squeeze %dma_start3A_147 : memref<1x128x32xbf16, #tpu.memory_space<vmem>> -> memref<128x32xbf16, #tpu.memory_space<vmem>>
        %dma_start3A_149 = arith.constant 0 : i32
        %dma_start3A_150 = tpu.memref_slice %arg7[%add3A_120, %dma_start3A_149] : memref<64x128xi32, #tpu.memory_space<vmem>> -> memref<1x128xi32, #tpu.memory_space<vmem>>
        %dma_start3A_151 = tpu.memref_squeeze %dma_start3A_150 : memref<1x128xi32, #tpu.memory_space<vmem>> -> memref<128xi32, #tpu.memory_space<vmem>>
        %dma_start3A_152 = arith.constant 0 : i32
        %dma_start3A_153 = arith.constant 0 : i32
        %dma_start3A_154 = tpu.memref_slice %arg10[%dma_start3A_152, %dma_start3A_153] : memref<10112x32xbf16, #tpu.memory_space<vmem_shared>> -> memref<10112x32xbf16, #tpu.memory_space<vmem_shared>>
        tpu.enqueue_indirect_dma source(%dma_start3A_148 : memref<128x32xbf16, #tpu.memory_space<vmem>>) target(%dma_start3A_154 : memref<10112x32xbf16, #tpu.memory_space<vmem_shared>>) offsets(%dma_start3A_151 : memref<128xi32, #tpu.memory_space<vmem>>) semaphore(%arg16 : memref<!tpu.dma_semaphore, #tpu.memory_space<semaphore_mem>>) {add = true}
        %mul3A_155 = arith.constant 4 : i32
        %mul3A_156 = arith.muli %scan3A_79, %mul3A_155 : i32
        %add3A_157 = arith.constant 2 : i32
        %add3A_158 = arith.addi %mul3A_156, %add3A_157 : i32
        %ge3A_159 = arith.constant 2 : i32
        %ge3A_160 = arith.cmpi sge, %add3A_158, %ge3A_159 : i32
        %convert_element_type3A_161 = arith.extui %ge3A_160 : i1 to i32
        %cond3A_162 = arith.constant 0 : i32
        %cond3A_163 = arith.cmpi ne, %convert_element_type3A_161, %cond3A_162 : i32
        scf.if %cond3A_163 {
          %dma_wait3A_231 = arith.constant 0 : i32
          %dma_wait3A_232 = arith.constant 0 : i32
          %dma_wait3A_233 = arith.constant 0 : i32
          %dma_wait3A_234 = arith.constant 0 : i32
          %dma_wait3A_235 = tpu.memref_slice %arg8[%dma_wait3A_231, %dma_wait3A_233, %dma_wait3A_234] : memref<4x128x32xbf16, #tpu.memory_space<vmem>> -> memref<1x128x32xbf16, #tpu.memory_space<vmem>>
          %dma_wait3A_236 = tpu.memref_squeeze %dma_wait3A_235 : memref<1x128x32xbf16, #tpu.memory_space<vmem>> -> memref<128x32xbf16, #tpu.memory_space<vmem>>
          %dma_wait3A_237 = arith.constant 0 : i32
          %dma_wait3A_238 = tpu.memref_slice %arg7[%dma_wait3A_232, %dma_wait3A_237] : memref<64x128xi32, #tpu.memory_space<vmem>> -> memref<1x128xi32, #tpu.memory_space<vmem>>
          %dma_wait3A_239 = tpu.memref_squeeze %dma_wait3A_238 : memref<1x128xi32, #tpu.memory_space<vmem>> -> memref<128xi32, #tpu.memory_space<vmem>>
          %dma_wait3A_240 = arith.constant 0 : i32
          %dma_wait3A_241 = arith.constant 0 : i32
          %dma_wait3A_242 = tpu.memref_slice %arg10[%dma_wait3A_240, %dma_wait3A_241] : memref<10112x32xbf16, #tpu.memory_space<vmem_shared>> -> memref<10112x32xbf16, #tpu.memory_space<vmem_shared>>
          tpu.wait_indirect_dma semaphore(%arg15 : memref<!tpu.dma_semaphore, #tpu.memory_space<semaphore_mem>>) src(%dma_wait3A_236 : memref<128x32xbf16, #tpu.memory_space<vmem>>) dst(%dma_wait3A_242 : memref<10112x32xbf16, #tpu.memory_space<vmem_shared>>)
        } else {
        }
        %add3A_164 = arith.constant 2 : i32
        %add3A_165 = arith.addi %add3A_158, %add3A_164 : i32
        %lt3A_166 = arith.constant 28 : i32
        %lt3A_167 = arith.cmpi slt, %add3A_165, %lt3A_166 : i32
        %convert_element_type3A_168 = arith.extui %lt3A_167 : i1 to i32
        %cond3A_169 = arith.constant 0 : i32
        %cond3A_170 = arith.cmpi ne, %convert_element_type3A_168, %cond3A_169 : i32
        scf.if %cond3A_170 {
          %add3A_231 = arith.constant 2 : i32
          %add3A_232 = arith.addi %add3A_158, %add3A_231 : i32
          %dma_start3A_233 = arith.constant 0 : i32
          %dma_start3A_234 = arith.constant 0 : i32
          %dma_start3A_235 = arith.constant 0 : i32
          %dma_start3A_236 = tpu.memref_slice %arg8[%dma_start3A_233, %dma_start3A_234, %dma_start3A_235] : memref<4x128x32xbf16, #tpu.memory_space<vmem>> -> memref<1x128x32xbf16, #tpu.memory_space<vmem>>
          %dma_start3A_237 = tpu.memref_squeeze %dma_start3A_236 : memref<1x128x32xbf16, #tpu.memory_space<vmem>> -> memref<128x32xbf16, #tpu.memory_space<vmem>>
          %dma_start3A_238 = arith.constant 0 : i32
          %dma_start3A_239 = tpu.memref_slice %arg6[%add3A_232, %dma_start3A_238] : memref<64x128xi32, #tpu.memory_space<vmem>> -> memref<1x128xi32, #tpu.memory_space<vmem>>
          %dma_start3A_240 = tpu.memref_squeeze %dma_start3A_239 : memref<1x128xi32, #tpu.memory_space<vmem>> -> memref<128xi32, #tpu.memory_space<vmem>>
          %dma_start3A_241 = arith.constant 0 : i32
          %dma_start3A_242 = arith.constant 0 : i32
          %dma_start3A_243 = tpu.memref_slice %arg2[%dma_start3A_241, %dma_start3A_242] : memref<10000x32xbf16, #tpu.memory_space<hbm>> -> memref<10000x32xbf16, #tpu.memory_space<hbm>>
          tpu.enqueue_indirect_dma source(%dma_start3A_243 : memref<10000x32xbf16, #tpu.memory_space<hbm>>) target(%dma_start3A_237 : memref<128x32xbf16, #tpu.memory_space<vmem>>) offsets(%dma_start3A_240 : memref<128xi32, #tpu.memory_space<vmem>>) semaphore(%arg11 : memref<!tpu.dma_semaphore, #tpu.memory_space<semaphore_mem>>)
        } else {
        }
        %dma_wait3A_171 = arith.constant 2 : i32
        %dma_wait3A_172 = arith.constant 0 : i32
        %dma_wait3A_173 = arith.constant 0 : i32
        %dma_wait3A_174 = tpu.memref_slice %arg8[%dma_wait3A_171, %dma_wait3A_172, %dma_wait3A_173] : memref<4x128x32xbf16, #tpu.memory_space<vmem>> -> memref<1x128x32xbf16, #tpu.memory_space<vmem>>
        %dma_wait3A_175 = tpu.memref_squeeze %dma_wait3A_174 : memref<1x128x32xbf16, #tpu.memory_space<vmem>> -> memref<128x32xbf16, #tpu.memory_space<vmem>>
        %dma_wait3A_176 = arith.constant 0 : i32
        %dma_wait3A_177 = tpu.memref_slice %arg6[%add3A_158, %dma_wait3A_176] : memref<64x128xi32, #tpu.memory_space<vmem>> -> memref<1x128xi32, #tpu.memory_space<vmem>>
        %dma_wait3A_178 = tpu.memref_squeeze %dma_wait3A_177 : memref<1x128xi32, #tpu.memory_space<vmem>> -> memref<128xi32, #tpu.memory_space<vmem>>
        %dma_wait3A_179 = arith.constant 0 : i32
        %dma_wait3A_180 = arith.constant 0 : i32
        %dma_wait3A_181 = tpu.memref_slice %arg2[%dma_wait3A_179, %dma_wait3A_180] : memref<10000x32xbf16, #tpu.memory_space<hbm>> -> memref<10000x32xbf16, #tpu.memory_space<hbm>>
        tpu.wait_indirect_dma semaphore(%arg13 : memref<!tpu.dma_semaphore, #tpu.memory_space<semaphore_mem>>) src(%dma_wait3A_181 : memref<10000x32xbf16, #tpu.memory_space<hbm>>) dst(%dma_wait3A_175 : memref<128x32xbf16, #tpu.memory_space<vmem>>)
        %dma_start3A_182 = arith.constant 2 : i32
        %dma_start3A_183 = arith.constant 0 : i32
        %dma_start3A_184 = arith.constant 0 : i32
        %dma_start3A_185 = tpu.memref_slice %arg8[%dma_start3A_182, %dma_start3A_183, %dma_start3A_184] : memref<4x128x32xbf16, #tpu.memory_space<vmem>> -> memref<1x128x32xbf16, #tpu.memory_space<vmem>>
        %dma_start3A_186 = tpu.memref_squeeze %dma_start3A_185 : memref<1x128x32xbf16, #tpu.memory_space<vmem>> -> memref<128x32xbf16, #tpu.memory_space<vmem>>
        %dma_start3A_187 = arith.constant 0 : i32
        %dma_start3A_188 = tpu.memref_slice %arg7[%add3A_158, %dma_start3A_187] : memref<64x128xi32, #tpu.memory_space<vmem>> -> memref<1x128xi32, #tpu.memory_space<vmem>>
        %dma_start3A_189 = tpu.memref_squeeze %dma_start3A_188 : memref<1x128xi32, #tpu.memory_space<vmem>> -> memref<128xi32, #tpu.memory_space<vmem>>
        %dma_start3A_190 = arith.constant 0 : i32
        %dma_start3A_191 = arith.constant 0 : i32
        %dma_start3A_192 = tpu.memref_slice %arg10[%dma_start3A_190, %dma_start3A_191] : memref<10112x32xbf16, #tpu.memory_space<vmem_shared>> -> memref<10112x32xbf16, #tpu.memory_space<vmem_shared>>
        tpu.enqueue_indirect_dma source(%dma_start3A_186 : memref<128x32xbf16, #tpu.memory_space<vmem>>) target(%dma_start3A_192 : memref<10112x32xbf16, #tpu.memory_space<vmem_shared>>) offsets(%dma_start3A_189 : memref<128xi32, #tpu.memory_space<vmem>>) semaphore(%arg17 : memref<!tpu.dma_semaphore, #tpu.memory_space<semaphore_mem>>) {add = true}
        %mul3A_193 = arith.constant 4 : i32
        %mul3A_194 = arith.muli %scan3A_79, %mul3A_193 : i32
        %add3A_195 = arith.constant 3 : i32
        %add3A_196 = arith.addi %mul3A_194, %add3A_195 : i32
        %ge3A_197 = arith.constant 2 : i32
        %ge3A_198 = arith.cmpi sge, %add3A_196, %ge3A_197 : i32
        %convert_element_type3A_199 = arith.extui %ge3A_198 : i1 to i32
        %cond3A_200 = arith.constant 0 : i32
        %cond3A_201 = arith.cmpi ne, %convert_element_type3A_199, %cond3A_200 : i32
        scf.if %cond3A_201 {
          %dma_wait3A_231 = arith.constant 1 : i32
          %dma_wait3A_232 = arith.constant 0 : i32
          %dma_wait3A_233 = arith.constant 0 : i32
          %dma_wait3A_234 = arith.constant 0 : i32
          %dma_wait3A_235 = tpu.memref_slice %arg8[%dma_wait3A_231, %dma_wait3A_233, %dma_wait3A_234] : memref<4x128x32xbf16, #tpu.memory_space<vmem>> -> memref<1x128x32xbf16, #tpu.memory_space<vmem>>
          %dma_wait3A_236 = tpu.memref_squeeze %dma_wait3A_235 : memref<1x128x32xbf16, #tpu.memory_space<vmem>> -> memref<128x32xbf16, #tpu.memory_space<vmem>>
          %dma_wait3A_237 = arith.constant 0 : i32
          %dma_wait3A_238 = tpu.memref_slice %arg7[%dma_wait3A_232, %dma_wait3A_237] : memref<64x128xi32, #tpu.memory_space<vmem>> -> memref<1x128xi32, #tpu.memory_space<vmem>>
          %dma_wait3A_239 = tpu.memref_squeeze %dma_wait3A_238 : memref<1x128xi32, #tpu.memory_space<vmem>> -> memref<128xi32, #tpu.memory_space<vmem>>
          %dma_wait3A_240 = arith.constant 0 : i32
          %dma_wait3A_241 = arith.constant 0 : i32
          %dma_wait3A_242 = tpu.memref_slice %arg10[%dma_wait3A_240, %dma_wait3A_241] : memref<10112x32xbf16, #tpu.memory_space<vmem_shared>> -> memref<10112x32xbf16, #tpu.memory_space<vmem_shared>>
          tpu.wait_indirect_dma semaphore(%arg16 : memref<!tpu.dma_semaphore, #tpu.memory_space<semaphore_mem>>) src(%dma_wait3A_236 : memref<128x32xbf16, #tpu.memory_space<vmem>>) dst(%dma_wait3A_242 : memref<10112x32xbf16, #tpu.memory_space<vmem_shared>>)
        } else {
        }
        %add3A_202 = arith.constant 2 : i32
        %add3A_203 = arith.addi %add3A_196, %add3A_202 : i32
        %lt3A_204 = arith.constant 28 : i32
        %lt3A_205 = arith.cmpi slt, %add3A_203, %lt3A_204 : i32
        %convert_element_type3A_206 = arith.extui %lt3A_205 : i1 to i32
        %cond3A_207 = arith.constant 0 : i32
        %cond3A_208 = arith.cmpi ne, %convert_element_type3A_206, %cond3A_207 : i32
        scf.if %cond3A_208 {
          %add3A_231 = arith.constant 2 : i32
          %add3A_232 = arith.addi %add3A_196, %add3A_231 : i32
          %dma_start3A_233 = arith.constant 1 : i32
          %dma_start3A_234 = arith.constant 0 : i32
          %dma_start3A_235 = arith.constant 0 : i32
          %dma_start3A_236 = tpu.memref_slice %arg8[%dma_start3A_233, %dma_start3A_234, %dma_start3A_235] : memref<4x128x32xbf16, #tpu.memory_space<vmem>> -> memref<1x128x32xbf16, #tpu.memory_space<vmem>>
          %dma_start3A_237 = tpu.memref_squeeze %dma_start3A_236 : memref<1x128x32xbf16, #tpu.memory_space<vmem>> -> memref<128x32xbf16, #tpu.memory_space<vmem>>
          %dma_start3A_238 = arith.constant 0 : i32
          %dma_start3A_239 = tpu.memref_slice %arg6[%add3A_232, %dma_start3A_238] : memref<64x128xi32, #tpu.memory_space<vmem>> -> memref<1x128xi32, #tpu.memory_space<vmem>>
          %dma_start3A_240 = tpu.memref_squeeze %dma_start3A_239 : memref<1x128xi32, #tpu.memory_space<vmem>> -> memref<128xi32, #tpu.memory_space<vmem>>
          %dma_start3A_241 = arith.constant 0 : i32
          %dma_start3A_242 = arith.constant 0 : i32
          %dma_start3A_243 = tpu.memref_slice %arg2[%dma_start3A_241, %dma_start3A_242] : memref<10000x32xbf16, #tpu.memory_space<hbm>> -> memref<10000x32xbf16, #tpu.memory_space<hbm>>
          tpu.enqueue_indirect_dma source(%dma_start3A_243 : memref<10000x32xbf16, #tpu.memory_space<hbm>>) target(%dma_start3A_237 : memref<128x32xbf16, #tpu.memory_space<vmem>>) offsets(%dma_start3A_240 : memref<128xi32, #tpu.memory_space<vmem>>) semaphore(%arg12 : memref<!tpu.dma_semaphore, #tpu.memory_space<semaphore_mem>>)
        } else {
        }
        %dma_wait3A_209 = arith.constant 3 : i32
        %dma_wait3A_210 = arith.constant 0 : i32
        %dma_wait3A_211 = arith.constant 0 : i32
        %dma_wait3A_212 = tpu.memref_slice %arg8[%dma_wait3A_209, %dma_wait3A_210, %dma_wait3A_211] : memref<4x128x32xbf16, #tpu.memory_space<vmem>> -> memref<1x128x32xbf16, #tpu.memory_space<vmem>>
        %dma_wait3A_213 = tpu.memref_squeeze %dma_wait3A_212 : memref<1x128x32xbf16, #tpu.memory_space<vmem>> -> memref<128x32xbf16, #tpu.memory_space<vmem>>
        %dma_wait3A_214 = arith.constant 0 : i32
        %dma_wait3A_215 = tpu.memref_slice %arg6[%add3A_196, %dma_wait3A_214] : memref<64x128xi32, #tpu.memory_space<vmem>> -> memref<1x128xi32, #tpu.memory_space<vmem>>
        %dma_wait3A_216 = tpu.memref_squeeze %dma_wait3A_215 : memref<1x128xi32, #tpu.memory_space<vmem>> -> memref<128xi32, #tpu.memory_space<vmem>>
        %dma_wait3A_217 = arith.constant 0 : i32
        %dma_wait3A_218 = arith.constant 0 : i32
        %dma_wait3A_219 = tpu.memref_slice %arg2[%dma_wait3A_217, %dma_wait3A_218] : memref<10000x32xbf16, #tpu.memory_space<hbm>> -> memref<10000x32xbf16, #tpu.memory_space<hbm>>
        tpu.wait_indirect_dma semaphore(%arg14 : memref<!tpu.dma_semaphore, #tpu.memory_space<semaphore_mem>>) src(%dma_wait3A_219 : memref<10000x32xbf16, #tpu.memory_space<hbm>>) dst(%dma_wait3A_213 : memref<128x32xbf16, #tpu.memory_space<vmem>>)
        %dma_start3A_220 = arith.constant 3 : i32
        %dma_start3A_221 = arith.constant 0 : i32
        %dma_start3A_222 = arith.constant 0 : i32
        %dma_start3A_223 = tpu.memref_slice %arg8[%dma_start3A_220, %dma_start3A_221, %dma_start3A_222] : memref<4x128x32xbf16, #tpu.memory_space<vmem>> -> memref<1x128x32xbf16, #tpu.memory_space<vmem>>
        %dma_start3A_224 = tpu.memref_squeeze %dma_start3A_223 : memref<1x128x32xbf16, #tpu.memory_space<vmem>> -> memref<128x32xbf16, #tpu.memory_space<vmem>>
        %dma_start3A_225 = arith.constant 0 : i32
        %dma_start3A_226 = tpu.memref_slice %arg7[%add3A_196, %dma_start3A_225] : memref<64x128xi32, #tpu.memory_space<vmem>> -> memref<1x128xi32, #tpu.memory_space<vmem>>
        %dma_start3A_227 = tpu.memref_squeeze %dma_start3A_226 : memref<1x128xi32, #tpu.memory_space<vmem>> -> memref<128xi32, #tpu.memory_space<vmem>>
        %dma_start3A_228 = arith.constant 0 : i32
        %dma_start3A_229 = arith.constant 0 : i32
        %dma_start3A_230 = tpu.memref_slice %arg10[%dma_start3A_228, %dma_start3A_229] : memref<10112x32xbf16, #tpu.memory_space<vmem_shared>> -> memref<10112x32xbf16, #tpu.memory_space<vmem_shared>>
        tpu.enqueue_indirect_dma source(%dma_start3A_224 : memref<128x32xbf16, #tpu.memory_space<vmem>>) target(%dma_start3A_230 : memref<10112x32xbf16, #tpu.memory_space<vmem_shared>>) offsets(%dma_start3A_227 : memref<128xi32, #tpu.memory_space<vmem>>) semaphore(%arg18 : memref<!tpu.dma_semaphore, #tpu.memory_space<semaphore_mem>>) {add = true}
      }
      %scan3A_55 = arith.constant 7 : i32
      %dma_wait3A = arith.constant 2 : i32
      %dma_wait3A_56 = arith.constant 0 : i32
      %dma_wait3A_57 = arith.constant 0 : i32
      %dma_wait3A_58 = arith.constant 0 : i32
      %dma_wait3A_59 = tpu.memref_slice %arg8[%dma_wait3A, %dma_wait3A_57, %dma_wait3A_58] : memref<4x128x32xbf16, #tpu.memory_space<vmem>> -> memref<1x128x32xbf16, #tpu.memory_space<vmem>>
      %dma_wait3A_60 = tpu.memref_squeeze %dma_wait3A_59 : memref<1x128x32xbf16, #tpu.memory_space<vmem>> -> memref<128x32xbf16, #tpu.memory_space<vmem>>
      %dma_wait3A_61 = arith.constant 0 : i32
      %dma_wait3A_62 = tpu.memref_slice %arg7[%dma_wait3A_56, %dma_wait3A_61] : memref<64x128xi32, #tpu.memory_space<vmem>> -> memref<1x128xi32, #tpu.memory_space<vmem>>
      %dma_wait3A_63 = tpu.memref_squeeze %dma_wait3A_62 : memref<1x128xi32, #tpu.memory_space<vmem>> -> memref<128xi32, #tpu.memory_space<vmem>>
      %dma_wait3A_64 = arith.constant 0 : i32
      %dma_wait3A_65 = arith.constant 0 : i32
      %dma_wait3A_66 = tpu.memref_slice %arg10[%dma_wait3A_64, %dma_wait3A_65] : memref<10112x32xbf16, #tpu.memory_space<vmem_shared>> -> memref<10112x32xbf16, #tpu.memory_space<vmem_shared>>
      tpu.wait_indirect_dma semaphore(%arg17 : memref<!tpu.dma_semaphore, #tpu.memory_space<semaphore_mem>>) src(%dma_wait3A_60 : memref<128x32xbf16, #tpu.memory_space<vmem>>) dst(%dma_wait3A_66 : memref<10112x32xbf16, #tpu.memory_space<vmem_shared>>)
      %dma_wait3A_67 = arith.constant 3 : i32
      %dma_wait3A_68 = arith.constant 0 : i32
      %dma_wait3A_69 = arith.constant 0 : i32
      %dma_wait3A_70 = arith.constant 0 : i32
      %dma_wait3A_71 = tpu.memref_slice %arg8[%dma_wait3A_67, %dma_wait3A_69, %dma_wait3A_70] : memref<4x128x32xbf16, #tpu.memory_space<vmem>> -> memref<1x128x32xbf16, #tpu.memory_space<vmem>>
      %dma_wait3A_72 = tpu.memref_squeeze %dma_wait3A_71 : memref<1x128x32xbf16, #tpu.memory_space<vmem>> -> memref<128x32xbf16, #tpu.memory_space<vmem>>
      %dma_wait3A_73 = arith.constant 0 : i32
      %dma_wait3A_74 = tpu.memref_slice %arg7[%dma_wait3A_68, %dma_wait3A_73] : memref<64x128xi32, #tpu.memory_space<vmem>> -> memref<1x128xi32, #tpu.memory_space<vmem>>
      %dma_wait3A_75 = tpu.memref_squeeze %dma_wait3A_74 : memref<1x128xi32, #tpu.memory_space<vmem>> -> memref<128xi32, #tpu.memory_space<vmem>>
      %dma_wait3A_76 = arith.constant 0 : i32
      %dma_wait3A_77 = arith.constant 0 : i32
      %dma_wait3A_78 = tpu.memref_slice %arg10[%dma_wait3A_76, %dma_wait3A_77] : memref<10112x32xbf16, #tpu.memory_space<vmem_shared>> -> memref<10112x32xbf16, #tpu.memory_space<vmem_shared>>
      tpu.wait_indirect_dma semaphore(%arg18 : memref<!tpu.dma_semaphore, #tpu.memory_space<semaphore_mem>>) src(%dma_wait3A_72 : memref<128x32xbf16, #tpu.memory_space<vmem>>) dst(%dma_wait3A_78 : memref<10112x32xbf16, #tpu.memory_space<vmem_shared>>)
    } else {
    }
    %barrier3A_14 = arith.constant 0 : index
    tpu.barrier barrier_id(%barrier3A_14)
    %lt3A = arith.constant 15 : i32
    %lt3A_15 = arith.cmpi slt, %arg1, %lt3A : i32
    %convert_element_type3A_16 = arith.extui %lt3A_15 : i1 to i32
    %cond3A_17 = arith.constant 0 : i32
    %cond3A_18 = arith.cmpi ne, %convert_element_type3A_16, %cond3A_17 : i32
    scf.if %cond3A_18 {
      %mul3A_24 = arith.constant 632 : i32
      %mul3A_25 = arith.muli %arg1, %mul3A_24 : i32
      %mul3A_26 = arith.constant 632 : i32
      %mul3A_27 = arith.muli %arg1, %mul3A_26 : i32
      "tpu.region"() ({
        %run_scoped3A = tpu.sem_alloc : memref<!tpu.dma_semaphore, #tpu.memory_space<semaphore_mem>>
        %dma_start3A = arith.constant 0 : i32
        %dma_start3A_28 = tpu.memref_slice %arg5[%arg0, %mul3A_27, %dma_start3A] : memref<2x10000x32xbf16, #tpu.memory_space<hbm>> -> memref<1x632x32xbf16, #tpu.memory_space<hbm>>
        %dma_start3A_29 = tpu.memref_squeeze %dma_start3A_28 : memref<1x632x32xbf16, #tpu.memory_space<hbm>> -> memref<632x32xbf16, #tpu.memory_space<hbm>>
        %dma_start3A_30 = arith.constant 0 : i32
        %dma_start3A_31 = tpu.memref_slice %arg10[%mul3A_25, %dma_start3A_30] : memref<10112x32xbf16, #tpu.memory_space<vmem_shared>> -> memref<632x32xbf16, #tpu.memory_space<vmem_shared>>
        tpu.enqueue_dma source(%dma_start3A_31 : memref<632x32xbf16, #tpu.memory_space<vmem_shared>>) target(%dma_start3A_29 : memref<632x32xbf16, #tpu.memory_space<hbm>>) target_semaphore(%run_scoped3A : memref<!tpu.dma_semaphore, #tpu.memory_space<semaphore_mem>>)
        %dma_wait3A = arith.constant 0 : i32
        %dma_wait3A_32 = tpu.memref_slice %arg5[%arg0, %mul3A_27, %dma_wait3A] : memref<2x10000x32xbf16, #tpu.memory_space<hbm>> -> memref<1x632x32xbf16, #tpu.memory_space<hbm>>
        %dma_wait3A_33 = tpu.memref_squeeze %dma_wait3A_32 : memref<1x632x32xbf16, #tpu.memory_space<hbm>> -> memref<632x32xbf16, #tpu.memory_space<hbm>>
        %dma_wait3A_34 = arith.constant 0 : i32
        %dma_wait3A_35 = tpu.memref_slice %arg10[%mul3A_25, %dma_wait3A_34] : memref<10112x32xbf16, #tpu.memory_space<vmem_shared>> -> memref<632x32xbf16, #tpu.memory_space<vmem_shared>>
        tpu.wait_dma2 semaphore(%run_scoped3A : memref<!tpu.dma_semaphore, #tpu.memory_space<semaphore_mem>>) src(%dma_wait3A_35 : memref<632x32xbf16, #tpu.memory_space<vmem_shared>>) dst(%dma_wait3A_33 : memref<632x32xbf16, #tpu.memory_space<hbm>>)
        tpu.yield
      }) : () -> ()
    } else {
    }
    %eq3A_19 = arith.constant 15 : i32
    %eq3A_20 = arith.cmpi eq, %arg1, %eq3A_19 : i32
    %convert_element_type3A_21 = arith.extui %eq3A_20 : i1 to i32
    %cond3A_22 = arith.constant 0 : i32
    %cond3A_23 = arith.cmpi ne, %convert_element_type3A_21, %cond3A_22 : i32
    scf.if %cond3A_23 {
      "tpu.region"() ({
        %run_scoped3A = tpu.sem_alloc : memref<!tpu.dma_semaphore, #tpu.memory_space<semaphore_mem>>
        %dma_start3A = arith.constant 9480 : i32
        %dma_start3A_24 = arith.constant 0 : i32
        %dma_start3A_25 = tpu.memref_slice %arg5[%arg0, %dma_start3A, %dma_start3A_24] : memref<2x10000x32xbf16, #tpu.memory_space<hbm>> -> memref<1x520x32xbf16, #tpu.memory_space<hbm>>
        %dma_start3A_26 = tpu.memref_squeeze %dma_start3A_25 : memref<1x520x32xbf16, #tpu.memory_space<hbm>> -> memref<520x32xbf16, #tpu.memory_space<hbm>>
        %dma_start3A_27 = arith.constant 9480 : i32
        %dma_start3A_28 = arith.constant 0 : i32
        %dma_start3A_29 = tpu.memref_slice %arg10[%dma_start3A_27, %dma_start3A_28] : memref<10112x32xbf16, #tpu.memory_space<vmem_shared>> -> memref<520x32xbf16, #tpu.memory_space<vmem_shared>>
        tpu.enqueue_dma source(%dma_start3A_29 : memref<520x32xbf16, #tpu.memory_space<vmem_shared>>) target(%dma_start3A_26 : memref<520x32xbf16, #tpu.memory_space<hbm>>) target_semaphore(%run_scoped3A : memref<!tpu.dma_semaphore, #tpu.memory_space<semaphore_mem>>)
        %dma_wait3A = arith.constant 9480 : i32
        %dma_wait3A_30 = arith.constant 0 : i32
        %dma_wait3A_31 = tpu.memref_slice %arg5[%arg0, %dma_wait3A, %dma_wait3A_30] : memref<2x10000x32xbf16, #tpu.memory_space<hbm>> -> memref<1x520x32xbf16, #tpu.memory_space<hbm>>
        %dma_wait3A_32 = tpu.memref_squeeze %dma_wait3A_31 : memref<1x520x32xbf16, #tpu.memory_space<hbm>> -> memref<520x32xbf16, #tpu.memory_space<hbm>>
        %dma_wait3A_33 = arith.constant 9480 : i32
        %dma_wait3A_34 = arith.constant 0 : i32
        %dma_wait3A_35 = tpu.memref_slice %arg10[%dma_wait3A_33, %dma_wait3A_34] : memref<10112x32xbf16, #tpu.memory_space<vmem_shared>> -> memref<520x32xbf16, #tpu.memory_space<vmem_shared>>
        tpu.wait_dma2 semaphore(%run_scoped3A : memref<!tpu.dma_semaphore, #tpu.memory_space<semaphore_mem>>) src(%dma_wait3A_35 : memref<520x32xbf16, #tpu.memory_space<vmem_shared>>) dst(%dma_wait3A_32 : memref<520x32xbf16, #tpu.memory_space<hbm>>)
        tpu.yield
      }) : () -> ()
    } else {
    }
    return
  }
}

#map = affine_map<(d0, d1) -> (0, 0)>
#map1 = affine_map<(d0, d1) -> (0, 0, 0)>
module attributes {stable_mosaic.version = 14 : i64} {
  func.func @_sc_degree(%arg0: i32, %arg1: i32, %arg2: memref<1280x128xi32, #tpu.memory_space<hbm>>, %arg3: memref<2x10000x16xbf16, #tpu.memory_space<hbm>>, %arg4: memref<64x128xi32, #tpu.memory_space<vmem>>, %arg5: memref<128x16xbf16, #tpu.memory_space<vmem>>, %arg6: memref<632x16xbf16, #tpu.memory_space<vmem>>, %arg7: memref<10112x16xbf16, #tpu.memory_space<vmem_shared>>, %arg8: memref<!tpu.dma_semaphore, #tpu.memory_space<semaphore_mem>>) attributes {dimension_semantics = [#tpu.dimension_semantics<core_parallel>, #tpu.dimension_semantics<subcore_parallel>], iteration_bounds = array<i64: 2, 16>, scalar_prefetch = 0 : i64, scratch_operands = 5 : i64, tpu.core_type = #tpu.core_type<sc_vector_subcore>, window_params = [{transform_indices = #map}, {transform_indices = #map1}]} {
    %broadcast_in_dim3A = arith.constant 0.000000e+00 : bf16
    %broadcast_in_dim3A_0 = vector.broadcast %broadcast_in_dim3A : bf16 to vector<2x16xbf16>
    %broadcast_in_dim3A_1 = arith.constant 1.000000e+00 : bf16
    %broadcast_in_dim3A_2 = vector.broadcast %broadcast_in_dim3A_1 : bf16 to vector<2x16xbf16>
    %scan3A = arith.constant 0 : i32
    %scan3A_3 = arith.constant 0 : i32
    %scan3A_4 = arith.constant 316 : i32
    %scan3A_5 = arith.addi %scan3A_3, %scan3A_4 : i32
    %scan3A_6 = arith.constant 1 : i32
    scf.for %scan3A_32 = %scan3A_3 to %scan3A_5 step %scan3A_6  : i32 {
      %mul3A_33 = arith.constant 2 : i32
      %mul3A_34 = arith.muli %mul3A_33, %scan3A_32 : i32
      %swap3A = arith.index_cast %mul3A_34 : i32 to index
      %swap3A_35 = arith.constant 0 : index
      %swap3A_36 = tpu.vector_load %arg6[%swap3A, %swap3A_35] {strides = array<i32>} : memref<632x16xbf16, #tpu.memory_space<vmem>>, vector<2x16xbf16>,
      %swap3A_37 = vector.shape_cast %swap3A_36 : vector<2x16xbf16> to vector<2x16xbf16>
      %swap3A_38 = vector.shape_cast %broadcast_in_dim3A_0 : vector<2x16xbf16> to vector<2x16xbf16>
      tpu.vector_store %arg6[%swap3A, %swap3A_35], %swap3A_38 {strides = array<i32>} : memref<632x16xbf16, #tpu.memory_space<vmem>>, vector<2x16xbf16>,
    }
    %scan3A_7 = arith.constant 316 : i32
    %scan3A_8 = arith.constant 0 : i32
    %scan3A_9 = arith.constant 0 : i32
    %scan3A_10 = arith.constant 64 : i32
    %scan3A_11 = arith.addi %scan3A_9, %scan3A_10 : i32
    %scan3A_12 = arith.constant 1 : i32
    scf.for %scan3A_32 = %scan3A_9 to %scan3A_11 step %scan3A_12  : i32 {
      %mul3A_33 = arith.constant 2 : i32
      %mul3A_34 = arith.muli %mul3A_33, %scan3A_32 : i32
      %swap3A = arith.index_cast %mul3A_34 : i32 to index
      %swap3A_35 = arith.constant 0 : index
      %swap3A_36 = tpu.vector_load %arg5[%swap3A, %swap3A_35] {strides = array<i32>} : memref<128x16xbf16, #tpu.memory_space<vmem>>, vector<2x16xbf16>,
      %swap3A_37 = vector.shape_cast %swap3A_36 : vector<2x16xbf16> to vector<2x16xbf16>
      %swap3A_38 = vector.shape_cast %broadcast_in_dim3A_2 : vector<2x16xbf16> to vector<2x16xbf16>
      tpu.vector_store %arg5[%swap3A, %swap3A_35], %swap3A_38 {strides = array<i32>} : memref<128x16xbf16, #tpu.memory_space<vmem>>, vector<2x16xbf16>,
    }
    %scan3A_13 = arith.constant 64 : i32
    %mul3A = arith.constant 632 : i32
    %mul3A_14 = arith.muli %arg1, %mul3A : i32
    "tpu.region"() ({
      %run_scoped3A = tpu.sem_alloc : memref<!tpu.dma_semaphore, #tpu.memory_space<semaphore_mem>>
      %dma_start3A = arith.constant 0 : i32
      %dma_start3A_32 = tpu.memref_slice %arg7[%mul3A_14, %dma_start3A] : memref<10112x16xbf16, #tpu.memory_space<vmem_shared>> -> memref<632x16xbf16, #tpu.memory_space<vmem_shared>>
      %dma_start3A_33 = arith.constant 0 : i32
      %dma_start3A_34 = tpu.memref_slice %arg7[%mul3A_14, %dma_start3A_33] : memref<10112x16xbf16, #tpu.memory_space<vmem_shared>> -> memref<632x16xbf16, #tpu.memory_space<vmem_shared>>
      tpu.enqueue_dma source(%arg6 : memref<632x16xbf16, #tpu.memory_space<vmem>>) target(%dma_start3A_34 : memref<632x16xbf16, #tpu.memory_space<vmem_shared>>) target_semaphore(%run_scoped3A : memref<!tpu.dma_semaphore, #tpu.memory_space<semaphore_mem>>)
      %dma_wait3A = arith.constant 0 : i32
      %dma_wait3A_35 = tpu.memref_slice %arg7[%mul3A_14, %dma_wait3A] : memref<10112x16xbf16, #tpu.memory_space<vmem_shared>> -> memref<632x16xbf16, #tpu.memory_space<vmem_shared>>
      %dma_wait3A_36 = arith.constant 0 : i32
      %dma_wait3A_37 = tpu.memref_slice %arg7[%mul3A_14, %dma_wait3A_36] : memref<10112x16xbf16, #tpu.memory_space<vmem_shared>> -> memref<632x16xbf16, #tpu.memory_space<vmem_shared>>
      tpu.wait_dma2 semaphore(%run_scoped3A : memref<!tpu.dma_semaphore, #tpu.memory_space<semaphore_mem>>) src(%arg6 : memref<632x16xbf16, #tpu.memory_space<vmem>>) dst(%dma_wait3A_37 : memref<632x16xbf16, #tpu.memory_space<vmem_shared>>)
      tpu.yield
    }) : () -> ()
    %barrier3A = arith.constant 0 : index
    tpu.barrier barrier_id(%barrier3A)
    %eq3A = arith.constant 0 : i32
    %eq3A_15 = arith.cmpi eq, %arg0, %eq3A : i32
    %convert_element_type3A = arith.extui %eq3A_15 : i1 to i32
    %cond3A = arith.constant 0 : i32
    %cond3A_16 = arith.cmpi ne, %convert_element_type3A, %cond3A : i32
    scf.if %cond3A_16 {
      %mul3A_32 = arith.constant 52 : i32
      %mul3A_33 = arith.muli %arg1, %mul3A_32 : i32
      "tpu.region"() ({
        %run_scoped3A = tpu.sem_alloc : memref<!tpu.dma_semaphore, #tpu.memory_space<semaphore_mem>>
        %dma_start3A = arith.constant 0 : i32
        %dma_start3A_46 = arith.constant 0 : i32
        %dma_start3A_47 = tpu.memref_slice %arg4[%dma_start3A, %dma_start3A_46] : memref<64x128xi32, #tpu.memory_space<vmem>> -> memref<52x128xi32, #tpu.memory_space<vmem>>
        %dma_start3A_48 = arith.constant 0 : i32
        %dma_start3A_49 = tpu.memref_slice %arg2[%mul3A_33, %dma_start3A_48] : memref<1280x128xi32, #tpu.memory_space<hbm>> -> memref<52x128xi32, #tpu.memory_space<hbm>>
        %dma_start3A_50 = arith.constant 0 : i32
        %dma_start3A_51 = arith.constant 0 : i32
        %dma_start3A_52 = tpu.memref_slice %arg4[%dma_start3A_50, %dma_start3A_51] : memref<64x128xi32, #tpu.memory_space<vmem>> -> memref<52x128xi32, #tpu.memory_space<vmem>>
        %dma_start3A_53 = arith.constant 0 : i32
        %dma_start3A_54 = tpu.memref_slice %arg2[%mul3A_33, %dma_start3A_53] : memref<1280x128xi32, #tpu.memory_space<hbm>> -> memref<52x128xi32, #tpu.memory_space<hbm>>
        tpu.enqueue_dma source(%dma_start3A_54 : memref<52x128xi32, #tpu.memory_space<hbm>>) target(%dma_start3A_52 : memref<52x128xi32, #tpu.memory_space<vmem>>) target_semaphore(%run_scoped3A : memref<!tpu.dma_semaphore, #tpu.memory_space<semaphore_mem>>)
        %dma_wait3A = arith.constant 0 : i32
        %dma_wait3A_55 = arith.constant 0 : i32
        %dma_wait3A_56 = tpu.memref_slice %arg4[%dma_wait3A, %dma_wait3A_55] : memref<64x128xi32, #tpu.memory_space<vmem>> -> memref<52x128xi32, #tpu.memory_space<vmem>>
        %dma_wait3A_57 = arith.constant 0 : i32
        %dma_wait3A_58 = tpu.memref_slice %arg2[%mul3A_33, %dma_wait3A_57] : memref<1280x128xi32, #tpu.memory_space<hbm>> -> memref<52x128xi32, #tpu.memory_space<hbm>>
        %dma_wait3A_59 = arith.constant 0 : i32
        %dma_wait3A_60 = arith.constant 0 : i32
        %dma_wait3A_61 = tpu.memref_slice %arg4[%dma_wait3A_59, %dma_wait3A_60] : memref<64x128xi32, #tpu.memory_space<vmem>> -> memref<52x128xi32, #tpu.memory_space<vmem>>
        %dma_wait3A_62 = arith.constant 0 : i32
        %dma_wait3A_63 = tpu.memref_slice %arg2[%mul3A_33, %dma_wait3A_62] : memref<1280x128xi32, #tpu.memory_space<hbm>> -> memref<52x128xi32, #tpu.memory_space<hbm>>
        tpu.wait_dma2 semaphore(%run_scoped3A : memref<!tpu.dma_semaphore, #tpu.memory_space<semaphore_mem>>) src(%dma_wait3A_63 : memref<52x128xi32, #tpu.memory_space<hbm>>) dst(%dma_wait3A_61 : memref<52x128xi32, #tpu.memory_space<vmem>>)
        tpu.yield
      }) : () -> ()
      %scan3A_34 = arith.constant 0 : i32
      %scan3A_35 = arith.constant 0 : i32
      %scan3A_36 = arith.constant 52 : i32
      %scan3A_37 = arith.addi %scan3A_35, %scan3A_36 : i32
      %scan3A_38 = arith.constant 1 : i32
      scf.for %scan3A_46 = %scan3A_35 to %scan3A_37 step %scan3A_38  : i32 {
        %dma_start3A = arith.constant 0 : i32
        %dma_start3A_47 = tpu.memref_slice %arg4[%scan3A_46, %dma_start3A] : memref<64x128xi32, #tpu.memory_space<vmem>> -> memref<1x128xi32, #tpu.memory_space<vmem>>
        %dma_start3A_48 = tpu.memref_squeeze %dma_start3A_47 : memref<1x128xi32, #tpu.memory_space<vmem>> -> memref<128xi32, #tpu.memory_space<vmem>>
        %dma_start3A_49 = arith.constant 0 : i32
        %dma_start3A_50 = arith.constant 0 : i32
        %dma_start3A_51 = tpu.memref_slice %arg7[%dma_start3A_49, %dma_start3A_50] : memref<10112x16xbf16, #tpu.memory_space<vmem_shared>> -> memref<10112x16xbf16, #tpu.memory_space<vmem_shared>>
        tpu.enqueue_indirect_dma source(%arg5 : memref<128x16xbf16, #tpu.memory_space<vmem>>) target(%dma_start3A_51 : memref<10112x16xbf16, #tpu.memory_space<vmem_shared>>) offsets(%dma_start3A_48 : memref<128xi32, #tpu.memory_space<vmem>>) semaphore(%arg8 : memref<!tpu.dma_semaphore, #tpu.memory_space<semaphore_mem>>) {add = true}
      }
      %scan3A_39 = arith.constant 52 : i32
      %scan3A_40 = arith.constant 0 : i32
      %scan3A_41 = arith.constant 0 : i32
      %scan3A_42 = arith.constant 52 : i32
      %scan3A_43 = arith.addi %scan3A_41, %scan3A_42 : i32
      %scan3A_44 = arith.constant 1 : i32
      scf.for %scan3A_46 = %scan3A_41 to %scan3A_43 step %scan3A_44  : i32 {
        %dma_wait3A = arith.constant 0 : i32
        %dma_wait3A_47 = arith.constant 0 : i32
        %dma_wait3A_48 = tpu.memref_slice %arg4[%dma_wait3A, %dma_wait3A_47] : memref<64x128xi32, #tpu.memory_space<vmem>> -> memref<1x128xi32, #tpu.memory_space<vmem>>
        %dma_wait3A_49 = tpu.memref_squeeze %dma_wait3A_48 : memref<1x128xi32, #tpu.memory_space<vmem>> -> memref<128xi32, #tpu.memory_space<vmem>>
        %dma_wait3A_50 = arith.constant 0 : i32
        %dma_wait3A_51 = arith.constant 0 : i32
        %dma_wait3A_52 = tpu.memref_slice %arg7[%dma_wait3A_50, %dma_wait3A_51] : memref<10112x16xbf16, #tpu.memory_space<vmem_shared>> -> memref<10112x16xbf16, #tpu.memory_space<vmem_shared>>
        tpu.wait_indirect_dma semaphore(%arg8 : memref<!tpu.dma_semaphore, #tpu.memory_space<semaphore_mem>>) src(%arg5 : memref<128x16xbf16, #tpu.memory_space<vmem>>) dst(%dma_wait3A_52 : memref<10112x16xbf16, #tpu.memory_space<vmem_shared>>)
      }
      %scan3A_45 = arith.constant 52 : i32
    } else {
    }
    %eq3A_17 = arith.constant 1 : i32
    %eq3A_18 = arith.cmpi eq, %arg0, %eq3A_17 : i32
    %convert_element_type3A_19 = arith.extui %eq3A_18 : i1 to i32
    %cond3A_20 = arith.constant 0 : i32
    %cond3A_21 = arith.cmpi ne, %convert_element_type3A_19, %cond3A_20 : i32
    scf.if %cond3A_21 {
      %mul3A_32 = arith.constant 28 : i32
      %mul3A_33 = arith.muli %arg1, %mul3A_32 : i32
      %add3A = arith.constant 832 : i32
      %add3A_34 = arith.addi %add3A, %mul3A_33 : i32
      "tpu.region"() ({
        %run_scoped3A = tpu.sem_alloc : memref<!tpu.dma_semaphore, #tpu.memory_space<semaphore_mem>>
        %dma_start3A = arith.constant 0 : i32
        %dma_start3A_47 = arith.constant 0 : i32
        %dma_start3A_48 = tpu.memref_slice %arg4[%dma_start3A, %dma_start3A_47] : memref<64x128xi32, #tpu.memory_space<vmem>> -> memref<28x128xi32, #tpu.memory_space<vmem>>
        %dma_start3A_49 = arith.constant 0 : i32
        %dma_start3A_50 = tpu.memref_slice %arg2[%add3A_34, %dma_start3A_49] : memref<1280x128xi32, #tpu.memory_space<hbm>> -> memref<28x128xi32, #tpu.memory_space<hbm>>
        %dma_start3A_51 = arith.constant 0 : i32
        %dma_start3A_52 = arith.constant 0 : i32
        %dma_start3A_53 = tpu.memref_slice %arg4[%dma_start3A_51, %dma_start3A_52] : memref<64x128xi32, #tpu.memory_space<vmem>> -> memref<28x128xi32, #tpu.memory_space<vmem>>
        %dma_start3A_54 = arith.constant 0 : i32
        %dma_start3A_55 = tpu.memref_slice %arg2[%add3A_34, %dma_start3A_54] : memref<1280x128xi32, #tpu.memory_space<hbm>> -> memref<28x128xi32, #tpu.memory_space<hbm>>
        tpu.enqueue_dma source(%dma_start3A_55 : memref<28x128xi32, #tpu.memory_space<hbm>>) target(%dma_start3A_53 : memref<28x128xi32, #tpu.memory_space<vmem>>) target_semaphore(%run_scoped3A : memref<!tpu.dma_semaphore, #tpu.memory_space<semaphore_mem>>)
        %dma_wait3A = arith.constant 0 : i32
        %dma_wait3A_56 = arith.constant 0 : i32
        %dma_wait3A_57 = tpu.memref_slice %arg4[%dma_wait3A, %dma_wait3A_56] : memref<64x128xi32, #tpu.memory_space<vmem>> -> memref<28x128xi32, #tpu.memory_space<vmem>>
        %dma_wait3A_58 = arith.constant 0 : i32
        %dma_wait3A_59 = tpu.memref_slice %arg2[%add3A_34, %dma_wait3A_58] : memref<1280x128xi32, #tpu.memory_space<hbm>> -> memref<28x128xi32, #tpu.memory_space<hbm>>
        %dma_wait3A_60 = arith.constant 0 : i32
        %dma_wait3A_61 = arith.constant 0 : i32
        %dma_wait3A_62 = tpu.memref_slice %arg4[%dma_wait3A_60, %dma_wait3A_61] : memref<64x128xi32, #tpu.memory_space<vmem>> -> memref<28x128xi32, #tpu.memory_space<vmem>>
        %dma_wait3A_63 = arith.constant 0 : i32
        %dma_wait3A_64 = tpu.memref_slice %arg2[%add3A_34, %dma_wait3A_63] : memref<1280x128xi32, #tpu.memory_space<hbm>> -> memref<28x128xi32, #tpu.memory_space<hbm>>
        tpu.wait_dma2 semaphore(%run_scoped3A : memref<!tpu.dma_semaphore, #tpu.memory_space<semaphore_mem>>) src(%dma_wait3A_64 : memref<28x128xi32, #tpu.memory_space<hbm>>) dst(%dma_wait3A_62 : memref<28x128xi32, #tpu.memory_space<vmem>>)
        tpu.yield
      }) : () -> ()
      %scan3A_35 = arith.constant 0 : i32
      %scan3A_36 = arith.constant 0 : i32
      %scan3A_37 = arith.constant 28 : i32
      %scan3A_38 = arith.addi %scan3A_36, %scan3A_37 : i32
      %scan3A_39 = arith.constant 1 : i32
      scf.for %scan3A_47 = %scan3A_36 to %scan3A_38 step %scan3A_39  : i32 {
        %dma_start3A = arith.constant 0 : i32
        %dma_start3A_48 = tpu.memref_slice %arg4[%scan3A_47, %dma_start3A] : memref<64x128xi32, #tpu.memory_space<vmem>> -> memref<1x128xi32, #tpu.memory_space<vmem>>
        %dma_start3A_49 = tpu.memref_squeeze %dma_start3A_48 : memref<1x128xi32, #tpu.memory_space<vmem>> -> memref<128xi32, #tpu.memory_space<vmem>>
        %dma_start3A_50 = arith.constant 0 : i32
        %dma_start3A_51 = arith.constant 0 : i32
        %dma_start3A_52 = tpu.memref_slice %arg7[%dma_start3A_50, %dma_start3A_51] : memref<10112x16xbf16, #tpu.memory_space<vmem_shared>> -> memref<10112x16xbf16, #tpu.memory_space<vmem_shared>>
        tpu.enqueue_indirect_dma source(%arg5 : memref<128x16xbf16, #tpu.memory_space<vmem>>) target(%dma_start3A_52 : memref<10112x16xbf16, #tpu.memory_space<vmem_shared>>) offsets(%dma_start3A_49 : memref<128xi32, #tpu.memory_space<vmem>>) semaphore(%arg8 : memref<!tpu.dma_semaphore, #tpu.memory_space<semaphore_mem>>) {add = true}
      }
      %scan3A_40 = arith.constant 28 : i32
      %scan3A_41 = arith.constant 0 : i32
      %scan3A_42 = arith.constant 0 : i32
      %scan3A_43 = arith.constant 28 : i32
      %scan3A_44 = arith.addi %scan3A_42, %scan3A_43 : i32
      %scan3A_45 = arith.constant 1 : i32
      scf.for %scan3A_47 = %scan3A_42 to %scan3A_44 step %scan3A_45  : i32 {
        %dma_wait3A = arith.constant 0 : i32
        %dma_wait3A_48 = arith.constant 0 : i32
        %dma_wait3A_49 = tpu.memref_slice %arg4[%dma_wait3A, %dma_wait3A_48] : memref<64x128xi32, #tpu.memory_space<vmem>> -> memref<1x128xi32, #tpu.memory_space<vmem>>
        %dma_wait3A_50 = tpu.memref_squeeze %dma_wait3A_49 : memref<1x128xi32, #tpu.memory_space<vmem>> -> memref<128xi32, #tpu.memory_space<vmem>>
        %dma_wait3A_51 = arith.constant 0 : i32
        %dma_wait3A_52 = arith.constant 0 : i32
        %dma_wait3A_53 = tpu.memref_slice %arg7[%dma_wait3A_51, %dma_wait3A_52] : memref<10112x16xbf16, #tpu.memory_space<vmem_shared>> -> memref<10112x16xbf16, #tpu.memory_space<vmem_shared>>
        tpu.wait_indirect_dma semaphore(%arg8 : memref<!tpu.dma_semaphore, #tpu.memory_space<semaphore_mem>>) src(%arg5 : memref<128x16xbf16, #tpu.memory_space<vmem>>) dst(%dma_wait3A_53 : memref<10112x16xbf16, #tpu.memory_space<vmem_shared>>)
      }
      %scan3A_46 = arith.constant 28 : i32
    } else {
    }
    %barrier3A_22 = arith.constant 0 : index
    tpu.barrier barrier_id(%barrier3A_22)
    %lt3A = arith.constant 15 : i32
    %lt3A_23 = arith.cmpi slt, %arg1, %lt3A : i32
    %convert_element_type3A_24 = arith.extui %lt3A_23 : i1 to i32
    %cond3A_25 = arith.constant 0 : i32
    %cond3A_26 = arith.cmpi ne, %convert_element_type3A_24, %cond3A_25 : i32
    scf.if %cond3A_26 {
      %mul3A_32 = arith.constant 632 : i32
      %mul3A_33 = arith.muli %arg1, %mul3A_32 : i32
      %mul3A_34 = arith.constant 632 : i32
      %mul3A_35 = arith.muli %arg1, %mul3A_34 : i32
      "tpu.region"() ({
        %run_scoped3A = tpu.sem_alloc : memref<!tpu.dma_semaphore, #tpu.memory_space<semaphore_mem>>
        %dma_start3A = arith.constant 0 : i32
        %dma_start3A_36 = tpu.memref_slice %arg3[%arg0, %mul3A_35, %dma_start3A] : memref<2x10000x16xbf16, #tpu.memory_space<hbm>> -> memref<1x632x16xbf16, #tpu.memory_space<hbm>>
        %dma_start3A_37 = tpu.memref_squeeze %dma_start3A_36 : memref<1x632x16xbf16, #tpu.memory_space<hbm>> -> memref<632x16xbf16, #tpu.memory_space<hbm>>
        %dma_start3A_38 = arith.constant 0 : i32
        %dma_start3A_39 = tpu.memref_slice %arg7[%mul3A_33, %dma_start3A_38] : memref<10112x16xbf16, #tpu.memory_space<vmem_shared>> -> memref<632x16xbf16, #tpu.memory_space<vmem_shared>>
        tpu.enqueue_dma source(%dma_start3A_39 : memref<632x16xbf16, #tpu.memory_space<vmem_shared>>) target(%dma_start3A_37 : memref<632x16xbf16, #tpu.memory_space<hbm>>) target_semaphore(%run_scoped3A : memref<!tpu.dma_semaphore, #tpu.memory_space<semaphore_mem>>)
        %dma_wait3A = arith.constant 0 : i32
        %dma_wait3A_40 = tpu.memref_slice %arg3[%arg0, %mul3A_35, %dma_wait3A] : memref<2x10000x16xbf16, #tpu.memory_space<hbm>> -> memref<1x632x16xbf16, #tpu.memory_space<hbm>>
        %dma_wait3A_41 = tpu.memref_squeeze %dma_wait3A_40 : memref<1x632x16xbf16, #tpu.memory_space<hbm>> -> memref<632x16xbf16, #tpu.memory_space<hbm>>
        %dma_wait3A_42 = arith.constant 0 : i32
        %dma_wait3A_43 = tpu.memref_slice %arg7[%mul3A_33, %dma_wait3A_42] : memref<10112x16xbf16, #tpu.memory_space<vmem_shared>> -> memref<632x16xbf16, #tpu.memory_space<vmem_shared>>
        tpu.wait_dma2 semaphore(%run_scoped3A : memref<!tpu.dma_semaphore, #tpu.memory_space<semaphore_mem>>) src(%dma_wait3A_43 : memref<632x16xbf16, #tpu.memory_space<vmem_shared>>) dst(%dma_wait3A_41 : memref<632x16xbf16, #tpu.memory_space<hbm>>)
        tpu.yield
      }) : () -> ()
    } else {
    }
    %eq3A_27 = arith.constant 15 : i32
    %eq3A_28 = arith.cmpi eq, %arg1, %eq3A_27 : i32
    %convert_element_type3A_29 = arith.extui %eq3A_28 : i1 to i32
    %cond3A_30 = arith.constant 0 : i32
    %cond3A_31 = arith.cmpi ne, %convert_element_type3A_29, %cond3A_30 : i32
    scf.if %cond3A_31 {
      "tpu.region"() ({
        %run_scoped3A = tpu.sem_alloc : memref<!tpu.dma_semaphore, #tpu.memory_space<semaphore_mem>>
        %dma_start3A = arith.constant 9480 : i32
        %dma_start3A_32 = arith.constant 0 : i32
        %dma_start3A_33 = tpu.memref_slice %arg3[%arg0, %dma_start3A, %dma_start3A_32] : memref<2x10000x16xbf16, #tpu.memory_space<hbm>> -> memref<1x520x16xbf16, #tpu.memory_space<hbm>>
        %dma_start3A_34 = tpu.memref_squeeze %dma_start3A_33 : memref<1x520x16xbf16, #tpu.memory_space<hbm>> -> memref<520x16xbf16, #tpu.memory_space<hbm>>
        %dma_start3A_35 = arith.constant 9480 : i32
        %dma_start3A_36 = arith.constant 0 : i32
        %dma_start3A_37 = tpu.memref_slice %arg7[%dma_start3A_35, %dma_start3A_36] : memref<10112x16xbf16, #tpu.memory_space<vmem_shared>> -> memref<520x16xbf16, #tpu.memory_space<vmem_shared>>
        tpu.enqueue_dma source(%dma_start3A_37 : memref<520x16xbf16, #tpu.memory_space<vmem_shared>>) target(%dma_start3A_34 : memref<520x16xbf16, #tpu.memory_space<hbm>>) target_semaphore(%run_scoped3A : memref<!tpu.dma_semaphore, #tpu.memory_space<semaphore_mem>>)
        %dma_wait3A = arith.constant 9480 : i32
        %dma_wait3A_38 = arith.constant 0 : i32
        %dma_wait3A_39 = tpu.memref_slice %arg3[%arg0, %dma_wait3A, %dma_wait3A_38] : memref<2x10000x16xbf16, #tpu.memory_space<hbm>> -> memref<1x520x16xbf16, #tpu.memory_space<hbm>>
        %dma_wait3A_40 = tpu.memref_squeeze %dma_wait3A_39 : memref<1x520x16xbf16, #tpu.memory_space<hbm>> -> memref<520x16xbf16, #tpu.memory_space<hbm>>
        %dma_wait3A_41 = arith.constant 9480 : i32
        %dma_wait3A_42 = arith.constant 0 : i32
        %dma_wait3A_43 = tpu.memref_slice %arg7[%dma_wait3A_41, %dma_wait3A_42] : memref<10112x16xbf16, #tpu.memory_space<vmem_shared>> -> memref<520x16xbf16, #tpu.memory_space<vmem_shared>>
        tpu.wait_dma2 semaphore(%run_scoped3A : memref<!tpu.dma_semaphore, #tpu.memory_space<semaphore_mem>>) src(%dma_wait3A_43 : memref<520x16xbf16, #tpu.memory_space<vmem_shared>>) dst(%dma_wait3A_40 : memref<520x16xbf16, #tpu.memory_space<hbm>>)
        tpu.yield
      }) : () -> ()
    } else {
    }
    return
  }
}

#map = affine_map<(d0, d1) -> (0, 0)>
#map1 = affine_map<(d0, d1) -> (0, 0, 0)>
module attributes {stable_mosaic.version = 14 : i64} {
  func.func @_sc_aggregate(%arg0: i32, %arg1: i32, %arg2: memref<10000x32xbf16, #tpu.memory_space<hbm>>, %arg3: memref<1280x128xi32, #tpu.memory_space<hbm>>, %arg4: memref<1280x128xi32, #tpu.memory_space<hbm>>, %arg5: memref<2x10000x32xbf16, #tpu.memory_space<hbm>>, %arg6: memref<64x128xi32, #tpu.memory_space<vmem>>, %arg7: memref<64x128xi32, #tpu.memory_space<vmem>>, %arg8: memref<4x128x32xbf16, #tpu.memory_space<vmem>>, %arg9: memref<632x32xbf16, #tpu.memory_space<vmem>>, %arg10: memref<10112x32xbf16, #tpu.memory_space<vmem_shared>>, %arg11: memref<!tpu.dma_semaphore, #tpu.memory_space<semaphore_mem>>, %arg12: memref<!tpu.dma_semaphore, #tpu.memory_space<semaphore_mem>>, %arg13: memref<!tpu.dma_semaphore, #tpu.memory_space<semaphore_mem>>, %arg14: memref<!tpu.dma_semaphore, #tpu.memory_space<semaphore_mem>>, %arg15: memref<!tpu.dma_semaphore, #tpu.memory_space<semaphore_mem>>, %arg16: memref<!tpu.dma_semaphore, #tpu.memory_space<semaphore_mem>>, %arg17: memref<!tpu.dma_semaphore, #tpu.memory_space<semaphore_mem>>, %arg18: memref<!tpu.dma_semaphore, #tpu.memory_space<semaphore_mem>>) attributes {dimension_semantics = [#tpu.dimension_semantics<core_parallel>, #tpu.dimension_semantics<subcore_parallel>], iteration_bounds = array<i64: 2, 16>, scalar_prefetch = 0 : i64, scratch_operands = 13 : i64, tpu.core_type = #tpu.core_type<sc_vector_subcore>, window_params = [{transform_indices = #map}, {transform_indices = #map}, {transform_indices = #map}, {transform_indices = #map1}]} {
    %broadcast_in_dim3A = arith.constant 0.000000e+00 : bf16
    %broadcast_in_dim3A_0 = vector.broadcast %broadcast_in_dim3A : bf16 to vector<32xbf16>
    %scan3A = arith.constant 0 : i32
    %scan3A_1 = arith.constant 0 : i32
    %scan3A_2 = arith.constant 632 : i32
    %scan3A_3 = arith.addi %scan3A_1, %scan3A_2 : i32
    %scan3A_4 = arith.constant 1 : i32
    scf.for %scan3A_24 = %scan3A_1 to %scan3A_3 step %scan3A_4  : i32 {
      %swap3A = arith.index_cast %scan3A_24 : i32 to index
      %swap3A_25 = arith.constant 0 : index
      %swap3A_26 = tpu.vector_load %arg9[%swap3A, %swap3A_25] {strides = array<i32>} : memref<632x32xbf16, #tpu.memory_space<vmem>>, vector<1x32xbf16>,
      %swap3A_27 = vector.shape_cast %swap3A_26 : vector<1x32xbf16> to vector<32xbf16>
      %swap3A_28 = vector.shape_cast %broadcast_in_dim3A_0 : vector<32xbf16> to vector<1x32xbf16>
      tpu.vector_store %arg9[%swap3A, %swap3A_25], %swap3A_28 {strides = array<i32>} : memref<632x32xbf16, #tpu.memory_space<vmem>>, vector<1x32xbf16>,
    }
    %scan3A_5 = arith.constant 632 : i32
    %mul3A = arith.constant 632 : i32
    %mul3A_6 = arith.muli %arg1, %mul3A : i32
    "tpu.region"() ({
      %run_scoped3A = tpu.sem_alloc : memref<!tpu.dma_semaphore, #tpu.memory_space<semaphore_mem>>
      %dma_start3A = arith.constant 0 : i32
      %dma_start3A_24 = tpu.memref_slice %arg10[%mul3A_6, %dma_start3A] : memref<10112x32xbf16, #tpu.memory_space<vmem_shared>> -> memref<632x32xbf16, #tpu.memory_space<vmem_shared>>
      %dma_start3A_25 = arith.constant 0 : i32
      %dma_start3A_26 = tpu.memref_slice %arg10[%mul3A_6, %dma_start3A_25] : memref<10112x32xbf16, #tpu.memory_space<vmem_shared>> -> memref<632x32xbf16, #tpu.memory_space<vmem_shared>>
      tpu.enqueue_dma source(%arg9 : memref<632x32xbf16, #tpu.memory_space<vmem>>) target(%dma_start3A_26 : memref<632x32xbf16, #tpu.memory_space<vmem_shared>>) target_semaphore(%run_scoped3A : memref<!tpu.dma_semaphore, #tpu.memory_space<semaphore_mem>>)
      %dma_wait3A = arith.constant 0 : i32
      %dma_wait3A_27 = tpu.memref_slice %arg10[%mul3A_6, %dma_wait3A] : memref<10112x32xbf16, #tpu.memory_space<vmem_shared>> -> memref<632x32xbf16, #tpu.memory_space<vmem_shared>>
      %dma_wait3A_28 = arith.constant 0 : i32
      %dma_wait3A_29 = tpu.memref_slice %arg10[%mul3A_6, %dma_wait3A_28] : memref<10112x32xbf16, #tpu.memory_space<vmem_shared>> -> memref<632x32xbf16, #tpu.memory_space<vmem_shared>>
      tpu.wait_dma2 semaphore(%run_scoped3A : memref<!tpu.dma_semaphore, #tpu.memory_space<semaphore_mem>>) src(%arg9 : memref<632x32xbf16, #tpu.memory_space<vmem>>) dst(%dma_wait3A_29 : memref<632x32xbf16, #tpu.memory_space<vmem_shared>>)
      tpu.yield
    }) : () -> ()
    %barrier3A = arith.constant 0 : index
    tpu.barrier barrier_id(%barrier3A)
    %eq3A = arith.constant 0 : i32
    %eq3A_7 = arith.cmpi eq, %arg0, %eq3A : i32
    %convert_element_type3A = arith.extui %eq3A_7 : i1 to i32
    %cond3A = arith.constant 0 : i32
    %cond3A_8 = arith.cmpi ne, %convert_element_type3A, %cond3A : i32
    scf.if %cond3A_8 {
      %mul3A_24 = arith.constant 52 : i32
      %mul3A_25 = arith.muli %arg1, %mul3A_24 : i32
      "tpu.region"() ({
        %run_scoped3A = tpu.sem_alloc : memref<!tpu.dma_semaphore, #tpu.memory_space<semaphore_mem>>
        %dma_start3A_78 = arith.constant 0 : i32
        %dma_start3A_79 = arith.constant 0 : i32
        %dma_start3A_80 = tpu.memref_slice %arg6[%dma_start3A_78, %dma_start3A_79] : memref<64x128xi32, #tpu.memory_space<vmem>> -> memref<52x128xi32, #tpu.memory_space<vmem>>
        %dma_start3A_81 = arith.constant 0 : i32
        %dma_start3A_82 = tpu.memref_slice %arg3[%mul3A_25, %dma_start3A_81] : memref<1280x128xi32, #tpu.memory_space<hbm>> -> memref<52x128xi32, #tpu.memory_space<hbm>>
        %dma_start3A_83 = arith.constant 0 : i32
        %dma_start3A_84 = arith.constant 0 : i32
        %dma_start3A_85 = tpu.memref_slice %arg6[%dma_start3A_83, %dma_start3A_84] : memref<64x128xi32, #tpu.memory_space<vmem>> -> memref<52x128xi32, #tpu.memory_space<vmem>>
        %dma_start3A_86 = arith.constant 0 : i32
        %dma_start3A_87 = tpu.memref_slice %arg3[%mul3A_25, %dma_start3A_86] : memref<1280x128xi32, #tpu.memory_space<hbm>> -> memref<52x128xi32, #tpu.memory_space<hbm>>
        tpu.enqueue_dma source(%dma_start3A_87 : memref<52x128xi32, #tpu.memory_space<hbm>>) target(%dma_start3A_85 : memref<52x128xi32, #tpu.memory_space<vmem>>) target_semaphore(%run_scoped3A : memref<!tpu.dma_semaphore, #tpu.memory_space<semaphore_mem>>)
        %dma_wait3A_88 = arith.constant 0 : i32
        %dma_wait3A_89 = arith.constant 0 : i32
        %dma_wait3A_90 = tpu.memref_slice %arg6[%dma_wait3A_88, %dma_wait3A_89] : memref<64x128xi32, #tpu.memory_space<vmem>> -> memref<52x128xi32, #tpu.memory_space<vmem>>
        %dma_wait3A_91 = arith.constant 0 : i32
        %dma_wait3A_92 = tpu.memref_slice %arg3[%mul3A_25, %dma_wait3A_91] : memref<1280x128xi32, #tpu.memory_space<hbm>> -> memref<52x128xi32, #tpu.memory_space<hbm>>
        %dma_wait3A_93 = arith.constant 0 : i32
        %dma_wait3A_94 = arith.constant 0 : i32
        %dma_wait3A_95 = tpu.memref_slice %arg6[%dma_wait3A_93, %dma_wait3A_94] : memref<64x128xi32, #tpu.memory_space<vmem>> -> memref<52x128xi32, #tpu.memory_space<vmem>>
        %dma_wait3A_96 = arith.constant 0 : i32
        %dma_wait3A_97 = tpu.memref_slice %arg3[%mul3A_25, %dma_wait3A_96] : memref<1280x128xi32, #tpu.memory_space<hbm>> -> memref<52x128xi32, #tpu.memory_space<hbm>>
        tpu.wait_dma2 semaphore(%run_scoped3A : memref<!tpu.dma_semaphore, #tpu.memory_space<semaphore_mem>>) src(%dma_wait3A_97 : memref<52x128xi32, #tpu.memory_space<hbm>>) dst(%dma_wait3A_95 : memref<52x128xi32, #tpu.memory_space<vmem>>)
        tpu.yield
      }) : () -> ()
      "tpu.region"() ({
        %run_scoped3A = tpu.sem_alloc : memref<!tpu.dma_semaphore, #tpu.memory_space<semaphore_mem>>
        %dma_start3A_78 = arith.constant 0 : i32
        %dma_start3A_79 = arith.constant 0 : i32
        %dma_start3A_80 = tpu.memref_slice %arg7[%dma_start3A_78, %dma_start3A_79] : memref<64x128xi32, #tpu.memory_space<vmem>> -> memref<52x128xi32, #tpu.memory_space<vmem>>
        %dma_start3A_81 = arith.constant 0 : i32
        %dma_start3A_82 = tpu.memref_slice %arg4[%mul3A_25, %dma_start3A_81] : memref<1280x128xi32, #tpu.memory_space<hbm>> -> memref<52x128xi32, #tpu.memory_space<hbm>>
        %dma_start3A_83 = arith.constant 0 : i32
        %dma_start3A_84 = arith.constant 0 : i32
        %dma_start3A_85 = tpu.memref_slice %arg7[%dma_start3A_83, %dma_start3A_84] : memref<64x128xi32, #tpu.memory_space<vmem>> -> memref<52x128xi32, #tpu.memory_space<vmem>>
        %dma_start3A_86 = arith.constant 0 : i32
        %dma_start3A_87 = tpu.memref_slice %arg4[%mul3A_25, %dma_start3A_86] : memref<1280x128xi32, #tpu.memory_space<hbm>> -> memref<52x128xi32, #tpu.memory_space<hbm>>
        tpu.enqueue_dma source(%dma_start3A_87 : memref<52x128xi32, #tpu.memory_space<hbm>>) target(%dma_start3A_85 : memref<52x128xi32, #tpu.memory_space<vmem>>) target_semaphore(%run_scoped3A : memref<!tpu.dma_semaphore, #tpu.memory_space<semaphore_mem>>)
        %dma_wait3A_88 = arith.constant 0 : i32
        %dma_wait3A_89 = arith.constant 0 : i32
        %dma_wait3A_90 = tpu.memref_slice %arg7[%dma_wait3A_88, %dma_wait3A_89] : memref<64x128xi32, #tpu.memory_space<vmem>> -> memref<52x128xi32, #tpu.memory_space<vmem>>
        %dma_wait3A_91 = arith.constant 0 : i32
        %dma_wait3A_92 = tpu.memref_slice %arg4[%mul3A_25, %dma_wait3A_91] : memref<1280x128xi32, #tpu.memory_space<hbm>> -> memref<52x128xi32, #tpu.memory_space<hbm>>
        %dma_wait3A_93 = arith.constant 0 : i32
        %dma_wait3A_94 = arith.constant 0 : i32
        %dma_wait3A_95 = tpu.memref_slice %arg7[%dma_wait3A_93, %dma_wait3A_94] : memref<64x128xi32, #tpu.memory_space<vmem>> -> memref<52x128xi32, #tpu.memory_space<vmem>>
        %dma_wait3A_96 = arith.constant 0 : i32
        %dma_wait3A_97 = tpu.memref_slice %arg4[%mul3A_25, %dma_wait3A_96] : memref<1280x128xi32, #tpu.memory_space<hbm>> -> memref<52x128xi32, #tpu.memory_space<hbm>>
        tpu.wait_dma2 semaphore(%run_scoped3A : memref<!tpu.dma_semaphore, #tpu.memory_space<semaphore_mem>>) src(%dma_wait3A_97 : memref<52x128xi32, #tpu.memory_space<hbm>>) dst(%dma_wait3A_95 : memref<52x128xi32, #tpu.memory_space<vmem>>)
        tpu.yield
      }) : () -> ()
      %dma_start3A = arith.constant 0 : i32
      %dma_start3A_26 = arith.constant 0 : i32
      %dma_start3A_27 = arith.constant 0 : i32
      %dma_start3A_28 = arith.constant 0 : i32
      %dma_start3A_29 = tpu.memref_slice %arg8[%dma_start3A_26, %dma_start3A_27, %dma_start3A_28] : memref<4x128x32xbf16, #tpu.memory_space<vmem>> -> memref<1x128x32xbf16, #tpu.memory_space<vmem>>
      %dma_start3A_30 = tpu.memref_squeeze %dma_start3A_29 : memref<1x128x32xbf16, #tpu.memory_space<vmem>> -> memref<128x32xbf16, #tpu.memory_space<vmem>>
      %dma_start3A_31 = arith.constant 0 : i32
      %dma_start3A_32 = tpu.memref_slice %arg6[%dma_start3A, %dma_start3A_31] : memref<64x128xi32, #tpu.memory_space<vmem>> -> memref<1x128xi32, #tpu.memory_space<vmem>>
      %dma_start3A_33 = tpu.memref_squeeze %dma_start3A_32 : memref<1x128xi32, #tpu.memory_space<vmem>> -> memref<128xi32, #tpu.memory_space<vmem>>
      %dma_start3A_34 = arith.constant 0 : i32
      %dma_start3A_35 = arith.constant 0 : i32
      %dma_start3A_36 = tpu.memref_slice %arg2[%dma_start3A_34, %dma_start3A_35] : memref<10000x32xbf16, #tpu.memory_space<hbm>> -> memref<10000x32xbf16, #tpu.memory_space<hbm>>
      tpu.enqueue_indirect_dma source(%dma_start3A_36 : memref<10000x32xbf16, #tpu.memory_space<hbm>>) target(%dma_start3A_30 : memref<128x32xbf16, #tpu.memory_space<vmem>>) offsets(%dma_start3A_33 : memref<128xi32, #tpu.memory_space<vmem>>) semaphore(%arg11 : memref<!tpu.dma_semaphore, #tpu.memory_space<semaphore_mem>>)
      %dma_start3A_37 = arith.constant 1 : i32
      %dma_start3A_38 = arith.constant 1 : i32
      %dma_start3A_39 = arith.constant 0 : i32
      %dma_start3A_40 = arith.constant 0 : i32
      %dma_start3A_41 = tpu.memref_slice %arg8[%dma_start3A_38, %dma_start3A_39, %dma_start3A_40] : memref<4x128x32xbf16, #tpu.memory_space<vmem>> -> memref<1x128x32xbf16, #tpu.memory_space<vmem>>
      %dma_start3A_42 = tpu.memref_squeeze %dma_start3A_41 : memref<1x128x32xbf16, #tpu.memory_space<vmem>> -> memref<128x32xbf16, #tpu.memory_space<vmem>>
      %dma_start3A_43 = arith.constant 0 : i32
      %dma_start3A_44 = tpu.memref_slice %arg6[%dma_start3A_37, %dma_start3A_43] : memref<64x128xi32, #tpu.memory_space<vmem>> -> memref<1x128xi32, #tpu.memory_space<vmem>>
      %dma_start3A_45 = tpu.memref_squeeze %dma_start3A_44 : memref<1x128xi32, #tpu.memory_space<vmem>> -> memref<128xi32, #tpu.memory_space<vmem>>
      %dma_start3A_46 = arith.constant 0 : i32
      %dma_start3A_47 = arith.constant 0 : i32
      %dma_start3A_48 = tpu.memref_slice %arg2[%dma_start3A_46, %dma_start3A_47] : memref<10000x32xbf16, #tpu.memory_space<hbm>> -> memref<10000x32xbf16, #tpu.memory_space<hbm>>
      tpu.enqueue_indirect_dma source(%dma_start3A_48 : memref<10000x32xbf16, #tpu.memory_space<hbm>>) target(%dma_start3A_42 : memref<128x32xbf16, #tpu.memory_space<vmem>>) offsets(%dma_start3A_45 : memref<128xi32, #tpu.memory_space<vmem>>) semaphore(%arg12 : memref<!tpu.dma_semaphore, #tpu.memory_space<semaphore_mem>>)
      %scan3A_49 = arith.constant 0 : i32
      %scan3A_50 = arith.constant 0 : i32
      %scan3A_51 = arith.constant 13 : i32
      %scan3A_52 = arith.addi %scan3A_50, %scan3A_51 : i32
      %scan3A_53 = arith.constant 1 : i32
      scf.for %scan3A_78 = %scan3A_50 to %scan3A_52 step %scan3A_53  : i32 {
        %mul3A_79 = arith.constant 4 : i32
        %mul3A_80 = arith.muli %scan3A_78, %mul3A_79 : i32
        %add3A = arith.constant 0 : i32
        %add3A_81 = arith.addi %mul3A_80, %add3A : i32
        %ge3A = arith.constant 2 : i32
        %ge3A_82 = arith.cmpi sge, %add3A_81, %ge3A : i32
        %convert_element_type3A_83 = arith.extui %ge3A_82 : i1 to i32
        %cond3A_84 = arith.constant 0 : i32
        %cond3A_85 = arith.cmpi ne, %convert_element_type3A_83, %cond3A_84 : i32
        scf.if %cond3A_85 {
          %dma_wait3A_229 = arith.constant 2 : i32
          %dma_wait3A_230 = arith.constant 0 : i32
          %dma_wait3A_231 = arith.constant 0 : i32
          %dma_wait3A_232 = arith.constant 0 : i32
          %dma_wait3A_233 = tpu.memref_slice %arg8[%dma_wait3A_229, %dma_wait3A_231, %dma_wait3A_232] : memref<4x128x32xbf16, #tpu.memory_space<vmem>> -> memref<1x128x32xbf16, #tpu.memory_space<vmem>>
          %dma_wait3A_234 = tpu.memref_squeeze %dma_wait3A_233 : memref<1x128x32xbf16, #tpu.memory_space<vmem>> -> memref<128x32xbf16, #tpu.memory_space<vmem>>
          %dma_wait3A_235 = arith.constant 0 : i32
          %dma_wait3A_236 = tpu.memref_slice %arg7[%dma_wait3A_230, %dma_wait3A_235] : memref<64x128xi32, #tpu.memory_space<vmem>> -> memref<1x128xi32, #tpu.memory_space<vmem>>
          %dma_wait3A_237 = tpu.memref_squeeze %dma_wait3A_236 : memref<1x128xi32, #tpu.memory_space<vmem>> -> memref<128xi32, #tpu.memory_space<vmem>>
          %dma_wait3A_238 = arith.constant 0 : i32
          %dma_wait3A_239 = arith.constant 0 : i32
          %dma_wait3A_240 = tpu.memref_slice %arg10[%dma_wait3A_238, %dma_wait3A_239] : memref<10112x32xbf16, #tpu.memory_space<vmem_shared>> -> memref<10112x32xbf16, #tpu.memory_space<vmem_shared>>
          tpu.wait_indirect_dma semaphore(%arg17 : memref<!tpu.dma_semaphore, #tpu.memory_space<semaphore_mem>>) src(%dma_wait3A_234 : memref<128x32xbf16, #tpu.memory_space<vmem>>) dst(%dma_wait3A_240 : memref<10112x32xbf16, #tpu.memory_space<vmem_shared>>)
        } else {
        }
        %add3A_86 = arith.constant 2 : i32
        %add3A_87 = arith.addi %add3A_81, %add3A_86 : i32
        %lt3A_88 = arith.constant 52 : i32
        %lt3A_89 = arith.cmpi slt, %add3A_87, %lt3A_88 : i32
        %convert_element_type3A_90 = arith.extui %lt3A_89 : i1 to i32
        %cond3A_91 = arith.constant 0 : i32
        %cond3A_92 = arith.cmpi ne, %convert_element_type3A_90, %cond3A_91 : i32
        scf.if %cond3A_92 {
          %add3A_229 = arith.constant 2 : i32
          %add3A_230 = arith.addi %add3A_81, %add3A_229 : i32
          %dma_start3A_231 = arith.constant 2 : i32
          %dma_start3A_232 = arith.constant 0 : i32
          %dma_start3A_233 = arith.constant 0 : i32
          %dma_start3A_234 = tpu.memref_slice %arg8[%dma_start3A_231, %dma_start3A_232, %dma_start3A_233] : memref<4x128x32xbf16, #tpu.memory_space<vmem>> -> memref<1x128x32xbf16, #tpu.memory_space<vmem>>
          %dma_start3A_235 = tpu.memref_squeeze %dma_start3A_234 : memref<1x128x32xbf16, #tpu.memory_space<vmem>> -> memref<128x32xbf16, #tpu.memory_space<vmem>>
          %dma_start3A_236 = arith.constant 0 : i32
          %dma_start3A_237 = tpu.memref_slice %arg6[%add3A_230, %dma_start3A_236] : memref<64x128xi32, #tpu.memory_space<vmem>> -> memref<1x128xi32, #tpu.memory_space<vmem>>
          %dma_start3A_238 = tpu.memref_squeeze %dma_start3A_237 : memref<1x128xi32, #tpu.memory_space<vmem>> -> memref<128xi32, #tpu.memory_space<vmem>>
          %dma_start3A_239 = arith.constant 0 : i32
          %dma_start3A_240 = arith.constant 0 : i32
          %dma_start3A_241 = tpu.memref_slice %arg2[%dma_start3A_239, %dma_start3A_240] : memref<10000x32xbf16, #tpu.memory_space<hbm>> -> memref<10000x32xbf16, #tpu.memory_space<hbm>>
          tpu.enqueue_indirect_dma source(%dma_start3A_241 : memref<10000x32xbf16, #tpu.memory_space<hbm>>) target(%dma_start3A_235 : memref<128x32xbf16, #tpu.memory_space<vmem>>) offsets(%dma_start3A_238 : memref<128xi32, #tpu.memory_space<vmem>>) semaphore(%arg13 : memref<!tpu.dma_semaphore, #tpu.memory_space<semaphore_mem>>)
        } else {
        }
        %dma_wait3A_93 = arith.constant 0 : i32
        %dma_wait3A_94 = arith.constant 0 : i32
        %dma_wait3A_95 = arith.constant 0 : i32
        %dma_wait3A_96 = tpu.memref_slice %arg8[%dma_wait3A_93, %dma_wait3A_94, %dma_wait3A_95] : memref<4x128x32xbf16, #tpu.memory_space<vmem>> -> memref<1x128x32xbf16, #tpu.memory_space<vmem>>
        %dma_wait3A_97 = tpu.memref_squeeze %dma_wait3A_96 : memref<1x128x32xbf16, #tpu.memory_space<vmem>> -> memref<128x32xbf16, #tpu.memory_space<vmem>>
        %dma_wait3A_98 = arith.constant 0 : i32
        %dma_wait3A_99 = tpu.memref_slice %arg6[%add3A_81, %dma_wait3A_98] : memref<64x128xi32, #tpu.memory_space<vmem>> -> memref<1x128xi32, #tpu.memory_space<vmem>>
        %dma_wait3A_100 = tpu.memref_squeeze %dma_wait3A_99 : memref<1x128xi32, #tpu.memory_space<vmem>> -> memref<128xi32, #tpu.memory_space<vmem>>
        %dma_wait3A_101 = arith.constant 0 : i32
        %dma_wait3A_102 = arith.constant 0 : i32
        %dma_wait3A_103 = tpu.memref_slice %arg2[%dma_wait3A_101, %dma_wait3A_102] : memref<10000x32xbf16, #tpu.memory_space<hbm>> -> memref<10000x32xbf16, #tpu.memory_space<hbm>>
        tpu.wait_indirect_dma semaphore(%arg11 : memref<!tpu.dma_semaphore, #tpu.memory_space<semaphore_mem>>) src(%dma_wait3A_103 : memref<10000x32xbf16, #tpu.memory_space<hbm>>) dst(%dma_wait3A_97 : memref<128x32xbf16, #tpu.memory_space<vmem>>)
        %dma_start3A_104 = arith.constant 0 : i32
        %dma_start3A_105 = arith.constant 0 : i32
        %dma_start3A_106 = arith.constant 0 : i32
        %dma_start3A_107 = tpu.memref_slice %arg8[%dma_start3A_104, %dma_start3A_105, %dma_start3A_106] : memref<4x128x32xbf16, #tpu.memory_space<vmem>> -> memref<1x128x32xbf16, #tpu.memory_space<vmem>>
        %dma_start3A_108 = tpu.memref_squeeze %dma_start3A_107 : memref<1x128x32xbf16, #tpu.memory_space<vmem>> -> memref<128x32xbf16, #tpu.memory_space<vmem>>
        %dma_start3A_109 = arith.constant 0 : i32
        %dma_start3A_110 = tpu.memref_slice %arg7[%add3A_81, %dma_start3A_109] : memref<64x128xi32, #tpu.memory_space<vmem>> -> memref<1x128xi32, #tpu.memory_space<vmem>>
        %dma_start3A_111 = tpu.memref_squeeze %dma_start3A_110 : memref<1x128xi32, #tpu.memory_space<vmem>> -> memref<128xi32, #tpu.memory_space<vmem>>
        %dma_start3A_112 = arith.constant 0 : i32
        %dma_start3A_113 = arith.constant 0 : i32
        %dma_start3A_114 = tpu.memref_slice %arg10[%dma_start3A_112, %dma_start3A_113] : memref<10112x32xbf16, #tpu.memory_space<vmem_shared>> -> memref<10112x32xbf16, #tpu.memory_space<vmem_shared>>
        tpu.enqueue_indirect_dma source(%dma_start3A_108 : memref<128x32xbf16, #tpu.memory_space<vmem>>) target(%dma_start3A_114 : memref<10112x32xbf16, #tpu.memory_space<vmem_shared>>) offsets(%dma_start3A_111 : memref<128xi32, #tpu.memory_space<vmem>>) semaphore(%arg15 : memref<!tpu.dma_semaphore, #tpu.memory_space<semaphore_mem>>) {add = true}
        %mul3A_115 = arith.constant 4 : i32
        %mul3A_116 = arith.muli %scan3A_78, %mul3A_115 : i32
        %add3A_117 = arith.constant 1 : i32
        %add3A_118 = arith.addi %mul3A_116, %add3A_117 : i32
        %ge3A_119 = arith.constant 2 : i32
        %ge3A_120 = arith.cmpi sge, %add3A_118, %ge3A_119 : i32
        %convert_element_type3A_121 = arith.extui %ge3A_120 : i1 to i32
        %cond3A_122 = arith.constant 0 : i32
        %cond3A_123 = arith.cmpi ne, %convert_element_type3A_121, %cond3A_122 : i32
        scf.if %cond3A_123 {
          %dma_wait3A_229 = arith.constant 3 : i32
          %dma_wait3A_230 = arith.constant 0 : i32
          %dma_wait3A_231 = arith.constant 0 : i32
          %dma_wait3A_232 = arith.constant 0 : i32
          %dma_wait3A_233 = tpu.memref_slice %arg8[%dma_wait3A_229, %dma_wait3A_231, %dma_wait3A_232] : memref<4x128x32xbf16, #tpu.memory_space<vmem>> -> memref<1x128x32xbf16, #tpu.memory_space<vmem>>
          %dma_wait3A_234 = tpu.memref_squeeze %dma_wait3A_233 : memref<1x128x32xbf16, #tpu.memory_space<vmem>> -> memref<128x32xbf16, #tpu.memory_space<vmem>>
          %dma_wait3A_235 = arith.constant 0 : i32
          %dma_wait3A_236 = tpu.memref_slice %arg7[%dma_wait3A_230, %dma_wait3A_235] : memref<64x128xi32, #tpu.memory_space<vmem>> -> memref<1x128xi32, #tpu.memory_space<vmem>>
          %dma_wait3A_237 = tpu.memref_squeeze %dma_wait3A_236 : memref<1x128xi32, #tpu.memory_space<vmem>> -> memref<128xi32, #tpu.memory_space<vmem>>
          %dma_wait3A_238 = arith.constant 0 : i32
          %dma_wait3A_239 = arith.constant 0 : i32
          %dma_wait3A_240 = tpu.memref_slice %arg10[%dma_wait3A_238, %dma_wait3A_239] : memref<10112x32xbf16, #tpu.memory_space<vmem_shared>> -> memref<10112x32xbf16, #tpu.memory_space<vmem_shared>>
          tpu.wait_indirect_dma semaphore(%arg18 : memref<!tpu.dma_semaphore, #tpu.memory_space<semaphore_mem>>) src(%dma_wait3A_234 : memref<128x32xbf16, #tpu.memory_space<vmem>>) dst(%dma_wait3A_240 : memref<10112x32xbf16, #tpu.memory_space<vmem_shared>>)
        } else {
        }
        %add3A_124 = arith.constant 2 : i32
        %add3A_125 = arith.addi %add3A_118, %add3A_124 : i32
        %lt3A_126 = arith.constant 52 : i32
        %lt3A_127 = arith.cmpi slt, %add3A_125, %lt3A_126 : i32
        %convert_element_type3A_128 = arith.extui %lt3A_127 : i1 to i32
        %cond3A_129 = arith.constant 0 : i32
        %cond3A_130 = arith.cmpi ne, %convert_element_type3A_128, %cond3A_129 : i32
        scf.if %cond3A_130 {
          %add3A_229 = arith.constant 2 : i32
          %add3A_230 = arith.addi %add3A_118, %add3A_229 : i32
          %dma_start3A_231 = arith.constant 3 : i32
          %dma_start3A_232 = arith.constant 0 : i32
          %dma_start3A_233 = arith.constant 0 : i32
          %dma_start3A_234 = tpu.memref_slice %arg8[%dma_start3A_231, %dma_start3A_232, %dma_start3A_233] : memref<4x128x32xbf16, #tpu.memory_space<vmem>> -> memref<1x128x32xbf16, #tpu.memory_space<vmem>>
          %dma_start3A_235 = tpu.memref_squeeze %dma_start3A_234 : memref<1x128x32xbf16, #tpu.memory_space<vmem>> -> memref<128x32xbf16, #tpu.memory_space<vmem>>
          %dma_start3A_236 = arith.constant 0 : i32
          %dma_start3A_237 = tpu.memref_slice %arg6[%add3A_230, %dma_start3A_236] : memref<64x128xi32, #tpu.memory_space<vmem>> -> memref<1x128xi32, #tpu.memory_space<vmem>>
          %dma_start3A_238 = tpu.memref_squeeze %dma_start3A_237 : memref<1x128xi32, #tpu.memory_space<vmem>> -> memref<128xi32, #tpu.memory_space<vmem>>
          %dma_start3A_239 = arith.constant 0 : i32
          %dma_start3A_240 = arith.constant 0 : i32
          %dma_start3A_241 = tpu.memref_slice %arg2[%dma_start3A_239, %dma_start3A_240] : memref<10000x32xbf16, #tpu.memory_space<hbm>> -> memref<10000x32xbf16, #tpu.memory_space<hbm>>
          tpu.enqueue_indirect_dma source(%dma_start3A_241 : memref<10000x32xbf16, #tpu.memory_space<hbm>>) target(%dma_start3A_235 : memref<128x32xbf16, #tpu.memory_space<vmem>>) offsets(%dma_start3A_238 : memref<128xi32, #tpu.memory_space<vmem>>) semaphore(%arg14 : memref<!tpu.dma_semaphore, #tpu.memory_space<semaphore_mem>>)
        } else {
        }
        %dma_wait3A_131 = arith.constant 1 : i32
        %dma_wait3A_132 = arith.constant 0 : i32
        %dma_wait3A_133 = arith.constant 0 : i32
        %dma_wait3A_134 = tpu.memref_slice %arg8[%dma_wait3A_131, %dma_wait3A_132, %dma_wait3A_133] : memref<4x128x32xbf16, #tpu.memory_space<vmem>> -> memref<1x128x32xbf16, #tpu.memory_space<vmem>>
        %dma_wait3A_135 = tpu.memref_squeeze %dma_wait3A_134 : memref<1x128x32xbf16, #tpu.memory_space<vmem>> -> memref<128x32xbf16, #tpu.memory_space<vmem>>
        %dma_wait3A_136 = arith.constant 0 : i32
        %dma_wait3A_137 = tpu.memref_slice %arg6[%add3A_118, %dma_wait3A_136] : memref<64x128xi32, #tpu.memory_space<vmem>> -> memref<1x128xi32, #tpu.memory_space<vmem>>
        %dma_wait3A_138 = tpu.memref_squeeze %dma_wait3A_137 : memref<1x128xi32, #tpu.memory_space<vmem>> -> memref<128xi32, #tpu.memory_space<vmem>>
        %dma_wait3A_139 = arith.constant 0 : i32
        %dma_wait3A_140 = arith.constant 0 : i32
        %dma_wait3A_141 = tpu.memref_slice %arg2[%dma_wait3A_139, %dma_wait3A_140] : memref<10000x32xbf16, #tpu.memory_space<hbm>> -> memref<10000x32xbf16, #tpu.memory_space<hbm>>
        tpu.wait_indirect_dma semaphore(%arg12 : memref<!tpu.dma_semaphore, #tpu.memory_space<semaphore_mem>>) src(%dma_wait3A_141 : memref<10000x32xbf16, #tpu.memory_space<hbm>>) dst(%dma_wait3A_135 : memref<128x32xbf16, #tpu.memory_space<vmem>>)
        %dma_start3A_142 = arith.constant 1 : i32
        %dma_start3A_143 = arith.constant 0 : i32
        %dma_start3A_144 = arith.constant 0 : i32
        %dma_start3A_145 = tpu.memref_slice %arg8[%dma_start3A_142, %dma_start3A_143, %dma_start3A_144] : memref<4x128x32xbf16, #tpu.memory_space<vmem>> -> memref<1x128x32xbf16, #tpu.memory_space<vmem>>
        %dma_start3A_146 = tpu.memref_squeeze %dma_start3A_145 : memref<1x128x32xbf16, #tpu.memory_space<vmem>> -> memref<128x32xbf16, #tpu.memory_space<vmem>>
        %dma_start3A_147 = arith.constant 0 : i32
        %dma_start3A_148 = tpu.memref_slice %arg7[%add3A_118, %dma_start3A_147] : memref<64x128xi32, #tpu.memory_space<vmem>> -> memref<1x128xi32, #tpu.memory_space<vmem>>
        %dma_start3A_149 = tpu.memref_squeeze %dma_start3A_148 : memref<1x128xi32, #tpu.memory_space<vmem>> -> memref<128xi32, #tpu.memory_space<vmem>>
        %dma_start3A_150 = arith.constant 0 : i32
        %dma_start3A_151 = arith.constant 0 : i32
        %dma_start3A_152 = tpu.memref_slice %arg10[%dma_start3A_150, %dma_start3A_151] : memref<10112x32xbf16, #tpu.memory_space<vmem_shared>> -> memref<10112x32xbf16, #tpu.memory_space<vmem_shared>>
        tpu.enqueue_indirect_dma source(%dma_start3A_146 : memref<128x32xbf16, #tpu.memory_space<vmem>>) target(%dma_start3A_152 : memref<10112x32xbf16, #tpu.memory_space<vmem_shared>>) offsets(%dma_start3A_149 : memref<128xi32, #tpu.memory_space<vmem>>) semaphore(%arg16 : memref<!tpu.dma_semaphore, #tpu.memory_space<semaphore_mem>>) {add = true}
        %mul3A_153 = arith.constant 4 : i32
        %mul3A_154 = arith.muli %scan3A_78, %mul3A_153 : i32
        %add3A_155 = arith.constant 2 : i32
        %add3A_156 = arith.addi %mul3A_154, %add3A_155 : i32
        %ge3A_157 = arith.constant 2 : i32
        %ge3A_158 = arith.cmpi sge, %add3A_156, %ge3A_157 : i32
        %convert_element_type3A_159 = arith.extui %ge3A_158 : i1 to i32
        %cond3A_160 = arith.constant 0 : i32
        %cond3A_161 = arith.cmpi ne, %convert_element_type3A_159, %cond3A_160 : i32
        scf.if %cond3A_161 {
          %dma_wait3A_229 = arith.constant 0 : i32
          %dma_wait3A_230 = arith.constant 0 : i32
          %dma_wait3A_231 = arith.constant 0 : i32
          %dma_wait3A_232 = arith.constant 0 : i32
          %dma_wait3A_233 = tpu.memref_slice %arg8[%dma_wait3A_229, %dma_wait3A_231, %dma_wait3A_232] : memref<4x128x32xbf16, #tpu.memory_space<vmem>> -> memref<1x128x32xbf16, #tpu.memory_space<vmem>>
          %dma_wait3A_234 = tpu.memref_squeeze %dma_wait3A_233 : memref<1x128x32xbf16, #tpu.memory_space<vmem>> -> memref<128x32xbf16, #tpu.memory_space<vmem>>
          %dma_wait3A_235 = arith.constant 0 : i32
          %dma_wait3A_236 = tpu.memref_slice %arg7[%dma_wait3A_230, %dma_wait3A_235] : memref<64x128xi32, #tpu.memory_space<vmem>> -> memref<1x128xi32, #tpu.memory_space<vmem>>
          %dma_wait3A_237 = tpu.memref_squeeze %dma_wait3A_236 : memref<1x128xi32, #tpu.memory_space<vmem>> -> memref<128xi32, #tpu.memory_space<vmem>>
          %dma_wait3A_238 = arith.constant 0 : i32
          %dma_wait3A_239 = arith.constant 0 : i32
          %dma_wait3A_240 = tpu.memref_slice %arg10[%dma_wait3A_238, %dma_wait3A_239] : memref<10112x32xbf16, #tpu.memory_space<vmem_shared>> -> memref<10112x32xbf16, #tpu.memory_space<vmem_shared>>
          tpu.wait_indirect_dma semaphore(%arg15 : memref<!tpu.dma_semaphore, #tpu.memory_space<semaphore_mem>>) src(%dma_wait3A_234 : memref<128x32xbf16, #tpu.memory_space<vmem>>) dst(%dma_wait3A_240 : memref<10112x32xbf16, #tpu.memory_space<vmem_shared>>)
        } else {
        }
        %add3A_162 = arith.constant 2 : i32
        %add3A_163 = arith.addi %add3A_156, %add3A_162 : i32
        %lt3A_164 = arith.constant 52 : i32
        %lt3A_165 = arith.cmpi slt, %add3A_163, %lt3A_164 : i32
        %convert_element_type3A_166 = arith.extui %lt3A_165 : i1 to i32
        %cond3A_167 = arith.constant 0 : i32
        %cond3A_168 = arith.cmpi ne, %convert_element_type3A_166, %cond3A_167 : i32
        scf.if %cond3A_168 {
          %add3A_229 = arith.constant 2 : i32
          %add3A_230 = arith.addi %add3A_156, %add3A_229 : i32
          %dma_start3A_231 = arith.constant 0 : i32
          %dma_start3A_232 = arith.constant 0 : i32
          %dma_start3A_233 = arith.constant 0 : i32
          %dma_start3A_234 = tpu.memref_slice %arg8[%dma_start3A_231, %dma_start3A_232, %dma_start3A_233] : memref<4x128x32xbf16, #tpu.memory_space<vmem>> -> memref<1x128x32xbf16, #tpu.memory_space<vmem>>
          %dma_start3A_235 = tpu.memref_squeeze %dma_start3A_234 : memref<1x128x32xbf16, #tpu.memory_space<vmem>> -> memref<128x32xbf16, #tpu.memory_space<vmem>>
          %dma_start3A_236 = arith.constant 0 : i32
          %dma_start3A_237 = tpu.memref_slice %arg6[%add3A_230, %dma_start3A_236] : memref<64x128xi32, #tpu.memory_space<vmem>> -> memref<1x128xi32, #tpu.memory_space<vmem>>
          %dma_start3A_238 = tpu.memref_squeeze %dma_start3A_237 : memref<1x128xi32, #tpu.memory_space<vmem>> -> memref<128xi32, #tpu.memory_space<vmem>>
          %dma_start3A_239 = arith.constant 0 : i32
          %dma_start3A_240 = arith.constant 0 : i32
          %dma_start3A_241 = tpu.memref_slice %arg2[%dma_start3A_239, %dma_start3A_240] : memref<10000x32xbf16, #tpu.memory_space<hbm>> -> memref<10000x32xbf16, #tpu.memory_space<hbm>>
          tpu.enqueue_indirect_dma source(%dma_start3A_241 : memref<10000x32xbf16, #tpu.memory_space<hbm>>) target(%dma_start3A_235 : memref<128x32xbf16, #tpu.memory_space<vmem>>) offsets(%dma_start3A_238 : memref<128xi32, #tpu.memory_space<vmem>>) semaphore(%arg11 : memref<!tpu.dma_semaphore, #tpu.memory_space<semaphore_mem>>)
        } else {
        }
        %dma_wait3A_169 = arith.constant 2 : i32
        %dma_wait3A_170 = arith.constant 0 : i32
        %dma_wait3A_171 = arith.constant 0 : i32
        %dma_wait3A_172 = tpu.memref_slice %arg8[%dma_wait3A_169, %dma_wait3A_170, %dma_wait3A_171] : memref<4x128x32xbf16, #tpu.memory_space<vmem>> -> memref<1x128x32xbf16, #tpu.memory_space<vmem>>
        %dma_wait3A_173 = tpu.memref_squeeze %dma_wait3A_172 : memref<1x128x32xbf16, #tpu.memory_space<vmem>> -> memref<128x32xbf16, #tpu.memory_space<vmem>>
        %dma_wait3A_174 = arith.constant 0 : i32
        %dma_wait3A_175 = tpu.memref_slice %arg6[%add3A_156, %dma_wait3A_174] : memref<64x128xi32, #tpu.memory_space<vmem>> -> memref<1x128xi32, #tpu.memory_space<vmem>>
        %dma_wait3A_176 = tpu.memref_squeeze %dma_wait3A_175 : memref<1x128xi32, #tpu.memory_space<vmem>> -> memref<128xi32, #tpu.memory_space<vmem>>
        %dma_wait3A_177 = arith.constant 0 : i32
        %dma_wait3A_178 = arith.constant 0 : i32
        %dma_wait3A_179 = tpu.memref_slice %arg2[%dma_wait3A_177, %dma_wait3A_178] : memref<10000x32xbf16, #tpu.memory_space<hbm>> -> memref<10000x32xbf16, #tpu.memory_space<hbm>>
        tpu.wait_indirect_dma semaphore(%arg13 : memref<!tpu.dma_semaphore, #tpu.memory_space<semaphore_mem>>) src(%dma_wait3A_179 : memref<10000x32xbf16, #tpu.memory_space<hbm>>) dst(%dma_wait3A_173 : memref<128x32xbf16, #tpu.memory_space<vmem>>)
        %dma_start3A_180 = arith.constant 2 : i32
        %dma_start3A_181 = arith.constant 0 : i32
        %dma_start3A_182 = arith.constant 0 : i32
        %dma_start3A_183 = tpu.memref_slice %arg8[%dma_start3A_180, %dma_start3A_181, %dma_start3A_182] : memref<4x128x32xbf16, #tpu.memory_space<vmem>> -> memref<1x128x32xbf16, #tpu.memory_space<vmem>>
        %dma_start3A_184 = tpu.memref_squeeze %dma_start3A_183 : memref<1x128x32xbf16, #tpu.memory_space<vmem>> -> memref<128x32xbf16, #tpu.memory_space<vmem>>
        %dma_start3A_185 = arith.constant 0 : i32
        %dma_start3A_186 = tpu.memref_slice %arg7[%add3A_156, %dma_start3A_185] : memref<64x128xi32, #tpu.memory_space<vmem>> -> memref<1x128xi32, #tpu.memory_space<vmem>>
        %dma_start3A_187 = tpu.memref_squeeze %dma_start3A_186 : memref<1x128xi32, #tpu.memory_space<vmem>> -> memref<128xi32, #tpu.memory_space<vmem>>
        %dma_start3A_188 = arith.constant 0 : i32
        %dma_start3A_189 = arith.constant 0 : i32
        %dma_start3A_190 = tpu.memref_slice %arg10[%dma_start3A_188, %dma_start3A_189] : memref<10112x32xbf16, #tpu.memory_space<vmem_shared>> -> memref<10112x32xbf16, #tpu.memory_space<vmem_shared>>
        tpu.enqueue_indirect_dma source(%dma_start3A_184 : memref<128x32xbf16, #tpu.memory_space<vmem>>) target(%dma_start3A_190 : memref<10112x32xbf16, #tpu.memory_space<vmem_shared>>) offsets(%dma_start3A_187 : memref<128xi32, #tpu.memory_space<vmem>>) semaphore(%arg17 : memref<!tpu.dma_semaphore, #tpu.memory_space<semaphore_mem>>) {add = true}
        %mul3A_191 = arith.constant 4 : i32
        %mul3A_192 = arith.muli %scan3A_78, %mul3A_191 : i32
        %add3A_193 = arith.constant 3 : i32
        %add3A_194 = arith.addi %mul3A_192, %add3A_193 : i32
        %ge3A_195 = arith.constant 2 : i32
        %ge3A_196 = arith.cmpi sge, %add3A_194, %ge3A_195 : i32
        %convert_element_type3A_197 = arith.extui %ge3A_196 : i1 to i32
        %cond3A_198 = arith.constant 0 : i32
        %cond3A_199 = arith.cmpi ne, %convert_element_type3A_197, %cond3A_198 : i32
        scf.if %cond3A_199 {
          %dma_wait3A_229 = arith.constant 1 : i32
          %dma_wait3A_230 = arith.constant 0 : i32
          %dma_wait3A_231 = arith.constant 0 : i32
          %dma_wait3A_232 = arith.constant 0 : i32
          %dma_wait3A_233 = tpu.memref_slice %arg8[%dma_wait3A_229, %dma_wait3A_231, %dma_wait3A_232] : memref<4x128x32xbf16, #tpu.memory_space<vmem>> -> memref<1x128x32xbf16, #tpu.memory_space<vmem>>
          %dma_wait3A_234 = tpu.memref_squeeze %dma_wait3A_233 : memref<1x128x32xbf16, #tpu.memory_space<vmem>> -> memref<128x32xbf16, #tpu.memory_space<vmem>>
          %dma_wait3A_235 = arith.constant 0 : i32
          %dma_wait3A_236 = tpu.memref_slice %arg7[%dma_wait3A_230, %dma_wait3A_235] : memref<64x128xi32, #tpu.memory_space<vmem>> -> memref<1x128xi32, #tpu.memory_space<vmem>>
          %dma_wait3A_237 = tpu.memref_squeeze %dma_wait3A_236 : memref<1x128xi32, #tpu.memory_space<vmem>> -> memref<128xi32, #tpu.memory_space<vmem>>
          %dma_wait3A_238 = arith.constant 0 : i32
          %dma_wait3A_239 = arith.constant 0 : i32
          %dma_wait3A_240 = tpu.memref_slice %arg10[%dma_wait3A_238, %dma_wait3A_239] : memref<10112x32xbf16, #tpu.memory_space<vmem_shared>> -> memref<10112x32xbf16, #tpu.memory_space<vmem_shared>>
          tpu.wait_indirect_dma semaphore(%arg16 : memref<!tpu.dma_semaphore, #tpu.memory_space<semaphore_mem>>) src(%dma_wait3A_234 : memref<128x32xbf16, #tpu.memory_space<vmem>>) dst(%dma_wait3A_240 : memref<10112x32xbf16, #tpu.memory_space<vmem_shared>>)
        } else {
        }
        %add3A_200 = arith.constant 2 : i32
        %add3A_201 = arith.addi %add3A_194, %add3A_200 : i32
        %lt3A_202 = arith.constant 52 : i32
        %lt3A_203 = arith.cmpi slt, %add3A_201, %lt3A_202 : i32
        %convert_element_type3A_204 = arith.extui %lt3A_203 : i1 to i32
        %cond3A_205 = arith.constant 0 : i32
        %cond3A_206 = arith.cmpi ne, %convert_element_type3A_204, %cond3A_205 : i32
        scf.if %cond3A_206 {
          %add3A_229 = arith.constant 2 : i32
          %add3A_230 = arith.addi %add3A_194, %add3A_229 : i32
          %dma_start3A_231 = arith.constant 1 : i32
          %dma_start3A_232 = arith.constant 0 : i32
          %dma_start3A_233 = arith.constant 0 : i32
          %dma_start3A_234 = tpu.memref_slice %arg8[%dma_start3A_231, %dma_start3A_232, %dma_start3A_233] : memref<4x128x32xbf16, #tpu.memory_space<vmem>> -> memref<1x128x32xbf16, #tpu.memory_space<vmem>>
          %dma_start3A_235 = tpu.memref_squeeze %dma_start3A_234 : memref<1x128x32xbf16, #tpu.memory_space<vmem>> -> memref<128x32xbf16, #tpu.memory_space<vmem>>
          %dma_start3A_236 = arith.constant 0 : i32
          %dma_start3A_237 = tpu.memref_slice %arg6[%add3A_230, %dma_start3A_236] : memref<64x128xi32, #tpu.memory_space<vmem>> -> memref<1x128xi32, #tpu.memory_space<vmem>>
          %dma_start3A_238 = tpu.memref_squeeze %dma_start3A_237 : memref<1x128xi32, #tpu.memory_space<vmem>> -> memref<128xi32, #tpu.memory_space<vmem>>
          %dma_start3A_239 = arith.constant 0 : i32
          %dma_start3A_240 = arith.constant 0 : i32
          %dma_start3A_241 = tpu.memref_slice %arg2[%dma_start3A_239, %dma_start3A_240] : memref<10000x32xbf16, #tpu.memory_space<hbm>> -> memref<10000x32xbf16, #tpu.memory_space<hbm>>
          tpu.enqueue_indirect_dma source(%dma_start3A_241 : memref<10000x32xbf16, #tpu.memory_space<hbm>>) target(%dma_start3A_235 : memref<128x32xbf16, #tpu.memory_space<vmem>>) offsets(%dma_start3A_238 : memref<128xi32, #tpu.memory_space<vmem>>) semaphore(%arg12 : memref<!tpu.dma_semaphore, #tpu.memory_space<semaphore_mem>>)
        } else {
        }
        %dma_wait3A_207 = arith.constant 3 : i32
        %dma_wait3A_208 = arith.constant 0 : i32
        %dma_wait3A_209 = arith.constant 0 : i32
        %dma_wait3A_210 = tpu.memref_slice %arg8[%dma_wait3A_207, %dma_wait3A_208, %dma_wait3A_209] : memref<4x128x32xbf16, #tpu.memory_space<vmem>> -> memref<1x128x32xbf16, #tpu.memory_space<vmem>>
        %dma_wait3A_211 = tpu.memref_squeeze %dma_wait3A_210 : memref<1x128x32xbf16, #tpu.memory_space<vmem>> -> memref<128x32xbf16, #tpu.memory_space<vmem>>
        %dma_wait3A_212 = arith.constant 0 : i32
        %dma_wait3A_213 = tpu.memref_slice %arg6[%add3A_194, %dma_wait3A_212] : memref<64x128xi32, #tpu.memory_space<vmem>> -> memref<1x128xi32, #tpu.memory_space<vmem>>
        %dma_wait3A_214 = tpu.memref_squeeze %dma_wait3A_213 : memref<1x128xi32, #tpu.memory_space<vmem>> -> memref<128xi32, #tpu.memory_space<vmem>>
        %dma_wait3A_215 = arith.constant 0 : i32
        %dma_wait3A_216 = arith.constant 0 : i32
        %dma_wait3A_217 = tpu.memref_slice %arg2[%dma_wait3A_215, %dma_wait3A_216] : memref<10000x32xbf16, #tpu.memory_space<hbm>> -> memref<10000x32xbf16, #tpu.memory_space<hbm>>
        tpu.wait_indirect_dma semaphore(%arg14 : memref<!tpu.dma_semaphore, #tpu.memory_space<semaphore_mem>>) src(%dma_wait3A_217 : memref<10000x32xbf16, #tpu.memory_space<hbm>>) dst(%dma_wait3A_211 : memref<128x32xbf16, #tpu.memory_space<vmem>>)
        %dma_start3A_218 = arith.constant 3 : i32
        %dma_start3A_219 = arith.constant 0 : i32
        %dma_start3A_220 = arith.constant 0 : i32
        %dma_start3A_221 = tpu.memref_slice %arg8[%dma_start3A_218, %dma_start3A_219, %dma_start3A_220] : memref<4x128x32xbf16, #tpu.memory_space<vmem>> -> memref<1x128x32xbf16, #tpu.memory_space<vmem>>
        %dma_start3A_222 = tpu.memref_squeeze %dma_start3A_221 : memref<1x128x32xbf16, #tpu.memory_space<vmem>> -> memref<128x32xbf16, #tpu.memory_space<vmem>>
        %dma_start3A_223 = arith.constant 0 : i32
        %dma_start3A_224 = tpu.memref_slice %arg7[%add3A_194, %dma_start3A_223] : memref<64x128xi32, #tpu.memory_space<vmem>> -> memref<1x128xi32, #tpu.memory_space<vmem>>
        %dma_start3A_225 = tpu.memref_squeeze %dma_start3A_224 : memref<1x128xi32, #tpu.memory_space<vmem>> -> memref<128xi32, #tpu.memory_space<vmem>>
        %dma_start3A_226 = arith.constant 0 : i32
        %dma_start3A_227 = arith.constant 0 : i32
        %dma_start3A_228 = tpu.memref_slice %arg10[%dma_start3A_226, %dma_start3A_227] : memref<10112x32xbf16, #tpu.memory_space<vmem_shared>> -> memref<10112x32xbf16, #tpu.memory_space<vmem_shared>>
        tpu.enqueue_indirect_dma source(%dma_start3A_222 : memref<128x32xbf16, #tpu.memory_space<vmem>>) target(%dma_start3A_228 : memref<10112x32xbf16, #tpu.memory_space<vmem_shared>>) offsets(%dma_start3A_225 : memref<128xi32, #tpu.memory_space<vmem>>) semaphore(%arg18 : memref<!tpu.dma_semaphore, #tpu.memory_space<semaphore_mem>>) {add = true}
      }
      %scan3A_54 = arith.constant 13 : i32
      %dma_wait3A = arith.constant 2 : i32
      %dma_wait3A_55 = arith.constant 0 : i32
      %dma_wait3A_56 = arith.constant 0 : i32
      %dma_wait3A_57 = arith.constant 0 : i32
      %dma_wait3A_58 = tpu.memref_slice %arg8[%dma_wait3A, %dma_wait3A_56, %dma_wait3A_57] : memref<4x128x32xbf16, #tpu.memory_space<vmem>> -> memref<1x128x32xbf16, #tpu.memory_space<vmem>>
      %dma_wait3A_59 = tpu.memref_squeeze %dma_wait3A_58 : memref<1x128x32xbf16, #tpu.memory_space<vmem>> -> memref<128x32xbf16, #tpu.memory_space<vmem>>
      %dma_wait3A_60 = arith.constant 0 : i32
      %dma_wait3A_61 = tpu.memref_slice %arg7[%dma_wait3A_55, %dma_wait3A_60] : memref<64x128xi32, #tpu.memory_space<vmem>> -> memref<1x128xi32, #tpu.memory_space<vmem>>
      %dma_wait3A_62 = tpu.memref_squeeze %dma_wait3A_61 : memref<1x128xi32, #tpu.memory_space<vmem>> -> memref<128xi32, #tpu.memory_space<vmem>>
      %dma_wait3A_63 = arith.constant 0 : i32
      %dma_wait3A_64 = arith.constant 0 : i32
      %dma_wait3A_65 = tpu.memref_slice %arg10[%dma_wait3A_63, %dma_wait3A_64] : memref<10112x32xbf16, #tpu.memory_space<vmem_shared>> -> memref<10112x32xbf16, #tpu.memory_space<vmem_shared>>
      tpu.wait_indirect_dma semaphore(%arg17 : memref<!tpu.dma_semaphore, #tpu.memory_space<semaphore_mem>>) src(%dma_wait3A_59 : memref<128x32xbf16, #tpu.memory_space<vmem>>) dst(%dma_wait3A_65 : memref<10112x32xbf16, #tpu.memory_space<vmem_shared>>)
      %dma_wait3A_66 = arith.constant 3 : i32
      %dma_wait3A_67 = arith.constant 0 : i32
      %dma_wait3A_68 = arith.constant 0 : i32
      %dma_wait3A_69 = arith.constant 0 : i32
      %dma_wait3A_70 = tpu.memref_slice %arg8[%dma_wait3A_66, %dma_wait3A_68, %dma_wait3A_69] : memref<4x128x32xbf16, #tpu.memory_space<vmem>> -> memref<1x128x32xbf16, #tpu.memory_space<vmem>>
      %dma_wait3A_71 = tpu.memref_squeeze %dma_wait3A_70 : memref<1x128x32xbf16, #tpu.memory_space<vmem>> -> memref<128x32xbf16, #tpu.memory_space<vmem>>
      %dma_wait3A_72 = arith.constant 0 : i32
      %dma_wait3A_73 = tpu.memref_slice %arg7[%dma_wait3A_67, %dma_wait3A_72] : memref<64x128xi32, #tpu.memory_space<vmem>> -> memref<1x128xi32, #tpu.memory_space<vmem>>
      %dma_wait3A_74 = tpu.memref_squeeze %dma_wait3A_73 : memref<1x128xi32, #tpu.memory_space<vmem>> -> memref<128xi32, #tpu.memory_space<vmem>>
      %dma_wait3A_75 = arith.constant 0 : i32
      %dma_wait3A_76 = arith.constant 0 : i32
      %dma_wait3A_77 = tpu.memref_slice %arg10[%dma_wait3A_75, %dma_wait3A_76] : memref<10112x32xbf16, #tpu.memory_space<vmem_shared>> -> memref<10112x32xbf16, #tpu.memory_space<vmem_shared>>
      tpu.wait_indirect_dma semaphore(%arg18 : memref<!tpu.dma_semaphore, #tpu.memory_space<semaphore_mem>>) src(%dma_wait3A_71 : memref<128x32xbf16, #tpu.memory_space<vmem>>) dst(%dma_wait3A_77 : memref<10112x32xbf16, #tpu.memory_space<vmem_shared>>)
    } else {
    }
    %eq3A_9 = arith.constant 1 : i32
    %eq3A_10 = arith.cmpi eq, %arg0, %eq3A_9 : i32
    %convert_element_type3A_11 = arith.extui %eq3A_10 : i1 to i32
    %cond3A_12 = arith.constant 0 : i32
    %cond3A_13 = arith.cmpi ne, %convert_element_type3A_11, %cond3A_12 : i32
    scf.if %cond3A_13 {
      %mul3A_24 = arith.constant 28 : i32
      %mul3A_25 = arith.muli %arg1, %mul3A_24 : i32
      %add3A = arith.constant 832 : i32
      %add3A_26 = arith.addi %add3A, %mul3A_25 : i32
      "tpu.region"() ({
        %run_scoped3A = tpu.sem_alloc : memref<!tpu.dma_semaphore, #tpu.memory_space<semaphore_mem>>
        %dma_start3A_79 = arith.constant 0 : i32
        %dma_start3A_80 = arith.constant 0 : i32
        %dma_start3A_81 = tpu.memref_slice %arg6[%dma_start3A_79, %dma_start3A_80] : memref<64x128xi32, #tpu.memory_space<vmem>> -> memref<28x128xi32, #tpu.memory_space<vmem>>
        %dma_start3A_82 = arith.constant 0 : i32
        %dma_start3A_83 = tpu.memref_slice %arg3[%add3A_26, %dma_start3A_82] : memref<1280x128xi32, #tpu.memory_space<hbm>> -> memref<28x128xi32, #tpu.memory_space<hbm>>
        %dma_start3A_84 = arith.constant 0 : i32
        %dma_start3A_85 = arith.constant 0 : i32
        %dma_start3A_86 = tpu.memref_slice %arg6[%dma_start3A_84, %dma_start3A_85] : memref<64x128xi32, #tpu.memory_space<vmem>> -> memref<28x128xi32, #tpu.memory_space<vmem>>
        %dma_start3A_87 = arith.constant 0 : i32
        %dma_start3A_88 = tpu.memref_slice %arg3[%add3A_26, %dma_start3A_87] : memref<1280x128xi32, #tpu.memory_space<hbm>> -> memref<28x128xi32, #tpu.memory_space<hbm>>
        tpu.enqueue_dma source(%dma_start3A_88 : memref<28x128xi32, #tpu.memory_space<hbm>>) target(%dma_start3A_86 : memref<28x128xi32, #tpu.memory_space<vmem>>) target_semaphore(%run_scoped3A : memref<!tpu.dma_semaphore, #tpu.memory_space<semaphore_mem>>)
        %dma_wait3A_89 = arith.constant 0 : i32
        %dma_wait3A_90 = arith.constant 0 : i32
        %dma_wait3A_91 = tpu.memref_slice %arg6[%dma_wait3A_89, %dma_wait3A_90] : memref<64x128xi32, #tpu.memory_space<vmem>> -> memref<28x128xi32, #tpu.memory_space<vmem>>
        %dma_wait3A_92 = arith.constant 0 : i32
        %dma_wait3A_93 = tpu.memref_slice %arg3[%add3A_26, %dma_wait3A_92] : memref<1280x128xi32, #tpu.memory_space<hbm>> -> memref<28x128xi32, #tpu.memory_space<hbm>>
        %dma_wait3A_94 = arith.constant 0 : i32
        %dma_wait3A_95 = arith.constant 0 : i32
        %dma_wait3A_96 = tpu.memref_slice %arg6[%dma_wait3A_94, %dma_wait3A_95] : memref<64x128xi32, #tpu.memory_space<vmem>> -> memref<28x128xi32, #tpu.memory_space<vmem>>
        %dma_wait3A_97 = arith.constant 0 : i32
        %dma_wait3A_98 = tpu.memref_slice %arg3[%add3A_26, %dma_wait3A_97] : memref<1280x128xi32, #tpu.memory_space<hbm>> -> memref<28x128xi32, #tpu.memory_space<hbm>>
        tpu.wait_dma2 semaphore(%run_scoped3A : memref<!tpu.dma_semaphore, #tpu.memory_space<semaphore_mem>>) src(%dma_wait3A_98 : memref<28x128xi32, #tpu.memory_space<hbm>>) dst(%dma_wait3A_96 : memref<28x128xi32, #tpu.memory_space<vmem>>)
        tpu.yield
      }) : () -> ()
      "tpu.region"() ({
        %run_scoped3A = tpu.sem_alloc : memref<!tpu.dma_semaphore, #tpu.memory_space<semaphore_mem>>
        %dma_start3A_79 = arith.constant 0 : i32
        %dma_start3A_80 = arith.constant 0 : i32
        %dma_start3A_81 = tpu.memref_slice %arg7[%dma_start3A_79, %dma_start3A_80] : memref<64x128xi32, #tpu.memory_space<vmem>> -> memref<28x128xi32, #tpu.memory_space<vmem>>
        %dma_start3A_82 = arith.constant 0 : i32
        %dma_start3A_83 = tpu.memref_slice %arg4[%add3A_26, %dma_start3A_82] : memref<1280x128xi32, #tpu.memory_space<hbm>> -> memref<28x128xi32, #tpu.memory_space<hbm>>
        %dma_start3A_84 = arith.constant 0 : i32
        %dma_start3A_85 = arith.constant 0 : i32
        %dma_start3A_86 = tpu.memref_slice %arg7[%dma_start3A_84, %dma_start3A_85] : memref<64x128xi32, #tpu.memory_space<vmem>> -> memref<28x128xi32, #tpu.memory_space<vmem>>
        %dma_start3A_87 = arith.constant 0 : i32
        %dma_start3A_88 = tpu.memref_slice %arg4[%add3A_26, %dma_start3A_87] : memref<1280x128xi32, #tpu.memory_space<hbm>> -> memref<28x128xi32, #tpu.memory_space<hbm>>
        tpu.enqueue_dma source(%dma_start3A_88 : memref<28x128xi32, #tpu.memory_space<hbm>>) target(%dma_start3A_86 : memref<28x128xi32, #tpu.memory_space<vmem>>) target_semaphore(%run_scoped3A : memref<!tpu.dma_semaphore, #tpu.memory_space<semaphore_mem>>)
        %dma_wait3A_89 = arith.constant 0 : i32
        %dma_wait3A_90 = arith.constant 0 : i32
        %dma_wait3A_91 = tpu.memref_slice %arg7[%dma_wait3A_89, %dma_wait3A_90] : memref<64x128xi32, #tpu.memory_space<vmem>> -> memref<28x128xi32, #tpu.memory_space<vmem>>
        %dma_wait3A_92 = arith.constant 0 : i32
        %dma_wait3A_93 = tpu.memref_slice %arg4[%add3A_26, %dma_wait3A_92] : memref<1280x128xi32, #tpu.memory_space<hbm>> -> memref<28x128xi32, #tpu.memory_space<hbm>>
        %dma_wait3A_94 = arith.constant 0 : i32
        %dma_wait3A_95 = arith.constant 0 : i32
        %dma_wait3A_96 = tpu.memref_slice %arg7[%dma_wait3A_94, %dma_wait3A_95] : memref<64x128xi32, #tpu.memory_space<vmem>> -> memref<28x128xi32, #tpu.memory_space<vmem>>
        %dma_wait3A_97 = arith.constant 0 : i32
        %dma_wait3A_98 = tpu.memref_slice %arg4[%add3A_26, %dma_wait3A_97] : memref<1280x128xi32, #tpu.memory_space<hbm>> -> memref<28x128xi32, #tpu.memory_space<hbm>>
        tpu.wait_dma2 semaphore(%run_scoped3A : memref<!tpu.dma_semaphore, #tpu.memory_space<semaphore_mem>>) src(%dma_wait3A_98 : memref<28x128xi32, #tpu.memory_space<hbm>>) dst(%dma_wait3A_96 : memref<28x128xi32, #tpu.memory_space<vmem>>)
        tpu.yield
      }) : () -> ()
      %dma_start3A = arith.constant 0 : i32
      %dma_start3A_27 = arith.constant 0 : i32
      %dma_start3A_28 = arith.constant 0 : i32
      %dma_start3A_29 = arith.constant 0 : i32
      %dma_start3A_30 = tpu.memref_slice %arg8[%dma_start3A_27, %dma_start3A_28, %dma_start3A_29] : memref<4x128x32xbf16, #tpu.memory_space<vmem>> -> memref<1x128x32xbf16, #tpu.memory_space<vmem>>
      %dma_start3A_31 = tpu.memref_squeeze %dma_start3A_30 : memref<1x128x32xbf16, #tpu.memory_space<vmem>> -> memref<128x32xbf16, #tpu.memory_space<vmem>>
      %dma_start3A_32 = arith.constant 0 : i32
      %dma_start3A_33 = tpu.memref_slice %arg6[%dma_start3A, %dma_start3A_32] : memref<64x128xi32, #tpu.memory_space<vmem>> -> memref<1x128xi32, #tpu.memory_space<vmem>>
      %dma_start3A_34 = tpu.memref_squeeze %dma_start3A_33 : memref<1x128xi32, #tpu.memory_space<vmem>> -> memref<128xi32, #tpu.memory_space<vmem>>
      %dma_start3A_35 = arith.constant 0 : i32
      %dma_start3A_36 = arith.constant 0 : i32
      %dma_start3A_37 = tpu.memref_slice %arg2[%dma_start3A_35, %dma_start3A_36] : memref<10000x32xbf16, #tpu.memory_space<hbm>> -> memref<10000x32xbf16, #tpu.memory_space<hbm>>
      tpu.enqueue_indirect_dma source(%dma_start3A_37 : memref<10000x32xbf16, #tpu.memory_space<hbm>>) target(%dma_start3A_31 : memref<128x32xbf16, #tpu.memory_space<vmem>>) offsets(%dma_start3A_34 : memref<128xi32, #tpu.memory_space<vmem>>) semaphore(%arg11 : memref<!tpu.dma_semaphore, #tpu.memory_space<semaphore_mem>>)
      %dma_start3A_38 = arith.constant 1 : i32
      %dma_start3A_39 = arith.constant 1 : i32
      %dma_start3A_40 = arith.constant 0 : i32
      %dma_start3A_41 = arith.constant 0 : i32
      %dma_start3A_42 = tpu.memref_slice %arg8[%dma_start3A_39, %dma_start3A_40, %dma_start3A_41] : memref<4x128x32xbf16, #tpu.memory_space<vmem>> -> memref<1x128x32xbf16, #tpu.memory_space<vmem>>
      %dma_start3A_43 = tpu.memref_squeeze %dma_start3A_42 : memref<1x128x32xbf16, #tpu.memory_space<vmem>> -> memref<128x32xbf16, #tpu.memory_space<vmem>>
      %dma_start3A_44 = arith.constant 0 : i32
      %dma_start3A_45 = tpu.memref_slice %arg6[%dma_start3A_38, %dma_start3A_44] : memref<64x128xi32, #tpu.memory_space<vmem>> -> memref<1x128xi32, #tpu.memory_space<vmem>>
      %dma_start3A_46 = tpu.memref_squeeze %dma_start3A_45 : memref<1x128xi32, #tpu.memory_space<vmem>> -> memref<128xi32, #tpu.memory_space<vmem>>
      %dma_start3A_47 = arith.constant 0 : i32
      %dma_start3A_48 = arith.constant 0 : i32
      %dma_start3A_49 = tpu.memref_slice %arg2[%dma_start3A_47, %dma_start3A_48] : memref<10000x32xbf16, #tpu.memory_space<hbm>> -> memref<10000x32xbf16, #tpu.memory_space<hbm>>
      tpu.enqueue_indirect_dma source(%dma_start3A_49 : memref<10000x32xbf16, #tpu.memory_space<hbm>>) target(%dma_start3A_43 : memref<128x32xbf16, #tpu.memory_space<vmem>>) offsets(%dma_start3A_46 : memref<128xi32, #tpu.memory_space<vmem>>) semaphore(%arg12 : memref<!tpu.dma_semaphore, #tpu.memory_space<semaphore_mem>>)
      %scan3A_50 = arith.constant 0 : i32
      %scan3A_51 = arith.constant 0 : i32
      %scan3A_52 = arith.constant 7 : i32
      %scan3A_53 = arith.addi %scan3A_51, %scan3A_52 : i32
      %scan3A_54 = arith.constant 1 : i32
      scf.for %scan3A_79 = %scan3A_51 to %scan3A_53 step %scan3A_54  : i32 {
        %mul3A_80 = arith.constant 4 : i32
        %mul3A_81 = arith.muli %scan3A_79, %mul3A_80 : i32
        %add3A_82 = arith.constant 0 : i32
        %add3A_83 = arith.addi %mul3A_81, %add3A_82 : i32
        %ge3A = arith.constant 2 : i32
        %ge3A_84 = arith.cmpi sge, %add3A_83, %ge3A : i32
        %convert_element_type3A_85 = arith.extui %ge3A_84 : i1 to i32
        %cond3A_86 = arith.constant 0 : i32
        %cond3A_87 = arith.cmpi ne, %convert_element_type3A_85, %cond3A_86 : i32
        scf.if %cond3A_87 {
          %dma_wait3A_231 = arith.constant 2 : i32
          %dma_wait3A_232 = arith.constant 0 : i32
          %dma_wait3A_233 = arith.constant 0 : i32
          %dma_wait3A_234 = arith.constant 0 : i32
          %dma_wait3A_235 = tpu.memref_slice %arg8[%dma_wait3A_231, %dma_wait3A_233, %dma_wait3A_234] : memref<4x128x32xbf16, #tpu.memory_space<vmem>> -> memref<1x128x32xbf16, #tpu.memory_space<vmem>>
          %dma_wait3A_236 = tpu.memref_squeeze %dma_wait3A_235 : memref<1x128x32xbf16, #tpu.memory_space<vmem>> -> memref<128x32xbf16, #tpu.memory_space<vmem>>
          %dma_wait3A_237 = arith.constant 0 : i32
          %dma_wait3A_238 = tpu.memref_slice %arg7[%dma_wait3A_232, %dma_wait3A_237] : memref<64x128xi32, #tpu.memory_space<vmem>> -> memref<1x128xi32, #tpu.memory_space<vmem>>
          %dma_wait3A_239 = tpu.memref_squeeze %dma_wait3A_238 : memref<1x128xi32, #tpu.memory_space<vmem>> -> memref<128xi32, #tpu.memory_space<vmem>>
          %dma_wait3A_240 = arith.constant 0 : i32
          %dma_wait3A_241 = arith.constant 0 : i32
          %dma_wait3A_242 = tpu.memref_slice %arg10[%dma_wait3A_240, %dma_wait3A_241] : memref<10112x32xbf16, #tpu.memory_space<vmem_shared>> -> memref<10112x32xbf16, #tpu.memory_space<vmem_shared>>
          tpu.wait_indirect_dma semaphore(%arg17 : memref<!tpu.dma_semaphore, #tpu.memory_space<semaphore_mem>>) src(%dma_wait3A_236 : memref<128x32xbf16, #tpu.memory_space<vmem>>) dst(%dma_wait3A_242 : memref<10112x32xbf16, #tpu.memory_space<vmem_shared>>)
        } else {
        }
        %add3A_88 = arith.constant 2 : i32
        %add3A_89 = arith.addi %add3A_83, %add3A_88 : i32
        %lt3A_90 = arith.constant 28 : i32
        %lt3A_91 = arith.cmpi slt, %add3A_89, %lt3A_90 : i32
        %convert_element_type3A_92 = arith.extui %lt3A_91 : i1 to i32
        %cond3A_93 = arith.constant 0 : i32
        %cond3A_94 = arith.cmpi ne, %convert_element_type3A_92, %cond3A_93 : i32
        scf.if %cond3A_94 {
          %add3A_231 = arith.constant 2 : i32
          %add3A_232 = arith.addi %add3A_83, %add3A_231 : i32
          %dma_start3A_233 = arith.constant 2 : i32
          %dma_start3A_234 = arith.constant 0 : i32
          %dma_start3A_235 = arith.constant 0 : i32
          %dma_start3A_236 = tpu.memref_slice %arg8[%dma_start3A_233, %dma_start3A_234, %dma_start3A_235] : memref<4x128x32xbf16, #tpu.memory_space<vmem>> -> memref<1x128x32xbf16, #tpu.memory_space<vmem>>
          %dma_start3A_237 = tpu.memref_squeeze %dma_start3A_236 : memref<1x128x32xbf16, #tpu.memory_space<vmem>> -> memref<128x32xbf16, #tpu.memory_space<vmem>>
          %dma_start3A_238 = arith.constant 0 : i32
          %dma_start3A_239 = tpu.memref_slice %arg6[%add3A_232, %dma_start3A_238] : memref<64x128xi32, #tpu.memory_space<vmem>> -> memref<1x128xi32, #tpu.memory_space<vmem>>
          %dma_start3A_240 = tpu.memref_squeeze %dma_start3A_239 : memref<1x128xi32, #tpu.memory_space<vmem>> -> memref<128xi32, #tpu.memory_space<vmem>>
          %dma_start3A_241 = arith.constant 0 : i32
          %dma_start3A_242 = arith.constant 0 : i32
          %dma_start3A_243 = tpu.memref_slice %arg2[%dma_start3A_241, %dma_start3A_242] : memref<10000x32xbf16, #tpu.memory_space<hbm>> -> memref<10000x32xbf16, #tpu.memory_space<hbm>>
          tpu.enqueue_indirect_dma source(%dma_start3A_243 : memref<10000x32xbf16, #tpu.memory_space<hbm>>) target(%dma_start3A_237 : memref<128x32xbf16, #tpu.memory_space<vmem>>) offsets(%dma_start3A_240 : memref<128xi32, #tpu.memory_space<vmem>>) semaphore(%arg13 : memref<!tpu.dma_semaphore, #tpu.memory_space<semaphore_mem>>)
        } else {
        }
        %dma_wait3A_95 = arith.constant 0 : i32
        %dma_wait3A_96 = arith.constant 0 : i32
        %dma_wait3A_97 = arith.constant 0 : i32
        %dma_wait3A_98 = tpu.memref_slice %arg8[%dma_wait3A_95, %dma_wait3A_96, %dma_wait3A_97] : memref<4x128x32xbf16, #tpu.memory_space<vmem>> -> memref<1x128x32xbf16, #tpu.memory_space<vmem>>
        %dma_wait3A_99 = tpu.memref_squeeze %dma_wait3A_98 : memref<1x128x32xbf16, #tpu.memory_space<vmem>> -> memref<128x32xbf16, #tpu.memory_space<vmem>>
        %dma_wait3A_100 = arith.constant 0 : i32
        %dma_wait3A_101 = tpu.memref_slice %arg6[%add3A_83, %dma_wait3A_100] : memref<64x128xi32, #tpu.memory_space<vmem>> -> memref<1x128xi32, #tpu.memory_space<vmem>>
        %dma_wait3A_102 = tpu.memref_squeeze %dma_wait3A_101 : memref<1x128xi32, #tpu.memory_space<vmem>> -> memref<128xi32, #tpu.memory_space<vmem>>
        %dma_wait3A_103 = arith.constant 0 : i32
        %dma_wait3A_104 = arith.constant 0 : i32
        %dma_wait3A_105 = tpu.memref_slice %arg2[%dma_wait3A_103, %dma_wait3A_104] : memref<10000x32xbf16, #tpu.memory_space<hbm>> -> memref<10000x32xbf16, #tpu.memory_space<hbm>>
        tpu.wait_indirect_dma semaphore(%arg11 : memref<!tpu.dma_semaphore, #tpu.memory_space<semaphore_mem>>) src(%dma_wait3A_105 : memref<10000x32xbf16, #tpu.memory_space<hbm>>) dst(%dma_wait3A_99 : memref<128x32xbf16, #tpu.memory_space<vmem>>)
        %dma_start3A_106 = arith.constant 0 : i32
        %dma_start3A_107 = arith.constant 0 : i32
        %dma_start3A_108 = arith.constant 0 : i32
        %dma_start3A_109 = tpu.memref_slice %arg8[%dma_start3A_106, %dma_start3A_107, %dma_start3A_108] : memref<4x128x32xbf16, #tpu.memory_space<vmem>> -> memref<1x128x32xbf16, #tpu.memory_space<vmem>>
        %dma_start3A_110 = tpu.memref_squeeze %dma_start3A_109 : memref<1x128x32xbf16, #tpu.memory_space<vmem>> -> memref<128x32xbf16, #tpu.memory_space<vmem>>
        %dma_start3A_111 = arith.constant 0 : i32
        %dma_start3A_112 = tpu.memref_slice %arg7[%add3A_83, %dma_start3A_111] : memref<64x128xi32, #tpu.memory_space<vmem>> -> memref<1x128xi32, #tpu.memory_space<vmem>>
        %dma_start3A_113 = tpu.memref_squeeze %dma_start3A_112 : memref<1x128xi32, #tpu.memory_space<vmem>> -> memref<128xi32, #tpu.memory_space<vmem>>
        %dma_start3A_114 = arith.constant 0 : i32
        %dma_start3A_115 = arith.constant 0 : i32
        %dma_start3A_116 = tpu.memref_slice %arg10[%dma_start3A_114, %dma_start3A_115] : memref<10112x32xbf16, #tpu.memory_space<vmem_shared>> -> memref<10112x32xbf16, #tpu.memory_space<vmem_shared>>
        tpu.enqueue_indirect_dma source(%dma_start3A_110 : memref<128x32xbf16, #tpu.memory_space<vmem>>) target(%dma_start3A_116 : memref<10112x32xbf16, #tpu.memory_space<vmem_shared>>) offsets(%dma_start3A_113 : memref<128xi32, #tpu.memory_space<vmem>>) semaphore(%arg15 : memref<!tpu.dma_semaphore, #tpu.memory_space<semaphore_mem>>) {add = true}
        %mul3A_117 = arith.constant 4 : i32
        %mul3A_118 = arith.muli %scan3A_79, %mul3A_117 : i32
        %add3A_119 = arith.constant 1 : i32
        %add3A_120 = arith.addi %mul3A_118, %add3A_119 : i32
        %ge3A_121 = arith.constant 2 : i32
        %ge3A_122 = arith.cmpi sge, %add3A_120, %ge3A_121 : i32
        %convert_element_type3A_123 = arith.extui %ge3A_122 : i1 to i32
        %cond3A_124 = arith.constant 0 : i32
        %cond3A_125 = arith.cmpi ne, %convert_element_type3A_123, %cond3A_124 : i32
        scf.if %cond3A_125 {
          %dma_wait3A_231 = arith.constant 3 : i32
          %dma_wait3A_232 = arith.constant 0 : i32
          %dma_wait3A_233 = arith.constant 0 : i32
          %dma_wait3A_234 = arith.constant 0 : i32
          %dma_wait3A_235 = tpu.memref_slice %arg8[%dma_wait3A_231, %dma_wait3A_233, %dma_wait3A_234] : memref<4x128x32xbf16, #tpu.memory_space<vmem>> -> memref<1x128x32xbf16, #tpu.memory_space<vmem>>
          %dma_wait3A_236 = tpu.memref_squeeze %dma_wait3A_235 : memref<1x128x32xbf16, #tpu.memory_space<vmem>> -> memref<128x32xbf16, #tpu.memory_space<vmem>>
          %dma_wait3A_237 = arith.constant 0 : i32
          %dma_wait3A_238 = tpu.memref_slice %arg7[%dma_wait3A_232, %dma_wait3A_237] : memref<64x128xi32, #tpu.memory_space<vmem>> -> memref<1x128xi32, #tpu.memory_space<vmem>>
          %dma_wait3A_239 = tpu.memref_squeeze %dma_wait3A_238 : memref<1x128xi32, #tpu.memory_space<vmem>> -> memref<128xi32, #tpu.memory_space<vmem>>
          %dma_wait3A_240 = arith.constant 0 : i32
          %dma_wait3A_241 = arith.constant 0 : i32
          %dma_wait3A_242 = tpu.memref_slice %arg10[%dma_wait3A_240, %dma_wait3A_241] : memref<10112x32xbf16, #tpu.memory_space<vmem_shared>> -> memref<10112x32xbf16, #tpu.memory_space<vmem_shared>>
          tpu.wait_indirect_dma semaphore(%arg18 : memref<!tpu.dma_semaphore, #tpu.memory_space<semaphore_mem>>) src(%dma_wait3A_236 : memref<128x32xbf16, #tpu.memory_space<vmem>>) dst(%dma_wait3A_242 : memref<10112x32xbf16, #tpu.memory_space<vmem_shared>>)
        } else {
        }
        %add3A_126 = arith.constant 2 : i32
        %add3A_127 = arith.addi %add3A_120, %add3A_126 : i32
        %lt3A_128 = arith.constant 28 : i32
        %lt3A_129 = arith.cmpi slt, %add3A_127, %lt3A_128 : i32
        %convert_element_type3A_130 = arith.extui %lt3A_129 : i1 to i32
        %cond3A_131 = arith.constant 0 : i32
        %cond3A_132 = arith.cmpi ne, %convert_element_type3A_130, %cond3A_131 : i32
        scf.if %cond3A_132 {
          %add3A_231 = arith.constant 2 : i32
          %add3A_232 = arith.addi %add3A_120, %add3A_231 : i32
          %dma_start3A_233 = arith.constant 3 : i32
          %dma_start3A_234 = arith.constant 0 : i32
          %dma_start3A_235 = arith.constant 0 : i32
          %dma_start3A_236 = tpu.memref_slice %arg8[%dma_start3A_233, %dma_start3A_234, %dma_start3A_235] : memref<4x128x32xbf16, #tpu.memory_space<vmem>> -> memref<1x128x32xbf16, #tpu.memory_space<vmem>>
          %dma_start3A_237 = tpu.memref_squeeze %dma_start3A_236 : memref<1x128x32xbf16, #tpu.memory_space<vmem>> -> memref<128x32xbf16, #tpu.memory_space<vmem>>
          %dma_start3A_238 = arith.constant 0 : i32
          %dma_start3A_239 = tpu.memref_slice %arg6[%add3A_232, %dma_start3A_238] : memref<64x128xi32, #tpu.memory_space<vmem>> -> memref<1x128xi32, #tpu.memory_space<vmem>>
          %dma_start3A_240 = tpu.memref_squeeze %dma_start3A_239 : memref<1x128xi32, #tpu.memory_space<vmem>> -> memref<128xi32, #tpu.memory_space<vmem>>
          %dma_start3A_241 = arith.constant 0 : i32
          %dma_start3A_242 = arith.constant 0 : i32
          %dma_start3A_243 = tpu.memref_slice %arg2[%dma_start3A_241, %dma_start3A_242] : memref<10000x32xbf16, #tpu.memory_space<hbm>> -> memref<10000x32xbf16, #tpu.memory_space<hbm>>
          tpu.enqueue_indirect_dma source(%dma_start3A_243 : memref<10000x32xbf16, #tpu.memory_space<hbm>>) target(%dma_start3A_237 : memref<128x32xbf16, #tpu.memory_space<vmem>>) offsets(%dma_start3A_240 : memref<128xi32, #tpu.memory_space<vmem>>) semaphore(%arg14 : memref<!tpu.dma_semaphore, #tpu.memory_space<semaphore_mem>>)
        } else {
        }
        %dma_wait3A_133 = arith.constant 1 : i32
        %dma_wait3A_134 = arith.constant 0 : i32
        %dma_wait3A_135 = arith.constant 0 : i32
        %dma_wait3A_136 = tpu.memref_slice %arg8[%dma_wait3A_133, %dma_wait3A_134, %dma_wait3A_135] : memref<4x128x32xbf16, #tpu.memory_space<vmem>> -> memref<1x128x32xbf16, #tpu.memory_space<vmem>>
        %dma_wait3A_137 = tpu.memref_squeeze %dma_wait3A_136 : memref<1x128x32xbf16, #tpu.memory_space<vmem>> -> memref<128x32xbf16, #tpu.memory_space<vmem>>
        %dma_wait3A_138 = arith.constant 0 : i32
        %dma_wait3A_139 = tpu.memref_slice %arg6[%add3A_120, %dma_wait3A_138] : memref<64x128xi32, #tpu.memory_space<vmem>> -> memref<1x128xi32, #tpu.memory_space<vmem>>
        %dma_wait3A_140 = tpu.memref_squeeze %dma_wait3A_139 : memref<1x128xi32, #tpu.memory_space<vmem>> -> memref<128xi32, #tpu.memory_space<vmem>>
        %dma_wait3A_141 = arith.constant 0 : i32
        %dma_wait3A_142 = arith.constant 0 : i32
        %dma_wait3A_143 = tpu.memref_slice %arg2[%dma_wait3A_141, %dma_wait3A_142] : memref<10000x32xbf16, #tpu.memory_space<hbm>> -> memref<10000x32xbf16, #tpu.memory_space<hbm>>
        tpu.wait_indirect_dma semaphore(%arg12 : memref<!tpu.dma_semaphore, #tpu.memory_space<semaphore_mem>>) src(%dma_wait3A_143 : memref<10000x32xbf16, #tpu.memory_space<hbm>>) dst(%dma_wait3A_137 : memref<128x32xbf16, #tpu.memory_space<vmem>>)
        %dma_start3A_144 = arith.constant 1 : i32
        %dma_start3A_145 = arith.constant 0 : i32
        %dma_start3A_146 = arith.constant 0 : i32
        %dma_start3A_147 = tpu.memref_slice %arg8[%dma_start3A_144, %dma_start3A_145, %dma_start3A_146] : memref<4x128x32xbf16, #tpu.memory_space<vmem>> -> memref<1x128x32xbf16, #tpu.memory_space<vmem>>
        %dma_start3A_148 = tpu.memref_squeeze %dma_start3A_147 : memref<1x128x32xbf16, #tpu.memory_space<vmem>> -> memref<128x32xbf16, #tpu.memory_space<vmem>>
        %dma_start3A_149 = arith.constant 0 : i32
        %dma_start3A_150 = tpu.memref_slice %arg7[%add3A_120, %dma_start3A_149] : memref<64x128xi32, #tpu.memory_space<vmem>> -> memref<1x128xi32, #tpu.memory_space<vmem>>
        %dma_start3A_151 = tpu.memref_squeeze %dma_start3A_150 : memref<1x128xi32, #tpu.memory_space<vmem>> -> memref<128xi32, #tpu.memory_space<vmem>>
        %dma_start3A_152 = arith.constant 0 : i32
        %dma_start3A_153 = arith.constant 0 : i32
        %dma_start3A_154 = tpu.memref_slice %arg10[%dma_start3A_152, %dma_start3A_153] : memref<10112x32xbf16, #tpu.memory_space<vmem_shared>> -> memref<10112x32xbf16, #tpu.memory_space<vmem_shared>>
        tpu.enqueue_indirect_dma source(%dma_start3A_148 : memref<128x32xbf16, #tpu.memory_space<vmem>>) target(%dma_start3A_154 : memref<10112x32xbf16, #tpu.memory_space<vmem_shared>>) offsets(%dma_start3A_151 : memref<128xi32, #tpu.memory_space<vmem>>) semaphore(%arg16 : memref<!tpu.dma_semaphore, #tpu.memory_space<semaphore_mem>>) {add = true}
        %mul3A_155 = arith.constant 4 : i32
        %mul3A_156 = arith.muli %scan3A_79, %mul3A_155 : i32
        %add3A_157 = arith.constant 2 : i32
        %add3A_158 = arith.addi %mul3A_156, %add3A_157 : i32
        %ge3A_159 = arith.constant 2 : i32
        %ge3A_160 = arith.cmpi sge, %add3A_158, %ge3A_159 : i32
        %convert_element_type3A_161 = arith.extui %ge3A_160 : i1 to i32
        %cond3A_162 = arith.constant 0 : i32
        %cond3A_163 = arith.cmpi ne, %convert_element_type3A_161, %cond3A_162 : i32
        scf.if %cond3A_163 {
          %dma_wait3A_231 = arith.constant 0 : i32
          %dma_wait3A_232 = arith.constant 0 : i32
          %dma_wait3A_233 = arith.constant 0 : i32
          %dma_wait3A_234 = arith.constant 0 : i32
          %dma_wait3A_235 = tpu.memref_slice %arg8[%dma_wait3A_231, %dma_wait3A_233, %dma_wait3A_234] : memref<4x128x32xbf16, #tpu.memory_space<vmem>> -> memref<1x128x32xbf16, #tpu.memory_space<vmem>>
          %dma_wait3A_236 = tpu.memref_squeeze %dma_wait3A_235 : memref<1x128x32xbf16, #tpu.memory_space<vmem>> -> memref<128x32xbf16, #tpu.memory_space<vmem>>
          %dma_wait3A_237 = arith.constant 0 : i32
          %dma_wait3A_238 = tpu.memref_slice %arg7[%dma_wait3A_232, %dma_wait3A_237] : memref<64x128xi32, #tpu.memory_space<vmem>> -> memref<1x128xi32, #tpu.memory_space<vmem>>
          %dma_wait3A_239 = tpu.memref_squeeze %dma_wait3A_238 : memref<1x128xi32, #tpu.memory_space<vmem>> -> memref<128xi32, #tpu.memory_space<vmem>>
          %dma_wait3A_240 = arith.constant 0 : i32
          %dma_wait3A_241 = arith.constant 0 : i32
          %dma_wait3A_242 = tpu.memref_slice %arg10[%dma_wait3A_240, %dma_wait3A_241] : memref<10112x32xbf16, #tpu.memory_space<vmem_shared>> -> memref<10112x32xbf16, #tpu.memory_space<vmem_shared>>
          tpu.wait_indirect_dma semaphore(%arg15 : memref<!tpu.dma_semaphore, #tpu.memory_space<semaphore_mem>>) src(%dma_wait3A_236 : memref<128x32xbf16, #tpu.memory_space<vmem>>) dst(%dma_wait3A_242 : memref<10112x32xbf16, #tpu.memory_space<vmem_shared>>)
        } else {
        }
        %add3A_164 = arith.constant 2 : i32
        %add3A_165 = arith.addi %add3A_158, %add3A_164 : i32
        %lt3A_166 = arith.constant 28 : i32
        %lt3A_167 = arith.cmpi slt, %add3A_165, %lt3A_166 : i32
        %convert_element_type3A_168 = arith.extui %lt3A_167 : i1 to i32
        %cond3A_169 = arith.constant 0 : i32
        %cond3A_170 = arith.cmpi ne, %convert_element_type3A_168, %cond3A_169 : i32
        scf.if %cond3A_170 {
          %add3A_231 = arith.constant 2 : i32
          %add3A_232 = arith.addi %add3A_158, %add3A_231 : i32
          %dma_start3A_233 = arith.constant 0 : i32
          %dma_start3A_234 = arith.constant 0 : i32
          %dma_start3A_235 = arith.constant 0 : i32
          %dma_start3A_236 = tpu.memref_slice %arg8[%dma_start3A_233, %dma_start3A_234, %dma_start3A_235] : memref<4x128x32xbf16, #tpu.memory_space<vmem>> -> memref<1x128x32xbf16, #tpu.memory_space<vmem>>
          %dma_start3A_237 = tpu.memref_squeeze %dma_start3A_236 : memref<1x128x32xbf16, #tpu.memory_space<vmem>> -> memref<128x32xbf16, #tpu.memory_space<vmem>>
          %dma_start3A_238 = arith.constant 0 : i32
          %dma_start3A_239 = tpu.memref_slice %arg6[%add3A_232, %dma_start3A_238] : memref<64x128xi32, #tpu.memory_space<vmem>> -> memref<1x128xi32, #tpu.memory_space<vmem>>
          %dma_start3A_240 = tpu.memref_squeeze %dma_start3A_239 : memref<1x128xi32, #tpu.memory_space<vmem>> -> memref<128xi32, #tpu.memory_space<vmem>>
          %dma_start3A_241 = arith.constant 0 : i32
          %dma_start3A_242 = arith.constant 0 : i32
          %dma_start3A_243 = tpu.memref_slice %arg2[%dma_start3A_241, %dma_start3A_242] : memref<10000x32xbf16, #tpu.memory_space<hbm>> -> memref<10000x32xbf16, #tpu.memory_space<hbm>>
          tpu.enqueue_indirect_dma source(%dma_start3A_243 : memref<10000x32xbf16, #tpu.memory_space<hbm>>) target(%dma_start3A_237 : memref<128x32xbf16, #tpu.memory_space<vmem>>) offsets(%dma_start3A_240 : memref<128xi32, #tpu.memory_space<vmem>>) semaphore(%arg11 : memref<!tpu.dma_semaphore, #tpu.memory_space<semaphore_mem>>)
        } else {
        }
        %dma_wait3A_171 = arith.constant 2 : i32
        %dma_wait3A_172 = arith.constant 0 : i32
        %dma_wait3A_173 = arith.constant 0 : i32
        %dma_wait3A_174 = tpu.memref_slice %arg8[%dma_wait3A_171, %dma_wait3A_172, %dma_wait3A_173] : memref<4x128x32xbf16, #tpu.memory_space<vmem>> -> memref<1x128x32xbf16, #tpu.memory_space<vmem>>
        %dma_wait3A_175 = tpu.memref_squeeze %dma_wait3A_174 : memref<1x128x32xbf16, #tpu.memory_space<vmem>> -> memref<128x32xbf16, #tpu.memory_space<vmem>>
        %dma_wait3A_176 = arith.constant 0 : i32
        %dma_wait3A_177 = tpu.memref_slice %arg6[%add3A_158, %dma_wait3A_176] : memref<64x128xi32, #tpu.memory_space<vmem>> -> memref<1x128xi32, #tpu.memory_space<vmem>>
        %dma_wait3A_178 = tpu.memref_squeeze %dma_wait3A_177 : memref<1x128xi32, #tpu.memory_space<vmem>> -> memref<128xi32, #tpu.memory_space<vmem>>
        %dma_wait3A_179 = arith.constant 0 : i32
        %dma_wait3A_180 = arith.constant 0 : i32
        %dma_wait3A_181 = tpu.memref_slice %arg2[%dma_wait3A_179, %dma_wait3A_180] : memref<10000x32xbf16, #tpu.memory_space<hbm>> -> memref<10000x32xbf16, #tpu.memory_space<hbm>>
        tpu.wait_indirect_dma semaphore(%arg13 : memref<!tpu.dma_semaphore, #tpu.memory_space<semaphore_mem>>) src(%dma_wait3A_181 : memref<10000x32xbf16, #tpu.memory_space<hbm>>) dst(%dma_wait3A_175 : memref<128x32xbf16, #tpu.memory_space<vmem>>)
        %dma_start3A_182 = arith.constant 2 : i32
        %dma_start3A_183 = arith.constant 0 : i32
        %dma_start3A_184 = arith.constant 0 : i32
        %dma_start3A_185 = tpu.memref_slice %arg8[%dma_start3A_182, %dma_start3A_183, %dma_start3A_184] : memref<4x128x32xbf16, #tpu.memory_space<vmem>> -> memref<1x128x32xbf16, #tpu.memory_space<vmem>>
        %dma_start3A_186 = tpu.memref_squeeze %dma_start3A_185 : memref<1x128x32xbf16, #tpu.memory_space<vmem>> -> memref<128x32xbf16, #tpu.memory_space<vmem>>
        %dma_start3A_187 = arith.constant 0 : i32
        %dma_start3A_188 = tpu.memref_slice %arg7[%add3A_158, %dma_start3A_187] : memref<64x128xi32, #tpu.memory_space<vmem>> -> memref<1x128xi32, #tpu.memory_space<vmem>>
        %dma_start3A_189 = tpu.memref_squeeze %dma_start3A_188 : memref<1x128xi32, #tpu.memory_space<vmem>> -> memref<128xi32, #tpu.memory_space<vmem>>
        %dma_start3A_190 = arith.constant 0 : i32
        %dma_start3A_191 = arith.constant 0 : i32
        %dma_start3A_192 = tpu.memref_slice %arg10[%dma_start3A_190, %dma_start3A_191] : memref<10112x32xbf16, #tpu.memory_space<vmem_shared>> -> memref<10112x32xbf16, #tpu.memory_space<vmem_shared>>
        tpu.enqueue_indirect_dma source(%dma_start3A_186 : memref<128x32xbf16, #tpu.memory_space<vmem>>) target(%dma_start3A_192 : memref<10112x32xbf16, #tpu.memory_space<vmem_shared>>) offsets(%dma_start3A_189 : memref<128xi32, #tpu.memory_space<vmem>>) semaphore(%arg17 : memref<!tpu.dma_semaphore, #tpu.memory_space<semaphore_mem>>) {add = true}
        %mul3A_193 = arith.constant 4 : i32
        %mul3A_194 = arith.muli %scan3A_79, %mul3A_193 : i32
        %add3A_195 = arith.constant 3 : i32
        %add3A_196 = arith.addi %mul3A_194, %add3A_195 : i32
        %ge3A_197 = arith.constant 2 : i32
        %ge3A_198 = arith.cmpi sge, %add3A_196, %ge3A_197 : i32
        %convert_element_type3A_199 = arith.extui %ge3A_198 : i1 to i32
        %cond3A_200 = arith.constant 0 : i32
        %cond3A_201 = arith.cmpi ne, %convert_element_type3A_199, %cond3A_200 : i32
        scf.if %cond3A_201 {
          %dma_wait3A_231 = arith.constant 1 : i32
          %dma_wait3A_232 = arith.constant 0 : i32
          %dma_wait3A_233 = arith.constant 0 : i32
          %dma_wait3A_234 = arith.constant 0 : i32
          %dma_wait3A_235 = tpu.memref_slice %arg8[%dma_wait3A_231, %dma_wait3A_233, %dma_wait3A_234] : memref<4x128x32xbf16, #tpu.memory_space<vmem>> -> memref<1x128x32xbf16, #tpu.memory_space<vmem>>
          %dma_wait3A_236 = tpu.memref_squeeze %dma_wait3A_235 : memref<1x128x32xbf16, #tpu.memory_space<vmem>> -> memref<128x32xbf16, #tpu.memory_space<vmem>>
          %dma_wait3A_237 = arith.constant 0 : i32
          %dma_wait3A_238 = tpu.memref_slice %arg7[%dma_wait3A_232, %dma_wait3A_237] : memref<64x128xi32, #tpu.memory_space<vmem>> -> memref<1x128xi32, #tpu.memory_space<vmem>>
          %dma_wait3A_239 = tpu.memref_squeeze %dma_wait3A_238 : memref<1x128xi32, #tpu.memory_space<vmem>> -> memref<128xi32, #tpu.memory_space<vmem>>
          %dma_wait3A_240 = arith.constant 0 : i32
          %dma_wait3A_241 = arith.constant 0 : i32
          %dma_wait3A_242 = tpu.memref_slice %arg10[%dma_wait3A_240, %dma_wait3A_241] : memref<10112x32xbf16, #tpu.memory_space<vmem_shared>> -> memref<10112x32xbf16, #tpu.memory_space<vmem_shared>>
          tpu.wait_indirect_dma semaphore(%arg16 : memref<!tpu.dma_semaphore, #tpu.memory_space<semaphore_mem>>) src(%dma_wait3A_236 : memref<128x32xbf16, #tpu.memory_space<vmem>>) dst(%dma_wait3A_242 : memref<10112x32xbf16, #tpu.memory_space<vmem_shared>>)
        } else {
        }
        %add3A_202 = arith.constant 2 : i32
        %add3A_203 = arith.addi %add3A_196, %add3A_202 : i32
        %lt3A_204 = arith.constant 28 : i32
        %lt3A_205 = arith.cmpi slt, %add3A_203, %lt3A_204 : i32
        %convert_element_type3A_206 = arith.extui %lt3A_205 : i1 to i32
        %cond3A_207 = arith.constant 0 : i32
        %cond3A_208 = arith.cmpi ne, %convert_element_type3A_206, %cond3A_207 : i32
        scf.if %cond3A_208 {
          %add3A_231 = arith.constant 2 : i32
          %add3A_232 = arith.addi %add3A_196, %add3A_231 : i32
          %dma_start3A_233 = arith.constant 1 : i32
          %dma_start3A_234 = arith.constant 0 : i32
          %dma_start3A_235 = arith.constant 0 : i32
          %dma_start3A_236 = tpu.memref_slice %arg8[%dma_start3A_233, %dma_start3A_234, %dma_start3A_235] : memref<4x128x32xbf16, #tpu.memory_space<vmem>> -> memref<1x128x32xbf16, #tpu.memory_space<vmem>>
          %dma_start3A_237 = tpu.memref_squeeze %dma_start3A_236 : memref<1x128x32xbf16, #tpu.memory_space<vmem>> -> memref<128x32xbf16, #tpu.memory_space<vmem>>
          %dma_start3A_238 = arith.constant 0 : i32
          %dma_start3A_239 = tpu.memref_slice %arg6[%add3A_232, %dma_start3A_238] : memref<64x128xi32, #tpu.memory_space<vmem>> -> memref<1x128xi32, #tpu.memory_space<vmem>>
          %dma_start3A_240 = tpu.memref_squeeze %dma_start3A_239 : memref<1x128xi32, #tpu.memory_space<vmem>> -> memref<128xi32, #tpu.memory_space<vmem>>
          %dma_start3A_241 = arith.constant 0 : i32
          %dma_start3A_242 = arith.constant 0 : i32
          %dma_start3A_243 = tpu.memref_slice %arg2[%dma_start3A_241, %dma_start3A_242] : memref<10000x32xbf16, #tpu.memory_space<hbm>> -> memref<10000x32xbf16, #tpu.memory_space<hbm>>
          tpu.enqueue_indirect_dma source(%dma_start3A_243 : memref<10000x32xbf16, #tpu.memory_space<hbm>>) target(%dma_start3A_237 : memref<128x32xbf16, #tpu.memory_space<vmem>>) offsets(%dma_start3A_240 : memref<128xi32, #tpu.memory_space<vmem>>) semaphore(%arg12 : memref<!tpu.dma_semaphore, #tpu.memory_space<semaphore_mem>>)
        } else {
        }
        %dma_wait3A_209 = arith.constant 3 : i32
        %dma_wait3A_210 = arith.constant 0 : i32
        %dma_wait3A_211 = arith.constant 0 : i32
        %dma_wait3A_212 = tpu.memref_slice %arg8[%dma_wait3A_209, %dma_wait3A_210, %dma_wait3A_211] : memref<4x128x32xbf16, #tpu.memory_space<vmem>> -> memref<1x128x32xbf16, #tpu.memory_space<vmem>>
        %dma_wait3A_213 = tpu.memref_squeeze %dma_wait3A_212 : memref<1x128x32xbf16, #tpu.memory_space<vmem>> -> memref<128x32xbf16, #tpu.memory_space<vmem>>
        %dma_wait3A_214 = arith.constant 0 : i32
        %dma_wait3A_215 = tpu.memref_slice %arg6[%add3A_196, %dma_wait3A_214] : memref<64x128xi32, #tpu.memory_space<vmem>> -> memref<1x128xi32, #tpu.memory_space<vmem>>
        %dma_wait3A_216 = tpu.memref_squeeze %dma_wait3A_215 : memref<1x128xi32, #tpu.memory_space<vmem>> -> memref<128xi32, #tpu.memory_space<vmem>>
        %dma_wait3A_217 = arith.constant 0 : i32
        %dma_wait3A_218 = arith.constant 0 : i32
        %dma_wait3A_219 = tpu.memref_slice %arg2[%dma_wait3A_217, %dma_wait3A_218] : memref<10000x32xbf16, #tpu.memory_space<hbm>> -> memref<10000x32xbf16, #tpu.memory_space<hbm>>
        tpu.wait_indirect_dma semaphore(%arg14 : memref<!tpu.dma_semaphore, #tpu.memory_space<semaphore_mem>>) src(%dma_wait3A_219 : memref<10000x32xbf16, #tpu.memory_space<hbm>>) dst(%dma_wait3A_213 : memref<128x32xbf16, #tpu.memory_space<vmem>>)
        %dma_start3A_220 = arith.constant 3 : i32
        %dma_start3A_221 = arith.constant 0 : i32
        %dma_start3A_222 = arith.constant 0 : i32
        %dma_start3A_223 = tpu.memref_slice %arg8[%dma_start3A_220, %dma_start3A_221, %dma_start3A_222] : memref<4x128x32xbf16, #tpu.memory_space<vmem>> -> memref<1x128x32xbf16, #tpu.memory_space<vmem>>
        %dma_start3A_224 = tpu.memref_squeeze %dma_start3A_223 : memref<1x128x32xbf16, #tpu.memory_space<vmem>> -> memref<128x32xbf16, #tpu.memory_space<vmem>>
        %dma_start3A_225 = arith.constant 0 : i32
        %dma_start3A_226 = tpu.memref_slice %arg7[%add3A_196, %dma_start3A_225] : memref<64x128xi32, #tpu.memory_space<vmem>> -> memref<1x128xi32, #tpu.memory_space<vmem>>
        %dma_start3A_227 = tpu.memref_squeeze %dma_start3A_226 : memref<1x128xi32, #tpu.memory_space<vmem>> -> memref<128xi32, #tpu.memory_space<vmem>>
        %dma_start3A_228 = arith.constant 0 : i32
        %dma_start3A_229 = arith.constant 0 : i32
        %dma_start3A_230 = tpu.memref_slice %arg10[%dma_start3A_228, %dma_start3A_229] : memref<10112x32xbf16, #tpu.memory_space<vmem_shared>> -> memref<10112x32xbf16, #tpu.memory_space<vmem_shared>>
        tpu.enqueue_indirect_dma source(%dma_start3A_224 : memref<128x32xbf16, #tpu.memory_space<vmem>>) target(%dma_start3A_230 : memref<10112x32xbf16, #tpu.memory_space<vmem_shared>>) offsets(%dma_start3A_227 : memref<128xi32, #tpu.memory_space<vmem>>) semaphore(%arg18 : memref<!tpu.dma_semaphore, #tpu.memory_space<semaphore_mem>>) {add = true}
      }
      %scan3A_55 = arith.constant 7 : i32
      %dma_wait3A = arith.constant 2 : i32
      %dma_wait3A_56 = arith.constant 0 : i32
      %dma_wait3A_57 = arith.constant 0 : i32
      %dma_wait3A_58 = arith.constant 0 : i32
      %dma_wait3A_59 = tpu.memref_slice %arg8[%dma_wait3A, %dma_wait3A_57, %dma_wait3A_58] : memref<4x128x32xbf16, #tpu.memory_space<vmem>> -> memref<1x128x32xbf16, #tpu.memory_space<vmem>>
      %dma_wait3A_60 = tpu.memref_squeeze %dma_wait3A_59 : memref<1x128x32xbf16, #tpu.memory_space<vmem>> -> memref<128x32xbf16, #tpu.memory_space<vmem>>
      %dma_wait3A_61 = arith.constant 0 : i32
      %dma_wait3A_62 = tpu.memref_slice %arg7[%dma_wait3A_56, %dma_wait3A_61] : memref<64x128xi32, #tpu.memory_space<vmem>> -> memref<1x128xi32, #tpu.memory_space<vmem>>
      %dma_wait3A_63 = tpu.memref_squeeze %dma_wait3A_62 : memref<1x128xi32, #tpu.memory_space<vmem>> -> memref<128xi32, #tpu.memory_space<vmem>>
      %dma_wait3A_64 = arith.constant 0 : i32
      %dma_wait3A_65 = arith.constant 0 : i32
      %dma_wait3A_66 = tpu.memref_slice %arg10[%dma_wait3A_64, %dma_wait3A_65] : memref<10112x32xbf16, #tpu.memory_space<vmem_shared>> -> memref<10112x32xbf16, #tpu.memory_space<vmem_shared>>
      tpu.wait_indirect_dma semaphore(%arg17 : memref<!tpu.dma_semaphore, #tpu.memory_space<semaphore_mem>>) src(%dma_wait3A_60 : memref<128x32xbf16, #tpu.memory_space<vmem>>) dst(%dma_wait3A_66 : memref<10112x32xbf16, #tpu.memory_space<vmem_shared>>)
      %dma_wait3A_67 = arith.constant 3 : i32
      %dma_wait3A_68 = arith.constant 0 : i32
      %dma_wait3A_69 = arith.constant 0 : i32
      %dma_wait3A_70 = arith.constant 0 : i32
      %dma_wait3A_71 = tpu.memref_slice %arg8[%dma_wait3A_67, %dma_wait3A_69, %dma_wait3A_70] : memref<4x128x32xbf16, #tpu.memory_space<vmem>> -> memref<1x128x32xbf16, #tpu.memory_space<vmem>>
      %dma_wait3A_72 = tpu.memref_squeeze %dma_wait3A_71 : memref<1x128x32xbf16, #tpu.memory_space<vmem>> -> memref<128x32xbf16, #tpu.memory_space<vmem>>
      %dma_wait3A_73 = arith.constant 0 : i32
      %dma_wait3A_74 = tpu.memref_slice %arg7[%dma_wait3A_68, %dma_wait3A_73] : memref<64x128xi32, #tpu.memory_space<vmem>> -> memref<1x128xi32, #tpu.memory_space<vmem>>
      %dma_wait3A_75 = tpu.memref_squeeze %dma_wait3A_74 : memref<1x128xi32, #tpu.memory_space<vmem>> -> memref<128xi32, #tpu.memory_space<vmem>>
      %dma_wait3A_76 = arith.constant 0 : i32
      %dma_wait3A_77 = arith.constant 0 : i32
      %dma_wait3A_78 = tpu.memref_slice %arg10[%dma_wait3A_76, %dma_wait3A_77] : memref<10112x32xbf16, #tpu.memory_space<vmem_shared>> -> memref<10112x32xbf16, #tpu.memory_space<vmem_shared>>
      tpu.wait_indirect_dma semaphore(%arg18 : memref<!tpu.dma_semaphore, #tpu.memory_space<semaphore_mem>>) src(%dma_wait3A_72 : memref<128x32xbf16, #tpu.memory_space<vmem>>) dst(%dma_wait3A_78 : memref<10112x32xbf16, #tpu.memory_space<vmem_shared>>)
    } else {
    }
    %barrier3A_14 = arith.constant 0 : index
    tpu.barrier barrier_id(%barrier3A_14)
    %lt3A = arith.constant 15 : i32
    %lt3A_15 = arith.cmpi slt, %arg1, %lt3A : i32
    %convert_element_type3A_16 = arith.extui %lt3A_15 : i1 to i32
    %cond3A_17 = arith.constant 0 : i32
    %cond3A_18 = arith.cmpi ne, %convert_element_type3A_16, %cond3A_17 : i32
    scf.if %cond3A_18 {
      %mul3A_24 = arith.constant 632 : i32
      %mul3A_25 = arith.muli %arg1, %mul3A_24 : i32
      %mul3A_26 = arith.constant 632 : i32
      %mul3A_27 = arith.muli %arg1, %mul3A_26 : i32
      "tpu.region"() ({
        %run_scoped3A = tpu.sem_alloc : memref<!tpu.dma_semaphore, #tpu.memory_space<semaphore_mem>>
        %dma_start3A = arith.constant 0 : i32
        %dma_start3A_28 = tpu.memref_slice %arg5[%arg0, %mul3A_27, %dma_start3A] : memref<2x10000x32xbf16, #tpu.memory_space<hbm>> -> memref<1x632x32xbf16, #tpu.memory_space<hbm>>
        %dma_start3A_29 = tpu.memref_squeeze %dma_start3A_28 : memref<1x632x32xbf16, #tpu.memory_space<hbm>> -> memref<632x32xbf16, #tpu.memory_space<hbm>>
        %dma_start3A_30 = arith.constant 0 : i32
        %dma_start3A_31 = tpu.memref_slice %arg10[%mul3A_25, %dma_start3A_30] : memref<10112x32xbf16, #tpu.memory_space<vmem_shared>> -> memref<632x32xbf16, #tpu.memory_space<vmem_shared>>
        tpu.enqueue_dma source(%dma_start3A_31 : memref<632x32xbf16, #tpu.memory_space<vmem_shared>>) target(%dma_start3A_29 : memref<632x32xbf16, #tpu.memory_space<hbm>>) target_semaphore(%run_scoped3A : memref<!tpu.dma_semaphore, #tpu.memory_space<semaphore_mem>>)
        %dma_wait3A = arith.constant 0 : i32
        %dma_wait3A_32 = tpu.memref_slice %arg5[%arg0, %mul3A_27, %dma_wait3A] : memref<2x10000x32xbf16, #tpu.memory_space<hbm>> -> memref<1x632x32xbf16, #tpu.memory_space<hbm>>
        %dma_wait3A_33 = tpu.memref_squeeze %dma_wait3A_32 : memref<1x632x32xbf16, #tpu.memory_space<hbm>> -> memref<632x32xbf16, #tpu.memory_space<hbm>>
        %dma_wait3A_34 = arith.constant 0 : i32
        %dma_wait3A_35 = tpu.memref_slice %arg10[%mul3A_25, %dma_wait3A_34] : memref<10112x32xbf16, #tpu.memory_space<vmem_shared>> -> memref<632x32xbf16, #tpu.memory_space<vmem_shared>>
        tpu.wait_dma2 semaphore(%run_scoped3A : memref<!tpu.dma_semaphore, #tpu.memory_space<semaphore_mem>>) src(%dma_wait3A_35 : memref<632x32xbf16, #tpu.memory_space<vmem_shared>>) dst(%dma_wait3A_33 : memref<632x32xbf16, #tpu.memory_space<hbm>>)
        tpu.yield
      }) : () -> ()
    } else {
    }
    %eq3A_19 = arith.constant 15 : i32
    %eq3A_20 = arith.cmpi eq, %arg1, %eq3A_19 : i32
    %convert_element_type3A_21 = arith.extui %eq3A_20 : i1 to i32
    %cond3A_22 = arith.constant 0 : i32
    %cond3A_23 = arith.cmpi ne, %convert_element_type3A_21, %cond3A_22 : i32
    scf.if %cond3A_23 {
      "tpu.region"() ({
        %run_scoped3A = tpu.sem_alloc : memref<!tpu.dma_semaphore, #tpu.memory_space<semaphore_mem>>
        %dma_start3A = arith.constant 9480 : i32
        %dma_start3A_24 = arith.constant 0 : i32
        %dma_start3A_25 = tpu.memref_slice %arg5[%arg0, %dma_start3A, %dma_start3A_24] : memref<2x10000x32xbf16, #tpu.memory_space<hbm>> -> memref<1x520x32xbf16, #tpu.memory_space<hbm>>
        %dma_start3A_26 = tpu.memref_squeeze %dma_start3A_25 : memref<1x520x32xbf16, #tpu.memory_space<hbm>> -> memref<520x32xbf16, #tpu.memory_space<hbm>>
        %dma_start3A_27 = arith.constant 9480 : i32
        %dma_start3A_28 = arith.constant 0 : i32
        %dma_start3A_29 = tpu.memref_slice %arg10[%dma_start3A_27, %dma_start3A_28] : memref<10112x32xbf16, #tpu.memory_space<vmem_shared>> -> memref<520x32xbf16, #tpu.memory_space<vmem_shared>>
        tpu.enqueue_dma source(%dma_start3A_29 : memref<520x32xbf16, #tpu.memory_space<vmem_shared>>) target(%dma_start3A_26 : memref<520x32xbf16, #tpu.memory_space<hbm>>) target_semaphore(%run_scoped3A : memref<!tpu.dma_semaphore, #tpu.memory_space<semaphore_mem>>)
        %dma_wait3A = arith.constant 9480 : i32
        %dma_wait3A_30 = arith.constant 0 : i32
        %dma_wait3A_31 = tpu.memref_slice %arg5[%arg0, %dma_wait3A, %dma_wait3A_30] : memref<2x10000x32xbf16, #tpu.memory_space<hbm>> -> memref<1x520x32xbf16, #tpu.memory_space<hbm>>
        %dma_wait3A_32 = tpu.memref_squeeze %dma_wait3A_31 : memref<1x520x32xbf16, #tpu.memory_space<hbm>> -> memref<520x32xbf16, #tpu.memory_space<hbm>>
        %dma_wait3A_33 = arith.constant 9480 : i32
        %dma_wait3A_34 = arith.constant 0 : i32
        %dma_wait3A_35 = tpu.memref_slice %arg10[%dma_wait3A_33, %dma_wait3A_34] : memref<10112x32xbf16, #tpu.memory_space<vmem_shared>> -> memref<520x32xbf16, #tpu.memory_space<vmem_shared>>
        tpu.wait_dma2 semaphore(%run_scoped3A : memref<!tpu.dma_semaphore, #tpu.memory_space<semaphore_mem>>) src(%dma_wait3A_35 : memref<520x32xbf16, #tpu.memory_space<vmem_shared>>) dst(%dma_wait3A_32 : memref<520x32xbf16, #tpu.memory_space<hbm>>)
        tpu.yield
      }) : () -> ()
    } else {
    }
    return
  }
}

module attributes {stable_mosaic.version = 14 : i64} {
  func.func @_mm_scale_body(%arg0: i32, %arg1: memref<2x1000x16xbf16, #tpu.memory_space<vmem>>, %arg2: memref<1000x256xf32, #tpu.memory_space<vmem>>, %arg3: memref<256x32xf32, #tpu.memory_space<vmem>>, %arg4: memref<1000x32xbf16, #tpu.memory_space<vmem>>, %arg5: memref<1000x1xf32, #tpu.memory_space<vmem>>) attributes {dimension_semantics = [#tpu.dimension_semantics<arbitrary>], iteration_bounds = array<i64: 10>, scalar_prefetch = 0 : i64, scratch_operands = 0 : i64, tpu.core_type = #tpu.core_type<tc>, window_params = [{transform_indices = @transform_0, window_bounds = array<i64: 2, 1000, 16>}, {transform_indices = @transform_1, window_bounds = array<i64: 1000, 256>}, {pipeline_mode = #tpu.pipeline_mode<synchronous>, transform_indices = @transform_2, window_bounds = array<i64: 256, 32>}, {transform_indices = @transform_3, window_bounds = array<i64: 1000, 32>}, {transform_indices = @transform_4, window_bounds = array<i64: 1000, 1>}]} {
    %get3A = arith.constant 0 : index
    %get3A_0 = arith.constant 0 : index
    %get3A_1 = vector.load %arg2[%get3A, %get3A_0] : memref<1000x256xf32, #tpu.memory_space<vmem>>, vector<1000x256xf32>
    %get3A_2 = arith.constant 0 : index
    %get3A_3 = arith.constant 0 : index
    %get3A_4 = vector.load %arg3[%get3A_2, %get3A_3] : memref<256x32xf32, #tpu.memory_space<vmem>>, vector<256x32xf32>
    %dot_general3A = arith.constant dense<0.000000e+00> : vector<1000x32xf32>
    %dot_general3A_5 = tpu.matmul %get3A_1, %get3A_4, %dot_general3A {dimension_numbers = #tpu.dot_dimension_numbers<[1], [0], [0], [1], [0, 0, 1, 1], [], []>, transpose_lhs_hint = false} : vector<1000x256xf32>, vector<256x32xf32>, vector<1000x32xf32> -> vector<1000x32xf32>
    %get3A_6 = arith.constant 0 : index
    %get3A_7 = arith.constant 0 : index
    %get3A_8 = arith.constant 0 : index
    %get3A_9 = vector.load %arg1[%get3A_6, %get3A_7, %get3A_8] : memref<2x1000x16xbf16, #tpu.memory_space<vmem>>, vector<1x1000x1xbf16>
    %get3A_10 = vector.shape_cast %get3A_9 : vector<1x1000x1xbf16> to vector<1000x1xbf16>
    %convert_element_type3A = arith.extf %get3A_10 : vector<1000x1xbf16> to vector<1000x1xf32>
    %get3A_11 = arith.constant 1 : index
    %get3A_12 = arith.constant 0 : index
    %get3A_13 = arith.constant 0 : index
    %get3A_14 = vector.load %arg1[%get3A_11, %get3A_12, %get3A_13] : memref<2x1000x16xbf16, #tpu.memory_space<vmem>>, vector<1x1000x1xbf16>
    %get3A_15 = vector.shape_cast %get3A_14 : vector<1x1000x1xbf16> to vector<1000x1xbf16>
    %convert_element_type3A_16 = arith.extf %get3A_15 : vector<1000x1xbf16> to vector<1000x1xf32>
    %add3A = arith.addf %convert_element_type3A, %convert_element_type3A_16 : vector<1000x1xf32>
    %add3A_17 = arith.constant 1.000000e+00 : f32
    %add3A_18 = vector.broadcast %add3A_17 : f32 to vector<1000x1xf32>
    %add3A_19 = arith.addf %add3A, %add3A_18 : vector<1000x1xf32>
    %rsqrt3A = math.rsqrt %add3A_19 : vector<1000x1xf32>
    %swap3A = arith.constant 0 : index
    %swap3A_20 = arith.constant 0 : index
    %swap3A_21 = vector.load %arg5[%swap3A, %swap3A_20] : memref<1000x1xf32, #tpu.memory_space<vmem>>, vector<1000x1xf32>
    tpu.vector_store %arg5[%swap3A, %swap3A_20], %rsqrt3A {strides = array<i32>} : memref<1000x1xf32, #tpu.memory_space<vmem>>, vector<1000x1xf32>,
    %mul3A = vector.broadcast %rsqrt3A : vector<1000x1xf32> to vector<1000x32xf32>
    %mul3A_22 = arith.mulf %dot_general3A_5, %mul3A : vector<1000x32xf32>
    %convert_element_type3A_23 = arith.truncf %mul3A_22 : vector<1000x32xf32> to vector<1000x32xbf16>
    %swap3A_24 = arith.constant 0 : index
    %swap3A_25 = arith.constant 0 : index
    %swap3A_26 = vector.load %arg4[%swap3A_24, %swap3A_25] : memref<1000x32xbf16, #tpu.memory_space<vmem>>, vector<1000x32xbf16>
    tpu.vector_store %arg4[%swap3A_24, %swap3A_25], %convert_element_type3A_23 {strides = array<i32>} : memref<1000x32xbf16, #tpu.memory_space<vmem>>, vector<1000x32xbf16>,
    return
  }
  func.func @transform_0(%arg0: i32) -> (i32, i32, i32) {
    %c0_i32 = arith.constant 0 : i32
    %c0_i32_0 = arith.constant 0 : i32
    %c0_i32_1 = arith.constant 0 : i32
    return %c0_i32, %arg0, %c0_i32_0 : i32, i32, i32
  }
  func.func @transform_1(%arg0: i32) -> (i32, i32) {
    %c0_i32 = arith.constant 0 : i32
    %c0_i32_0 = arith.constant 0 : i32
    return %arg0, %c0_i32 : i32, i32
  }
  func.func @transform_2(%arg0: i32) -> (i32, i32) {
    %c0_i32 = arith.constant 0 : i32
    %c0_i32_0 = arith.constant 0 : i32
    %c0_i32_1 = arith.constant 0 : i32
    return %c0_i32, %c0_i32_0 : i32, i32
  }
  func.func @transform_3(%arg0: i32) -> (i32, i32) {
    %c0_i32 = arith.constant 0 : i32
    %c0_i32_0 = arith.constant 0 : i32
    return %arg0, %c0_i32 : i32, i32
  }
  func.func @transform_4(%arg0: i32) -> (i32, i32) {
    %c0_i32 = arith.constant 0 : i32
    %c0_i32_0 = arith.constant 0 : i32
    return %arg0, %c0_i32 : i32, i32
  }
}

module attributes {stable_mosaic.version = 14 : i64} {
  func.func @_l1_body(%arg0: i32, %arg1: memref<2x1000x32xbf16, #tpu.memory_space<vmem>>, %arg2: memref<1000x32xbf16, #tpu.memory_space<vmem>>, %arg3: memref<1000x1xf32, #tpu.memory_space<vmem>>, %arg4: memref<1x32xf32, #tpu.memory_space<vmem>>, %arg5: memref<1000x32xbf16, #tpu.memory_space<vmem>>) attributes {dimension_semantics = [#tpu.dimension_semantics<arbitrary>], iteration_bounds = array<i64: 10>, scalar_prefetch = 0 : i64, scratch_operands = 0 : i64, tpu.core_type = #tpu.core_type<tc>, window_params = [{transform_indices = @transform_0, window_bounds = array<i64: 2, 1000, 32>}, {transform_indices = @transform_1, window_bounds = array<i64: 1000, 32>}, {transform_indices = @transform_2, window_bounds = array<i64: 1000, 1>}, {pipeline_mode = #tpu.pipeline_mode<synchronous>, transform_indices = @transform_3, window_bounds = array<i64: 1, 32>}, {transform_indices = @transform_4, window_bounds = array<i64: 1000, 32>}]} {
    %get3A = arith.constant 0 : index
    %get3A_0 = arith.constant 0 : index
    %get3A_1 = arith.constant 0 : index
    %get3A_2 = vector.load %arg1[%get3A, %get3A_0, %get3A_1] : memref<2x1000x32xbf16, #tpu.memory_space<vmem>>, vector<1x1000x32xbf16>
    %get3A_3 = vector.shape_cast %get3A_2 : vector<1x1000x32xbf16> to vector<1000x32xbf16>
    %convert_element_type3A = arith.extf %get3A_3 : vector<1000x32xbf16> to vector<1000x32xf32>
    %get3A_4 = arith.constant 1 : index
    %get3A_5 = arith.constant 0 : index
    %get3A_6 = arith.constant 0 : index
    %get3A_7 = vector.load %arg1[%get3A_4, %get3A_5, %get3A_6] : memref<2x1000x32xbf16, #tpu.memory_space<vmem>>, vector<1x1000x32xbf16>
    %get3A_8 = vector.shape_cast %get3A_7 : vector<1x1000x32xbf16> to vector<1000x32xbf16>
    %convert_element_type3A_9 = arith.extf %get3A_8 : vector<1000x32xbf16> to vector<1000x32xf32>
    %add3A = arith.addf %convert_element_type3A, %convert_element_type3A_9 : vector<1000x32xf32>
    %get3A_10 = arith.constant 0 : index
    %get3A_11 = arith.constant 0 : index
    %get3A_12 = vector.load %arg2[%get3A_10, %get3A_11] : memref<1000x32xbf16, #tpu.memory_space<vmem>>, vector<1000x32xbf16>
    %convert_element_type3A_13 = arith.extf %get3A_12 : vector<1000x32xbf16> to vector<1000x32xf32>
    %add3A_14 = arith.addf %add3A, %convert_element_type3A_13 : vector<1000x32xf32>
    %get3A_15 = arith.constant 0 : index
    %get3A_16 = arith.constant 0 : index
    %get3A_17 = vector.load %arg3[%get3A_15, %get3A_16] : memref<1000x1xf32, #tpu.memory_space<vmem>>, vector<1000x1xf32>
    %mul3A = vector.broadcast %get3A_17 : vector<1000x1xf32> to vector<1000x32xf32>
    %mul3A_18 = arith.mulf %add3A_14, %mul3A : vector<1000x32xf32>
    %get3A_19 = arith.constant 0 : index
    %get3A_20 = arith.constant 0 : index
    %get3A_21 = vector.load %arg4[%get3A_19, %get3A_20] : memref<1x32xf32, #tpu.memory_space<vmem>>, vector<1x32xf32>
    %add3A_22 = vector.broadcast %get3A_21 : vector<1x32xf32> to vector<1000x32xf32>
    %add3A_23 = arith.addf %mul3A_18, %add3A_22 : vector<1000x32xf32>
    %max3A = arith.constant 0.000000e+00 : f32
    %max3A_24 = vector.broadcast %max3A : f32 to vector<1000x32xf32>
    %max3A_25 = arith.maximumf %add3A_23, %max3A_24 : vector<1000x32xf32>
    %get3A_26 = arith.constant 0 : index
    %get3A_27 = arith.constant 0 : index
    %get3A_28 = vector.load %arg3[%get3A_26, %get3A_27] : memref<1000x1xf32, #tpu.memory_space<vmem>>, vector<1000x1xf32>
    %mul3A_29 = vector.broadcast %get3A_28 : vector<1000x1xf32> to vector<1000x32xf32>
    %mul3A_30 = arith.mulf %max3A_25, %mul3A_29 : vector<1000x32xf32>
    %convert_element_type3A_31 = arith.truncf %mul3A_30 : vector<1000x32xf32> to vector<1000x32xbf16>
    %swap3A = arith.constant 0 : index
    %swap3A_32 = arith.constant 0 : index
    %swap3A_33 = vector.load %arg5[%swap3A, %swap3A_32] : memref<1000x32xbf16, #tpu.memory_space<vmem>>, vector<1000x32xbf16>
    tpu.vector_store %arg5[%swap3A, %swap3A_32], %convert_element_type3A_31 {strides = array<i32>} : memref<1000x32xbf16, #tpu.memory_space<vmem>>, vector<1000x32xbf16>,
    return
  }
  func.func @transform_0(%arg0: i32) -> (i32, i32, i32) {
    %c0_i32 = arith.constant 0 : i32
    %c0_i32_0 = arith.constant 0 : i32
    %c0_i32_1 = arith.constant 0 : i32
    return %c0_i32, %arg0, %c0_i32_0 : i32, i32, i32
  }
  func.func @transform_1(%arg0: i32) -> (i32, i32) {
    %c0_i32 = arith.constant 0 : i32
    %c0_i32_0 = arith.constant 0 : i32
    return %arg0, %c0_i32 : i32, i32
  }
  func.func @transform_2(%arg0: i32) -> (i32, i32) {
    %c0_i32 = arith.constant 0 : i32
    %c0_i32_0 = arith.constant 0 : i32
    return %arg0, %c0_i32 : i32, i32
  }
  func.func @transform_3(%arg0: i32) -> (i32, i32) {
    %c0_i32 = arith.constant 0 : i32
    %c0_i32_0 = arith.constant 0 : i32
    %c0_i32_1 = arith.constant 0 : i32
    return %c0_i32, %c0_i32_0 : i32, i32
  }
  func.func @transform_4(%arg0: i32) -> (i32, i32) {
    %c0_i32 = arith.constant 0 : i32
    %c0_i32_0 = arith.constant 0 : i32
    return %arg0, %c0_i32 : i32, i32
  }
}

module attributes {stable_mosaic.version = 14 : i64} {
  func.func @_final_body(%arg0: i32, %arg1: memref<2x1000x32xbf16, #tpu.memory_space<vmem>>, %arg2: memref<1000x32xbf16, #tpu.memory_space<vmem>>, %arg3: memref<1000x1xf32, #tpu.memory_space<vmem>>, %arg4: memref<1x1x1000xi32, #tpu.memory_space<vmem>>, %arg5: memref<32x128xf32, #tpu.memory_space<vmem>>, %arg6: memref<1x128xf32, #tpu.memory_space<vmem>>, %arg7: memref<64x128xf32, #tpu.memory_space<vmem>>, %arg8: memref<64x128xf32, #tpu.memory_space<vmem>>, %arg9: memref<64x128xf32, #tpu.memory_space<vmem>>) attributes {dimension_semantics = [#tpu.dimension_semantics<arbitrary>], iteration_bounds = array<i64: 10>, scalar_prefetch = 0 : i64, scratch_operands = 2 : i64, tpu.core_type = #tpu.core_type<tc>, window_params = [{transform_indices = @transform_0, window_bounds = array<i64: 2, 1000, 32>}, {transform_indices = @transform_1, window_bounds = array<i64: 1000, 32>}, {transform_indices = @transform_2, window_bounds = array<i64: 1000, 1>}, {transform_indices = @transform_3, window_bounds = array<i64: 1, 1, 1000>}, {pipeline_mode = #tpu.pipeline_mode<synchronous>, transform_indices = @transform_4, window_bounds = array<i64: 32, 128>}, {pipeline_mode = #tpu.pipeline_mode<synchronous>, transform_indices = @transform_5, window_bounds = array<i64: 1, 128>}, {pipeline_mode = #tpu.pipeline_mode<synchronous>, transform_indices = @transform_6, window_bounds = array<i64: 64, 128>}]} {
    %eq3A = arith.constant 0 : i32
    %eq3A_0 = arith.cmpi eq, %arg0, %eq3A : i32
    %convert_element_type3A = arith.extui %eq3A_0 : i1 to i32
    %cond3A = arith.constant 0 : i32
    %cond3A_1 = arith.cmpi ne, %convert_element_type3A, %cond3A : i32
    scf.if %cond3A_1 {
      %broadcast_in_dim3A_66 = arith.constant 0.000000e+00 : f32
      %broadcast_in_dim3A_67 = vector.broadcast %broadcast_in_dim3A_66 : f32 to vector<64x128xf32>
      %swap3A_68 = arith.constant 0 : index
      %swap3A_69 = arith.constant 0 : index
      %swap3A_70 = vector.load %arg8[%swap3A_68, %swap3A_69] : memref<64x128xf32, #tpu.memory_space<vmem>>, vector<64x128xf32>
      tpu.vector_store %arg8[%swap3A_68, %swap3A_69], %broadcast_in_dim3A_67 {strides = array<i32>} : memref<64x128xf32, #tpu.memory_space<vmem>>, vector<64x128xf32>,
      %broadcast_in_dim3A_71 = arith.constant 0.000000e+00 : f32
      %broadcast_in_dim3A_72 = vector.broadcast %broadcast_in_dim3A_71 : f32 to vector<64x128xf32>
      %swap3A_73 = arith.constant 0 : index
      %swap3A_74 = arith.constant 0 : index
      %swap3A_75 = vector.load %arg9[%swap3A_73, %swap3A_74] : memref<64x128xf32, #tpu.memory_space<vmem>>, vector<64x128xf32>
      tpu.vector_store %arg9[%swap3A_73, %swap3A_74], %broadcast_in_dim3A_72 {strides = array<i32>} : memref<64x128xf32, #tpu.memory_space<vmem>>, vector<64x128xf32>,
    } else {
    }
    %get3A = arith.constant 0 : index
    %get3A_2 = arith.constant 0 : index
    %get3A_3 = arith.constant 0 : index
    %get3A_4 = vector.load %arg1[%get3A, %get3A_2, %get3A_3] : memref<2x1000x32xbf16, #tpu.memory_space<vmem>>, vector<1x1000x32xbf16>
    %get3A_5 = vector.shape_cast %get3A_4 : vector<1x1000x32xbf16> to vector<1000x32xbf16>
    %convert_element_type3A_6 = arith.extf %get3A_5 : vector<1000x32xbf16> to vector<1000x32xf32>
    %get3A_7 = arith.constant 1 : index
    %get3A_8 = arith.constant 0 : index
    %get3A_9 = arith.constant 0 : index
    %get3A_10 = vector.load %arg1[%get3A_7, %get3A_8, %get3A_9] : memref<2x1000x32xbf16, #tpu.memory_space<vmem>>, vector<1x1000x32xbf16>
    %get3A_11 = vector.shape_cast %get3A_10 : vector<1x1000x32xbf16> to vector<1000x32xbf16>
    %convert_element_type3A_12 = arith.extf %get3A_11 : vector<1000x32xbf16> to vector<1000x32xf32>
    %add3A = arith.addf %convert_element_type3A_6, %convert_element_type3A_12 : vector<1000x32xf32>
    %get3A_13 = arith.constant 0 : index
    %get3A_14 = arith.constant 0 : index
    %get3A_15 = vector.load %arg2[%get3A_13, %get3A_14] : memref<1000x32xbf16, #tpu.memory_space<vmem>>, vector<1000x32xbf16>
    %convert_element_type3A_16 = arith.extf %get3A_15 : vector<1000x32xbf16> to vector<1000x32xf32>
    %add3A_17 = arith.addf %add3A, %convert_element_type3A_16 : vector<1000x32xf32>
    %get3A_18 = arith.constant 0 : index
    %get3A_19 = arith.constant 0 : index
    %get3A_20 = vector.load %arg3[%get3A_18, %get3A_19] : memref<1000x1xf32, #tpu.memory_space<vmem>>, vector<1000x1xf32>
    %mul3A = vector.broadcast %get3A_20 : vector<1000x1xf32> to vector<1000x32xf32>
    %mul3A_21 = arith.mulf %add3A_17, %mul3A : vector<1000x32xf32>
    %get3A_22 = arith.constant 0 : index
    %get3A_23 = arith.constant 0 : index
    %get3A_24 = vector.load %arg5[%get3A_22, %get3A_23] : memref<32x128xf32, #tpu.memory_space<vmem>>, vector<32x128xf32>
    %dot_general3A = arith.constant dense<0.000000e+00> : vector<1000x128xf32>
    %dot_general3A_25 = tpu.matmul %mul3A_21, %get3A_24, %dot_general3A {dimension_numbers = #tpu.dot_dimension_numbers<[1], [0], [0], [1], [0, 0, 1, 1], [], []>, transpose_lhs_hint = false} : vector<1000x32xf32>, vector<32x128xf32>, vector<1000x128xf32> -> vector<1000x128xf32>
    %get3A_26 = arith.constant 0 : index
    %get3A_27 = arith.constant 0 : index
    %get3A_28 = vector.load %arg6[%get3A_26, %get3A_27] : memref<1x128xf32, #tpu.memory_space<vmem>>, vector<1x128xf32>
    %add3A_29 = vector.broadcast %get3A_28 : vector<1x128xf32> to vector<1000x128xf32>
    %add3A_30 = arith.addf %dot_general3A_25, %add3A_29 : vector<1000x128xf32>
    %max3A = arith.constant 0.000000e+00 : f32
    %max3A_31 = vector.broadcast %max3A : f32 to vector<1000x128xf32>
    %max3A_32 = arith.maximumf %add3A_30, %max3A_31 : vector<1000x128xf32>
    %iota3A = tpu.iota {dimensions = array<i32: 0>} : vector<64x1000xi32>
    %get3A_33 = arith.constant 0 : index
    %get3A_34 = arith.constant 0 : index
    %get3A_35 = arith.constant 0 : index
    %get3A_36 = vector.load %arg4[%get3A_33, %get3A_34, %get3A_35] : memref<1x1x1000xi32, #tpu.memory_space<vmem>>, vector<1x1x1000xi32>
    %get3A_37 = vector.shape_cast %get3A_36 : vector<1x1x1000xi32> to vector<1x1000xi32>
    %broadcast_in_dim3A = vector.shape_cast %get3A_37 : vector<1x1000xi32> to vector<1x1000xi32>
    %broadcast_in_dim3A_38 = vector.broadcast %broadcast_in_dim3A : vector<1x1000xi32> to vector<64x1000xi32>
    %eq3A_39 = arith.cmpi eq, %iota3A, %broadcast_in_dim3A_38 : vector<64x1000xi32>
    %convert_element_type3A_40 = arith.extui %eq3A_39 : vector<64x1000xi1> to vector<64x1000xi32>
    %convert_element_type3A_41 = arith.sitofp %convert_element_type3A_40 : vector<64x1000xi32> to vector<64x1000xf32>
    %get3A_42 = arith.constant 0 : index
    %get3A_43 = arith.constant 0 : index
    %get3A_44 = vector.load %arg8[%get3A_42, %get3A_43] : memref<64x128xf32, #tpu.memory_space<vmem>>, vector<64x128xf32>
    %dot_general3A_45 = arith.constant dense<0.000000e+00> : vector<64x128xf32>
    %dot_general3A_46 = tpu.matmul %convert_element_type3A_41, %max3A_32, %dot_general3A_45 {dimension_numbers = #tpu.dot_dimension_numbers<[1], [0], [0], [1], [0, 0, 1, 1], [], []>, transpose_lhs_hint = false} : vector<64x1000xf32>, vector<1000x128xf32>, vector<64x128xf32> -> vector<64x128xf32>
    %add3A_47 = arith.addf %get3A_44, %dot_general3A_46 : vector<64x128xf32>
    %swap3A = arith.constant 0 : index
    %swap3A_48 = arith.constant 0 : index
    %swap3A_49 = vector.load %arg8[%swap3A, %swap3A_48] : memref<64x128xf32, #tpu.memory_space<vmem>>, vector<64x128xf32>
    tpu.vector_store %arg8[%swap3A, %swap3A_48], %add3A_47 {strides = array<i32>} : memref<64x128xf32, #tpu.memory_space<vmem>>, vector<64x128xf32>,
    %get3A_50 = arith.constant 0 : index
    %get3A_51 = arith.constant 0 : index
    %get3A_52 = vector.load %arg9[%get3A_50, %get3A_51] : memref<64x128xf32, #tpu.memory_space<vmem>>, vector<64x128xf32>
    %reduce_sum3A = arith.constant dense<0.000000e+00> : vector<64xf32>
    %reduce_sum3A_53 = vector.multi_reduction <add>, %convert_element_type3A_41, %reduce_sum3A [1] : vector<64x1000xf32> to vector<64xf32>
    %broadcast_in_dim3A_54 = vector.shape_cast %reduce_sum3A_53 : vector<64xf32> to vector<64x1xf32>
    %broadcast_in_dim3A_55 = vector.shape_cast %broadcast_in_dim3A_54 : vector<64x1xf32> to vector<64x1xf32>
    %broadcast_in_dim3A_56 = vector.broadcast %broadcast_in_dim3A_55 : vector<64x1xf32> to vector<64x128xf32>
    %add3A_57 = arith.addf %get3A_52, %broadcast_in_dim3A_56 : vector<64x128xf32>
    %swap3A_58 = arith.constant 0 : index
    %swap3A_59 = arith.constant 0 : index
    %swap3A_60 = vector.load %arg9[%swap3A_58, %swap3A_59] : memref<64x128xf32, #tpu.memory_space<vmem>>, vector<64x128xf32>
    tpu.vector_store %arg9[%swap3A_58, %swap3A_59], %add3A_57 {strides = array<i32>} : memref<64x128xf32, #tpu.memory_space<vmem>>, vector<64x128xf32>,
    %eq3A_61 = arith.constant 9 : i32
    %eq3A_62 = arith.cmpi eq, %arg0, %eq3A_61 : i32
    %convert_element_type3A_63 = arith.extui %eq3A_62 : i1 to i32
    %cond3A_64 = arith.constant 0 : i32
    %cond3A_65 = arith.cmpi ne, %convert_element_type3A_63, %cond3A_64 : i32
    scf.if %cond3A_65 {
      %get3A_66 = arith.constant 0 : index
      %get3A_67 = arith.constant 0 : index
      %get3A_68 = vector.load %arg8[%get3A_66, %get3A_67] : memref<64x128xf32, #tpu.memory_space<vmem>>, vector<64x128xf32>
      %get3A_69 = arith.constant 0 : index
      %get3A_70 = arith.constant 0 : index
      %get3A_71 = vector.load %arg9[%get3A_69, %get3A_70] : memref<64x128xf32, #tpu.memory_space<vmem>>, vector<64x128xf32>
      %max3A_72 = arith.constant 1.000000e+00 : f32
      %max3A_73 = vector.broadcast %max3A_72 : f32 to vector<64x128xf32>
      %max3A_74 = arith.maximumf %get3A_71, %max3A_73 : vector<64x128xf32>
      %div3A = arith.divf %get3A_68, %max3A_74 : vector<64x128xf32>
      %reduce_max3A = arith.constant dense<0xFF800000> : vector<64xf32>
      %reduce_max3A_75 = vector.multi_reduction <maximumf>, %div3A, %reduce_max3A [1] : vector<64x128xf32> to vector<64xf32>
      %broadcast_in_dim3A_76 = vector.shape_cast %reduce_max3A_75 : vector<64xf32> to vector<64x1xf32>
      %sub3A = vector.broadcast %broadcast_in_dim3A_76 : vector<64x1xf32> to vector<64x128xf32>
      %sub3A_77 = arith.subf %div3A, %sub3A : vector<64x128xf32>
      %exp3A = math.exp %sub3A_77 : vector<64x128xf32>
      %reduce_sum3A_78 = arith.constant dense<0.000000e+00> : vector<64xf32>
      %reduce_sum3A_79 = vector.multi_reduction <add>, %exp3A, %reduce_sum3A_78 [1] : vector<64x128xf32> to vector<64xf32>
      %broadcast_in_dim3A_80 = vector.shape_cast %reduce_sum3A_79 : vector<64xf32> to vector<64x1xf32>
      %log3A = math.log %broadcast_in_dim3A_80 : vector<64x1xf32>
      %sub3A_81 = vector.broadcast %log3A : vector<64x1xf32> to vector<64x128xf32>
      %sub3A_82 = arith.subf %sub3A_77, %sub3A_81 : vector<64x128xf32>
      %swap3A_83 = arith.constant 0 : index
      %swap3A_84 = arith.constant 0 : index
      %swap3A_85 = vector.load %arg7[%swap3A_83, %swap3A_84] : memref<64x128xf32, #tpu.memory_space<vmem>>, vector<64x128xf32>
      tpu.vector_store %arg7[%swap3A_83, %swap3A_84], %sub3A_82 {strides = array<i32>} : memref<64x128xf32, #tpu.memory_space<vmem>>, vector<64x128xf32>,
    } else {
    }
    return
  }
  func.func @transform_0(%arg0: i32) -> (i32, i32, i32) {
    %c0_i32 = arith.constant 0 : i32
    %c0_i32_0 = arith.constant 0 : i32
    %c0_i32_1 = arith.constant 0 : i32
    return %c0_i32, %arg0, %c0_i32_0 : i32, i32, i32
  }
  func.func @transform_1(%arg0: i32) -> (i32, i32) {
    %c0_i32 = arith.constant 0 : i32
    %c0_i32_0 = arith.constant 0 : i32
    return %arg0, %c0_i32 : i32, i32
  }
  func.func @transform_2(%arg0: i32) -> (i32, i32) {
    %c0_i32 = arith.constant 0 : i32
    %c0_i32_0 = arith.constant 0 : i32
    return %arg0, %c0_i32 : i32, i32
  }
  func.func @transform_3(%arg0: i32) -> (i32, i32, i32) {
    %c0_i32 = arith.constant 0 : i32
    %c0_i32_0 = arith.constant 0 : i32
    %c0_i32_1 = arith.constant 0 : i32
    return %arg0, %c0_i32, %c0_i32_0 : i32, i32, i32
  }
  func.func @transform_4(%arg0: i32) -> (i32, i32) {
    %c0_i32 = arith.constant 0 : i32
    %c0_i32_0 = arith.constant 0 : i32
    %c0_i32_1 = arith.constant 0 : i32
    return %c0_i32, %c0_i32_0 : i32, i32
  }
  func.func @transform_5(%arg0: i32) -> (i32, i32) {
    %c0_i32 = arith.constant 0 : i32
    %c0_i32_0 = arith.constant 0 : i32
    %c0_i32_1 = arith.constant 0 : i32
    return %c0_i32, %c0_i32_0 : i32, i32
  }
  func.func @transform_6(%arg0: i32) -> (i32, i32) {
    %c0_i32 = arith.constant 0 : i32
    %c0_i32_0 = arith.constant 0 : i32
    %c0_i32_1 = arith.constant 0 : i32
    return %c0_i32, %c0_i32_0 : i32, i32
  }
}

</mosaic_0001>

<sc_bundles>
// kernel: kernel.11.cloned.1.call-start
scs
__scs_entry_jumppad:
0x0: {  	(pc) =	sbr.rel $0x88, $3  }
0x1: {  	(tag) =	ssettag $0x0;
	lr =	simm.s32 $0x1  }
0x2: {  	[smem:$0x3F9A] =	sst lr;
	_ =	strace $0xD0000000  }
0x3: {  	_ = 	snop  }
0x4: {  	_ = 	snop  }
0x5: {  	_ = 	snop  }
0x6: {  	_ = 	snop  }
0x7: {  	_ = 	snop  }
__scs_overlays_trampoline_lowered:
0x8: {  	[smem:$0x3FA9] =	sst s0  }
0x9: {  	[smem:$0x3FAA] =	sst s1  }
0xa: {  	[smem:$0x3FAB] =	sst s2  }
0xb: {  	[smem:$0x3FAC] =	sst s3  }
0xc: {  	[smem:$0x3FAD] =	sst s4  }
0xd: {  	[smem:$0x3FAE] =	sst s5  }
0xe: {  	[smem:$0x3FAF] =	sst s6  }
0xf: {  	[smem:$0x3FB0] =	sst s7  }
0x10: {  	[smem:$0x3FB1] =	sst s8  }
0x11: {  	[smem:$0x3FB2] =	sst s9;
	s0 =	simm.s32 @!p0 $0x0  }
0x12: {  	s1 =	sld [smem:$0x3F98];
	s0 =	simm.s32 @p0 $0x1  }
0x13: {  	[smem:$0x3FB3] =	sst s0;
	s0 =	simm.s32 @!p1 $0x0  }
0x14: {  	s2 =	sld [smem:$0x3F97];
	s0 =	simm.s32 @p1 $0x1  }
0x15: {  	[smem:$0x3FB4] =	sst s0;
	s0 =	simm.s32 @!p2 $0x0  }
0x16: {  	s3 =	sld [smem:$0x3FDB];
	s0 =	simm.s32 @p2 $0x1  }
0x17: {  	s4 =	simm.s32 $0x1BF5;
	[smem:$0x3FB6] =	sst s0  }
0x18: {  	s0 =	sld [smem:$0x3F99];
	_ =	swait.ge [sflag:s4], $0x0  }
0x19: {  	s7 =	sld [smem:$0x3F9A]  }
0x1a: {  	s8 =	sadd.s32 $0xFFFFE003, lr  }
0x1b: {  	s9 =	sadd.s32 $0xFFFFFEF7, lr;
	s5 =	simm.s32 $0xFFFFFFFF;
	p2 =	slt.u32 s8, $0xFFFFF086  }
0x1c: {  	p1 =	slt.u32 s9, $0xF7A;
	s5 =	simm.s32 @!p2 $0x0  }
0x1d: {  	s5 =	simm.s32 @p1 $0x1;
	p0 =	seq.s32 s7, s2  }
0x1e: {  	s7 =	smul.u32 @!p0 $0xF7A, s2;
	p2 =	seq.s32 @!p0 s5, $0x0  }
0x1f: {  	s9 =	smul.u32 $0xF7A, s1;
	s8 =	simm.s32 @!p0 $0x1BF5;
	p2 =	por !p2, p0  }
0x20: {  	[sflag:s8] =	ssyncset.s32 @!p0 $0xFFFFF086;
	s6 =	sadd.s32 @!p0 s3, s7;
	s7 =	simm.s32 @!p0 $0x108  }
0x21: {  	s3 =	sadd.s32 s3, s9;
	s6 =	sadd.s32 @!p0 $0x88, s6;
	s7 =	simm.s32 @p2 $0x1082  }
0x22: {  	[simem:s7], [sflag:s8] =	dma.local @!p0 [hbm:s6], $0xF7A  }
0x23: {  	s9 =	sor.u32 $0xD0000000, s2;
	s6 =	simm.s32 $0x108;
	_ =	swait.ge @!p0 [sflag:s8], $0x0  }
0x24: {  	s3 =	sadd.s32 $0x88, s3;
	s6 =	simm.s32 @!p1 $0x1082;
	[sflag:s4] =	ssyncset.s32 $0xFFFFF086  }
0x25: {  	[simem:s6], [sflag:s4] =	dma.local [hbm:s3], $0xF7A  }
0x26: {  	[smem:$0x3F9A] =	sst s1;
	(tag) =	ssettag s2;
	_ =	strace s9  }
0x27: {  	s1 =	sld [smem:$0x3FAA]  }
0x28: {  	s2 =	sld [smem:$0x3FAB]  }
0x29: {  	s4 =	sld [smem:$0x3FAD]  }
0x2a: {  	p0 =	seq.s32 s5, $0x0;
	s5 =	sld [smem:$0x3FAE]  }
0x2b: {  	s6 =	sld [smem:$0x3FAF]  }
0x2c: {  	s7 =	sld [smem:$0x3FB0]  }
0x2d: {  	s3 =	simm.s32 $0x108;
	s8 =	sld [smem:$0x3FB1]  }
0x2e: {  	s3 =	simm.s32 @!p0 $0x1082;
	s9 =	sld [smem:$0x3FB2]  }
0x2f: {  	lr =	sadd.s32 s0, s3;
	s0 =	sld [smem:$0x3FA9]  }
0x30: {  	s3 =	sld [smem:$0x3FAC]  }
0x31: {  	[smem:$0x3FB5] =	sst s10  }
0x32: {  	s10 =	sld [smem:$0x3FB3];
	_ =	sdelay $0x3  }
0x33: {  	p0 =	seq.s32 s10, $0x1;
	s10 =	sld [smem:$0x3FB5];
	_ =	sdelay $0x3  }
0x34: {  	[smem:$0x3FB5] =	sst s10  }
0x35: {  	s10 =	sld [smem:$0x3FB4];
	_ =	sdelay $0x3  }
0x36: {  	p1 =	seq.s32 s10, $0x1;
	s10 =	sld [smem:$0x3FB5];
	_ =	sdelay $0x3  }
0x37: {  	[smem:$0x3FB5] =	sst s10  }
0x38: {  	s10 =	sld [smem:$0x3FB6]  }
0x39: {  	_ = 	snop;
	(pc) =	sbr.ind lr, $3  }
0x3a: {  	_ = 	snop  }
0x3b: {  	_ = 	snop  }
0x3c: {  	p2 =	seq.s32 s10, $0x1;
	s10 =	sld [smem:$0x3FB5]  }
0x3d: {  	_ =	shalt  }
0x3e: {  	_ =	shalt  }
0x3f: {  	_ =	shalt  }
0x40: {  	_ =	shalt  }
0x41: {  	_ =	shalt  }
0x42: {  	_ =	shalt  }
0x43: {  	_ =	shalt  }
0x44: {  	_ =	shalt  }
0x45: {  	_ =	shalt  }
0x46: {  	_ =	shalt  }
0x47: {  	_ =	shalt  }
0x48: {  	_ =	shalt  }
0x49: {  	_ =	shalt  }
0x4a: {  	_ =	shalt  }
0x4b: {  	_ =	shalt  }
0x4c: {  	_ =	shalt  }
0x4d: {  	_ =	shalt  }
0x4e: {  	_ =	shalt  }
0x4f: {  	_ =	shalt  }
0x50: {  	_ =	shalt  }
0x51: {  	_ =	shalt  }
0x52: {  	_ =	shalt  }
0x53: {  	_ =	shalt  }
0x54: {  	_ =	shalt  }
0x55: {  	_ =	shalt  }
0x56: {  	_ =	shalt  }
0x57: {  	_ =	shalt  }
0x58: {  	_ =	shalt  }
0x59: {  	_ =	shalt  }
0x5a: {  	_ =	shalt  }
0x5b: {  	_ =	shalt  }
0x5c: {  	_ =	shalt  }
0x5d: {  	_ =	shalt  }
0x5e: {  	_ =	shalt  }
0x5f: {  	_ =	shalt  }
0x60: {  	_ =	shalt  }
0x61: {  	_ =	shalt  }
0x62: {  	_ =	shalt  }
0x63: {  	_ =	shalt  }
0x64: {  	_ =	shalt  }
0x65: {  	_ =	shalt  }
0x66: {  	_ =	shalt  }
0x67: {  	_ =	shalt  }
0x68: {  	_ =	shalt  }
0x69: {  	_ =	shalt  }
0x6a: {  	_ =	shalt  }
0x6b: {  	_ =	shalt  }
0x6c: {  	_ =	shalt  }
0x6d: {  	_ =	shalt  }
0x6e: {  	_ =	shalt  }
0x6f: {  	_ =	shalt  }
0x70: {  	_ =	shalt  }
0x71: {  	_ =	shalt  }
0x72: {  	_ =	shalt  }
0x73: {  	_ =	shalt  }
0x74: {  	_ =	shalt  }
0x75: {  	_ =	shalt  }
0x76: {  	_ =	shalt  }
0x77: {  	_ =	shalt  }
0x78: {  	_ =	shalt  }
0x79: {  	_ =	shalt  }
0x7a: {  	_ =	shalt  }
0x7b: {  	_ =	shalt  }
0x7c: {  	_ =	shalt  }
0x7d: {  	_ =	shalt  }
0x7e: {  	_ =	shalt  }
0x7f: {  	_ =	shalt  }
0x80: {  	_ =	shalt  }
0x81: {  	_ =	shalt  }
0x82: {  	_ =	shalt  }
0x83: {  	_ =	shalt  }
0x84: {  	_ =	shalt  }
0x85: {  	_ =	shalt  }
0x86: {  	_ =	shalt  }
0x87: {  	_ =	shalt  }
.Lfunc_end0:
.L_simem_size_0:
called_computation.1_lowered:
.L_overlay_start_0:
0x88: {  	s2 =	sld [smem:$0x3FD9]  }
0x89: {  	s3 =	sld [smem:$0x3FFE];
	_ =	sdelay $0x1  }
0x8a: {  	s1 =	srdreg.scid  }
0x8b: {  	s0 =	sand.u32 $0x1, s1  }
0x8c: {  	s16 =	sshll.u32 s0, $0xA;
	s2 =	sadd.s32 s3, s2  }
0x8d: {  	s2 =	sadd.s32 s2, s16  }
0x8e: {  	[smem:$0x3FC1] =	sst s2  }
0x8f: {  	_ = 	snop  }
0x90: {  	(tm) =	ssettm $0x1  }
0x91: {  	s17 =	sld [smem:$0x3FFB];
	_ =	sdelay $0x3  }
0x92: {  	_ =	strace s17  }
0x93: {  	s2 =	sld [smem:$0x3FFC];
	_ =	sdelay $0x3  }
0x94: {  	_ =	strace s2  }
0x95: {  	s2 =	sld [smem:$0x3FFD];
	_ =	sdelay $0x3  }
0x96: {  	_ =	strace s2  }
0x97: {  	_ =	strace $0x8FFFFFFF  }
0x98: {  	s18 =	sld [smem:$0x3FDB];
	_ =	sdelay $0x1  }
0x99: {  	s19 =	simm.s32 $_scs_section_size  }
0x9a: {  	s4 =	simm.s32 $_size__tile_overlayer_lowered;
	s5 =	simm.s32 $_tile_overlayer_lowered  }
0x9b: {  	s22 =	simm.s32 $0x1BFF;
	s21 =	sshll.u32 s5, $0x1;
	s2 =	sadd.s32 s19, s18  }
0x9c: {  	s6 =	simm.s32 $0x0;
	s20 =	sshll.u32 s4, $0x1;
	s4 =	sadd.s32 s21, s2  }
0x9d: {  	[timem:s6], [sflag:s22] =	dma.local [hbm:s4], s20  }
0x9e: {  	_ =	swait.ge [sflag:s22], s20  }
0x9f: {  	s3 =	ssub.s32 $0x0, s20;
	[sflag:s22] =	ssyncset.done $0x0  }
0xa0: {  	[sflag:s22] =	ssyncadd.s32 s3;
	_ =	sdelay $0x1  }
0xa1: {  	s23 =	simm.s32 $0x1B8B  }
0xa2: {  	_ =	swait.ge [sflag:s23], $0x1  }
0xa3: {  	[sflag:s23] =	ssyncset.done $0x0  }
0xa4: {  	s25 =	simm.s32 $0x1B8E;
	s24 =	sld [smem:$0x3FFE];
	[sflag:s23] =	ssyncadd.s32 $0xFFFFFFFF  }
0xa5: {  	s26 =	simm.s32 $execute0_lowered;
	[smem:$0x3FD2] =	sst s25  }
0xa6: {  	s4 =	sshll.u32 s26, $0x1;
	_ =	strace $0x80000049;
	[dreg:$0x1] =	wrdreg $0xFFFFFFFF  }
0xa7: {  	s28 =	simm.s32 $_size_execute0_lowered;
	s2 =	sadd.s32 s2, s4;
	[dreg:$0x0] =	wrdreg $0x0  }
0xa8: {  	s4 =	sshll.u32 s28, $0x1;
	[dreg:$0x2] =	wrdreg s2  }
0xa9: {  	[dreg:$0x3] =	wrdreg s4  }
0xaa: {  	[dreg:$0x4] =	wrdreg $0xC0  }
0xab: {  	_ =	task [dreg:s6], $0x5FFFF  }
0xac: {  	[dreg:$0x1] =	wrdreg $0xFFFFFFFF  }
0xad: {  	[dreg:$0x0] =	wrdreg $0x60  }
0xae: {  	[dreg:$0x2] =	wrdreg s24  }
0xaf: {  	[dreg:$0x3] =	wrdreg $0x87800  }
0xb0: {  	[dreg:$0x4] =	wrdreg $0x9  }
0xb1: {  	_ =	task.clear_ibuf [dreg:s6], $0x5FFFF;
	_ =	strace $0x90000049  }
0xb2: {  	s29 =	simm.s32 $0x9;
	_ =	strace $0x8000004B  }
0xb3: {  	_ =	swait.ge [sflag:s29], $0x1  }
0xb4: {  	[sflag:s29] =	ssyncadd.s32 $0xFFFFFFFF  }
0xb5: {  	_ =	strace $0x9000004B  }
0xb6: {  	_ =	sfence  }
0xb7: {  	s30 =	sld [smem:$0x0];
	_ =	sdelay $0x2  }
0xb8: {  	s31 =	sshll.u32 s1, $0xD;
	s1 =	sshrl.u32 s1, $0x2  }
0xb9: {  	s3 =	sand.u32 $0x4000, s31;
	s1 =	sadd.s32 s1, s30  }
0xba: {  	s0 =	sor.u32 s3, s0;
	s1 =	sshll.u32 s1, $0x11  }
0xbb: {  	s0 =	sor.u32 s1, s0  }
0xbc: {  	s0 =	sadd.s32 $0x8F2B, s0  }
0xbd: {  	[sflag:s0] =	ssyncadd.remote.s32 $0x1  }
0xbe: {  	_ =	sfence.sel $0xFFFF  }
0xbf: {  	[dreg:$0x0] =	wrdreg $0xFFFFFFFF;
	(pc) =	sbr.abs _section_cstart, $3  }
0xc0: {  	[dreg:$0x1] =	wrdreg $0xFFFFFFFF  }
0xc1: {  	_ =	task.clear_ibuf [dreg:s6], $0x2FFFF;
	_ =	strace $0x9FFFFFFF  }
0xc2: {  	(tm) =	ssettm $0x7FFFFFFF  }
0xc3: {  	_ =	shalt  }
tec
execute0_lowered:
.L_overlay_start_1:
0x0: {  	(tag) =	ssettag $0x1  }
0x1: {  	s0 =	rddreg [dreg:$0x0]  }
0x2: {  	s1 =	rddreg [dreg:$0x1]  }
0x3: {  	s2 =	simm.s32 $0x0;
	s5 =	srdreg.scid;
	s3 =	stileid.u32  }
0x4: {  	s14 =	simm.s32 $0x9;
	s15 =	simm.s32 $0x2000;
	s16 =	simm.s32 $0x80  }
0x5: {  	s17 =	simm.s32 $0x4000;
	s18 =	simm.s32 $0x4800;
	s20 =	simm.s32 $0x5000  }
0x6: {  	s21 =	simm.s32 $0x1;
	s23 =	simm.s32 $0x5800;
	s28 =	simm.s32 $0x5  }
0x7: {  	s29 =	simm.s32 $0x200;
	s30 =	simm.s32 $0x3;
	s31 =	simm.s32 $0x2100  }
0x8: {  	s19 =	simm.s32 $0x7;
	[smem:$0x7FF] =	sst s2;
	s4 =	sadd.s32 $0x6000, s0  }
0x9: {  	s6 =	sadd.s32 $0xB000, s0;
	s7 =	sand.u32 $0x1, s5;
	s9 =	smul.u32 $0x4F00, s3  }
0xa: {  	s8 =	sadd.s32 $0x1000, s0;
	s0 =	sadd.s32 $0x10000, s0;
	s11 =	smul.u32 $0x340, s3  }
0xb: {  	s25 =	smul.u32 $0xE00, s3;
	p1 =	seq.s32 s3, $0xF;
	_ =	strace $0x8000004A  }
0xc: {  	s5 =	ssub.s32 $0x2, s7;
	p0 =	seq.s32 s7, $0x1;
	s7 =	smul.u32 $0x4E200, s7  }
0xd: {  	s10 =	sshrl.u32 s5, $0x1;
	s24 =	sshrl.u32 s9, $0x1;
	s13 =	sadd.s32 s6, s11  }
0xe: {  	s11 =	sadd.s32 s8, s11;
	s12 =	ssub.s32 s5, s10;
	[dreg:$0x3] =	wrdreg s13  }
0xf: {  	s5 =	sadd.s32 s24, s1;
	[dreg:$0x4] =	wrdreg s11;
	s10 =	sshrl.u32 s25, $0x3  }
0x10: {  	s9 =	sadd.s32 s9, s7;
	s7 =	sshrl.u32 s7, $0x4;
	s24 =	simm.s32 $0x2  }
0x11: {  	s13 =	simm.s32 $0x280;
	s10 =	sadd.s32 $0x3400, s10;
	s26 =	sshrl.u32 s9, $0x4  }
.Ltmp0:
0x12: {  	s7 =	sadd.s32 s0, s7;
	s12 =	smax.u32 s12, $0x1;
	(pc) =	sbr.rel .LBB2_1-.Ltmp0, $4  }
0x13: {  	s6 =	sadd.s32 s6, s10;
	s8 =	sadd.s32 s8, s10;
	s10 =	sadd.s32 s0, s26  }
0x14: {  	s11 =	sadd.s32 $0x4A10, s7;
	s0 =	sadd.s32 $0x25080, s1;
	[dreg:$0x5] =	wrdreg s6  }
0x15: {  	s7 =	simm.s32 $0x2180;
	[dreg:$0x6] =	wrdreg s8;
	s25 =	sshrl.u32 @p1 s0, $0x3  }
0x16: {  	v0 =	vimm.bf16 $0.0e+00;
	s0 =	simm.s32 $0x6;
	s6 =	simm.s32 $0x4;
	s8 =	simm.s32 $0x8  }
.LBB2_6:
0x17: {  	[spmem:s1] =	stream.indirect.scatter.add.bf16 [tilespmem:s23], [sflag:$0x8], $0x10, s9, s16, $0xb8;
	[tilespmem:$0xAF00] =	vst v63  }
0x18: {  	_ =	swait.ge [sflag:s19], $0x800  }
0x19: {  	[sflag:s19] =	ssyncset.done $0x0  }
0x1a: {  	s22 =	simm.s32 $0x1900;
	[sflag:s19] =	ssyncadd.s32 $0xFFFFF800  }
0x1b: {  	[tilespmem:s20], [sflag:$0x3] =	stream.indirect.gather [hbm4b:s4+s16], $0x10, s22, s16, $0xb8;
	[tilespmem:$0xAF00] =	vst v63  }
0x1c: {  	_ =	swait.ge [sflag:s21], $0x800  }
0x1d: {  	[sflag:s21] =	ssyncset.done $0x0  }
0x1e: {  	s26 =	simm.s32 $0x3800;
	[sflag:s21] =	ssyncadd.s32 $0xFFFFF800  }
0x1f: {  	[spmem:s1] =	stream.indirect.scatter.add.bf16 [tilespmem:s17], [sflag:$0x5], $0x10, s26, s16, $0xb8;
	[tilespmem:$0xAF00] =	vst v63  }
0x20: {  	_ =	swait.ge [sflag:s8], $0x800  }
0x21: {  	[sflag:s8] =	ssyncset.done $0x0  }
0x22: {  	s22 =	simm.s32 $0x1980;
	[sflag:s8] =	ssyncadd.s32 $0xFFFFF800  }
0x23: {  	[tilespmem:s23], [sflag:$0x4] =	stream.indirect.gather [hbm4b:s4+s16], $0x10, s22, s16, $0xb8;
	[tilespmem:$0xAF00] =	vst v63  }
0x24: {  	_ =	swait.ge [sflag:s24], $0x800  }
0x25: {  	[sflag:s24] =	ssyncset.done $0x0  }
0x26: {  	s26 =	simm.s32 $0x3880;
	[sflag:s24] =	ssyncadd.s32 $0xFFFFF800  }
0x27: {  	[spmem:s1] =	stream.indirect.scatter.add.bf16 [tilespmem:s18], [sflag:$0x6], $0x10, s26, s16, $0xb8;
	[tilespmem:$0xAF00] =	vst v63  }
0x28: {  	_ =	swait.ge [sflag:s28], $0x800  }
0x29: {  	[sflag:s28] =	ssyncset.done $0x0  }
0x2a: {  	[sflag:s28] =	ssyncadd.s32 $0xFFFFF800  }
0x2b: {  	_ =	swait.ge [sflag:s30], $0x800  }
0x2c: {  	[sflag:s30] =	ssyncset.done $0x0  }
0x2d: {  	s22 =	simm.s32 $0x3900;
	[sflag:s30] =	ssyncadd.s32 $0xFFFFF800  }
0x2e: {  	[spmem:s1] =	stream.indirect.scatter.add.bf16 [tilespmem:s20], [sflag:$0x7], $0x10, s22, s16, $0xb8;
	[tilespmem:$0xAF00] =	vst v63  }
0x2f: {  	_ =	swait.ge [sflag:s0], $0x800  }
0x30: {  	[sflag:s0] =	ssyncset.done $0x0  }
0x31: {  	[sflag:s0] =	ssyncadd.s32 $0xFFFFF800  }
0x32: {  	_ =	swait.ge [sflag:s6], $0x800  }
0x33: {  	[sflag:s6] =	ssyncset.done $0x0  }
0x34: {  	s26 =	simm.s32 $0x3980;
	[sflag:s6] =	ssyncadd.s32 $0xFFFFF800  }
0x35: {  	[spmem:s1] =	stream.indirect.scatter.add.bf16 [tilespmem:s23], [sflag:$0x8], $0x10, s26, s16, $0xb8;
	[tilespmem:$0xAF00] =	vst v63  }
.LBB2_10:
0x36: {  	_ =	swait.ge [sflag:s19], $0x800  }
0x37: {  	[sflag:s19] =	ssyncset.done $0x0  }
0x38: {  	[sflag:s19] =	ssyncadd.s32 $0xFFFFF800  }
0x39: {  	_ =	swait.ge [sflag:s8], $0x800  }
0x3a: {  	[sflag:s8] =	ssyncset.done $0x0  }
0x3b: {  	[sflag:s8] =	ssyncadd.s32 $0xFFFFF800  }
0x3c: {  	s9 =	simm.s32 @p1 $0x1FC9;
	[bflag:$0x0] =	sbarrier.arrive $0xFFFF  }
0x3d: {  	[hbm:s11], [sflag:s9] =	dma.local @p1 [spmem:s25], $0x410  }
0x3e: {  	s9 =	simm.s32 @p1 $0x9  }
0x3f: {  	s2 =	sadd.s32 $0x1, s2;
	_ =	swait.ge @p1 [sflag:s9], $0x410  }
0x40: {  	s22 =	sshll.u32 @!p1 s3, $0x6;
	p2 =	sne.s32 s2, s12;
	[sflag:s9] =	ssyncset.done @p1 $0x0  }
0x41: {  	[sflag:s9] =	ssyncadd.s32 @p1 $0xFFFFFBF0;
	s9 =	sor.u32 @!p1 $0x1C09, s22;
	s22 =	sshrl.u32 @!p1 s5, $0x3  }
0x42: {  	[hbm:s10], [sflag:s9] =	dma.local @!p1 [spmem:s22], $0x4F0  }
.Ltmp1:
0x43: {  	_ = 	snop;
	(pc) =	sbr.rel @!p2 .LBB2_11-.Ltmp1, $4  }
0x44: {  	s9 =	simm.s32 @!p1 $0x9  }
0x45: {  	_ =	swait.ge @!p1 [sflag:s9], $0x4F0  }
0x46: {  	[sflag:s9] =	ssyncset.done @!p1 $0x0  }
0x47: {  	[sflag:s9] =	ssyncadd.s32 @!p1 $0xFFFFFB10  }
.LBB2_1:
0x48: {  	s9 =	simm.s32 $0x40;
	s22 =	simm.s32 $0x0  }
.LBB2_2:
0x49: {  	p2 =	sne.s32 s9, $0x9DC0;
	[tilespmem:s22+$0x6000] =	vst v0;
	s22 =	smov.u32 s9;
	s9 =	sadd.s32 $0x40, s9  }
.Ltmp2:
0x4a: {  	(pc) =	sbr.rel @p2 .LBB2_2-.Ltmp2, $2  }
0x4b: {  	_ =	sdelay $0x2  }
0x4c: {  	s22 =	sshra.s32 s22, $0x2  }
0x4d: {  	[tilespmem:s22+$0x6000] =	vst v0;
	s9 =	simm.s32 $0x6000  }
0x4e: {  	[spmem:s5] =	stream.linear.scatter [tilespmem:s9], [sflag:$0x9], $0x2780, $0x38;
	[tilespmem:$0xAF00] =	vst v63  }
.Ltmp3:
0x4f: {  	_ =	swait.ge [sflag:s14], $0x2780;
	(pc) =	sbr.rel @!p0 .LBB2_4-.Ltmp3, $4  }
0x50: {  	[sflag:s14] =	ssyncset.done $0x0  }
0x51: {  	[sflag:s14] =	ssyncadd.s32 $0xFFFFD880  }
0x52: {  	[bflag:$0x0] =	sbarrier.arrive $0xFFFF  }
0x53: {  	s9 =	simm.s32 $0x0  }
0x54: {  	s22 =	rddreg [dreg:$0x5]  }
0x55: {  	[tilespmem:s9], [sflag:$0x9] =	stream.linear.gather [hbm4b:s22+s9], $0xE00, $0x38;
	[tilespmem:$0xAF00] =	vst v63  }
0x56: {  	_ =	swait.ge [sflag:s14], $0xE00  }
0x57: {  	[sflag:s14] =	ssyncset.done $0x0  }
0x58: {  	s26 =	rddreg [dreg:$0x6];
	[sflag:s14] =	ssyncadd.s32 $0xFFFFF200  }
0x59: {  	[tilespmem:s15], [sflag:$0x9] =	stream.linear.gather [hbm4b:s26+s9], $0xE00, $0x38;
	[tilespmem:$0xAF00] =	vst v63  }
0x5a: {  	_ =	swait.ge [sflag:s14], $0xE00  }
0x5b: {  	[sflag:s14] =	ssyncset.done $0x0  }
0x5c: {  	[sflag:s14] =	ssyncadd.s32 $0xFFFFF200  }
0x5d: {  	[tilespmem:s17], [sflag:$0x1] =	stream.indirect.gather [hbm4b:s4+s16], $0x10, s9, s16, $0xb8;
	[tilespmem:$0xAF00] =	vst v63  }
0x5e: {  	_ = 	snop  }
0x5f: {  	[tilespmem:s18], [sflag:$0x2] =	stream.indirect.gather [hbm4b:s4+s16], $0x10, s16, s16, $0xb8;
	[tilespmem:$0xAF00] =	vst v63  }
0x60: {  	s22 =	simm.s32 $0x100  }
0x61: {  	[tilespmem:s20], [sflag:$0x3] =	stream.indirect.gather [hbm4b:s4+s16], $0x10, s22, s16, $0xb8;
	[tilespmem:$0xAF00] =	vst v63  }
0x62: {  	_ =	swait.ge [sflag:s21], $0x800  }
0x63: {  	[sflag:s21] =	ssyncset.done $0x0  }
0x64: {  	[sflag:s21] =	ssyncadd.s32 $0xFFFFF800  }
0x65: {  	[spmem:s1] =	stream.indirect.scatter.add.bf16 [tilespmem:s17], [sflag:$0x5], $0x10, s15, s16, $0xb8;
	[tilespmem:$0xAF00] =	vst v63  }
0x66: {  	s26 =	simm.s32 $0x180  }
0x67: {  	[tilespmem:s23], [sflag:$0x4] =	stream.indirect.gather [hbm4b:s4+s16], $0x10, s26, s16, $0xb8;
	[tilespmem:$0xAF00] =	vst v63  }
0x68: {  	_ =	swait.ge [sflag:s24], $0x800  }
0x69: {  	[sflag:s24] =	ssyncset.done $0x0  }
0x6a: {  	s22 =	simm.s32 $0x2080;
	[sflag:s24] =	ssyncadd.s32 $0xFFFFF800  }
0x6b: {  	[spmem:s1] =	stream.indirect.scatter.add.bf16 [tilespmem:s18], [sflag:$0x6], $0x10, s22, s16, $0xb8;
	[tilespmem:$0xAF00] =	vst v63  }
0x6c: {  	_ =	swait.ge [sflag:s28], $0x800  }
0x6d: {  	[sflag:s28] =	ssyncset.done $0x0  }
0x6e: {  	[sflag:s28] =	ssyncadd.s32 $0xFFFFF800  }
0x6f: {  	[tilespmem:s17], [sflag:$0x1] =	stream.indirect.gather [hbm4b:s4+s16], $0x10, s29, s16, $0xb8;
	[tilespmem:$0xAF00] =	vst v63  }
0x70: {  	_ =	swait.ge [sflag:s30], $0x800  }
0x71: {  	[sflag:s30] =	ssyncset.done $0x0  }
0x72: {  	[sflag:s30] =	ssyncadd.s32 $0xFFFFF800  }
0x73: {  	[spmem:s1] =	stream.indirect.scatter.add.bf16 [tilespmem:s20], [sflag:$0x7], $0x10, s31, s16, $0xb8;
	[tilespmem:$0xAF00] =	vst v63  }
0x74: {  	_ =	swait.ge [sflag:s0], $0x800  }
0x75: {  	[sflag:s0] =	ssyncset.done $0x0  }
0x76: {  	[sflag:s0] =	ssyncadd.s32 $0xFFFFF800  }
0x77: {  	[tilespmem:s18], [sflag:$0x2] =	stream.indirect.gather [hbm4b:s4+s16], $0x10, s13, s16, $0xb8;
	[tilespmem:$0xAF00] =	vst v63  }
0x78: {  	_ =	swait.ge [sflag:s6], $0x800  }
0x79: {  	[sflag:s6] =	ssyncset.done $0x0  }
0x7a: {  	[sflag:s6] =	ssyncadd.s32 $0xFFFFF800  }
0x7b: {  	[spmem:s1] =	stream.indirect.scatter.add.bf16 [tilespmem:s23], [sflag:$0x8], $0x10, s7, s16, $0xb8;
	[tilespmem:$0xAF00] =	vst v63  }
0x7c: {  	_ =	swait.ge [sflag:s19], $0x800  }
0x7d: {  	[sflag:s19] =	ssyncset.done $0x0  }
0x7e: {  	s26 =	simm.s32 $0x300;
	[sflag:s19] =	ssyncadd.s32 $0xFFFFF800  }
0x7f: {  	[tilespmem:s20], [sflag:$0x3] =	stream.indirect.gather [hbm4b:s4+s16], $0x10, s26, s16, $0xb8;
	[tilespmem:$0xAF00] =	vst v63  }
0x80: {  	_ =	swait.ge [sflag:s21], $0x800  }
0x81: {  	[sflag:s21] =	ssyncset.done $0x0  }
0x82: {  	s22 =	simm.s32 $0x2200;
	[sflag:s21] =	ssyncadd.s32 $0xFFFFF800  }
0x83: {  	[spmem:s1] =	stream.indirect.scatter.add.bf16 [tilespmem:s17], [sflag:$0x5], $0x10, s22, s16, $0xb8;
	[tilespmem:$0xAF00] =	vst v63  }
0x84: {  	_ =	swait.ge [sflag:s8], $0x800  }
0x85: {  	[sflag:s8] =	ssyncset.done $0x0  }
0x86: {  	s26 =	simm.s32 $0x380;
	[sflag:s8] =	ssyncadd.s32 $0xFFFFF800  }
0x87: {  	[tilespmem:s23], [sflag:$0x4] =	stream.indirect.gather [hbm4b:s4+s16], $0x10, s26, s16, $0xb8;
	[tilespmem:$0xAF00] =	vst v63  }
0x88: {  	_ =	swait.ge [sflag:s24], $0x800  }
0x89: {  	[sflag:s24] =	ssyncset.done $0x0  }
0x8a: {  	s22 =	simm.s32 $0x2280;
	[sflag:s24] =	ssyncadd.s32 $0xFFFFF800  }
0x8b: {  	[spmem:s1] =	stream.indirect.scatter.add.bf16 [tilespmem:s18], [sflag:$0x6], $0x10, s22, s16, $0xb8;
	[tilespmem:$0xAF00] =	vst v63  }
0x8c: {  	_ =	swait.ge [sflag:s28], $0x800  }
0x8d: {  	[sflag:s28] =	ssyncset.done $0x0  }
0x8e: {  	s26 =	simm.s32 $0x400;
	[sflag:s28] =	ssyncadd.s32 $0xFFFFF800  }
0x8f: {  	[tilespmem:s17], [sflag:$0x1] =	stream.indirect.gather [hbm4b:s4+s16], $0x10, s26, s16, $0xb8;
	[tilespmem:$0xAF00] =	vst v63  }
0x90: {  	_ =	swait.ge [sflag:s30], $0x800  }
0x91: {  	[sflag:s30] =	ssyncset.done $0x0  }
0x92: {  	s22 =	simm.s32 $0x2300;
	[sflag:s30] =	ssyncadd.s32 $0xFFFFF800  }
0x93: {  	[spmem:s1] =	stream.indirect.scatter.add.bf16 [tilespmem:s20], [sflag:$0x7], $0x10, s22, s16, $0xb8;
	[tilespmem:$0xAF00] =	vst v63  }
0x94: {  	_ =	swait.ge [sflag:s0], $0x800  }
0x95: {  	[sflag:s0] =	ssyncset.done $0x0  }
0x96: {  	s26 =	simm.s32 $0x480;
	[sflag:s0] =	ssyncadd.s32 $0xFFFFF800  }
0x97: {  	[tilespmem:s18], [sflag:$0x2] =	stream.indirect.gather [hbm4b:s4+s16], $0x10, s26, s16, $0xb8;
	[tilespmem:$0xAF00] =	vst v63  }
0x98: {  	_ =	swait.ge [sflag:s6], $0x800  }
0x99: {  	[sflag:s6] =	ssyncset.done $0x0  }
0x9a: {  	s9 =	simm.s32 $0x2380;
	s22 =	simm.s32 $0x800;
	[sflag:s6] =	ssyncadd.s32 $0xFFFFF800  }
.LBB2_8:
0x9b: {  	[spmem:s1] =	stream.indirect.scatter.add.bf16 [tilespmem:s23], [sflag:$0x8], $0x10, s9, s16, $0xb8;
	[tilespmem:$0xAF00] =	vst v63  }
0x9c: {  	s9 =	smov.u32 s22  }
0x9d: {  	p2 =	sne.s32 s22, $0x2000;
	s22 =	sadd.s32 $0x800, s22;
	_ =	swait.ge [sflag:s19], $0x800  }
0x9e: {  	s9 =	sshra.s32 s9, $0x2;
	[sflag:s19] =	ssyncset.done $0x0  }
0x9f: {  	s26 =	sadd.s32 $0x300, s9;
	[sflag:s19] =	ssyncadd.s32 $0xFFFFF800  }
0xa0: {  	[tilespmem:s20], [sflag:$0x3] =	stream.indirect.gather [hbm4b:s4+s16], $0x10, s26, s16, $0xb8;
	[tilespmem:$0xAF00] =	vst v63  }
0xa1: {  	_ =	swait.ge [sflag:s21], $0x800  }
0xa2: {  	[sflag:s21] =	ssyncset.done $0x0  }
0xa3: {  	s26 =	sadd.s32 $0x2200, s9;
	[sflag:s21] =	ssyncadd.s32 $0xFFFFF800  }
0xa4: {  	[spmem:s1] =	stream.indirect.scatter.add.bf16 [tilespmem:s17], [sflag:$0x5], $0x10, s26, s16, $0xb8;
	[tilespmem:$0xAF00] =	vst v63  }
0xa5: {  	_ =	swait.ge [sflag:s8], $0x800  }
0xa6: {  	[sflag:s8] =	ssyncset.done $0x0  }
0xa7: {  	s26 =	sadd.s32 $0x380, s9;
	[sflag:s8] =	ssyncadd.s32 $0xFFFFF800  }
0xa8: {  	[tilespmem:s23], [sflag:$0x4] =	stream.indirect.gather [hbm4b:s4+s16], $0x10, s26, s16, $0xb8;
	[tilespmem:$0xAF00] =	vst v63  }
0xa9: {  	_ =	swait.ge [sflag:s24], $0x800  }
0xaa: {  	[sflag:s24] =	ssyncset.done $0x0  }
0xab: {  	s26 =	sadd.s32 $0x2280, s9;
	[sflag:s24] =	ssyncadd.s32 $0xFFFFF800  }
0xac: {  	[spmem:s1] =	stream.indirect.scatter.add.bf16 [tilespmem:s18], [sflag:$0x6], $0x10, s26, s16, $0xb8;
	[tilespmem:$0xAF00] =	vst v63  }
0xad: {  	_ =	swait.ge [sflag:s28], $0x800  }
0xae: {  	[sflag:s28] =	ssyncset.done $0x0  }
0xaf: {  	s26 =	sadd.s32 $0x400, s9;
	[sflag:s28] =	ssyncadd.s32 $0xFFFFF800  }
0xb0: {  	[tilespmem:s17], [sflag:$0x1] =	stream.indirect.gather [hbm4b:s4+s16], $0x10, s26, s16, $0xb8;
	[tilespmem:$0xAF00] =	vst v63  }
0xb1: {  	_ =	swait.ge [sflag:s30], $0x800  }
0xb2: {  	[sflag:s30] =	ssyncset.done $0x0  }
0xb3: {  	s26 =	sadd.s32 $0x2300, s9;
	[sflag:s30] =	ssyncadd.s32 $0xFFFFF800  }
0xb4: {  	[spmem:s1] =	stream.indirect.scatter.add.bf16 [tilespmem:s20], [sflag:$0x7], $0x10, s26, s16, $0xb8;
	[tilespmem:$0xAF00] =	vst v63  }
0xb5: {  	_ =	swait.ge [sflag:s0], $0x800  }
0xb6: {  	[sflag:s0] =	ssyncset.done $0x0  }
.Ltmp4:
0xb7: {  	s26 =	sadd.s32 $0x480, s9;
	[sflag:s0] =	ssyncadd.s32 $0xFFFFF800;
	(pc) =	sbr.rel @p2 .LBB2_8-.Ltmp4, $4  }
0xb8: {  	[tilespmem:s18], [sflag:$0x2] =	stream.indirect.gather [hbm4b:s4+s16], $0x10, s26, s16, $0xb8;
	[tilespmem:$0xAF00] =	vst v63  }
0xb9: {  	_ =	swait.ge [sflag:s6], $0x800  }
0xba: {  	[sflag:s6] =	ssyncset.done $0x0  }
0xbb: {  	s9 =	sadd.s32 $0x2380, s9;
	[sflag:s6] =	ssyncadd.s32 $0xFFFFF800  }
0xbc: {  	[spmem:s1] =	stream.indirect.scatter.add.bf16 [tilespmem:s23], [sflag:$0x8], $0x10, s9, s16, $0xb8;
	[tilespmem:$0xAF00] =	vst v63  }
0xbd: {  	_ =	swait.ge [sflag:s19], $0x800  }
0xbe: {  	[sflag:s19] =	ssyncset.done $0x0  }
0xbf: {  	s22 =	simm.s32 $0xD00;
	[sflag:s19] =	ssyncadd.s32 $0xFFFFF800  }
0xc0: {  	[tilespmem:s20], [sflag:$0x3] =	stream.indirect.gather [hbm4b:s4+s16], $0x10, s22, s16, $0xb8;
	[tilespmem:$0xAF00] =	vst v63  }
0xc1: {  	_ =	swait.ge [sflag:s21], $0x800  }
0xc2: {  	[sflag:s21] =	ssyncset.done $0x0  }
0xc3: {  	s26 =	simm.s32 $0x2C00;
	[sflag:s21] =	ssyncadd.s32 $0xFFFFF800  }
0xc4: {  	[spmem:s1] =	stream.indirect.scatter.add.bf16 [tilespmem:s17], [sflag:$0x5], $0x10, s26, s16, $0xb8;
	[tilespmem:$0xAF00] =	vst v63  }
0xc5: {  	_ =	swait.ge [sflag:s8], $0x800  }
0xc6: {  	[sflag:s8] =	ssyncset.done $0x0  }
0xc7: {  	s22 =	simm.s32 $0xD80;
	[sflag:s8] =	ssyncadd.s32 $0xFFFFF800  }
0xc8: {  	[tilespmem:s23], [sflag:$0x4] =	stream.indirect.gather [hbm4b:s4+s16], $0x10, s22, s16, $0xb8;
	[tilespmem:$0xAF00] =	vst v63  }
0xc9: {  	_ =	swait.ge [sflag:s24], $0x800  }
0xca: {  	[sflag:s24] =	ssyncset.done $0x0  }
0xcb: {  	s26 =	simm.s32 $0x2C80;
	[sflag:s24] =	ssyncadd.s32 $0xFFFFF800  }
0xcc: {  	[spmem:s1] =	stream.indirect.scatter.add.bf16 [tilespmem:s18], [sflag:$0x6], $0x10, s26, s16, $0xb8;
	[tilespmem:$0xAF00] =	vst v63  }
0xcd: {  	_ =	swait.ge [sflag:s28], $0x800  }
0xce: {  	[sflag:s28] =	ssyncset.done $0x0  }
0xcf: {  	[sflag:s28] =	ssyncadd.s32 $0xFFFFF800  }
0xd0: {  	_ =	swait.ge [sflag:s30], $0x800  }
0xd1: {  	[sflag:s30] =	ssyncset.done $0x0  }
0xd2: {  	s22 =	simm.s32 $0x2D00;
	[sflag:s30] =	ssyncadd.s32 $0xFFFFF800  }
0xd3: {  	[spmem:s1] =	stream.indirect.scatter.add.bf16 [tilespmem:s20], [sflag:$0x7], $0x10, s22, s16, $0xb8;
	[tilespmem:$0xAF00] =	vst v63  }
0xd4: {  	_ =	swait.ge [sflag:s0], $0x800  }
0xd5: {  	[sflag:s0] =	ssyncset.done $0x0  }
.Ltmp5:
0xd6: {  	[sflag:s0] =	ssyncadd.s32 $0xFFFFF800;
	(pc) =	sbr.rel .LBB2_10-.Ltmp5, $4  }
0xd7: {  	_ =	swait.ge [sflag:s6], $0x800  }
0xd8: {  	[sflag:s6] =	ssyncset.done $0x0  }
0xd9: {  	s26 =	simm.s32 $0x2D80;
	[sflag:s6] =	ssyncadd.s32 $0xFFFFF800  }
0xda: {  	[spmem:s1] =	stream.indirect.scatter.add.bf16 [tilespmem:s23], [sflag:$0x8], $0x10, s26, s16, $0xb8;
	[tilespmem:$0xAF00] =	vst v63  }
.LBB2_4:
0xdb: {  	s22 =	rddreg [dreg:$0x3]  }
0xdc: {  	[tilespmem:s9], [sflag:$0x9] =	stream.linear.gather [hbm4b:s22+s9], $0x1A00, $0x38;
	[tilespmem:$0xAF00] =	vst v63  }
0xdd: {  	_ =	swait.ge [sflag:s14], $0x1A00  }
0xde: {  	[sflag:s14] =	ssyncset.done $0x0  }
0xdf: {  	s26 =	rddreg [dreg:$0x4];
	[sflag:s14] =	ssyncadd.s32 $0xFFFFE600  }
0xe0: {  	[tilespmem:s15], [sflag:$0x9] =	stream.linear.gather [hbm4b:s26+s9], $0x1A00, $0x38;
	[tilespmem:$0xAF00] =	vst v63  }
0xe1: {  	_ =	swait.ge [sflag:s14], $0x1A00  }
0xe2: {  	[sflag:s14] =	ssyncset.done $0x0  }
0xe3: {  	[sflag:s14] =	ssyncadd.s32 $0xFFFFE600  }
0xe4: {  	[tilespmem:s17], [sflag:$0x1] =	stream.indirect.gather [hbm4b:s4+s16], $0x10, s9, s16, $0xb8;
	[tilespmem:$0xAF00] =	vst v63  }
0xe5: {  	_ = 	snop  }
0xe6: {  	[tilespmem:s18], [sflag:$0x2] =	stream.indirect.gather [hbm4b:s4+s16], $0x10, s16, s16, $0xb8;
	[tilespmem:$0xAF00] =	vst v63  }
0xe7: {  	s22 =	simm.s32 $0x100  }
0xe8: {  	[tilespmem:s20], [sflag:$0x3] =	stream.indirect.gather [hbm4b:s4+s16], $0x10, s22, s16, $0xb8;
	[tilespmem:$0xAF00] =	vst v63  }
0xe9: {  	_ =	swait.ge [sflag:s21], $0x800  }
0xea: {  	[sflag:s21] =	ssyncset.done $0x0  }
0xeb: {  	[sflag:s21] =	ssyncadd.s32 $0xFFFFF800  }
0xec: {  	[spmem:s1] =	stream.indirect.scatter.add.bf16 [tilespmem:s17], [sflag:$0x5], $0x10, s15, s16, $0xb8;
	[tilespmem:$0xAF00] =	vst v63  }
0xed: {  	s26 =	simm.s32 $0x180  }
0xee: {  	[tilespmem:s23], [sflag:$0x4] =	stream.indirect.gather [hbm4b:s4+s16], $0x10, s26, s16, $0xb8;
	[tilespmem:$0xAF00] =	vst v63  }
0xef: {  	_ =	swait.ge [sflag:s24], $0x800  }
0xf0: {  	[sflag:s24] =	ssyncset.done $0x0  }
0xf1: {  	s22 =	simm.s32 $0x2080;
	[sflag:s24] =	ssyncadd.s32 $0xFFFFF800  }
0xf2: {  	[spmem:s1] =	stream.indirect.scatter.add.bf16 [tilespmem:s18], [sflag:$0x6], $0x10, s22, s16, $0xb8;
	[tilespmem:$0xAF00] =	vst v63  }
0xf3: {  	_ =	swait.ge [sflag:s28], $0x800  }
0xf4: {  	[sflag:s28] =	ssyncset.done $0x0  }
0xf5: {  	[sflag:s28] =	ssyncadd.s32 $0xFFFFF800  }
0xf6: {  	[tilespmem:s17], [sflag:$0x1] =	stream.indirect.gather [hbm4b:s4+s16], $0x10, s29, s16, $0xb8;
	[tilespmem:$0xAF00] =	vst v63  }
0xf7: {  	_ =	swait.ge [sflag:s30], $0x800  }
0xf8: {  	[sflag:s30] =	ssyncset.done $0x0  }
0xf9: {  	[sflag:s30] =	ssyncadd.s32 $0xFFFFF800  }
0xfa: {  	[spmem:s1] =	stream.indirect.scatter.add.bf16 [tilespmem:s20], [sflag:$0x7], $0x10, s31, s16, $0xb8;
	[tilespmem:$0xAF00] =	vst v63  }
0xfb: {  	_ =	swait.ge [sflag:s0], $0x800  }
0xfc: {  	[sflag:s0] =	ssyncset.done $0x0  }
0xfd: {  	[sflag:s0] =	ssyncadd.s32 $0xFFFFF800  }
0xfe: {  	[tilespmem:s18], [sflag:$0x2] =	stream.indirect.gather [hbm4b:s4+s16], $0x10, s13, s16, $0xb8;
	[tilespmem:$0xAF00] =	vst v63  }
0xff: {  	_ =	swait.ge [sflag:s6], $0x800  }
0x100: {  	[sflag:s6] =	ssyncset.done $0x0  }
0x101: {  	[sflag:s6] =	ssyncadd.s32 $0xFFFFF800  }
0x102: {  	[spmem:s1] =	stream.indirect.scatter.add.bf16 [tilespmem:s23], [sflag:$0x8], $0x10, s7, s16, $0xb8;
	[tilespmem:$0xAF00] =	vst v63  }
0x103: {  	_ =	swait.ge [sflag:s19], $0x800  }
0x104: {  	[sflag:s19] =	ssyncset.done $0x0  }
0x105: {  	s26 =	simm.s32 $0x300;
	[sflag:s19] =	ssyncadd.s32 $0xFFFFF800  }
0x106: {  	[tilespmem:s20], [sflag:$0x3] =	stream.indirect.gather [hbm4b:s4+s16], $0x10, s26, s16, $0xb8;
	[tilespmem:$0xAF00] =	vst v63  }
0x107: {  	_ =	swait.ge [sflag:s21], $0x800  }
0x108: {  	[sflag:s21] =	ssyncset.done $0x0  }
0x109: {  	s22 =	simm.s32 $0x2200;
	[sflag:s21] =	ssyncadd.s32 $0xFFFFF800  }
0x10a: {  	[spmem:s1] =	stream.indirect.scatter.add.bf16 [tilespmem:s17], [sflag:$0x5], $0x10, s22, s16, $0xb8;
	[tilespmem:$0xAF00] =	vst v63  }
0x10b: {  	_ =	swait.ge [sflag:s8], $0x800  }
0x10c: {  	[sflag:s8] =	ssyncset.done $0x0  }
0x10d: {  	s26 =	simm.s32 $0x380;
	[sflag:s8] =	ssyncadd.s32 $0xFFFFF800  }
0x10e: {  	[tilespmem:s23], [sflag:$0x4] =	stream.indirect.gather [hbm4b:s4+s16], $0x10, s26, s16, $0xb8;
	[tilespmem:$0xAF00] =	vst v63  }
0x10f: {  	_ =	swait.ge [sflag:s24], $0x800  }
0x110: {  	[sflag:s24] =	ssyncset.done $0x0  }
0x111: {  	s22 =	simm.s32 $0x2280;
	[sflag:s24] =	ssyncadd.s32 $0xFFFFF800  }
0x112: {  	[spmem:s1] =	stream.indirect.scatter.add.bf16 [tilespmem:s18], [sflag:$0x6], $0x10, s22, s16, $0xb8;
	[tilespmem:$0xAF00] =	vst v63  }
0x113: {  	_ =	swait.ge [sflag:s28], $0x800  }
0x114: {  	[sflag:s28] =	ssyncset.done $0x0  }
0x115: {  	s26 =	simm.s32 $0x400;
	[sflag:s28] =	ssyncadd.s32 $0xFFFFF800  }
0x116: {  	[tilespmem:s17], [sflag:$0x1] =	stream.indirect.gather [hbm4b:s4+s16], $0x10, s26, s16, $0xb8;
	[tilespmem:$0xAF00] =	vst v63  }
0x117: {  	_ =	swait.ge [sflag:s30], $0x800  }
0x118: {  	[sflag:s30] =	ssyncset.done $0x0  }
0x119: {  	s22 =	simm.s32 $0x2300;
	[sflag:s30] =	ssyncadd.s32 $0xFFFFF800  }
0x11a: {  	[spmem:s1] =	stream.indirect.scatter.add.bf16 [tilespmem:s20], [sflag:$0x7], $0x10, s22, s16, $0xb8;
	[tilespmem:$0xAF00] =	vst v63  }
0x11b: {  	_ =	swait.ge [sflag:s0], $0x800  }
0x11c: {  	[sflag:s0] =	ssyncset.done $0x0  }
0x11d: {  	s26 =	simm.s32 $0x480;
	[sflag:s0] =	ssyncadd.s32 $0xFFFFF800  }
0x11e: {  	[tilespmem:s18], [sflag:$0x2] =	stream.indirect.gather [hbm4b:s4+s16], $0x10, s26, s16, $0xb8;
	[tilespmem:$0xAF00] =	vst v63  }
0x11f: {  	_ =	swait.ge [sflag:s6], $0x800  }
0x120: {  	[sflag:s6] =	ssyncset.done $0x0  }
0x121: {  	s9 =	simm.s32 $0x2380;
	s22 =	simm.s32 $0x800;
	[sflag:s6] =	ssyncadd.s32 $0xFFFFF800  }
.LBB2_5:
0x122: {  	[spmem:s1] =	stream.indirect.scatter.add.bf16 [tilespmem:s23], [sflag:$0x8], $0x10, s9, s16, $0xb8;
	[tilespmem:$0xAF00] =	vst v63  }
0x123: {  	s9 =	smov.u32 s22  }
0x124: {  	p2 =	seq.s32 s22, $0x5000;
	s22 =	sadd.s32 $0x800, s22;
	_ =	swait.ge [sflag:s19], $0x800  }
0x125: {  	s9 =	sshra.s32 s9, $0x2;
	[sflag:s19] =	ssyncset.done $0x0  }
0x126: {  	s26 =	sadd.s32 $0x300, s9;
	[sflag:s19] =	ssyncadd.s32 $0xFFFFF800  }
0x127: {  	[tilespmem:s20], [sflag:$0x3] =	stream.indirect.gather [hbm4b:s4+s16], $0x10, s26, s16, $0xb8;
	[tilespmem:$0xAF00] =	vst v63  }
0x128: {  	_ =	swait.ge [sflag:s21], $0x800  }
0x129: {  	[sflag:s21] =	ssyncset.done $0x0  }
0x12a: {  	s26 =	sadd.s32 $0x2200, s9;
	[sflag:s21] =	ssyncadd.s32 $0xFFFFF800  }
0x12b: {  	[spmem:s1] =	stream.indirect.scatter.add.bf16 [tilespmem:s17], [sflag:$0x5], $0x10, s26, s16, $0xb8;
	[tilespmem:$0xAF00] =	vst v63  }
0x12c: {  	_ =	swait.ge [sflag:s8], $0x800  }
0x12d: {  	[sflag:s8] =	ssyncset.done $0x0  }
0x12e: {  	s26 =	sadd.s32 $0x380, s9;
	[sflag:s8] =	ssyncadd.s32 $0xFFFFF800  }
0x12f: {  	[tilespmem:s23], [sflag:$0x4] =	stream.indirect.gather [hbm4b:s4+s16], $0x10, s26, s16, $0xb8;
	[tilespmem:$0xAF00] =	vst v63  }
0x130: {  	_ =	swait.ge [sflag:s24], $0x800  }
0x131: {  	[sflag:s24] =	ssyncset.done $0x0  }
0x132: {  	s26 =	sadd.s32 $0x2280, s9;
	[sflag:s24] =	ssyncadd.s32 $0xFFFFF800  }
0x133: {  	[spmem:s1] =	stream.indirect.scatter.add.bf16 [tilespmem:s18], [sflag:$0x6], $0x10, s26, s16, $0xb8;
	[tilespmem:$0xAF00] =	vst v63  }
0x134: {  	_ =	swait.ge [sflag:s28], $0x800  }
0x135: {  	[sflag:s28] =	ssyncset.done $0x0  }
0x136: {  	s26 =	sadd.s32 $0x400, s9;
	[sflag:s28] =	ssyncadd.s32 $0xFFFFF800  }
0x137: {  	[tilespmem:s17], [sflag:$0x1] =	stream.indirect.gather [hbm4b:s4+s16], $0x10, s26, s16, $0xb8;
	[tilespmem:$0xAF00] =	vst v63  }
0x138: {  	_ =	swait.ge [sflag:s30], $0x800  }
0x139: {  	[sflag:s30] =	ssyncset.done $0x0  }
0x13a: {  	s26 =	sadd.s32 $0x2300, s9;
	[sflag:s30] =	ssyncadd.s32 $0xFFFFF800  }
0x13b: {  	[spmem:s1] =	stream.indirect.scatter.add.bf16 [tilespmem:s20], [sflag:$0x7], $0x10, s26, s16, $0xb8;
	[tilespmem:$0xAF00] =	vst v63  }
0x13c: {  	_ =	swait.ge [sflag:s0], $0x800  }
0x13d: {  	[sflag:s0] =	ssyncset.done $0x0  }
.Ltmp6:
0x13e: {  	s26 =	sadd.s32 $0x480, s9;
	[sflag:s0] =	ssyncadd.s32 $0xFFFFF800;
	(pc) =	sbr.rel @!p2 .LBB2_5-.Ltmp6, $4  }
0x13f: {  	[tilespmem:s18], [sflag:$0x2] =	stream.indirect.gather [hbm4b:s4+s16], $0x10, s26, s16, $0xb8;
	[tilespmem:$0xAF00] =	vst v63  }
0x140: {  	_ =	swait.ge [sflag:s6], $0x800  }
0x141: {  	[sflag:s6] =	ssyncset.done $0x0  }
0x142: {  	s9 =	sadd.s32 $0x2380, s9;
	[sflag:s6] =	ssyncadd.s32 $0xFFFFF800  }
.Ltmp7:
0x143: {  	_ = 	snop;
	(pc) =	sbr.rel .LBB2_6-.Ltmp7, $1  }
0x144: {  	_ =	sdelay $0x3  }
.LBB2_11:
0x145: {  	_ =	sfence.sel $0x180000  }
0x146: {  	[bflag:$0x0] =	sbarrier.arrive $0xFFFF  }
0x147: {  	_ =	strace $0x9000004A  }
0x148: {  	[bflag:$0x2] =	sbarrier.arrive $0xFFFF  }
0x149: {  	p0 =	sne.s32 s3, $0x0;
	s0 =	rddreg [dreg:$0x2]  }
0x14a: {  	s0 =	sadd.s32 @!p0 $0x100000, s0  }
0x14b: {  	[sflag:s0] =	ssyncadd.tile.s32 @!p0 $0x1;
	_ =	shalt  }
.Lfunc_end2:
_tile_overlayer_lowered:
.L_overlay_start_2:
0x14c: {  	(tag) =	ssettag $0x2  }
0x14d: {  	s0 =	rddreg [dreg:$0x0];
	s2 =	stileid.u32  }
0x14e: {  	s1 =	rddreg [dreg:$0x1];
	p0 =	sne.s32 s2, $0x0  }
0x14f: {  	s3 =	rddreg [dreg:$0x2];
	[bflag:$0x3] =	sbarrier.arrive $0xFFFF;
	s2 =	simm.s32 @!p0 $0x1C09  }
0x150: {  	[timem:s3], [sflag:s2] =	dma.local @!p0 [hbm:s0], s1  }
0x151: {  	s0 =	simm.s32 @!p0 $0x9  }
0x152: {  	_ =	swait.ge @!p0 [sflag:s0], s1  }
0x153: {  	s1 =	ssub.s32 @!p0 $0x0, s1;
	[sflag:s0] =	ssyncset.done @!p0 $0x0  }
0x154: {  	[sflag:s0] =	ssyncadd.s32 @!p0 s1  }
0x155: {  	[bflag:$0x3] =	sbarrier.arrive $0xFFFF  }
0x156: {  	_ =	shalt  }

// kernel: kernel.14.cloned.1.call-start
scs
__scs_entry_jumppad:
0x0: {  	(pc) =	sbr.rel $0x88, $3  }
0x1: {  	(tag) =	ssettag $0x0;
	lr =	simm.s32 $0x1  }
0x2: {  	[smem:$0x3F9A] =	sst lr;
	_ =	strace $0xD0000000  }
0x3: {  	_ = 	snop  }
0x4: {  	_ = 	snop  }
0x5: {  	_ = 	snop  }
0x6: {  	_ = 	snop  }
0x7: {  	_ = 	snop  }
__scs_overlays_trampoline_lowered:
0x8: {  	[smem:$0x3FA9] =	sst s0  }
0x9: {  	[smem:$0x3FAA] =	sst s1  }
0xa: {  	[smem:$0x3FAB] =	sst s2  }
0xb: {  	[smem:$0x3FAC] =	sst s3  }
0xc: {  	[smem:$0x3FAD] =	sst s4  }
0xd: {  	[smem:$0x3FAE] =	sst s5  }
0xe: {  	[smem:$0x3FAF] =	sst s6  }
0xf: {  	[smem:$0x3FB0] =	sst s7  }
0x10: {  	[smem:$0x3FB1] =	sst s8  }
0x11: {  	[smem:$0x3FB2] =	sst s9;
	s0 =	simm.s32 @!p0 $0x0  }
0x12: {  	s1 =	sld [smem:$0x3F98];
	s0 =	simm.s32 @p0 $0x1  }
0x13: {  	[smem:$0x3FB3] =	sst s0;
	s0 =	simm.s32 @!p1 $0x0  }
0x14: {  	s2 =	sld [smem:$0x3F97];
	s0 =	simm.s32 @p1 $0x1  }
0x15: {  	[smem:$0x3FB4] =	sst s0;
	s0 =	simm.s32 @!p2 $0x0  }
0x16: {  	s3 =	sld [smem:$0x3FDB];
	s0 =	simm.s32 @p2 $0x1  }
0x17: {  	s4 =	simm.s32 $0x1BF5;
	[smem:$0x3FB6] =	sst s0  }
0x18: {  	s0 =	sld [smem:$0x3F99];
	_ =	swait.ge [sflag:s4], $0x0  }
0x19: {  	s7 =	sld [smem:$0x3F9A]  }
0x1a: {  	s8 =	sadd.s32 $0xFFFFE003, lr  }
0x1b: {  	s9 =	sadd.s32 $0xFFFFFEF7, lr;
	s5 =	simm.s32 $0xFFFFFFFF;
	p2 =	slt.u32 s8, $0xFFFFF086  }
0x1c: {  	p1 =	slt.u32 s9, $0xF7A;
	s5 =	simm.s32 @!p2 $0x0  }
0x1d: {  	s5 =	simm.s32 @p1 $0x1;
	p0 =	seq.s32 s7, s2  }
0x1e: {  	s7 =	smul.u32 @!p0 $0xF7A, s2;
	p2 =	seq.s32 @!p0 s5, $0x0  }
0x1f: {  	s9 =	smul.u32 $0xF7A, s1;
	s8 =	simm.s32 @!p0 $0x1BF5;
	p2 =	por !p2, p0  }
0x20: {  	[sflag:s8] =	ssyncset.s32 @!p0 $0xFFFFF086;
	s6 =	sadd.s32 @!p0 s3, s7;
	s7 =	simm.s32 @!p0 $0x108  }
0x21: {  	s3 =	sadd.s32 s3, s9;
	s6 =	sadd.s32 @!p0 $0x88, s6;
	s7 =	simm.s32 @p2 $0x1082  }
0x22: {  	[simem:s7], [sflag:s8] =	dma.local @!p0 [hbm:s6], $0xF7A  }
0x23: {  	s9 =	sor.u32 $0xD0000000, s2;
	s6 =	simm.s32 $0x108;
	_ =	swait.ge @!p0 [sflag:s8], $0x0  }
0x24: {  	s3 =	sadd.s32 $0x88, s3;
	s6 =	simm.s32 @!p1 $0x1082;
	[sflag:s4] =	ssyncset.s32 $0xFFFFF086  }
0x25: {  	[simem:s6], [sflag:s4] =	dma.local [hbm:s3], $0xF7A  }
0x26: {  	[smem:$0x3F9A] =	sst s1;
	(tag) =	ssettag s2;
	_ =	strace s9  }
0x27: {  	s1 =	sld [smem:$0x3FAA]  }
0x28: {  	s2 =	sld [smem:$0x3FAB]  }
0x29: {  	s4 =	sld [smem:$0x3FAD]  }
0x2a: {  	p0 =	seq.s32 s5, $0x0;
	s5 =	sld [smem:$0x3FAE]  }
0x2b: {  	s6 =	sld [smem:$0x3FAF]  }
0x2c: {  	s7 =	sld [smem:$0x3FB0]  }
0x2d: {  	s3 =	simm.s32 $0x108;
	s8 =	sld [smem:$0x3FB1]  }
0x2e: {  	s3 =	simm.s32 @!p0 $0x1082;
	s9 =	sld [smem:$0x3FB2]  }
0x2f: {  	lr =	sadd.s32 s0, s3;
	s0 =	sld [smem:$0x3FA9]  }
0x30: {  	s3 =	sld [smem:$0x3FAC]  }
0x31: {  	[smem:$0x3FB5] =	sst s10  }
0x32: {  	s10 =	sld [smem:$0x3FB3];
	_ =	sdelay $0x3  }
0x33: {  	p0 =	seq.s32 s10, $0x1;
	s10 =	sld [smem:$0x3FB5];
	_ =	sdelay $0x3  }
0x34: {  	[smem:$0x3FB5] =	sst s10  }
0x35: {  	s10 =	sld [smem:$0x3FB4];
	_ =	sdelay $0x3  }
0x36: {  	p1 =	seq.s32 s10, $0x1;
	s10 =	sld [smem:$0x3FB5];
	_ =	sdelay $0x3  }
0x37: {  	[smem:$0x3FB5] =	sst s10  }
0x38: {  	s10 =	sld [smem:$0x3FB6]  }
0x39: {  	_ = 	snop;
	(pc) =	sbr.ind lr, $3  }
0x3a: {  	_ = 	snop  }
0x3b: {  	_ = 	snop  }
0x3c: {  	p2 =	seq.s32 s10, $0x1;
	s10 =	sld [smem:$0x3FB5]  }
0x3d: {  	_ =	shalt  }
0x3e: {  	_ =	shalt  }
0x3f: {  	_ =	shalt  }
0x40: {  	_ =	shalt  }
0x41: {  	_ =	shalt  }
0x42: {  	_ =	shalt  }
0x43: {  	_ =	shalt  }
0x44: {  	_ =	shalt  }
0x45: {  	_ =	shalt  }
0x46: {  	_ =	shalt  }
0x47: {  	_ =	shalt  }
0x48: {  	_ =	shalt  }
0x49: {  	_ =	shalt  }
0x4a: {  	_ =	shalt  }
0x4b: {  	_ =	shalt  }
0x4c: {  	_ =	shalt  }
0x4d: {  	_ =	shalt  }
0x4e: {  	_ =	shalt  }
0x4f: {  	_ =	shalt  }
0x50: {  	_ =	shalt  }
0x51: {  	_ =	shalt  }
0x52: {  	_ =	shalt  }
0x53: {  	_ =	shalt  }
0x54: {  	_ =	shalt  }
0x55: {  	_ =	shalt  }
0x56: {  	_ =	shalt  }
0x57: {  	_ =	shalt  }
0x58: {  	_ =	shalt  }
0x59: {  	_ =	shalt  }
0x5a: {  	_ =	shalt  }
0x5b: {  	_ =	shalt  }
0x5c: {  	_ =	shalt  }
0x5d: {  	_ =	shalt  }
0x5e: {  	_ =	shalt  }
0x5f: {  	_ =	shalt  }
0x60: {  	_ =	shalt  }
0x61: {  	_ =	shalt  }
0x62: {  	_ =	shalt  }
0x63: {  	_ =	shalt  }
0x64: {  	_ =	shalt  }
0x65: {  	_ =	shalt  }
0x66: {  	_ =	shalt  }
0x67: {  	_ =	shalt  }
0x68: {  	_ =	shalt  }
0x69: {  	_ =	shalt  }
0x6a: {  	_ =	shalt  }
0x6b: {  	_ =	shalt  }
0x6c: {  	_ =	shalt  }
0x6d: {  	_ =	shalt  }
0x6e: {  	_ =	shalt  }
0x6f: {  	_ =	shalt  }
0x70: {  	_ =	shalt  }
0x71: {  	_ =	shalt  }
0x72: {  	_ =	shalt  }
0x73: {  	_ =	shalt  }
0x74: {  	_ =	shalt  }
0x75: {  	_ =	shalt  }
0x76: {  	_ =	shalt  }
0x77: {  	_ =	shalt  }
0x78: {  	_ =	shalt  }
0x79: {  	_ =	shalt  }
0x7a: {  	_ =	shalt  }
0x7b: {  	_ =	shalt  }
0x7c: {  	_ =	shalt  }
0x7d: {  	_ =	shalt  }
0x7e: {  	_ =	shalt  }
0x7f: {  	_ =	shalt  }
0x80: {  	_ =	shalt  }
0x81: {  	_ =	shalt  }
0x82: {  	_ =	shalt  }
0x83: {  	_ =	shalt  }
0x84: {  	_ =	shalt  }
0x85: {  	_ =	shalt  }
0x86: {  	_ =	shalt  }
0x87: {  	_ =	shalt  }
.Lfunc_end0:
.L_simem_size_0:
called_computation.2_lowered:
.L_overlay_start_0:
0x88: {  	s2 =	sld [smem:$0x3FD9]  }
0x89: {  	s3 =	sld [smem:$0x3FFE];
	_ =	sdelay $0x1  }
0x8a: {  	s1 =	srdreg.scid  }
0x8b: {  	s0 =	sand.u32 $0x1, s1  }
0x8c: {  	s16 =	sshll.u32 s0, $0xA;
	s2 =	sadd.s32 s3, s2  }
0x8d: {  	s2 =	sadd.s32 s2, s16  }
0x8e: {  	[smem:$0x3FC1] =	sst s2  }
0x8f: {  	_ = 	snop  }
0x90: {  	(tm) =	ssettm $0x1  }
0x91: {  	s17 =	sld [smem:$0x3FFB];
	_ =	sdelay $0x3  }
0x92: {  	_ =	strace s17  }
0x93: {  	s2 =	sld [smem:$0x3FFC];
	_ =	sdelay $0x3  }
0x94: {  	_ =	strace s2  }
0x95: {  	s2 =	sld [smem:$0x3FFD];
	_ =	sdelay $0x3  }
0x96: {  	_ =	strace s2  }
0x97: {  	_ =	strace $0x8FFFFFFF  }
0x98: {  	s18 =	sld [smem:$0x3FDB];
	_ =	sdelay $0x1  }
0x99: {  	s19 =	simm.s32 $_scs_section_size  }
0x9a: {  	s4 =	simm.s32 $_size__tile_overlayer_lowered;
	s5 =	simm.s32 $_tile_overlayer_lowered  }
0x9b: {  	s22 =	simm.s32 $0x1BFF;
	s21 =	sshll.u32 s5, $0x1;
	s2 =	sadd.s32 s19, s18  }
0x9c: {  	s6 =	simm.s32 $0x0;
	s20 =	sshll.u32 s4, $0x1;
	s4 =	sadd.s32 s21, s2  }
0x9d: {  	[timem:s6], [sflag:s22] =	dma.local [hbm:s4], s20  }
0x9e: {  	_ =	swait.ge [sflag:s22], s20  }
0x9f: {  	s3 =	ssub.s32 $0x0, s20;
	[sflag:s22] =	ssyncset.done $0x0  }
0xa0: {  	[sflag:s22] =	ssyncadd.s32 s3;
	_ =	sdelay $0x1  }
0xa1: {  	s23 =	simm.s32 $0x1B8B  }
0xa2: {  	_ =	swait.ge [sflag:s23], $0x1  }
0xa3: {  	[sflag:s23] =	ssyncset.done $0x0  }
0xa4: {  	s25 =	simm.s32 $0x1B8E;
	s24 =	sld [smem:$0x3FFE];
	[sflag:s23] =	ssyncadd.s32 $0xFFFFFFFF  }
0xa5: {  	s26 =	simm.s32 $execute0_lowered;
	[smem:$0x3FD2] =	sst s25  }
0xa6: {  	s4 =	sshll.u32 s26, $0x1;
	_ =	strace $0x8000004C;
	[dreg:$0x1] =	wrdreg $0xFFFFFFFF  }
0xa7: {  	s28 =	simm.s32 $_size_execute0_lowered;
	s2 =	sadd.s32 s2, s4;
	[dreg:$0x0] =	wrdreg $0x0  }
0xa8: {  	s4 =	sshll.u32 s28, $0x1;
	[dreg:$0x2] =	wrdreg s2  }
0xa9: {  	[dreg:$0x3] =	wrdreg s4  }
0xaa: {  	[dreg:$0x4] =	wrdreg $0xC0  }
0xab: {  	_ =	task [dreg:s6], $0x5FFFF  }
0xac: {  	[dreg:$0x1] =	wrdreg $0xFFFFFFFF  }
0xad: {  	[dreg:$0x0] =	wrdreg $0x60  }
0xae: {  	[dreg:$0x2] =	wrdreg s24  }
0xaf: {  	[dreg:$0x3] =	wrdreg $0x87800  }
0xb0: {  	[dreg:$0x4] =	wrdreg $0x9  }
0xb1: {  	_ =	task.clear_ibuf [dreg:s6], $0x5FFFF;
	_ =	strace $0x9000004C  }
0xb2: {  	s29 =	simm.s32 $0x9;
	_ =	strace $0x8000004E  }
0xb3: {  	_ =	swait.ge [sflag:s29], $0x1  }
0xb4: {  	[sflag:s29] =	ssyncadd.s32 $0xFFFFFFFF  }
0xb5: {  	_ =	strace $0x9000004E  }
0xb6: {  	_ =	sfence  }
0xb7: {  	s30 =	sld [smem:$0x0];
	_ =	sdelay $0x2  }
0xb8: {  	s31 =	sshll.u32 s1, $0xD;
	s1 =	sshrl.u32 s1, $0x2  }
0xb9: {  	s3 =	sand.u32 $0x4000, s31;
	s1 =	sadd.s32 s1, s30  }
0xba: {  	s0 =	sor.u32 s3, s0;
	s1 =	sshll.u32 s1, $0x11  }
0xbb: {  	s0 =	sor.u32 s1, s0  }
0xbc: {  	s0 =	sadd.s32 $0x8F2B, s0  }
0xbd: {  	[sflag:s0] =	ssyncadd.remote.s32 $0x1  }
0xbe: {  	_ =	sfence.sel $0xFFFF  }
0xbf: {  	[dreg:$0x0] =	wrdreg $0xFFFFFFFF;
	(pc) =	sbr.abs _section_cstart, $3  }
0xc0: {  	[dreg:$0x1] =	wrdreg $0xFFFFFFFF  }
0xc1: {  	_ =	task.clear_ibuf [dreg:s6], $0x2FFFF;
	_ =	strace $0x9FFFFFFF  }
0xc2: {  	(tm) =	ssettm $0x7FFFFFFF  }
0xc3: {  	_ =	shalt  }
tec
execute0_lowered:
.L_overlay_start_1:
0x0: {  	(tag) =	ssettag $0x1  }
0x1: {  	s0 =	rddreg [dreg:$0x0]  }
0x2: {  	s1 =	rddreg [dreg:$0x1]  }
0x3: {  	s2 =	simm.s32 $0x0;
	s5 =	srdreg.scid;
	s3 =	stileid.u32  }
0x4: {  	s14 =	simm.s32 $0x9;
	s15 =	simm.s32 $0x2000;
	s16 =	simm.s32 $0x80  }
0x5: {  	s17 =	simm.s32 $0x4000;
	s18 =	simm.s32 $0x4800;
	s20 =	simm.s32 $0x5000  }
0x6: {  	s21 =	simm.s32 $0x1;
	s23 =	simm.s32 $0x5800;
	s28 =	simm.s32 $0x5  }
0x7: {  	s29 =	simm.s32 $0x200;
	s30 =	simm.s32 $0x3;
	s31 =	simm.s32 $0x2100  }
0x8: {  	s19 =	simm.s32 $0x7;
	[smem:$0x7FF] =	sst s2;
	s4 =	sadd.s32 $0x6000, s0  }
0x9: {  	s6 =	sadd.s32 $0xB000, s0;
	s7 =	sand.u32 $0x1, s5;
	s9 =	smul.u32 $0x4F00, s3  }
0xa: {  	s8 =	sadd.s32 $0x1000, s0;
	s0 =	sadd.s32 $0x10000, s0;
	s11 =	smul.u32 $0x340, s3  }
0xb: {  	s25 =	smul.u32 $0xE00, s3;
	p1 =	seq.s32 s3, $0xF;
	_ =	strace $0x8000004D  }
0xc: {  	s5 =	ssub.s32 $0x2, s7;
	p0 =	seq.s32 s7, $0x1;
	s7 =	smul.u32 $0x4E200, s7  }
0xd: {  	s10 =	sshrl.u32 s5, $0x1;
	s24 =	sshrl.u32 s9, $0x1;
	s13 =	sadd.s32 s6, s11  }
0xe: {  	s11 =	sadd.s32 s8, s11;
	s12 =	ssub.s32 s5, s10;
	[dreg:$0x3] =	wrdreg s13  }
0xf: {  	s5 =	sadd.s32 s24, s1;
	[dreg:$0x4] =	wrdreg s11;
	s10 =	sshrl.u32 s25, $0x3  }
0x10: {  	s9 =	sadd.s32 s9, s7;
	s7 =	sshrl.u32 s7, $0x4;
	s24 =	simm.s32 $0x2  }
0x11: {  	s13 =	simm.s32 $0x280;
	s10 =	sadd.s32 $0x3400, s10;
	s26 =	sshrl.u32 s9, $0x4  }
.Ltmp0:
0x12: {  	s7 =	sadd.s32 s0, s7;
	s12 =	smax.u32 s12, $0x1;
	(pc) =	sbr.rel .LBB2_1-.Ltmp0, $4  }
0x13: {  	s6 =	sadd.s32 s6, s10;
	s8 =	sadd.s32 s8, s10;
	s10 =	sadd.s32 s0, s26  }
0x14: {  	s11 =	sadd.s32 $0x4A10, s7;
	s0 =	sadd.s32 $0x25080, s1;
	[dreg:$0x5] =	wrdreg s6  }
0x15: {  	s7 =	simm.s32 $0x2180;
	[dreg:$0x6] =	wrdreg s8;
	s25 =	sshrl.u32 @p1 s0, $0x3  }
0x16: {  	v0 =	vimm.bf16 $0.0e+00;
	s0 =	simm.s32 $0x6;
	s6 =	simm.s32 $0x4;
	s8 =	simm.s32 $0x8  }
.LBB2_6:
0x17: {  	[spmem:s1] =	stream.indirect.scatter.add.bf16 [tilespmem:s23], [sflag:$0x8], $0x10, s9, s16, $0xb8;
	[tilespmem:$0xAF00] =	vst v63  }
0x18: {  	_ =	swait.ge [sflag:s19], $0x800  }
0x19: {  	[sflag:s19] =	ssyncset.done $0x0  }
0x1a: {  	s22 =	simm.s32 $0x1900;
	[sflag:s19] =	ssyncadd.s32 $0xFFFFF800  }
0x1b: {  	[tilespmem:s20], [sflag:$0x3] =	stream.indirect.gather [hbm4b:s4+s16], $0x10, s22, s16, $0xb8;
	[tilespmem:$0xAF00] =	vst v63  }
0x1c: {  	_ =	swait.ge [sflag:s21], $0x800  }
0x1d: {  	[sflag:s21] =	ssyncset.done $0x0  }
0x1e: {  	s26 =	simm.s32 $0x3800;
	[sflag:s21] =	ssyncadd.s32 $0xFFFFF800  }
0x1f: {  	[spmem:s1] =	stream.indirect.scatter.add.bf16 [tilespmem:s17], [sflag:$0x5], $0x10, s26, s16, $0xb8;
	[tilespmem:$0xAF00] =	vst v63  }
0x20: {  	_ =	swait.ge [sflag:s8], $0x800  }
0x21: {  	[sflag:s8] =	ssyncset.done $0x0  }
0x22: {  	s22 =	simm.s32 $0x1980;
	[sflag:s8] =	ssyncadd.s32 $0xFFFFF800  }
0x23: {  	[tilespmem:s23], [sflag:$0x4] =	stream.indirect.gather [hbm4b:s4+s16], $0x10, s22, s16, $0xb8;
	[tilespmem:$0xAF00] =	vst v63  }
0x24: {  	_ =	swait.ge [sflag:s24], $0x800  }
0x25: {  	[sflag:s24] =	ssyncset.done $0x0  }
0x26: {  	s26 =	simm.s32 $0x3880;
	[sflag:s24] =	ssyncadd.s32 $0xFFFFF800  }
0x27: {  	[spmem:s1] =	stream.indirect.scatter.add.bf16 [tilespmem:s18], [sflag:$0x6], $0x10, s26, s16, $0xb8;
	[tilespmem:$0xAF00] =	vst v63  }
0x28: {  	_ =	swait.ge [sflag:s28], $0x800  }
0x29: {  	[sflag:s28] =	ssyncset.done $0x0  }
0x2a: {  	[sflag:s28] =	ssyncadd.s32 $0xFFFFF800  }
0x2b: {  	_ =	swait.ge [sflag:s30], $0x800  }
0x2c: {  	[sflag:s30] =	ssyncset.done $0x0  }
0x2d: {  	s22 =	simm.s32 $0x3900;
	[sflag:s30] =	ssyncadd.s32 $0xFFFFF800  }
0x2e: {  	[spmem:s1] =	stream.indirect.scatter.add.bf16 [tilespmem:s20], [sflag:$0x7], $0x10, s22, s16, $0xb8;
	[tilespmem:$0xAF00] =	vst v63  }
0x2f: {  	_ =	swait.ge [sflag:s0], $0x800  }
0x30: {  	[sflag:s0] =	ssyncset.done $0x0  }
0x31: {  	[sflag:s0] =	ssyncadd.s32 $0xFFFFF800  }
0x32: {  	_ =	swait.ge [sflag:s6], $0x800  }
0x33: {  	[sflag:s6] =	ssyncset.done $0x0  }
0x34: {  	s26 =	simm.s32 $0x3980;
	[sflag:s6] =	ssyncadd.s32 $0xFFFFF800  }
0x35: {  	[spmem:s1] =	stream.indirect.scatter.add.bf16 [tilespmem:s23], [sflag:$0x8], $0x10, s26, s16, $0xb8;
	[tilespmem:$0xAF00] =	vst v63  }
.LBB2_10:
0x36: {  	_ =	swait.ge [sflag:s19], $0x800  }
0x37: {  	[sflag:s19] =	ssyncset.done $0x0  }
0x38: {  	[sflag:s19] =	ssyncadd.s32 $0xFFFFF800  }
0x39: {  	_ =	swait.ge [sflag:s8], $0x800  }
0x3a: {  	[sflag:s8] =	ssyncset.done $0x0  }
0x3b: {  	[sflag:s8] =	ssyncadd.s32 $0xFFFFF800  }
0x3c: {  	s9 =	simm.s32 @p1 $0x1FC9;
	[bflag:$0x0] =	sbarrier.arrive $0xFFFF  }
0x3d: {  	[hbm:s11], [sflag:s9] =	dma.local @p1 [spmem:s25], $0x410  }
0x3e: {  	s9 =	simm.s32 @p1 $0x9  }
0x3f: {  	s2 =	sadd.s32 $0x1, s2;
	_ =	swait.ge @p1 [sflag:s9], $0x410  }
0x40: {  	s22 =	sshll.u32 @!p1 s3, $0x6;
	p2 =	sne.s32 s2, s12;
	[sflag:s9] =	ssyncset.done @p1 $0x0  }
0x41: {  	[sflag:s9] =	ssyncadd.s32 @p1 $0xFFFFFBF0;
	s9 =	sor.u32 @!p1 $0x1C09, s22;
	s22 =	sshrl.u32 @!p1 s5, $0x3  }
0x42: {  	[hbm:s10], [sflag:s9] =	dma.local @!p1 [spmem:s22], $0x4F0  }
.Ltmp1:
0x43: {  	_ = 	snop;
	(pc) =	sbr.rel @!p2 .LBB2_11-.Ltmp1, $4  }
0x44: {  	s9 =	simm.s32 @!p1 $0x9  }
0x45: {  	_ =	swait.ge @!p1 [sflag:s9], $0x4F0  }
0x46: {  	[sflag:s9] =	ssyncset.done @!p1 $0x0  }
0x47: {  	[sflag:s9] =	ssyncadd.s32 @!p1 $0xFFFFFB10  }
.LBB2_1:
0x48: {  	s9 =	simm.s32 $0x40;
	s22 =	simm.s32 $0x0  }
.LBB2_2:
0x49: {  	p2 =	sne.s32 s9, $0x9DC0;
	[tilespmem:s22+$0x6000] =	vst v0;
	s22 =	smov.u32 s9;
	s9 =	sadd.s32 $0x40, s9  }
.Ltmp2:
0x4a: {  	(pc) =	sbr.rel @p2 .LBB2_2-.Ltmp2, $2  }
0x4b: {  	_ =	sdelay $0x2  }
0x4c: {  	s22 =	sshra.s32 s22, $0x2  }
0x4d: {  	[tilespmem:s22+$0x6000] =	vst v0;
	s9 =	simm.s32 $0x6000  }
0x4e: {  	[spmem:s5] =	stream.linear.scatter [tilespmem:s9], [sflag:$0x9], $0x2780, $0x38;
	[tilespmem:$0xAF00] =	vst v63  }
.Ltmp3:
0x4f: {  	_ =	swait.ge [sflag:s14], $0x2780;
	(pc) =	sbr.rel @!p0 .LBB2_4-.Ltmp3, $4  }
0x50: {  	[sflag:s14] =	ssyncset.done $0x0  }
0x51: {  	[sflag:s14] =	ssyncadd.s32 $0xFFFFD880  }
0x52: {  	[bflag:$0x0] =	sbarrier.arrive $0xFFFF  }
0x53: {  	s9 =	simm.s32 $0x0  }
0x54: {  	s22 =	rddreg [dreg:$0x5]  }
0x55: {  	[tilespmem:s9], [sflag:$0x9] =	stream.linear.gather [hbm4b:s22+s9], $0xE00, $0x38;
	[tilespmem:$0xAF00] =	vst v63  }
0x56: {  	_ =	swait.ge [sflag:s14], $0xE00  }
0x57: {  	[sflag:s14] =	ssyncset.done $0x0  }
0x58: {  	s26 =	rddreg [dreg:$0x6];
	[sflag:s14] =	ssyncadd.s32 $0xFFFFF200  }
0x59: {  	[tilespmem:s15], [sflag:$0x9] =	stream.linear.gather [hbm4b:s26+s9], $0xE00, $0x38;
	[tilespmem:$0xAF00] =	vst v63  }
0x5a: {  	_ =	swait.ge [sflag:s14], $0xE00  }
0x5b: {  	[sflag:s14] =	ssyncset.done $0x0  }
0x5c: {  	[sflag:s14] =	ssyncadd.s32 $0xFFFFF200  }
0x5d: {  	[tilespmem:s17], [sflag:$0x1] =	stream.indirect.gather [hbm4b:s4+s16], $0x10, s9, s16, $0xb8;
	[tilespmem:$0xAF00] =	vst v63  }
0x5e: {  	_ = 	snop  }
0x5f: {  	[tilespmem:s18], [sflag:$0x2] =	stream.indirect.gather [hbm4b:s4+s16], $0x10, s16, s16, $0xb8;
	[tilespmem:$0xAF00] =	vst v63  }
0x60: {  	s22 =	simm.s32 $0x100  }
0x61: {  	[tilespmem:s20], [sflag:$0x3] =	stream.indirect.gather [hbm4b:s4+s16], $0x10, s22, s16, $0xb8;
	[tilespmem:$0xAF00] =	vst v63  }
0x62: {  	_ =	swait.ge [sflag:s21], $0x800  }
0x63: {  	[sflag:s21] =	ssyncset.done $0x0  }
0x64: {  	[sflag:s21] =	ssyncadd.s32 $0xFFFFF800  }
0x65: {  	[spmem:s1] =	stream.indirect.scatter.add.bf16 [tilespmem:s17], [sflag:$0x5], $0x10, s15, s16, $0xb8;
	[tilespmem:$0xAF00] =	vst v63  }
0x66: {  	s26 =	simm.s32 $0x180  }
0x67: {  	[tilespmem:s23], [sflag:$0x4] =	stream.indirect.gather [hbm4b:s4+s16], $0x10, s26, s16, $0xb8;
	[tilespmem:$0xAF00] =	vst v63  }
0x68: {  	_ =	swait.ge [sflag:s24], $0x800  }
0x69: {  	[sflag:s24] =	ssyncset.done $0x0  }
0x6a: {  	s22 =	simm.s32 $0x2080;
	[sflag:s24] =	ssyncadd.s32 $0xFFFFF800  }
0x6b: {  	[spmem:s1] =	stream.indirect.scatter.add.bf16 [tilespmem:s18], [sflag:$0x6], $0x10, s22, s16, $0xb8;
	[tilespmem:$0xAF00] =	vst v63  }
0x6c: {  	_ =	swait.ge [sflag:s28], $0x800  }
0x6d: {  	[sflag:s28] =	ssyncset.done $0x0  }
0x6e: {  	[sflag:s28] =	ssyncadd.s32 $0xFFFFF800  }
0x6f: {  	[tilespmem:s17], [sflag:$0x1] =	stream.indirect.gather [hbm4b:s4+s16], $0x10, s29, s16, $0xb8;
	[tilespmem:$0xAF00] =	vst v63  }
0x70: {  	_ =	swait.ge [sflag:s30], $0x800  }
0x71: {  	[sflag:s30] =	ssyncset.done $0x0  }
0x72: {  	[sflag:s30] =	ssyncadd.s32 $0xFFFFF800  }
0x73: {  	[spmem:s1] =	stream.indirect.scatter.add.bf16 [tilespmem:s20], [sflag:$0x7], $0x10, s31, s16, $0xb8;
	[tilespmem:$0xAF00] =	vst v63  }
0x74: {  	_ =	swait.ge [sflag:s0], $0x800  }
0x75: {  	[sflag:s0] =	ssyncset.done $0x0  }
0x76: {  	[sflag:s0] =	ssyncadd.s32 $0xFFFFF800  }
0x77: {  	[tilespmem:s18], [sflag:$0x2] =	stream.indirect.gather [hbm4b:s4+s16], $0x10, s13, s16, $0xb8;
	[tilespmem:$0xAF00] =	vst v63  }
0x78: {  	_ =	swait.ge [sflag:s6], $0x800  }
0x79: {  	[sflag:s6] =	ssyncset.done $0x0  }
0x7a: {  	[sflag:s6] =	ssyncadd.s32 $0xFFFFF800  }
0x7b: {  	[spmem:s1] =	stream.indirect.scatter.add.bf16 [tilespmem:s23], [sflag:$0x8], $0x10, s7, s16, $0xb8;
	[tilespmem:$0xAF00] =	vst v63  }
0x7c: {  	_ =	swait.ge [sflag:s19], $0x800  }
0x7d: {  	[sflag:s19] =	ssyncset.done $0x0  }
0x7e: {  	s26 =	simm.s32 $0x300;
	[sflag:s19] =	ssyncadd.s32 $0xFFFFF800  }
0x7f: {  	[tilespmem:s20], [sflag:$0x3] =	stream.indirect.gather [hbm4b:s4+s16], $0x10, s26, s16, $0xb8;
	[tilespmem:$0xAF00] =	vst v63  }
0x80: {  	_ =	swait.ge [sflag:s21], $0x800  }
0x81: {  	[sflag:s21] =	ssyncset.done $0x0  }
0x82: {  	s22 =	simm.s32 $0x2200;
	[sflag:s21] =	ssyncadd.s32 $0xFFFFF800  }
0x83: {  	[spmem:s1] =	stream.indirect.scatter.add.bf16 [tilespmem:s17], [sflag:$0x5], $0x10, s22, s16, $0xb8;
	[tilespmem:$0xAF00] =	vst v63  }
0x84: {  	_ =	swait.ge [sflag:s8], $0x800  }
0x85: {  	[sflag:s8] =	ssyncset.done $0x0  }
0x86: {  	s26 =	simm.s32 $0x380;
	[sflag:s8] =	ssyncadd.s32 $0xFFFFF800  }
0x87: {  	[tilespmem:s23], [sflag:$0x4] =	stream.indirect.gather [hbm4b:s4+s16], $0x10, s26, s16, $0xb8;
	[tilespmem:$0xAF00] =	vst v63  }
0x88: {  	_ =	swait.ge [sflag:s24], $0x800  }
0x89: {  	[sflag:s24] =	ssyncset.done $0x0  }
0x8a: {  	s22 =	simm.s32 $0x2280;
	[sflag:s24] =	ssyncadd.s32 $0xFFFFF800  }
0x8b: {  	[spmem:s1] =	stream.indirect.scatter.add.bf16 [tilespmem:s18], [sflag:$0x6], $0x10, s22, s16, $0xb8;
	[tilespmem:$0xAF00] =	vst v63  }
0x8c: {  	_ =	swait.ge [sflag:s28], $0x800  }
0x8d: {  	[sflag:s28] =	ssyncset.done $0x0  }
0x8e: {  	s26 =	simm.s32 $0x400;
	[sflag:s28] =	ssyncadd.s32 $0xFFFFF800  }
0x8f: {  	[tilespmem:s17], [sflag:$0x1] =	stream.indirect.gather [hbm4b:s4+s16], $0x10, s26, s16, $0xb8;
	[tilespmem:$0xAF00] =	vst v63  }
0x90: {  	_ =	swait.ge [sflag:s30], $0x800  }
0x91: {  	[sflag:s30] =	ssyncset.done $0x0  }
0x92: {  	s22 =	simm.s32 $0x2300;
	[sflag:s30] =	ssyncadd.s32 $0xFFFFF800  }
0x93: {  	[spmem:s1] =	stream.indirect.scatter.add.bf16 [tilespmem:s20], [sflag:$0x7], $0x10, s22, s16, $0xb8;
	[tilespmem:$0xAF00] =	vst v63  }
0x94: {  	_ =	swait.ge [sflag:s0], $0x800  }
0x95: {  	[sflag:s0] =	ssyncset.done $0x0  }
0x96: {  	s26 =	simm.s32 $0x480;
	[sflag:s0] =	ssyncadd.s32 $0xFFFFF800  }
0x97: {  	[tilespmem:s18], [sflag:$0x2] =	stream.indirect.gather [hbm4b:s4+s16], $0x10, s26, s16, $0xb8;
	[tilespmem:$0xAF00] =	vst v63  }
0x98: {  	_ =	swait.ge [sflag:s6], $0x800  }
0x99: {  	[sflag:s6] =	ssyncset.done $0x0  }
0x9a: {  	s9 =	simm.s32 $0x2380;
	s22 =	simm.s32 $0x800;
	[sflag:s6] =	ssyncadd.s32 $0xFFFFF800  }
.LBB2_8:
0x9b: {  	[spmem:s1] =	stream.indirect.scatter.add.bf16 [tilespmem:s23], [sflag:$0x8], $0x10, s9, s16, $0xb8;
	[tilespmem:$0xAF00] =	vst v63  }
0x9c: {  	s9 =	smov.u32 s22  }
0x9d: {  	p2 =	sne.s32 s22, $0x2000;
	s22 =	sadd.s32 $0x800, s22;
	_ =	swait.ge [sflag:s19], $0x800  }
0x9e: {  	s9 =	sshra.s32 s9, $0x2;
	[sflag:s19] =	ssyncset.done $0x0  }
0x9f: {  	s26 =	sadd.s32 $0x300, s9;
	[sflag:s19] =	ssyncadd.s32 $0xFFFFF800  }
0xa0: {  	[tilespmem:s20], [sflag:$0x3] =	stream.indirect.gather [hbm4b:s4+s16], $0x10, s26, s16, $0xb8;
	[tilespmem:$0xAF00] =	vst v63  }
0xa1: {  	_ =	swait.ge [sflag:s21], $0x800  }
0xa2: {  	[sflag:s21] =	ssyncset.done $0x0  }
0xa3: {  	s26 =	sadd.s32 $0x2200, s9;
	[sflag:s21] =	ssyncadd.s32 $0xFFFFF800  }
0xa4: {  	[spmem:s1] =	stream.indirect.scatter.add.bf16 [tilespmem:s17], [sflag:$0x5], $0x10, s26, s16, $0xb8;
	[tilespmem:$0xAF00] =	vst v63  }
0xa5: {  	_ =	swait.ge [sflag:s8], $0x800  }
0xa6: {  	[sflag:s8] =	ssyncset.done $0x0  }
0xa7: {  	s26 =	sadd.s32 $0x380, s9;
	[sflag:s8] =	ssyncadd.s32 $0xFFFFF800  }
0xa8: {  	[tilespmem:s23], [sflag:$0x4] =	stream.indirect.gather [hbm4b:s4+s16], $0x10, s26, s16, $0xb8;
	[tilespmem:$0xAF00] =	vst v63  }
0xa9: {  	_ =	swait.ge [sflag:s24], $0x800  }
0xaa: {  	[sflag:s24] =	ssyncset.done $0x0  }
0xab: {  	s26 =	sadd.s32 $0x2280, s9;
	[sflag:s24] =	ssyncadd.s32 $0xFFFFF800  }
0xac: {  	[spmem:s1] =	stream.indirect.scatter.add.bf16 [tilespmem:s18], [sflag:$0x6], $0x10, s26, s16, $0xb8;
	[tilespmem:$0xAF00] =	vst v63  }
0xad: {  	_ =	swait.ge [sflag:s28], $0x800  }
0xae: {  	[sflag:s28] =	ssyncset.done $0x0  }
0xaf: {  	s26 =	sadd.s32 $0x400, s9;
	[sflag:s28] =	ssyncadd.s32 $0xFFFFF800  }
0xb0: {  	[tilespmem:s17], [sflag:$0x1] =	stream.indirect.gather [hbm4b:s4+s16], $0x10, s26, s16, $0xb8;
	[tilespmem:$0xAF00] =	vst v63  }
0xb1: {  	_ =	swait.ge [sflag:s30], $0x800  }
0xb2: {  	[sflag:s30] =	ssyncset.done $0x0  }
0xb3: {  	s26 =	sadd.s32 $0x2300, s9;
	[sflag:s30] =	ssyncadd.s32 $0xFFFFF800  }
0xb4: {  	[spmem:s1] =	stream.indirect.scatter.add.bf16 [tilespmem:s20], [sflag:$0x7], $0x10, s26, s16, $0xb8;
	[tilespmem:$0xAF00] =	vst v63  }
0xb5: {  	_ =	swait.ge [sflag:s0], $0x800  }
0xb6: {  	[sflag:s0] =	ssyncset.done $0x0  }
.Ltmp4:
0xb7: {  	s26 =	sadd.s32 $0x480, s9;
	[sflag:s0] =	ssyncadd.s32 $0xFFFFF800;
	(pc) =	sbr.rel @p2 .LBB2_8-.Ltmp4, $4  }
0xb8: {  	[tilespmem:s18], [sflag:$0x2] =	stream.indirect.gather [hbm4b:s4+s16], $0x10, s26, s16, $0xb8;
	[tilespmem:$0xAF00] =	vst v63  }
0xb9: {  	_ =	swait.ge [sflag:s6], $0x800  }
0xba: {  	[sflag:s6] =	ssyncset.done $0x0  }
0xbb: {  	s9 =	sadd.s32 $0x2380, s9;
	[sflag:s6] =	ssyncadd.s32 $0xFFFFF800  }
0xbc: {  	[spmem:s1] =	stream.indirect.scatter.add.bf16 [tilespmem:s23], [sflag:$0x8], $0x10, s9, s16, $0xb8;
	[tilespmem:$0xAF00] =	vst v63  }
0xbd: {  	_ =	swait.ge [sflag:s19], $0x800  }
0xbe: {  	[sflag:s19] =	ssyncset.done $0x0  }
0xbf: {  	s22 =	simm.s32 $0xD00;
	[sflag:s19] =	ssyncadd.s32 $0xFFFFF800  }
0xc0: {  	[tilespmem:s20], [sflag:$0x3] =	stream.indirect.gather [hbm4b:s4+s16], $0x10, s22, s16, $0xb8;
	[tilespmem:$0xAF00] =	vst v63  }
0xc1: {  	_ =	swait.ge [sflag:s21], $0x800  }
0xc2: {  	[sflag:s21] =	ssyncset.done $0x0  }
0xc3: {  	s26 =	simm.s32 $0x2C00;
	[sflag:s21] =	ssyncadd.s32 $0xFFFFF800  }
0xc4: {  	[spmem:s1] =	stream.indirect.scatter.add.bf16 [tilespmem:s17], [sflag:$0x5], $0x10, s26, s16, $0xb8;
	[tilespmem:$0xAF00] =	vst v63  }
0xc5: {  	_ =	swait.ge [sflag:s8], $0x800  }
0xc6: {  	[sflag:s8] =	ssyncset.done $0x0  }
0xc7: {  	s22 =	simm.s32 $0xD80;
	[sflag:s8] =	ssyncadd.s32 $0xFFFFF800  }
0xc8: {  	[tilespmem:s23], [sflag:$0x4] =	stream.indirect.gather [hbm4b:s4+s16], $0x10, s22, s16, $0xb8;
	[tilespmem:$0xAF00] =	vst v63  }
0xc9: {  	_ =	swait.ge [sflag:s24], $0x800  }
0xca: {  	[sflag:s24] =	ssyncset.done $0x0  }
0xcb: {  	s26 =	simm.s32 $0x2C80;
	[sflag:s24] =	ssyncadd.s32 $0xFFFFF800  }
0xcc: {  	[spmem:s1] =	stream.indirect.scatter.add.bf16 [tilespmem:s18], [sflag:$0x6], $0x10, s26, s16, $0xb8;
	[tilespmem:$0xAF00] =	vst v63  }
0xcd: {  	_ =	swait.ge [sflag:s28], $0x800  }
0xce: {  	[sflag:s28] =	ssyncset.done $0x0  }
0xcf: {  	[sflag:s28] =	ssyncadd.s32 $0xFFFFF800  }
0xd0: {  	_ =	swait.ge [sflag:s30], $0x800  }
0xd1: {  	[sflag:s30] =	ssyncset.done $0x0  }
0xd2: {  	s22 =	simm.s32 $0x2D00;
	[sflag:s30] =	ssyncadd.s32 $0xFFFFF800  }
0xd3: {  	[spmem:s1] =	stream.indirect.scatter.add.bf16 [tilespmem:s20], [sflag:$0x7], $0x10, s22, s16, $0xb8;
	[tilespmem:$0xAF00] =	vst v63  }
0xd4: {  	_ =	swait.ge [sflag:s0], $0x800  }
0xd5: {  	[sflag:s0] =	ssyncset.done $0x0  }
.Ltmp5:
0xd6: {  	[sflag:s0] =	ssyncadd.s32 $0xFFFFF800;
	(pc) =	sbr.rel .LBB2_10-.Ltmp5, $4  }
0xd7: {  	_ =	swait.ge [sflag:s6], $0x800  }
0xd8: {  	[sflag:s6] =	ssyncset.done $0x0  }
0xd9: {  	s26 =	simm.s32 $0x2D80;
	[sflag:s6] =	ssyncadd.s32 $0xFFFFF800  }
0xda: {  	[spmem:s1] =	stream.indirect.scatter.add.bf16 [tilespmem:s23], [sflag:$0x8], $0x10, s26, s16, $0xb8;
	[tilespmem:$0xAF00] =	vst v63  }
.LBB2_4:
0xdb: {  	s22 =	rddreg [dreg:$0x3]  }
0xdc: {  	[tilespmem:s9], [sflag:$0x9] =	stream.linear.gather [hbm4b:s22+s9], $0x1A00, $0x38;
	[tilespmem:$0xAF00] =	vst v63  }
0xdd: {  	_ =	swait.ge [sflag:s14], $0x1A00  }
0xde: {  	[sflag:s14] =	ssyncset.done $0x0  }
0xdf: {  	s26 =	rddreg [dreg:$0x4];
	[sflag:s14] =	ssyncadd.s32 $0xFFFFE600  }
0xe0: {  	[tilespmem:s15], [sflag:$0x9] =	stream.linear.gather [hbm4b:s26+s9], $0x1A00, $0x38;
	[tilespmem:$0xAF00] =	vst v63  }
0xe1: {  	_ =	swait.ge [sflag:s14], $0x1A00  }
0xe2: {  	[sflag:s14] =	ssyncset.done $0x0  }
0xe3: {  	[sflag:s14] =	ssyncadd.s32 $0xFFFFE600  }
0xe4: {  	[tilespmem:s17], [sflag:$0x1] =	stream.indirect.gather [hbm4b:s4+s16], $0x10, s9, s16, $0xb8;
	[tilespmem:$0xAF00] =	vst v63  }
0xe5: {  	_ = 	snop  }
0xe6: {  	[tilespmem:s18], [sflag:$0x2] =	stream.indirect.gather [hbm4b:s4+s16], $0x10, s16, s16, $0xb8;
	[tilespmem:$0xAF00] =	vst v63  }
0xe7: {  	s22 =	simm.s32 $0x100  }
0xe8: {  	[tilespmem:s20], [sflag:$0x3] =	stream.indirect.gather [hbm4b:s4+s16], $0x10, s22, s16, $0xb8;
	[tilespmem:$0xAF00] =	vst v63  }
0xe9: {  	_ =	swait.ge [sflag:s21], $0x800  }
0xea: {  	[sflag:s21] =	ssyncset.done $0x0  }
0xeb: {  	[sflag:s21] =	ssyncadd.s32 $0xFFFFF800  }
0xec: {  	[spmem:s1] =	stream.indirect.scatter.add.bf16 [tilespmem:s17], [sflag:$0x5], $0x10, s15, s16, $0xb8;
	[tilespmem:$0xAF00] =	vst v63  }
0xed: {  	s26 =	simm.s32 $0x180  }
0xee: {  	[tilespmem:s23], [sflag:$0x4] =	stream.indirect.gather [hbm4b:s4+s16], $0x10, s26, s16, $0xb8;
	[tilespmem:$0xAF00] =	vst v63  }
0xef: {  	_ =	swait.ge [sflag:s24], $0x800  }
0xf0: {  	[sflag:s24] =	ssyncset.done $0x0  }
0xf1: {  	s22 =	simm.s32 $0x2080;
	[sflag:s24] =	ssyncadd.s32 $0xFFFFF800  }
0xf2: {  	[spmem:s1] =	stream.indirect.scatter.add.bf16 [tilespmem:s18], [sflag:$0x6], $0x10, s22, s16, $0xb8;
	[tilespmem:$0xAF00] =	vst v63  }
0xf3: {  	_ =	swait.ge [sflag:s28], $0x800  }
0xf4: {  	[sflag:s28] =	ssyncset.done $0x0  }
0xf5: {  	[sflag:s28] =	ssyncadd.s32 $0xFFFFF800  }
0xf6: {  	[tilespmem:s17], [sflag:$0x1] =	stream.indirect.gather [hbm4b:s4+s16], $0x10, s29, s16, $0xb8;
	[tilespmem:$0xAF00] =	vst v63  }
0xf7: {  	_ =	swait.ge [sflag:s30], $0x800  }
0xf8: {  	[sflag:s30] =	ssyncset.done $0x0  }
0xf9: {  	[sflag:s30] =	ssyncadd.s32 $0xFFFFF800  }
0xfa: {  	[spmem:s1] =	stream.indirect.scatter.add.bf16 [tilespmem:s20], [sflag:$0x7], $0x10, s31, s16, $0xb8;
	[tilespmem:$0xAF00] =	vst v63  }
0xfb: {  	_ =	swait.ge [sflag:s0], $0x800  }
0xfc: {  	[sflag:s0] =	ssyncset.done $0x0  }
0xfd: {  	[sflag:s0] =	ssyncadd.s32 $0xFFFFF800  }
0xfe: {  	[tilespmem:s18], [sflag:$0x2] =	stream.indirect.gather [hbm4b:s4+s16], $0x10, s13, s16, $0xb8;
	[tilespmem:$0xAF00] =	vst v63  }
0xff: {  	_ =	swait.ge [sflag:s6], $0x800  }
0x100: {  	[sflag:s6] =	ssyncset.done $0x0  }
0x101: {  	[sflag:s6] =	ssyncadd.s32 $0xFFFFF800  }
0x102: {  	[spmem:s1] =	stream.indirect.scatter.add.bf16 [tilespmem:s23], [sflag:$0x8], $0x10, s7, s16, $0xb8;
	[tilespmem:$0xAF00] =	vst v63  }
0x103: {  	_ =	swait.ge [sflag:s19], $0x800  }
0x104: {  	[sflag:s19] =	ssyncset.done $0x0  }
0x105: {  	s26 =	simm.s32 $0x300;
	[sflag:s19] =	ssyncadd.s32 $0xFFFFF800  }
0x106: {  	[tilespmem:s20], [sflag:$0x3] =	stream.indirect.gather [hbm4b:s4+s16], $0x10, s26, s16, $0xb8;
	[tilespmem:$0xAF00] =	vst v63  }
0x107: {  	_ =	swait.ge [sflag:s21], $0x800  }
0x108: {  	[sflag:s21] =	ssyncset.done $0x0  }
0x109: {  	s22 =	simm.s32 $0x2200;
	[sflag:s21] =	ssyncadd.s32 $0xFFFFF800  }
0x10a: {  	[spmem:s1] =	stream.indirect.scatter.add.bf16 [tilespmem:s17], [sflag:$0x5], $0x10, s22, s16, $0xb8;
	[tilespmem:$0xAF00] =	vst v63  }
0x10b: {  	_ =	swait.ge [sflag:s8], $0x800  }
0x10c: {  	[sflag:s8] =	ssyncset.done $0x0  }
0x10d: {  	s26 =	simm.s32 $0x380;
	[sflag:s8] =	ssyncadd.s32 $0xFFFFF800  }
0x10e: {  	[tilespmem:s23], [sflag:$0x4] =	stream.indirect.gather [hbm4b:s4+s16], $0x10, s26, s16, $0xb8;
	[tilespmem:$0xAF00] =	vst v63  }
0x10f: {  	_ =	swait.ge [sflag:s24], $0x800  }
0x110: {  	[sflag:s24] =	ssyncset.done $0x0  }
0x111: {  	s22 =	simm.s32 $0x2280;
	[sflag:s24] =	ssyncadd.s32 $0xFFFFF800  }
0x112: {  	[spmem:s1] =	stream.indirect.scatter.add.bf16 [tilespmem:s18], [sflag:$0x6], $0x10, s22, s16, $0xb8;
	[tilespmem:$0xAF00] =	vst v63  }
0x113: {  	_ =	swait.ge [sflag:s28], $0x800  }
0x114: {  	[sflag:s28] =	ssyncset.done $0x0  }
0x115: {  	s26 =	simm.s32 $0x400;
	[sflag:s28] =	ssyncadd.s32 $0xFFFFF800  }
0x116: {  	[tilespmem:s17], [sflag:$0x1] =	stream.indirect.gather [hbm4b:s4+s16], $0x10, s26, s16, $0xb8;
	[tilespmem:$0xAF00] =	vst v63  }
0x117: {  	_ =	swait.ge [sflag:s30], $0x800  }
0x118: {  	[sflag:s30] =	ssyncset.done $0x0  }
0x119: {  	s22 =	simm.s32 $0x2300;
	[sflag:s30] =	ssyncadd.s32 $0xFFFFF800  }
0x11a: {  	[spmem:s1] =	stream.indirect.scatter.add.bf16 [tilespmem:s20], [sflag:$0x7], $0x10, s22, s16, $0xb8;
	[tilespmem:$0xAF00] =	vst v63  }
0x11b: {  	_ =	swait.ge [sflag:s0], $0x800  }
0x11c: {  	[sflag:s0] =	ssyncset.done $0x0  }
0x11d: {  	s26 =	simm.s32 $0x480;
	[sflag:s0] =	ssyncadd.s32 $0xFFFFF800  }
0x11e: {  	[tilespmem:s18], [sflag:$0x2] =	stream.indirect.gather [hbm4b:s4+s16], $0x10, s26, s16, $0xb8;
	[tilespmem:$0xAF00] =	vst v63  }
0x11f: {  	_ =	swait.ge [sflag:s6], $0x800  }
0x120: {  	[sflag:s6] =	ssyncset.done $0x0  }
0x121: {  	s9 =	simm.s32 $0x2380;
	s22 =	simm.s32 $0x800;
	[sflag:s6] =	ssyncadd.s32 $0xFFFFF800  }
.LBB2_5:
0x122: {  	[spmem:s1] =	stream.indirect.scatter.add.bf16 [tilespmem:s23], [sflag:$0x8], $0x10, s9, s16, $0xb8;
	[tilespmem:$0xAF00] =	vst v63  }
0x123: {  	s9 =	smov.u32 s22  }
0x124: {  	p2 =	seq.s32 s22, $0x5000;
	s22 =	sadd.s32 $0x800, s22;
	_ =	swait.ge [sflag:s19], $0x800  }
0x125: {  	s9 =	sshra.s32 s9, $0x2;
	[sflag:s19] =	ssyncset.done $0x0  }
0x126: {  	s26 =	sadd.s32 $0x300, s9;
	[sflag:s19] =	ssyncadd.s32 $0xFFFFF800  }
0x127: {  	[tilespmem:s20], [sflag:$0x3] =	stream.indirect.gather [hbm4b:s4+s16], $0x10, s26, s16, $0xb8;
	[tilespmem:$0xAF00] =	vst v63  }
0x128: {  	_ =	swait.ge [sflag:s21], $0x800  }
0x129: {  	[sflag:s21] =	ssyncset.done $0x0  }
0x12a: {  	s26 =	sadd.s32 $0x2200, s9;
	[sflag:s21] =	ssyncadd.s32 $0xFFFFF800  }
0x12b: {  	[spmem:s1] =	stream.indirect.scatter.add.bf16 [tilespmem:s17], [sflag:$0x5], $0x10, s26, s16, $0xb8;
	[tilespmem:$0xAF00] =	vst v63  }
0x12c: {  	_ =	swait.ge [sflag:s8], $0x800  }
0x12d: {  	[sflag:s8] =	ssyncset.done $0x0  }
0x12e: {  	s26 =	sadd.s32 $0x380, s9;
	[sflag:s8] =	ssyncadd.s32 $0xFFFFF800  }
0x12f: {  	[tilespmem:s23], [sflag:$0x4] =	stream.indirect.gather [hbm4b:s4+s16], $0x10, s26, s16, $0xb8;
	[tilespmem:$0xAF00] =	vst v63  }
0x130: {  	_ =	swait.ge [sflag:s24], $0x800  }
0x131: {  	[sflag:s24] =	ssyncset.done $0x0  }
0x132: {  	s26 =	sadd.s32 $0x2280, s9;
	[sflag:s24] =	ssyncadd.s32 $0xFFFFF800  }
0x133: {  	[spmem:s1] =	stream.indirect.scatter.add.bf16 [tilespmem:s18], [sflag:$0x6], $0x10, s26, s16, $0xb8;
	[tilespmem:$0xAF00] =	vst v63  }
0x134: {  	_ =	swait.ge [sflag:s28], $0x800  }
0x135: {  	[sflag:s28] =	ssyncset.done $0x0  }
0x136: {  	s26 =	sadd.s32 $0x400, s9;
	[sflag:s28] =	ssyncadd.s32 $0xFFFFF800  }
0x137: {  	[tilespmem:s17], [sflag:$0x1] =	stream.indirect.gather [hbm4b:s4+s16], $0x10, s26, s16, $0xb8;
	[tilespmem:$0xAF00] =	vst v63  }
0x138: {  	_ =	swait.ge [sflag:s30], $0x800  }
0x139: {  	[sflag:s30] =	ssyncset.done $0x0  }
0x13a: {  	s26 =	sadd.s32 $0x2300, s9;
	[sflag:s30] =	ssyncadd.s32 $0xFFFFF800  }
0x13b: {  	[spmem:s1] =	stream.indirect.scatter.add.bf16 [tilespmem:s20], [sflag:$0x7], $0x10, s26, s16, $0xb8;
	[tilespmem:$0xAF00] =	vst v63  }
0x13c: {  	_ =	swait.ge [sflag:s0], $0x800  }
0x13d: {  	[sflag:s0] =	ssyncset.done $0x0  }
.Ltmp6:
0x13e: {  	s26 =	sadd.s32 $0x480, s9;
	[sflag:s0] =	ssyncadd.s32 $0xFFFFF800;
	(pc) =	sbr.rel @!p2 .LBB2_5-.Ltmp6, $4  }
0x13f: {  	[tilespmem:s18], [sflag:$0x2] =	stream.indirect.gather [hbm4b:s4+s16], $0x10, s26, s16, $0xb8;
	[tilespmem:$0xAF00] =	vst v63  }
0x140: {  	_ =	swait.ge [sflag:s6], $0x800  }
0x141: {  	[sflag:s6] =	ssyncset.done $0x0  }
0x142: {  	s9 =	sadd.s32 $0x2380, s9;
	[sflag:s6] =	ssyncadd.s32 $0xFFFFF800  }
.Ltmp7:
0x143: {  	_ = 	snop;
	(pc) =	sbr.rel .LBB2_6-.Ltmp7, $1  }
0x144: {  	_ =	sdelay $0x3  }
.LBB2_11:
0x145: {  	_ =	sfence.sel $0x180000  }
0x146: {  	[bflag:$0x0] =	sbarrier.arrive $0xFFFF  }
0x147: {  	_ =	strace $0x9000004D  }
0x148: {  	[bflag:$0x2] =	sbarrier.arrive $0xFFFF  }
0x149: {  	p0 =	sne.s32 s3, $0x0;
	s0 =	rddreg [dreg:$0x2]  }
0x14a: {  	s0 =	sadd.s32 @!p0 $0x100000, s0  }
0x14b: {  	[sflag:s0] =	ssyncadd.tile.s32 @!p0 $0x1;
	_ =	shalt  }
.Lfunc_end2:
_tile_overlayer_lowered:
.L_overlay_start_2:
0x14c: {  	(tag) =	ssettag $0x2  }
0x14d: {  	s0 =	rddreg [dreg:$0x0];
	s2 =	stileid.u32  }
0x14e: {  	s1 =	rddreg [dreg:$0x1];
	p0 =	sne.s32 s2, $0x0  }
0x14f: {  	s3 =	rddreg [dreg:$0x2];
	[bflag:$0x3] =	sbarrier.arrive $0xFFFF;
	s2 =	simm.s32 @!p0 $0x1C09  }
0x150: {  	[timem:s3], [sflag:s2] =	dma.local @!p0 [hbm:s0], s1  }
0x151: {  	s0 =	simm.s32 @!p0 $0x9  }
0x152: {  	_ =	swait.ge @!p0 [sflag:s0], s1  }
0x153: {  	s1 =	ssub.s32 @!p0 $0x0, s1;
	[sflag:s0] =	ssyncset.done @!p0 $0x0  }
0x154: {  	[sflag:s0] =	ssyncadd.s32 @!p0 s1  }
0x155: {  	[bflag:$0x3] =	sbarrier.arrive $0xFFFF  }
0x156: {  	_ =	shalt  }

// kernel: kernel.8.cloned.1.call-start
scs
__scs_entry_jumppad:
0x0: {  	(pc) =	sbr.rel $0x88, $3  }
0x1: {  	(tag) =	ssettag $0x0;
	lr =	simm.s32 $0x1  }
0x2: {  	[smem:$0x3F9A] =	sst lr;
	_ =	strace $0xD0000000  }
0x3: {  	_ = 	snop  }
0x4: {  	_ = 	snop  }
0x5: {  	_ = 	snop  }
0x6: {  	_ = 	snop  }
0x7: {  	_ = 	snop  }
__scs_overlays_trampoline_lowered:
0x8: {  	[smem:$0x3FA9] =	sst s0  }
0x9: {  	[smem:$0x3FAA] =	sst s1  }
0xa: {  	[smem:$0x3FAB] =	sst s2  }
0xb: {  	[smem:$0x3FAC] =	sst s3  }
0xc: {  	[smem:$0x3FAD] =	sst s4  }
0xd: {  	[smem:$0x3FAE] =	sst s5  }
0xe: {  	[smem:$0x3FAF] =	sst s6  }
0xf: {  	[smem:$0x3FB0] =	sst s7  }
0x10: {  	[smem:$0x3FB1] =	sst s8  }
0x11: {  	[smem:$0x3FB2] =	sst s9;
	s0 =	simm.s32 @!p0 $0x0  }
0x12: {  	s1 =	sld [smem:$0x3F98];
	s0 =	simm.s32 @p0 $0x1  }
0x13: {  	[smem:$0x3FB3] =	sst s0;
	s0 =	simm.s32 @!p1 $0x0  }
0x14: {  	s2 =	sld [smem:$0x3F97];
	s0 =	simm.s32 @p1 $0x1  }
0x15: {  	[smem:$0x3FB4] =	sst s0;
	s0 =	simm.s32 @!p2 $0x0  }
0x16: {  	s3 =	sld [smem:$0x3FDB];
	s0 =	simm.s32 @p2 $0x1  }
0x17: {  	s4 =	simm.s32 $0x1BF5;
	[smem:$0x3FB6] =	sst s0  }
0x18: {  	s0 =	sld [smem:$0x3F99];
	_ =	swait.ge [sflag:s4], $0x0  }
0x19: {  	s7 =	sld [smem:$0x3F9A]  }
0x1a: {  	s8 =	sadd.s32 $0xFFFFE003, lr  }
0x1b: {  	s9 =	sadd.s32 $0xFFFFFEF7, lr;
	s5 =	simm.s32 $0xFFFFFFFF;
	p2 =	slt.u32 s8, $0xFFFFF086  }
0x1c: {  	p1 =	slt.u32 s9, $0xF7A;
	s5 =	simm.s32 @!p2 $0x0  }
0x1d: {  	s5 =	simm.s32 @p1 $0x1;
	p0 =	seq.s32 s7, s2  }
0x1e: {  	s7 =	smul.u32 @!p0 $0xF7A, s2;
	p2 =	seq.s32 @!p0 s5, $0x0  }
0x1f: {  	s9 =	smul.u32 $0xF7A, s1;
	s8 =	simm.s32 @!p0 $0x1BF5;
	p2 =	por !p2, p0  }
0x20: {  	[sflag:s8] =	ssyncset.s32 @!p0 $0xFFFFF086;
	s6 =	sadd.s32 @!p0 s3, s7;
	s7 =	simm.s32 @!p0 $0x108  }
0x21: {  	s3 =	sadd.s32 s3, s9;
	s6 =	sadd.s32 @!p0 $0x88, s6;
	s7 =	simm.s32 @p2 $0x1082  }
0x22: {  	[simem:s7], [sflag:s8] =	dma.local @!p0 [hbm:s6], $0xF7A  }
0x23: {  	s9 =	sor.u32 $0xD0000000, s2;
	s6 =	simm.s32 $0x108;
	_ =	swait.ge @!p0 [sflag:s8], $0x0  }
0x24: {  	s3 =	sadd.s32 $0x88, s3;
	s6 =	simm.s32 @!p1 $0x1082;
	[sflag:s4] =	ssyncset.s32 $0xFFFFF086  }
0x25: {  	[simem:s6], [sflag:s4] =	dma.local [hbm:s3], $0xF7A  }
0x26: {  	[smem:$0x3F9A] =	sst s1;
	(tag) =	ssettag s2;
	_ =	strace s9  }
0x27: {  	s1 =	sld [smem:$0x3FAA]  }
0x28: {  	s2 =	sld [smem:$0x3FAB]  }
0x29: {  	s4 =	sld [smem:$0x3FAD]  }
0x2a: {  	p0 =	seq.s32 s5, $0x0;
	s5 =	sld [smem:$0x3FAE]  }
0x2b: {  	s6 =	sld [smem:$0x3FAF]  }
0x2c: {  	s7 =	sld [smem:$0x3FB0]  }
0x2d: {  	s3 =	simm.s32 $0x108;
	s8 =	sld [smem:$0x3FB1]  }
0x2e: {  	s3 =	simm.s32 @!p0 $0x1082;
	s9 =	sld [smem:$0x3FB2]  }
0x2f: {  	lr =	sadd.s32 s0, s3;
	s0 =	sld [smem:$0x3FA9]  }
0x30: {  	s3 =	sld [smem:$0x3FAC]  }
0x31: {  	[smem:$0x3FB5] =	sst s10  }
0x32: {  	s10 =	sld [smem:$0x3FB3];
	_ =	sdelay $0x3  }
0x33: {  	p0 =	seq.s32 s10, $0x1;
	s10 =	sld [smem:$0x3FB5];
	_ =	sdelay $0x3  }
0x34: {  	[smem:$0x3FB5] =	sst s10  }
0x35: {  	s10 =	sld [smem:$0x3FB4];
	_ =	sdelay $0x3  }
0x36: {  	p1 =	seq.s32 s10, $0x1;
	s10 =	sld [smem:$0x3FB5];
	_ =	sdelay $0x3  }
0x37: {  	[smem:$0x3FB5] =	sst s10  }
0x38: {  	s10 =	sld [smem:$0x3FB6]  }
0x39: {  	_ = 	snop;
	(pc) =	sbr.ind lr, $3  }
0x3a: {  	_ = 	snop  }
0x3b: {  	_ = 	snop  }
0x3c: {  	p2 =	seq.s32 s10, $0x1;
	s10 =	sld [smem:$0x3FB5]  }
0x3d: {  	_ =	shalt  }
0x3e: {  	_ =	shalt  }
0x3f: {  	_ =	shalt  }
0x40: {  	_ =	shalt  }
0x41: {  	_ =	shalt  }
0x42: {  	_ =	shalt  }
0x43: {  	_ =	shalt  }
0x44: {  	_ =	shalt  }
0x45: {  	_ =	shalt  }
0x46: {  	_ =	shalt  }
0x47: {  	_ =	shalt  }
0x48: {  	_ =	shalt  }
0x49: {  	_ =	shalt  }
0x4a: {  	_ =	shalt  }
0x4b: {  	_ =	shalt  }
0x4c: {  	_ =	shalt  }
0x4d: {  	_ =	shalt  }
0x4e: {  	_ =	shalt  }
0x4f: {  	_ =	shalt  }
0x50: {  	_ =	shalt  }
0x51: {  	_ =	shalt  }
0x52: {  	_ =	shalt  }
0x53: {  	_ =	shalt  }
0x54: {  	_ =	shalt  }
0x55: {  	_ =	shalt  }
0x56: {  	_ =	shalt  }
0x57: {  	_ =	shalt  }
0x58: {  	_ =	shalt  }
0x59: {  	_ =	shalt  }
0x5a: {  	_ =	shalt  }
0x5b: {  	_ =	shalt  }
0x5c: {  	_ =	shalt  }
0x5d: {  	_ =	shalt  }
0x5e: {  	_ =	shalt  }
0x5f: {  	_ =	shalt  }
0x60: {  	_ =	shalt  }
0x61: {  	_ =	shalt  }
0x62: {  	_ =	shalt  }
0x63: {  	_ =	shalt  }
0x64: {  	_ =	shalt  }
0x65: {  	_ =	shalt  }
0x66: {  	_ =	shalt  }
0x67: {  	_ =	shalt  }
0x68: {  	_ =	shalt  }
0x69: {  	_ =	shalt  }
0x6a: {  	_ =	shalt  }
0x6b: {  	_ =	shalt  }
0x6c: {  	_ =	shalt  }
0x6d: {  	_ =	shalt  }
0x6e: {  	_ =	shalt  }
0x6f: {  	_ =	shalt  }
0x70: {  	_ =	shalt  }
0x71: {  	_ =	shalt  }
0x72: {  	_ =	shalt  }
0x73: {  	_ =	shalt  }
0x74: {  	_ =	shalt  }
0x75: {  	_ =	shalt  }
0x76: {  	_ =	shalt  }
0x77: {  	_ =	shalt  }
0x78: {  	_ =	shalt  }
0x79: {  	_ =	shalt  }
0x7a: {  	_ =	shalt  }
0x7b: {  	_ =	shalt  }
0x7c: {  	_ =	shalt  }
0x7d: {  	_ =	shalt  }
0x7e: {  	_ =	shalt  }
0x7f: {  	_ =	shalt  }
0x80: {  	_ =	shalt  }
0x81: {  	_ =	shalt  }
0x82: {  	_ =	shalt  }
0x83: {  	_ =	shalt  }
0x84: {  	_ =	shalt  }
0x85: {  	_ =	shalt  }
0x86: {  	_ =	shalt  }
0x87: {  	_ =	shalt  }
.Lfunc_end0:
.L_simem_size_0:
called_computation_lowered:
.L_overlay_start_0:
0x88: {  	s2 =	sld [smem:$0x3FD9]  }
0x89: {  	s3 =	sld [smem:$0x3FFE];
	_ =	sdelay $0x1  }
0x8a: {  	s1 =	srdreg.scid  }
0x8b: {  	s0 =	sand.u32 $0x1, s1  }
0x8c: {  	s16 =	sshll.u32 s0, $0xA;
	s2 =	sadd.s32 s3, s2  }
0x8d: {  	s2 =	sadd.s32 s2, s16  }
0x8e: {  	[smem:$0x3FC1] =	sst s2  }
0x8f: {  	_ = 	snop  }
0x90: {  	(tm) =	ssettm $0x1  }
0x91: {  	s17 =	sld [smem:$0x3FFB];
	_ =	sdelay $0x3  }
0x92: {  	_ =	strace s17  }
0x93: {  	s2 =	sld [smem:$0x3FFC];
	_ =	sdelay $0x3  }
0x94: {  	_ =	strace s2  }
0x95: {  	s2 =	sld [smem:$0x3FFD];
	_ =	sdelay $0x3  }
0x96: {  	_ =	strace s2  }
0x97: {  	_ =	strace $0x8FFFFFFF  }
0x98: {  	s18 =	sld [smem:$0x3FDB];
	_ =	sdelay $0x1  }
0x99: {  	s19 =	simm.s32 $_scs_section_size  }
0x9a: {  	s4 =	simm.s32 $_size__tile_overlayer_lowered;
	s5 =	simm.s32 $_tile_overlayer_lowered  }
0x9b: {  	s22 =	simm.s32 $0x1BFF;
	s21 =	sshll.u32 s5, $0x1;
	s2 =	sadd.s32 s19, s18  }
0x9c: {  	s6 =	simm.s32 $0x0;
	s20 =	sshll.u32 s4, $0x1;
	s4 =	sadd.s32 s21, s2  }
0x9d: {  	[timem:s6], [sflag:s22] =	dma.local [hbm:s4], s20  }
0x9e: {  	_ =	swait.ge [sflag:s22], s20  }
0x9f: {  	s3 =	ssub.s32 $0x0, s20;
	[sflag:s22] =	ssyncset.done $0x0  }
0xa0: {  	[sflag:s22] =	ssyncadd.s32 s3;
	_ =	sdelay $0x1  }
0xa1: {  	s23 =	simm.s32 $0x1B8B  }
0xa2: {  	_ =	swait.ge [sflag:s23], $0x1  }
0xa3: {  	[sflag:s23] =	ssyncset.done $0x0  }
0xa4: {  	s25 =	simm.s32 $0x1B8E;
	s24 =	sld [smem:$0x3FFE];
	[sflag:s23] =	ssyncadd.s32 $0xFFFFFFFF  }
0xa5: {  	s26 =	simm.s32 $execute0_lowered;
	[smem:$0x3FD2] =	sst s25  }
0xa6: {  	s4 =	sshll.u32 s26, $0x1;
	_ =	strace $0x80000046;
	[dreg:$0x1] =	wrdreg $0xFFFFFFFF  }
0xa7: {  	s28 =	simm.s32 $_size_execute0_lowered;
	s2 =	sadd.s32 s2, s4;
	[dreg:$0x0] =	wrdreg $0x0  }
0xa8: {  	s4 =	sshll.u32 s28, $0x1;
	[dreg:$0x2] =	wrdreg s2  }
0xa9: {  	[dreg:$0x3] =	wrdreg s4  }
0xaa: {  	[dreg:$0x4] =	wrdreg $0xC0  }
0xab: {  	_ =	task [dreg:s6], $0x5FFFF  }
0xac: {  	[dreg:$0x1] =	wrdreg $0xFFFFFFFF  }
0xad: {  	[dreg:$0x0] =	wrdreg $0x60  }
0xae: {  	[dreg:$0x2] =	wrdreg s24  }
0xaf: {  	[dreg:$0x3] =	wrdreg $0x37C00  }
0xb0: {  	[dreg:$0x4] =	wrdreg $0x9  }
0xb1: {  	_ =	task.clear_ibuf [dreg:s6], $0x5FFFF;
	_ =	strace $0x90000046  }
0xb2: {  	s29 =	simm.s32 $0x9;
	_ =	strace $0x80000048  }
0xb3: {  	_ =	swait.ge [sflag:s29], $0x1  }
0xb4: {  	[sflag:s29] =	ssyncadd.s32 $0xFFFFFFFF  }
0xb5: {  	_ =	strace $0x90000048  }
0xb6: {  	_ =	sfence  }
0xb7: {  	s30 =	sld [smem:$0x0];
	_ =	sdelay $0x2  }
0xb8: {  	s31 =	sshll.u32 s1, $0xD;
	s1 =	sshrl.u32 s1, $0x2  }
0xb9: {  	s3 =	sand.u32 $0x4000, s31;
	s1 =	sadd.s32 s1, s30  }
0xba: {  	s0 =	sor.u32 s3, s0;
	s1 =	sshll.u32 s1, $0x11  }
0xbb: {  	s0 =	sor.u32 s1, s0  }
0xbc: {  	s0 =	sadd.s32 $0x8F2B, s0  }
0xbd: {  	[sflag:s0] =	ssyncadd.remote.s32 $0x1  }
0xbe: {  	_ =	sfence.sel $0xFFFF  }
0xbf: {  	[dreg:$0x0] =	wrdreg $0xFFFFFFFF;
	(pc) =	sbr.abs _section_cstart, $3  }
0xc0: {  	[dreg:$0x1] =	wrdreg $0xFFFFFFFF  }
0xc1: {  	_ =	task.clear_ibuf [dreg:s6], $0x2FFFF;
	_ =	strace $0x9FFFFFFF  }
0xc2: {  	(tm) =	ssettm $0x7FFFFFFF  }
0xc3: {  	_ =	shalt  }
tec
execute0_lowered:
.L_overlay_start_1:
0x0: {  	(tag) =	ssettag $0x1  }
0x1: {  	s0 =	rddreg [dreg:$0x0]  }
0x2: {  	s1 =	rddreg [dreg:$0x1]  }
0x3: {  	s3 =	simm.s32 $0x0;
	s4 =	srdreg.scid;
	s2 =	stileid.u32  }
0x4: {  	s12 =	simm.s32 $0x80;
	s13 =	simm.s32 $0x2000;
	s30 =	simm.s32 $0x800  }
0x5: {  	s31 =	simm.s32 $0x880;
	s14 =	simm.s32 $0x980;
	s15 =	simm.s32 $0xA00  }
0x6: {  	s16 =	simm.s32 $0xA80;
	s17 =	simm.s32 $0xB00;
	s18 =	simm.s32 $0xB80  }
0x7: {  	s19 =	simm.s32 $0xC00;
	s20 =	simm.s32 $0xC80;
	s21 =	simm.s32 $0xD00  }
0x8: {  	s22 =	simm.s32 $0xD80;
	s23 =	simm.s32 $0x1;
	s24 =	simm.s32 $0x0  }
0x9: {  	[smem:$0x7FF] =	sst s3;
	s5 =	sand.u32 $0x1, s4;
	s6 =	smul.u32 $0x2780, s2  }
0xa: {  	s7 =	sadd.s32 $0x1000, s0;
	s8 =	smul.u32 $0x340, s2;
	s0 =	sadd.s32 $0x6000, s0  }
0xb: {  	s10 =	smul.u32 $0xE00, s2;
	p1 =	seq.s32 s2, $0xF;
	_ =	strace $0x80000047  }
0xc: {  	s4 =	ssub.s32 $0x2, s5;
	s11 =	smul.u32 $0x27100, s5;
	p0 =	seq.s32 s5, $0x1  }
0xd: {  	s9 =	sshrl.u32 s4, $0x1;
	s25 =	sshrl.u32 s6, $0x1;
	s5 =	sadd.s32 s7, s8  }
0xe: {  	s26 =	sshrl.u32 s10, $0x3;
	s9 =	ssub.s32 s4, s9;
	s4 =	sadd.s32 s25, s1  }
.Ltmp0:
0xf: {  	s6 =	sadd.s32 s6, s11;
	s28 =	sshrl.u32 s11, $0x4;
	(pc) =	sbr.rel .LBB2_1-.Ltmp0, $4  }
0x10: {  	s7 =	sadd.s32 s7, s26;
	s11 =	simm.s32 $0x2;
	s29 =	sshrl.u32 s6, $0x4  }
0x11: {  	s10 =	sadd.s32 s0, s28;
	s6 =	sadd.s32 $0x3400, s7;
	s9 =	smax.u32 s9, $0x1  }
0x12: {  	s7 =	sadd.s32 s0, s29;
	s8 =	sadd.s32 $0x2508, s10;
	s0 =	sadd.s32 $0x12840, s1  }
0x13: {  	v0 =	vimm.bf16 $0.0e+00;
	v1 =	vimm.bf16 $1.0000e+00;
	s10 =	simm.s32 $0x2400;
	s25 =	sshrl.u32 @p1 s0, $0x3;
	s0 =	simm.s32 $0x900  }
.LBB2_11:
0x14: {  	[tilespmem:s3], [sflag:$0x2] =	stream.linear.gather [hbm4b:s6+s3], $0xE00, $0x38;
	[tilespmem:$0x4B80] =	vst v63  }
0x15: {  	_ =	swait.ge [sflag:s11], $0xE00  }
0x16: {  	[sflag:s11] =	ssyncset.done $0x0  }
0x17: {  	[sflag:s11] =	ssyncadd.s32 $0xFFFFF200  }
0x18: {  	[spmem:s1] =	stream.indirect.scatter.add.bf16 [tilespmem:s13], [sflag:$0x1], $0x8, s3, s12, $0xb8;
	[tilespmem:$0x4B80] =	vst v63  }
0x19: {  	_ = 	snop  }
0x1a: {  	[spmem:s1] =	stream.indirect.scatter.add.bf16 [tilespmem:s13], [sflag:$0x1], $0x8, s12, s12, $0xb8;
	[tilespmem:$0x4B80] =	vst v63  }
0x1b: {  	s26 =	simm.s32 $0x100  }
0x1c: {  	[spmem:s1] =	stream.indirect.scatter.add.bf16 [tilespmem:s13], [sflag:$0x1], $0x8, s26, s12, $0xb8;
	[tilespmem:$0x4B80] =	vst v63  }
0x1d: {  	s29 =	simm.s32 $0x180  }
0x1e: {  	[spmem:s1] =	stream.indirect.scatter.add.bf16 [tilespmem:s13], [sflag:$0x1], $0x8, s29, s12, $0xb8;
	[tilespmem:$0x4B80] =	vst v63  }
0x1f: {  	s28 =	simm.s32 $0x200  }
0x20: {  	[spmem:s1] =	stream.indirect.scatter.add.bf16 [tilespmem:s13], [sflag:$0x1], $0x8, s28, s12, $0xb8;
	[tilespmem:$0x4B80] =	vst v63  }
0x21: {  	s29 =	simm.s32 $0x280  }
0x22: {  	[spmem:s1] =	stream.indirect.scatter.add.bf16 [tilespmem:s13], [sflag:$0x1], $0x8, s29, s12, $0xb8;
	[tilespmem:$0x4B80] =	vst v63  }
0x23: {  	s28 =	simm.s32 $0x300  }
0x24: {  	[spmem:s1] =	stream.indirect.scatter.add.bf16 [tilespmem:s13], [sflag:$0x1], $0x8, s28, s12, $0xb8;
	[tilespmem:$0x4B80] =	vst v63  }
0x25: {  	s29 =	simm.s32 $0x380  }
0x26: {  	[spmem:s1] =	stream.indirect.scatter.add.bf16 [tilespmem:s13], [sflag:$0x1], $0x8, s29, s12, $0xb8;
	[tilespmem:$0x4B80] =	vst v63  }
0x27: {  	s28 =	simm.s32 $0x400  }
0x28: {  	[spmem:s1] =	stream.indirect.scatter.add.bf16 [tilespmem:s13], [sflag:$0x1], $0x8, s28, s12, $0xb8;
	[tilespmem:$0x4B80] =	vst v63  }
0x29: {  	s29 =	simm.s32 $0x480  }
0x2a: {  	[spmem:s1] =	stream.indirect.scatter.add.bf16 [tilespmem:s13], [sflag:$0x1], $0x8, s29, s12, $0xb8;
	[tilespmem:$0x4B80] =	vst v63  }
0x2b: {  	s28 =	simm.s32 $0x500  }
0x2c: {  	[spmem:s1] =	stream.indirect.scatter.add.bf16 [tilespmem:s13], [sflag:$0x1], $0x8, s28, s12, $0xb8;
	[tilespmem:$0x4B80] =	vst v63  }
0x2d: {  	s29 =	simm.s32 $0x580  }
0x2e: {  	[spmem:s1] =	stream.indirect.scatter.add.bf16 [tilespmem:s13], [sflag:$0x1], $0x8, s29, s12, $0xb8;
	[tilespmem:$0x4B80] =	vst v63  }
0x2f: {  	s28 =	simm.s32 $0x600  }
0x30: {  	[spmem:s1] =	stream.indirect.scatter.add.bf16 [tilespmem:s13], [sflag:$0x1], $0x8, s28, s12, $0xb8;
	[tilespmem:$0x4B80] =	vst v63  }
0x31: {  	s29 =	simm.s32 $0x680  }
0x32: {  	[spmem:s1] =	stream.indirect.scatter.add.bf16 [tilespmem:s13], [sflag:$0x1], $0x8, s29, s12, $0xb8;
	[tilespmem:$0x4B80] =	vst v63  }
0x33: {  	s28 =	simm.s32 $0x700  }
0x34: {  	[spmem:s1] =	stream.indirect.scatter.add.bf16 [tilespmem:s13], [sflag:$0x1], $0x8, s28, s12, $0xb8;
	[tilespmem:$0x4B80] =	vst v63  }
0x35: {  	s29 =	simm.s32 $0x780  }
0x36: {  	[spmem:s1] =	stream.indirect.scatter.add.bf16 [tilespmem:s13], [sflag:$0x1], $0x8, s29, s12, $0xb8;
	[tilespmem:$0x4B80] =	vst v63  }
0x37: {  	_ = 	snop  }
0x38: {  	[spmem:s1] =	stream.indirect.scatter.add.bf16 [tilespmem:s13], [sflag:$0x1], $0x8, s30, s12, $0xb8;
	[tilespmem:$0x4B80] =	vst v63  }
0x39: {  	_ = 	snop  }
0x3a: {  	[spmem:s1] =	stream.indirect.scatter.add.bf16 [tilespmem:s13], [sflag:$0x1], $0x8, s31, s12, $0xb8;
	[tilespmem:$0x4B80] =	vst v63  }
0x3b: {  	_ = 	snop  }
0x3c: {  	[spmem:s1] =	stream.indirect.scatter.add.bf16 [tilespmem:s13], [sflag:$0x1], $0x8, s0, s12, $0xb8;
	[tilespmem:$0x4B80] =	vst v63  }
0x3d: {  	_ = 	snop  }
0x3e: {  	[spmem:s1] =	stream.indirect.scatter.add.bf16 [tilespmem:s13], [sflag:$0x1], $0x8, s14, s12, $0xb8;
	[tilespmem:$0x4B80] =	vst v63  }
0x3f: {  	_ = 	snop  }
0x40: {  	[spmem:s1] =	stream.indirect.scatter.add.bf16 [tilespmem:s13], [sflag:$0x1], $0x8, s15, s12, $0xb8;
	[tilespmem:$0x4B80] =	vst v63  }
0x41: {  	_ = 	snop  }
0x42: {  	[spmem:s1] =	stream.indirect.scatter.add.bf16 [tilespmem:s13], [sflag:$0x1], $0x8, s16, s12, $0xb8;
	[tilespmem:$0x4B80] =	vst v63  }
0x43: {  	_ = 	snop  }
0x44: {  	[spmem:s1] =	stream.indirect.scatter.add.bf16 [tilespmem:s13], [sflag:$0x1], $0x8, s17, s12, $0xb8;
	[tilespmem:$0x4B80] =	vst v63  }
0x45: {  	_ = 	snop  }
0x46: {  	[spmem:s1] =	stream.indirect.scatter.add.bf16 [tilespmem:s13], [sflag:$0x1], $0x8, s18, s12, $0xb8;
	[tilespmem:$0x4B80] =	vst v63  }
0x47: {  	_ = 	snop  }
0x48: {  	[spmem:s1] =	stream.indirect.scatter.add.bf16 [tilespmem:s13], [sflag:$0x1], $0x8, s19, s12, $0xb8;
	[tilespmem:$0x4B80] =	vst v63  }
0x49: {  	_ = 	snop  }
0x4a: {  	[spmem:s1] =	stream.indirect.scatter.add.bf16 [tilespmem:s13], [sflag:$0x1], $0x8, s20, s12, $0xb8;
	[tilespmem:$0x4B80] =	vst v63  }
0x4b: {  	_ = 	snop  }
0x4c: {  	[spmem:s1] =	stream.indirect.scatter.add.bf16 [tilespmem:s13], [sflag:$0x1], $0x8, s21, s12, $0xb8;
	[tilespmem:$0x4B80] =	vst v63  }
0x4d: {  	_ = 	snop  }
0x4e: {  	[spmem:s1] =	stream.indirect.scatter.add.bf16 [tilespmem:s13], [sflag:$0x1], $0x8, s22, s12, $0xb8;
	[tilespmem:$0x4B80] =	vst v63  }
0x4f: {  	_ =	swait.ge [sflag:s23], $0x400  }
0x50: {  	[sflag:s23] =	ssyncset.done $0x0  }
0x51: {  	[sflag:s23] =	ssyncadd.s32 $0xFFFFFC00  }
0x52: {  	_ =	swait.ge [sflag:s23], $0x400  }
0x53: {  	[sflag:s23] =	ssyncset.done $0x0  }
0x54: {  	[sflag:s23] =	ssyncadd.s32 $0xFFFFFC00  }
0x55: {  	_ =	swait.ge [sflag:s23], $0x400  }
0x56: {  	[sflag:s23] =	ssyncset.done $0x0  }
0x57: {  	[sflag:s23] =	ssyncadd.s32 $0xFFFFFC00  }
0x58: {  	_ =	swait.ge [sflag:s23], $0x400  }
0x59: {  	[sflag:s23] =	ssyncset.done $0x0  }
0x5a: {  	[sflag:s23] =	ssyncadd.s32 $0xFFFFFC00  }
0x5b: {  	_ =	swait.ge [sflag:s23], $0x400  }
0x5c: {  	[sflag:s23] =	ssyncset.done $0x0  }
0x5d: {  	[sflag:s23] =	ssyncadd.s32 $0xFFFFFC00  }
0x5e: {  	_ =	swait.ge [sflag:s23], $0x400  }
0x5f: {  	[sflag:s23] =	ssyncset.done $0x0  }
0x60: {  	[sflag:s23] =	ssyncadd.s32 $0xFFFFFC00  }
0x61: {  	_ =	swait.ge [sflag:s23], $0x400  }
0x62: {  	[sflag:s23] =	ssyncset.done $0x0  }
0x63: {  	[sflag:s23] =	ssyncadd.s32 $0xFFFFFC00  }
0x64: {  	_ =	swait.ge [sflag:s23], $0x400  }
0x65: {  	[sflag:s23] =	ssyncset.done $0x0  }
0x66: {  	[sflag:s23] =	ssyncadd.s32 $0xFFFFFC00  }
0x67: {  	_ =	swait.ge [sflag:s23], $0x400  }
0x68: {  	[sflag:s23] =	ssyncset.done $0x0  }
0x69: {  	[sflag:s23] =	ssyncadd.s32 $0xFFFFFC00  }
0x6a: {  	_ =	swait.ge [sflag:s23], $0x400  }
0x6b: {  	[sflag:s23] =	ssyncset.done $0x0  }
0x6c: {  	[sflag:s23] =	ssyncadd.s32 $0xFFFFFC00  }
0x6d: {  	_ =	swait.ge [sflag:s23], $0x400  }
0x6e: {  	[sflag:s23] =	ssyncset.done $0x0  }
0x6f: {  	[sflag:s23] =	ssyncadd.s32 $0xFFFFFC00  }
0x70: {  	_ =	swait.ge [sflag:s23], $0x400  }
0x71: {  	[sflag:s23] =	ssyncset.done $0x0  }
0x72: {  	[sflag:s23] =	ssyncadd.s32 $0xFFFFFC00  }
0x73: {  	_ =	swait.ge [sflag:s23], $0x400  }
0x74: {  	[sflag:s23] =	ssyncset.done $0x0  }
0x75: {  	[sflag:s23] =	ssyncadd.s32 $0xFFFFFC00  }
0x76: {  	_ =	swait.ge [sflag:s23], $0x400  }
0x77: {  	[sflag:s23] =	ssyncset.done $0x0  }
0x78: {  	[sflag:s23] =	ssyncadd.s32 $0xFFFFFC00  }
0x79: {  	_ =	swait.ge [sflag:s23], $0x400  }
0x7a: {  	[sflag:s23] =	ssyncset.done $0x0  }
0x7b: {  	[sflag:s23] =	ssyncadd.s32 $0xFFFFFC00  }
0x7c: {  	_ =	swait.ge [sflag:s23], $0x400  }
0x7d: {  	[sflag:s23] =	ssyncset.done $0x0  }
0x7e: {  	[sflag:s23] =	ssyncadd.s32 $0xFFFFFC00  }
0x7f: {  	_ =	swait.ge [sflag:s23], $0x400  }
0x80: {  	[sflag:s23] =	ssyncset.done $0x0  }
0x81: {  	[sflag:s23] =	ssyncadd.s32 $0xFFFFFC00  }
0x82: {  	_ =	swait.ge [sflag:s23], $0x400  }
0x83: {  	[sflag:s23] =	ssyncset.done $0x0  }
0x84: {  	[sflag:s23] =	ssyncadd.s32 $0xFFFFFC00  }
0x85: {  	_ =	swait.ge [sflag:s23], $0x400  }
0x86: {  	[sflag:s23] =	ssyncset.done $0x0  }
0x87: {  	[sflag:s23] =	ssyncadd.s32 $0xFFFFFC00  }
0x88: {  	_ =	swait.ge [sflag:s23], $0x400  }
0x89: {  	[sflag:s23] =	ssyncset.done $0x0  }
0x8a: {  	[sflag:s23] =	ssyncadd.s32 $0xFFFFFC00  }
0x8b: {  	_ =	swait.ge [sflag:s23], $0x400  }
0x8c: {  	[sflag:s23] =	ssyncset.done $0x0  }
0x8d: {  	[sflag:s23] =	ssyncadd.s32 $0xFFFFFC00  }
0x8e: {  	_ =	swait.ge [sflag:s23], $0x400  }
0x8f: {  	[sflag:s23] =	ssyncset.done $0x0  }
0x90: {  	[sflag:s23] =	ssyncadd.s32 $0xFFFFFC00  }
0x91: {  	_ =	swait.ge [sflag:s23], $0x400  }
0x92: {  	[sflag:s23] =	ssyncset.done $0x0  }
0x93: {  	[sflag:s23] =	ssyncadd.s32 $0xFFFFFC00  }
0x94: {  	_ =	swait.ge [sflag:s23], $0x400  }
0x95: {  	[sflag:s23] =	ssyncset.done $0x0  }
0x96: {  	[sflag:s23] =	ssyncadd.s32 $0xFFFFFC00  }
0x97: {  	_ =	swait.ge [sflag:s23], $0x400  }
0x98: {  	[sflag:s23] =	ssyncset.done $0x0  }
0x99: {  	[sflag:s23] =	ssyncadd.s32 $0xFFFFFC00  }
0x9a: {  	_ =	swait.ge [sflag:s23], $0x400  }
0x9b: {  	[sflag:s23] =	ssyncset.done $0x0  }
0x9c: {  	[sflag:s23] =	ssyncadd.s32 $0xFFFFFC00  }
0x9d: {  	_ =	swait.ge [sflag:s23], $0x400  }
0x9e: {  	[sflag:s23] =	ssyncset.done $0x0  }
0x9f: {  	[sflag:s23] =	ssyncadd.s32 $0xFFFFFC00  }
0xa0: {  	_ =	swait.ge [sflag:s23], $0x400  }
0xa1: {  	[sflag:s23] =	ssyncset.done $0x0  }
0xa2: {  	[sflag:s23] =	ssyncadd.s32 $0xFFFFFC00  }
.LBB2_12:
0xa3: {  	[bflag:$0x0] =	sbarrier.arrive $0xFFFF;
	s26 =	simm.s32 @p1 $0x1FC2  }
0xa4: {  	[hbm:s8], [sflag:s26] =	dma.local @p1 [spmem:s25], $0x208  }
0xa5: {  	s26 =	simm.s32 @p1 $0x2  }
0xa6: {  	s24 =	sadd.s32 $0x1, s24;
	_ =	swait.ge @p1 [sflag:s26], $0x208  }
0xa7: {  	s28 =	sshll.u32 @!p1 s2, $0x6;
	p2 =	sne.s32 s24, s9;
	[sflag:s26] =	ssyncset.done @p1 $0x0  }
0xa8: {  	[sflag:s26] =	ssyncadd.s32 @p1 $0xFFFFFDF8;
	s26 =	sor.u32 @!p1 $0x1C02, s28;
	s28 =	sshrl.u32 @!p1 s4, $0x3  }
0xa9: {  	[hbm:s7], [sflag:s26] =	dma.local @!p1 [spmem:s28], $0x278  }
.Ltmp1:
0xaa: {  	_ = 	snop;
	(pc) =	sbr.rel @!p2 .LBB2_13-.Ltmp1, $4  }
0xab: {  	s26 =	simm.s32 @!p1 $0x2  }
0xac: {  	_ =	swait.ge @!p1 [sflag:s26], $0x278  }
0xad: {  	[sflag:s26] =	ssyncset.done @!p1 $0x0  }
0xae: {  	[sflag:s26] =	ssyncadd.s32 @!p1 $0xFFFFFD88  }
.LBB2_1:
0xaf: {  	s26 =	simm.s32 $0x0  }
.LBB2_2:
0xb0: {  	p2 =	sne.s32 s26, $0x4EC0  }
.Ltmp2:
0xb1: {  	_ = 	snop;
	(pc) =	sbr.rel @p2 .LBB2_2-.Ltmp2, $4  }
0xb2: {  	_ = 	snop  }
0xb3: {  	s28 =	sshra.s32 s26, $0x2  }
0xb4: {  	[tilespmem:s28+$0x2400] =	vst.msk $0xff, v0  }
0xb5: {  	s26 =	sadd.s32 $0x40, s26;
	[tilespmem:s28+$0x2408] =	vst.msk $0xff, v0  }
0xb6: {  	s26 =	simm.s32 $0x40;
	s28 =	simm.s32 $0x0  }
.LBB2_4:
0xb7: {  	p2 =	sne.s32 s26, $0xFC0;
	[tilespmem:s28+$0x2000] =	vst.msk $0xff, v1;
	s29 =	smov.u32 s26;
	s26 =	sadd.s32 $0x40, s26  }
.Ltmp3:
0xb8: {  	[tilespmem:s28+$0x2008] =	vst.msk $0xff, v1;
	(pc) =	sbr.rel @p2 .LBB2_4-.Ltmp3, $2  }
0xb9: {  	_ =	sdelay $0x2  }
0xba: {  	s28 =	sshra.s32 s29, $0x2  }
0xbb: {  	[tilespmem:s28+$0x2000] =	vst.msk $0xff, v1  }
0xbc: {  	[tilespmem:s28+$0x2008] =	vst.msk $0xff, v1  }
0xbd: {  	[spmem:s4] =	stream.linear.scatter [tilespmem:s10], [sflag:$0x2], $0x13C0, $0x38;
	[tilespmem:$0x4B80] =	vst v63  }
.Ltmp4:
0xbe: {  	_ =	swait.ge [sflag:s11], $0x13C0;
	(pc) =	sbr.rel @p0 .LBB2_11-.Ltmp4, $3  }
0xbf: {  	[sflag:s11] =	ssyncset.done $0x0  }
0xc0: {  	[sflag:s11] =	ssyncadd.s32 $0xFFFFEC40  }
0xc1: {  	[bflag:$0x0] =	sbarrier.arrive $0xFFFF;
	_ =	sdelay $0x1  }
0xc2: {  	s26 =	simm.s32 $0x0  }
0xc3: {  	[tilespmem:s26], [sflag:$0x2] =	stream.linear.gather [hbm4b:s5+s26], $0x1A00, $0x38;
	[tilespmem:$0x4B80] =	vst v63  }
0xc4: {  	_ =	swait.ge [sflag:s11], $0x1A00  }
0xc5: {  	[sflag:s11] =	ssyncset.done $0x0  }
0xc6: {  	[sflag:s11] =	ssyncadd.s32 $0xFFFFE600  }
.LBB2_7:
0xc7: {  	p2 =	sne.s32 s26, $0x6600  }
.Ltmp5:
0xc8: {  	_ = 	snop;
	(pc) =	sbr.rel @p2 .LBB2_7-.Ltmp5, $3  }
0xc9: {  	_ =	sdelay $0x1  }
0xca: {  	s28 =	sshra.s32 s26, $0x2;
	s26 =	sadd.s32 $0x200, s26  }
0xcb: {  	[spmem:s1] =	stream.indirect.scatter.add.bf16 [tilespmem:s13], [sflag:$0x1], $0x8, s28, s12, $0xb8;
	[tilespmem:$0x4B80] =	vst v63  }
0xcc: {  	_ =	swait.ge [sflag:s23], $0x400  }
0xcd: {  	s26 =	simm.s32 $0x33;
	[sflag:s23] =	ssyncset.done $0x0  }
.LBB2_9:
0xce: {  	p2 =	seq.s32 s26, $0x1;
	s26 =	sadd.s32 $0xFFFFFFFF, s26;
	[sflag:s23] =	ssyncadd.s32 $0xFFFFFC00  }
.Ltmp6:
0xcf: {  	(pc) =	sbr.rel @!p2 .LBB2_9-.Ltmp6, $3  }
0xd0: {  	_ =	sdelay $0x1  }
0xd1: {  	_ =	swait.ge [sflag:s23], $0x400  }
0xd2: {  	[sflag:s23] =	ssyncset.done $0x0  }
.Ltmp7:
0xd3: {  	(pc) =	sbr.rel .LBB2_12-.Ltmp7, $2  }
0xd4: {  	_ =	sdelay $0x2  }
0xd5: {  	[sflag:s23] =	ssyncadd.s32 $0xFFFFFC00  }
.LBB2_13:
0xd6: {  	_ =	sfence.sel $0x180000  }
0xd7: {  	[bflag:$0x0] =	sbarrier.arrive $0xFFFF  }
0xd8: {  	_ =	strace $0x90000047  }
0xd9: {  	[bflag:$0x2] =	sbarrier.arrive $0xFFFF  }
0xda: {  	p0 =	sne.s32 s2, $0x0;
	s0 =	rddreg [dreg:$0x2]  }
0xdb: {  	s0 =	sadd.s32 @!p0 $0x100000, s0  }
0xdc: {  	[sflag:s0] =	ssyncadd.tile.s32 @!p0 $0x1;
	_ =	shalt  }
.Lfunc_end2:
_tile_overlayer_lowered:
.L_overlay_start_2:
0xdd: {  	(tag) =	ssettag $0x2  }
0xde: {  	s0 =	rddreg [dreg:$0x0];
	s2 =	stileid.u32  }
0xdf: {  	s1 =	rddreg [dreg:$0x1];
	p0 =	sne.s32 s2, $0x0  }
0xe0: {  	s3 =	rddreg [dreg:$0x2];
	[bflag:$0x3] =	sbarrier.arrive $0xFFFF;
	s2 =	simm.s32 @!p0 $0x1C02  }
0xe1: {  	[timem:s3], [sflag:s2] =	dma.local @!p0 [hbm:s0], s1  }
0xe2: {  	s0 =	simm.s32 @!p0 $0x2  }
0xe3: {  	_ =	swait.ge @!p0 [sflag:s0], s1  }
0xe4: {  	s1 =	ssub.s32 @!p0 $0x0, s1;
	[sflag:s0] =	ssyncset.done @!p0 $0x0  }
0xe5: {  	[sflag:s0] =	ssyncadd.s32 @!p0 s1  }
0xe6: {  	[bflag:$0x3] =	sbarrier.arrive $0xFFFF  }
0xe7: {  	_ =	shalt  }

</sc_bundles>
